<compile_context>
chip_gen: v7x
topology: tpu7x:2x2x1
jax: 0.10.2.dev20260603
libtpu: 0.0.44.dev20260713+nightly
codegen_flags: <defaults>
</compile_context>

<pallas_src>
import functools

import jax
import jax.numpy as jnp
from jax import lax
from jax.experimental import pallas as pl
from jax.experimental.pallas import tpu as pltpu
from jax.experimental.pallas import tpu_sc as plsc

N_FEAT = 1000000
D = 64
N_POINTS = 819200
L = 16
NC = 2
NS = 16
NW = NC * NS
ROWS_PER_W = N_POINTS // NW
CHUNK = 128
N_CHUNKS = ROWS_PER_W // CHUNK
SUB = 8


def _rsqrt16(x):
    i = plsc.bitcast(x, jnp.int32)
    y = plsc.bitcast(jnp.int32(0x5F3759DF) - (i >> 1), jnp.float32)
    hx = 0.5 * x
    for _ in range(2):
        y = y * (1.5 - hx * y * y)
    return y


def _body(feat_hbm, idx_hbm, out_hbm, idx_v, hi_v, rows_v, out_v, gsem, osem):
    cid = lax.axis_index("c")
    sid = lax.axis_index("s")
    wid = sid * NC + cid
    slab0 = wid * N_CHUNKS
    row0 = wid * ROWS_PER_W

    lane = lax.iota(jnp.int32, L)
    masks = [lane == l for l in range(L)]

    def stage_and_gather(g, b):
        pltpu.sync_copy(idx_hbm.at[pl.ds(slab0 + g, 1)], idx_v.at[b])
        for t in range(CHUNK // L):
            w = idx_v[b, 0, pl.ds(t * L, L)]
            hi_v[b, 0, pl.ds(t * L, L)] = w >> 1
        pltpu.async_copy(feat_hbm.at[hi_v.at[b].at[0]], rows_v.at[b], gsem)

    def wait_gather(b):
        pltpu.make_async_copy(
            feat_hbm.at[pl.ds(0, CHUNK)], rows_v.at[b], gsem
        ).wait()

    def wait_store(b):
        pltpu.make_async_copy(
            out_v.at[b], out_hbm.at[pl.ds(0, CHUNK)], osem
        ).wait()

    def normalize_chunk(b):
        def group_body(q, c):
            r0 = q * L
            idxv = idx_v[b, 0, pl.ds(r0, L)]
            colv = (idxv & 1) << 6
            for h in range(L // SUB):
                tv = jnp.zeros((L,), jnp.float32)
                regs = []
                for i in range(SUB):
                    ln = h * SUB + i
                    r = r0 + ln
                    col = colv[ln]
                    v0 = rows_v[b, r, pl.ds(col, L)]
                    v1 = rows_v[b, r, pl.ds(col + L, L)]
                    v2 = rows_v[b, r, pl.ds(col + 2 * L, L)]
                    v3 = rows_v[b, r, pl.ds(col + 3 * L, L)]
                    ss = v0 * v0 + v1 * v1 + v2 * v2 + v3 * v3
                    tv = jnp.where(masks[ln], jnp.sum(ss), tv)
                    regs.append((v0, v1, v2, v3))
                inv_v = _rsqrt16(tv)
                for i in range(SUB):
                    ln = h * SUB + i
                    r = r0 + ln
                    inv = inv_v[ln]
                    v0, v1, v2, v3 = regs[i]
                    out_v[b, r, pl.ds(0, L)] = v0 * inv
                    out_v[b, r, pl.ds(L, L)] = v1 * inv
                    out_v[b, r, pl.ds(2 * L, L)] = v2 * inv
                    out_v[b, r, pl.ds(3 * L, L)] = v3 * inv
            return c

        lax.fori_loop(0, CHUNK // L, group_body, 0)

    stage_and_gather(0, 0)

    def outer(it, carry):
        g0 = it * 2
        for b in range(2):
            g = g0 + b
            nb = 1 - b

            @pl.when(g + 1 < N_CHUNKS)
            def _():
                stage_and_gather(g + 1, nb)

            wait_gather(b)

            @pl.when(g >= 2)
            def _():
                wait_store(b)

            normalize_chunk(b)
            pltpu.async_copy(
                out_v.at[b], out_hbm.at[pl.ds(row0 + g * CHUNK, CHUNK)], osem
            )
        return carry

    lax.fori_loop(0, N_CHUNKS // 2, outer, 0)

    wait_store(0)
    wait_store(1)


def kernel(features, v2p_map):
    feat2 = features.reshape(N_FEAT // 2, 2 * D)
    idx2 = v2p_map.reshape(N_POINTS // CHUNK, CHUNK)
    mesh = plsc.VectorSubcoreMesh(core_axis_name="c", subcore_axis_name="s")
    run = functools.partial(
        pl.kernel,
        mesh=mesh,
        out_type=jax.ShapeDtypeStruct((N_POINTS, D), jnp.float32),
        scratch_types=[
            pltpu.VMEM((2, 1, CHUNK), jnp.int32),
            pltpu.VMEM((2, 1, CHUNK), jnp.int32),
            pltpu.VMEM((2, CHUNK, 2 * D), jnp.float32),
            pltpu.VMEM((2, CHUNK, D), jnp.float32),
            pltpu.SemaphoreType.DMA,
            pltpu.SemaphoreType.DMA,
        ],
        compiler_params=pltpu.CompilerParams(needs_layout_passes=False),
    )(_body)
    return run(feat2, idx2)

# --- scband reference (transcript-rebuilt; emitter-appended) ---
"""Pipeline reference for scband-kdhead-template-25761213841793 (READ-ONLY COPY).

The authoritative reference and input builder live on the scoring server;
editing this copy changes nothing except your own understanding.
"""

import jax, jax.numpy as jnp
import numpy as np

N_FEAT = 1000000
D = 64
N_POINTS = 819200


def setup_inputs(seed: int = 0) -> dict:
    key = jax.random.key(seed)
    k1, k2 = jax.random.split(key)
    features = jax.random.normal(k1, (N_FEAT, D), dtype=jnp.float32)
    v2p_map = jax.random.randint(k2, (N_POINTS,), 0, N_FEAT, dtype=jnp.int32)
    return {"features": features, "v2p_map": v2p_map}


def reference(features, v2p_map):
    # out_feature = feature[batch_dict['v2p_map'].long()]
    out_feature = jnp.take(features, v2p_map, axis=0)
    # FEAT_NORM: out_feature = out_feature / out_feature.norm(dim=-1, keepdim=True)
    norm = jnp.sqrt(jnp.sum(out_feature * out_feature, axis=-1, keepdims=True))
    out_feature = out_feature / norm
    return out_feature

if __name__ == "__main__":
    import jax
    _d = setup_inputs()
    print(jax.jit(kernel)(*tuple(_d.values())))

</pallas_src>

<mosaic_0001>
#map = affine_map<(d0, d1) -> (0, 0)>
module attributes {stable_mosaic.version = 14 : i64} {
  func.func @_body(%arg0: i32, %arg1: i32, %arg2: memref<500000x128xf32, #tpu.memory_space<hbm>>, %arg3: memref<6400x128xi32, #tpu.memory_space<hbm>>, %arg4: memref<819200x64xf32, #tpu.memory_space<hbm>>, %arg5: memref<2x1x128xi32, #tpu.memory_space<vmem>>, %arg6: memref<2x1x128xi32, #tpu.memory_space<vmem>>, %arg7: memref<2x128x128xf32, #tpu.memory_space<vmem>>, %arg8: memref<2x128x64xf32, #tpu.memory_space<vmem>>, %arg9: memref<!tpu.dma_semaphore, #tpu.memory_space<semaphore_mem>>, %arg10: memref<!tpu.dma_semaphore, #tpu.memory_space<semaphore_mem>>) attributes {dimension_semantics = [#tpu.dimension_semantics<core_parallel>, #tpu.dimension_semantics<subcore_parallel>], iteration_bounds = array<i64: 2, 16>, scalar_prefetch = 0 : i64, scratch_operands = 6 : i64, tpu.core_type = #tpu.core_type<sc_vector_subcore>, window_params = [{transform_indices = #map}, {transform_indices = #map}, {transform_indices = #map}]} {
    %mul3A = arith.constant 2 : i32
    %mul3A_0 = arith.muli %arg1, %mul3A : i32
    %add3A = arith.addi %mul3A_0, %arg0 : i32
    %mul3A_1 = arith.constant 200 : i32
    %mul3A_2 = arith.muli %add3A, %mul3A_1 : i32
    %mul3A_3 = arith.constant 25600 : i32
    %mul3A_4 = arith.muli %add3A, %mul3A_3 : i32
    %iota3A = tpu.iota {dimensions = array<i32: 0>} : vector<16xi32>
    %eq3A = arith.constant 0 : i32
    %eq3A_5 = vector.broadcast %eq3A : i32 to vector<16xi32>
    %eq3A_6 = arith.cmpi eq, %iota3A, %eq3A_5 : vector<16xi32>
    %eq3A_7 = arith.constant 1 : i32
    %eq3A_8 = vector.broadcast %eq3A_7 : i32 to vector<16xi32>
    %eq3A_9 = arith.cmpi eq, %iota3A, %eq3A_8 : vector<16xi32>
    %eq3A_10 = arith.constant 2 : i32
    %eq3A_11 = vector.broadcast %eq3A_10 : i32 to vector<16xi32>
    %eq3A_12 = arith.cmpi eq, %iota3A, %eq3A_11 : vector<16xi32>
    %eq3A_13 = arith.constant 3 : i32
    %eq3A_14 = vector.broadcast %eq3A_13 : i32 to vector<16xi32>
    %eq3A_15 = arith.cmpi eq, %iota3A, %eq3A_14 : vector<16xi32>
    %eq3A_16 = arith.constant 4 : i32
    %eq3A_17 = vector.broadcast %eq3A_16 : i32 to vector<16xi32>
    %eq3A_18 = arith.cmpi eq, %iota3A, %eq3A_17 : vector<16xi32>
    %eq3A_19 = arith.constant 5 : i32
    %eq3A_20 = vector.broadcast %eq3A_19 : i32 to vector<16xi32>
    %eq3A_21 = arith.cmpi eq, %iota3A, %eq3A_20 : vector<16xi32>
    %eq3A_22 = arith.constant 6 : i32
    %eq3A_23 = vector.broadcast %eq3A_22 : i32 to vector<16xi32>
    %eq3A_24 = arith.cmpi eq, %iota3A, %eq3A_23 : vector<16xi32>
    %eq3A_25 = arith.constant 7 : i32
    %eq3A_26 = vector.broadcast %eq3A_25 : i32 to vector<16xi32>
    %eq3A_27 = arith.cmpi eq, %iota3A, %eq3A_26 : vector<16xi32>
    %eq3A_28 = arith.constant 8 : i32
    %eq3A_29 = vector.broadcast %eq3A_28 : i32 to vector<16xi32>
    %eq3A_30 = arith.cmpi eq, %iota3A, %eq3A_29 : vector<16xi32>
    %eq3A_31 = arith.constant 9 : i32
    %eq3A_32 = vector.broadcast %eq3A_31 : i32 to vector<16xi32>
    %eq3A_33 = arith.cmpi eq, %iota3A, %eq3A_32 : vector<16xi32>
    %eq3A_34 = arith.constant 10 : i32
    %eq3A_35 = vector.broadcast %eq3A_34 : i32 to vector<16xi32>
    %eq3A_36 = arith.cmpi eq, %iota3A, %eq3A_35 : vector<16xi32>
    %eq3A_37 = arith.constant 11 : i32
    %eq3A_38 = vector.broadcast %eq3A_37 : i32 to vector<16xi32>
    %eq3A_39 = arith.cmpi eq, %iota3A, %eq3A_38 : vector<16xi32>
    %eq3A_40 = arith.constant 12 : i32
    %eq3A_41 = vector.broadcast %eq3A_40 : i32 to vector<16xi32>
    %eq3A_42 = arith.cmpi eq, %iota3A, %eq3A_41 : vector<16xi32>
    %eq3A_43 = arith.constant 13 : i32
    %eq3A_44 = vector.broadcast %eq3A_43 : i32 to vector<16xi32>
    %eq3A_45 = arith.cmpi eq, %iota3A, %eq3A_44 : vector<16xi32>
    %eq3A_46 = arith.constant 14 : i32
    %eq3A_47 = vector.broadcast %eq3A_46 : i32 to vector<16xi32>
    %eq3A_48 = arith.cmpi eq, %iota3A, %eq3A_47 : vector<16xi32>
    %eq3A_49 = arith.constant 15 : i32
    %eq3A_50 = vector.broadcast %eq3A_49 : i32 to vector<16xi32>
    %eq3A_51 = arith.cmpi eq, %iota3A, %eq3A_50 : vector<16xi32>
    %add3A_52 = arith.constant 0 : i32
    %add3A_53 = arith.addi %mul3A_2, %add3A_52 : i32
    %run_scoped3A = arith.constant 0 : i32
    "tpu.region"() ({
      %run_scoped3A_221 = tpu.sem_alloc : memref<!tpu.dma_semaphore, #tpu.memory_space<semaphore_mem>>
      %dma_start3A_222 = arith.constant 0 : i32
      %dma_start3A_223 = arith.constant 0 : i32
      %dma_start3A_224 = tpu.memref_slice %arg5[%run_scoped3A, %dma_start3A_222, %dma_start3A_223] : memref<2x1x128xi32, #tpu.memory_space<vmem>> -> memref<1x1x128xi32, #tpu.memory_space<vmem>>
      %dma_start3A_225 = tpu.memref_squeeze %dma_start3A_224 : memref<1x1x128xi32, #tpu.memory_space<vmem>> -> memref<1x128xi32, #tpu.memory_space<vmem>>
      %dma_start3A_226 = arith.constant 0 : i32
      %dma_start3A_227 = tpu.memref_slice %arg3[%add3A_53, %dma_start3A_226] : memref<6400x128xi32, #tpu.memory_space<hbm>> -> memref<1x128xi32, #tpu.memory_space<hbm>>
      %dma_start3A_228 = arith.constant 0 : i32
      %dma_start3A_229 = arith.constant 0 : i32
      %dma_start3A_230 = tpu.memref_slice %arg5[%run_scoped3A, %dma_start3A_228, %dma_start3A_229] : memref<2x1x128xi32, #tpu.memory_space<vmem>> -> memref<1x1x128xi32, #tpu.memory_space<vmem>>
      %dma_start3A_231 = tpu.memref_squeeze %dma_start3A_230 : memref<1x1x128xi32, #tpu.memory_space<vmem>> -> memref<1x128xi32, #tpu.memory_space<vmem>>
      %dma_start3A_232 = arith.constant 0 : i32
      %dma_start3A_233 = tpu.memref_slice %arg3[%add3A_53, %dma_start3A_232] : memref<6400x128xi32, #tpu.memory_space<hbm>> -> memref<1x128xi32, #tpu.memory_space<hbm>>
      tpu.enqueue_dma source(%dma_start3A_233 : memref<1x128xi32, #tpu.memory_space<hbm>>) target(%dma_start3A_231 : memref<1x128xi32, #tpu.memory_space<vmem>>) target_semaphore(%run_scoped3A_221 : memref<!tpu.dma_semaphore, #tpu.memory_space<semaphore_mem>>)
      %dma_wait3A_234 = arith.constant 0 : i32
      %dma_wait3A_235 = arith.constant 0 : i32
      %dma_wait3A_236 = tpu.memref_slice %arg5[%run_scoped3A, %dma_wait3A_234, %dma_wait3A_235] : memref<2x1x128xi32, #tpu.memory_space<vmem>> -> memref<1x1x128xi32, #tpu.memory_space<vmem>>
      %dma_wait3A_237 = tpu.memref_squeeze %dma_wait3A_236 : memref<1x1x128xi32, #tpu.memory_space<vmem>> -> memref<1x128xi32, #tpu.memory_space<vmem>>
      %dma_wait3A_238 = arith.constant 0 : i32
      %dma_wait3A_239 = tpu.memref_slice %arg3[%add3A_53, %dma_wait3A_238] : memref<6400x128xi32, #tpu.memory_space<hbm>> -> memref<1x128xi32, #tpu.memory_space<hbm>>
      %dma_wait3A_240 = arith.constant 0 : i32
      %dma_wait3A_241 = arith.constant 0 : i32
      %dma_wait3A_242 = tpu.memref_slice %arg5[%run_scoped3A, %dma_wait3A_240, %dma_wait3A_241] : memref<2x1x128xi32, #tpu.memory_space<vmem>> -> memref<1x1x128xi32, #tpu.memory_space<vmem>>
      %dma_wait3A_243 = tpu.memref_squeeze %dma_wait3A_242 : memref<1x1x128xi32, #tpu.memory_space<vmem>> -> memref<1x128xi32, #tpu.memory_space<vmem>>
      %dma_wait3A_244 = arith.constant 0 : i32
      %dma_wait3A_245 = tpu.memref_slice %arg3[%add3A_53, %dma_wait3A_244] : memref<6400x128xi32, #tpu.memory_space<hbm>> -> memref<1x128xi32, #tpu.memory_space<hbm>>
      tpu.wait_dma2 semaphore(%run_scoped3A_221 : memref<!tpu.dma_semaphore, #tpu.memory_space<semaphore_mem>>) src(%dma_wait3A_245 : memref<1x128xi32, #tpu.memory_space<hbm>>) dst(%dma_wait3A_243 : memref<1x128xi32, #tpu.memory_space<vmem>>)
      tpu.yield
    }) : () -> ()
    %get3A = arith.constant 0 : i32
    %get3A_54 = arith.constant 0 : i32
    %get3A_55 = arith.index_cast %get3A : i32 to index
    %get3A_56 = arith.index_cast %get3A_54 : i32 to index
    %get3A_57 = arith.constant 0 : index
    %get3A_58 = tpu.vector_load %arg5[%get3A_55, %get3A_56, %get3A_57] {strides = array<i32>} : memref<2x1x128xi32, #tpu.memory_space<vmem>>, vector<16xi32>,
    %shift_right_arithmetic3A = arith.constant 1 : i32
    %shift_right_arithmetic3A_59 = vector.broadcast %shift_right_arithmetic3A : i32 to vector<16xi32>
    %shift_right_arithmetic3A_60 = arith.shrsi %get3A_58, %shift_right_arithmetic3A_59 : vector<16xi32>
    %swap3A = arith.constant 0 : i32
    %swap3A_61 = arith.constant 0 : i32
    %swap3A_62 = arith.index_cast %swap3A : i32 to index
    %swap3A_63 = arith.index_cast %swap3A_61 : i32 to index
    %swap3A_64 = arith.constant 0 : index
    %swap3A_65 = tpu.vector_load %arg6[%swap3A_62, %swap3A_63, %swap3A_64] {strides = array<i32>} : memref<2x1x128xi32, #tpu.memory_space<vmem>>, vector<16xi32>,
    tpu.vector_store %arg6[%swap3A_62, %swap3A_63, %swap3A_64], %shift_right_arithmetic3A_60 {strides = array<i32>} : memref<2x1x128xi32, #tpu.memory_space<vmem>>, vector<16xi32>,
    %get3A_66 = arith.constant 0 : i32
    %get3A_67 = arith.constant 0 : i32
    %get3A_68 = arith.index_cast %get3A_66 : i32 to index
    %get3A_69 = arith.index_cast %get3A_67 : i32 to index
    %get3A_70 = arith.constant 16 : index
    %get3A_71 = tpu.vector_load %arg5[%get3A_68, %get3A_69, %get3A_70] {strides = array<i32>} : memref<2x1x128xi32, #tpu.memory_space<vmem>>, vector<16xi32>,
    %shift_right_arithmetic3A_72 = arith.constant 1 : i32
    %shift_right_arithmetic3A_73 = vector.broadcast %shift_right_arithmetic3A_72 : i32 to vector<16xi32>
    %shift_right_arithmetic3A_74 = arith.shrsi %get3A_71, %shift_right_arithmetic3A_73 : vector<16xi32>
    %swap3A_75 = arith.constant 0 : i32
    %swap3A_76 = arith.constant 0 : i32
    %swap3A_77 = arith.index_cast %swap3A_75 : i32 to index
    %swap3A_78 = arith.index_cast %swap3A_76 : i32 to index
    %swap3A_79 = arith.constant 16 : index
    %swap3A_80 = tpu.vector_load %arg6[%swap3A_77, %swap3A_78, %swap3A_79] {strides = array<i32>} : memref<2x1x128xi32, #tpu.memory_space<vmem>>, vector<16xi32>,
    tpu.vector_store %arg6[%swap3A_77, %swap3A_78, %swap3A_79], %shift_right_arithmetic3A_74 {strides = array<i32>} : memref<2x1x128xi32, #tpu.memory_space<vmem>>, vector<16xi32>,
    %get3A_81 = arith.constant 0 : i32
    %get3A_82 = arith.constant 0 : i32
    %get3A_83 = arith.index_cast %get3A_81 : i32 to index
    %get3A_84 = arith.index_cast %get3A_82 : i32 to index
    %get3A_85 = arith.constant 32 : index
    %get3A_86 = tpu.vector_load %arg5[%get3A_83, %get3A_84, %get3A_85] {strides = array<i32>} : memref<2x1x128xi32, #tpu.memory_space<vmem>>, vector<16xi32>,
    %shift_right_arithmetic3A_87 = arith.constant 1 : i32
    %shift_right_arithmetic3A_88 = vector.broadcast %shift_right_arithmetic3A_87 : i32 to vector<16xi32>
    %shift_right_arithmetic3A_89 = arith.shrsi %get3A_86, %shift_right_arithmetic3A_88 : vector<16xi32>
    %swap3A_90 = arith.constant 0 : i32
    %swap3A_91 = arith.constant 0 : i32
    %swap3A_92 = arith.index_cast %swap3A_90 : i32 to index
    %swap3A_93 = arith.index_cast %swap3A_91 : i32 to index
    %swap3A_94 = arith.constant 32 : index
    %swap3A_95 = tpu.vector_load %arg6[%swap3A_92, %swap3A_93, %swap3A_94] {strides = array<i32>} : memref<2x1x128xi32, #tpu.memory_space<vmem>>, vector<16xi32>,
    tpu.vector_store %arg6[%swap3A_92, %swap3A_93, %swap3A_94], %shift_right_arithmetic3A_89 {strides = array<i32>} : memref<2x1x128xi32, #tpu.memory_space<vmem>>, vector<16xi32>,
    %get3A_96 = arith.constant 0 : i32
    %get3A_97 = arith.constant 0 : i32
    %get3A_98 = arith.index_cast %get3A_96 : i32 to index
    %get3A_99 = arith.index_cast %get3A_97 : i32 to index
    %get3A_100 = arith.constant 48 : index
    %get3A_101 = tpu.vector_load %arg5[%get3A_98, %get3A_99, %get3A_100] {strides = array<i32>} : memref<2x1x128xi32, #tpu.memory_space<vmem>>, vector<16xi32>,
    %shift_right_arithmetic3A_102 = arith.constant 1 : i32
    %shift_right_arithmetic3A_103 = vector.broadcast %shift_right_arithmetic3A_102 : i32 to vector<16xi32>
    %shift_right_arithmetic3A_104 = arith.shrsi %get3A_101, %shift_right_arithmetic3A_103 : vector<16xi32>
    %swap3A_105 = arith.constant 0 : i32
    %swap3A_106 = arith.constant 0 : i32
    %swap3A_107 = arith.index_cast %swap3A_105 : i32 to index
    %swap3A_108 = arith.index_cast %swap3A_106 : i32 to index
    %swap3A_109 = arith.constant 48 : index
    %swap3A_110 = tpu.vector_load %arg6[%swap3A_107, %swap3A_108, %swap3A_109] {strides = array<i32>} : memref<2x1x128xi32, #tpu.memory_space<vmem>>, vector<16xi32>,
    tpu.vector_store %arg6[%swap3A_107, %swap3A_108, %swap3A_109], %shift_right_arithmetic3A_104 {strides = array<i32>} : memref<2x1x128xi32, #tpu.memory_space<vmem>>, vector<16xi32>,
    %get3A_111 = arith.constant 0 : i32
    %get3A_112 = arith.constant 0 : i32
    %get3A_113 = arith.index_cast %get3A_111 : i32 to index
    %get3A_114 = arith.index_cast %get3A_112 : i32 to index
    %get3A_115 = arith.constant 64 : index
    %get3A_116 = tpu.vector_load %arg5[%get3A_113, %get3A_114, %get3A_115] {strides = array<i32>} : memref<2x1x128xi32, #tpu.memory_space<vmem>>, vector<16xi32>,
    %shift_right_arithmetic3A_117 = arith.constant 1 : i32
    %shift_right_arithmetic3A_118 = vector.broadcast %shift_right_arithmetic3A_117 : i32 to vector<16xi32>
    %shift_right_arithmetic3A_119 = arith.shrsi %get3A_116, %shift_right_arithmetic3A_118 : vector<16xi32>
    %swap3A_120 = arith.constant 0 : i32
    %swap3A_121 = arith.constant 0 : i32
    %swap3A_122 = arith.index_cast %swap3A_120 : i32 to index
    %swap3A_123 = arith.index_cast %swap3A_121 : i32 to index
    %swap3A_124 = arith.constant 64 : index
    %swap3A_125 = tpu.vector_load %arg6[%swap3A_122, %swap3A_123, %swap3A_124] {strides = array<i32>} : memref<2x1x128xi32, #tpu.memory_space<vmem>>, vector<16xi32>,
    tpu.vector_store %arg6[%swap3A_122, %swap3A_123, %swap3A_124], %shift_right_arithmetic3A_119 {strides = array<i32>} : memref<2x1x128xi32, #tpu.memory_space<vmem>>, vector<16xi32>,
    %get3A_126 = arith.constant 0 : i32
    %get3A_127 = arith.constant 0 : i32
    %get3A_128 = arith.index_cast %get3A_126 : i32 to index
    %get3A_129 = arith.index_cast %get3A_127 : i32 to index
    %get3A_130 = arith.constant 80 : index
    %get3A_131 = tpu.vector_load %arg5[%get3A_128, %get3A_129, %get3A_130] {strides = array<i32>} : memref<2x1x128xi32, #tpu.memory_space<vmem>>, vector<16xi32>,
    %shift_right_arithmetic3A_132 = arith.constant 1 : i32
    %shift_right_arithmetic3A_133 = vector.broadcast %shift_right_arithmetic3A_132 : i32 to vector<16xi32>
    %shift_right_arithmetic3A_134 = arith.shrsi %get3A_131, %shift_right_arithmetic3A_133 : vector<16xi32>
    %swap3A_135 = arith.constant 0 : i32
    %swap3A_136 = arith.constant 0 : i32
    %swap3A_137 = arith.index_cast %swap3A_135 : i32 to index
    %swap3A_138 = arith.index_cast %swap3A_136 : i32 to index
    %swap3A_139 = arith.constant 80 : index
    %swap3A_140 = tpu.vector_load %arg6[%swap3A_137, %swap3A_138, %swap3A_139] {strides = array<i32>} : memref<2x1x128xi32, #tpu.memory_space<vmem>>, vector<16xi32>,
    tpu.vector_store %arg6[%swap3A_137, %swap3A_138, %swap3A_139], %shift_right_arithmetic3A_134 {strides = array<i32>} : memref<2x1x128xi32, #tpu.memory_space<vmem>>, vector<16xi32>,
    %get3A_141 = arith.constant 0 : i32
    %get3A_142 = arith.constant 0 : i32
    %get3A_143 = arith.index_cast %get3A_141 : i32 to index
    %get3A_144 = arith.index_cast %get3A_142 : i32 to index
    %get3A_145 = arith.constant 96 : index
    %get3A_146 = tpu.vector_load %arg5[%get3A_143, %get3A_144, %get3A_145] {strides = array<i32>} : memref<2x1x128xi32, #tpu.memory_space<vmem>>, vector<16xi32>,
    %shift_right_arithmetic3A_147 = arith.constant 1 : i32
    %shift_right_arithmetic3A_148 = vector.broadcast %shift_right_arithmetic3A_147 : i32 to vector<16xi32>
    %shift_right_arithmetic3A_149 = arith.shrsi %get3A_146, %shift_right_arithmetic3A_148 : vector<16xi32>
    %swap3A_150 = arith.constant 0 : i32
    %swap3A_151 = arith.constant 0 : i32
    %swap3A_152 = arith.index_cast %swap3A_150 : i32 to index
    %swap3A_153 = arith.index_cast %swap3A_151 : i32 to index
    %swap3A_154 = arith.constant 96 : index
    %swap3A_155 = tpu.vector_load %arg6[%swap3A_152, %swap3A_153, %swap3A_154] {strides = array<i32>} : memref<2x1x128xi32, #tpu.memory_space<vmem>>, vector<16xi32>,
    tpu.vector_store %arg6[%swap3A_152, %swap3A_153, %swap3A_154], %shift_right_arithmetic3A_149 {strides = array<i32>} : memref<2x1x128xi32, #tpu.memory_space<vmem>>, vector<16xi32>,
    %get3A_156 = arith.constant 0 : i32
    %get3A_157 = arith.constant 0 : i32
    %get3A_158 = arith.index_cast %get3A_156 : i32 to index
    %get3A_159 = arith.index_cast %get3A_157 : i32 to index
    %get3A_160 = arith.constant 112 : index
    %get3A_161 = tpu.vector_load %arg5[%get3A_158, %get3A_159, %get3A_160] {strides = array<i32>} : memref<2x1x128xi32, #tpu.memory_space<vmem>>, vector<16xi32>,
    %shift_right_arithmetic3A_162 = arith.constant 1 : i32
    %shift_right_arithmetic3A_163 = vector.broadcast %shift_right_arithmetic3A_162 : i32 to vector<16xi32>
    %shift_right_arithmetic3A_164 = arith.shrsi %get3A_161, %shift_right_arithmetic3A_163 : vector<16xi32>
    %swap3A_165 = arith.constant 0 : i32
    %swap3A_166 = arith.constant 0 : i32
    %swap3A_167 = arith.index_cast %swap3A_165 : i32 to index
    %swap3A_168 = arith.index_cast %swap3A_166 : i32 to index
    %swap3A_169 = arith.constant 112 : index
    %swap3A_170 = tpu.vector_load %arg6[%swap3A_167, %swap3A_168, %swap3A_169] {strides = array<i32>} : memref<2x1x128xi32, #tpu.memory_space<vmem>>, vector<16xi32>,
    tpu.vector_store %arg6[%swap3A_167, %swap3A_168, %swap3A_169], %shift_right_arithmetic3A_164 {strides = array<i32>} : memref<2x1x128xi32, #tpu.memory_space<vmem>>, vector<16xi32>,
    %dma_start3A = arith.constant 0 : i32
    %dma_start3A_171 = arith.constant 0 : i32
    %dma_start3A_172 = arith.constant 0 : i32
    %dma_start3A_173 = arith.constant 0 : i32
    %dma_start3A_174 = arith.constant 0 : i32
    %dma_start3A_175 = tpu.memref_slice %arg7[%dma_start3A_172, %dma_start3A_173, %dma_start3A_174] : memref<2x128x128xf32, #tpu.memory_space<vmem>> -> memref<1x128x128xf32, #tpu.memory_space<vmem>>
    %dma_start3A_176 = tpu.memref_squeeze %dma_start3A_175 : memref<1x128x128xf32, #tpu.memory_space<vmem>> -> memref<128x128xf32, #tpu.memory_space<vmem>>
    %dma_start3A_177 = arith.constant 0 : i32
    %dma_start3A_178 = arith.constant 0 : i32
    %dma_start3A_179 = tpu.memref_slice %arg6[%dma_start3A, %dma_start3A_177, %dma_start3A_178] : memref<2x1x128xi32, #tpu.memory_space<vmem>> -> memref<1x1x128xi32, #tpu.memory_space<vmem>>
    %dma_start3A_180 = tpu.memref_squeeze %dma_start3A_179 : memref<1x1x128xi32, #tpu.memory_space<vmem>> -> memref<1x128xi32, #tpu.memory_space<vmem>>
    %dma_start3A_181 = arith.constant 0 : i32
    %dma_start3A_182 = tpu.memref_slice %dma_start3A_180[%dma_start3A_171, %dma_start3A_181] : memref<1x128xi32, #tpu.memory_space<vmem>> -> memref<1x128xi32, #tpu.memory_space<vmem>>
    %dma_start3A_183 = tpu.memref_squeeze %dma_start3A_182 : memref<1x128xi32, #tpu.memory_space<vmem>> -> memref<128xi32, #tpu.memory_space<vmem>>
    %dma_start3A_184 = arith.constant 0 : i32
    %dma_start3A_185 = arith.constant 0 : i32
    %dma_start3A_186 = tpu.memref_slice %arg2[%dma_start3A_184, %dma_start3A_185] : memref<500000x128xf32, #tpu.memory_space<hbm>> -> memref<500000x128xf32, #tpu.memory_space<hbm>>
    tpu.enqueue_indirect_dma source(%dma_start3A_186 : memref<500000x128xf32, #tpu.memory_space<hbm>>) target(%dma_start3A_176 : memref<128x128xf32, #tpu.memory_space<vmem>>) offsets(%dma_start3A_183 : memref<128xi32, #tpu.memory_space<vmem>>) semaphore(%arg9 : memref<!tpu.dma_semaphore, #tpu.memory_space<semaphore_mem>>)
    %scan3A = arith.constant 0 : i32
    %scan3A_187 = arith.constant 0 : i32
    %scan3A_188 = arith.constant 100 : i32
    %scan3A_189 = arith.addi %scan3A_187, %scan3A_188 : i32
    %scan3A_190 = arith.constant 1 : i32
    scf.for %scan3A_221 = %scan3A_187 to %scan3A_189 step %scan3A_190  : i32 {
      %mul3A_222 = arith.constant 2 : i32
      %mul3A_223 = arith.muli %scan3A_221, %mul3A_222 : i32
      %add3A_224 = arith.constant 0 : i32
      %add3A_225 = arith.addi %mul3A_223, %add3A_224 : i32
      %add3A_226 = arith.constant 1 : i32
      %add3A_227 = arith.addi %add3A_225, %add3A_226 : i32
      %lt3A = arith.constant 200 : i32
      %lt3A_228 = arith.cmpi slt, %add3A_227, %lt3A : i32
      %convert_element_type3A = arith.extui %lt3A_228 : i1 to i32
      %cond3A = arith.constant 0 : i32
      %cond3A_229 = arith.cmpi ne, %convert_element_type3A, %cond3A : i32
      scf.if %cond3A_229 {
        %add3A_322 = arith.constant 1 : i32
        %add3A_323 = arith.addi %add3A_225, %add3A_322 : i32
        %add3A_324 = arith.addi %mul3A_2, %add3A_323 : i32
        %run_scoped3A_325 = arith.constant 1 : i32
        "tpu.region"() ({
          %run_scoped3A_463 = tpu.sem_alloc : memref<!tpu.dma_semaphore, #tpu.memory_space<semaphore_mem>>
          %dma_start3A_464 = arith.constant 0 : i32
          %dma_start3A_465 = arith.constant 0 : i32
          %dma_start3A_466 = tpu.memref_slice %arg5[%run_scoped3A_325, %dma_start3A_464, %dma_start3A_465] : memref<2x1x128xi32, #tpu.memory_space<vmem>> -> memref<1x1x128xi32, #tpu.memory_space<vmem>>
          %dma_start3A_467 = tpu.memref_squeeze %dma_start3A_466 : memref<1x1x128xi32, #tpu.memory_space<vmem>> -> memref<1x128xi32, #tpu.memory_space<vmem>>
          %dma_start3A_468 = arith.constant 0 : i32
          %dma_start3A_469 = tpu.memref_slice %arg3[%add3A_324, %dma_start3A_468] : memref<6400x128xi32, #tpu.memory_space<hbm>> -> memref<1x128xi32, #tpu.memory_space<hbm>>
          %dma_start3A_470 = arith.constant 0 : i32
          %dma_start3A_471 = arith.constant 0 : i32
          %dma_start3A_472 = tpu.memref_slice %arg5[%run_scoped3A_325, %dma_start3A_470, %dma_start3A_471] : memref<2x1x128xi32, #tpu.memory_space<vmem>> -> memref<1x1x128xi32, #tpu.memory_space<vmem>>
          %dma_start3A_473 = tpu.memref_squeeze %dma_start3A_472 : memref<1x1x128xi32, #tpu.memory_space<vmem>> -> memref<1x128xi32, #tpu.memory_space<vmem>>
          %dma_start3A_474 = arith.constant 0 : i32
          %dma_start3A_475 = tpu.memref_slice %arg3[%add3A_324, %dma_start3A_474] : memref<6400x128xi32, #tpu.memory_space<hbm>> -> memref<1x128xi32, #tpu.memory_space<hbm>>
          tpu.enqueue_dma source(%dma_start3A_475 : memref<1x128xi32, #tpu.memory_space<hbm>>) target(%dma_start3A_473 : memref<1x128xi32, #tpu.memory_space<vmem>>) target_semaphore(%run_scoped3A_463 : memref<!tpu.dma_semaphore, #tpu.memory_space<semaphore_mem>>)
          %dma_wait3A_476 = arith.constant 0 : i32
          %dma_wait3A_477 = arith.constant 0 : i32
          %dma_wait3A_478 = tpu.memref_slice %arg5[%run_scoped3A_325, %dma_wait3A_476, %dma_wait3A_477] : memref<2x1x128xi32, #tpu.memory_space<vmem>> -> memref<1x1x128xi32, #tpu.memory_space<vmem>>
          %dma_wait3A_479 = tpu.memref_squeeze %dma_wait3A_478 : memref<1x1x128xi32, #tpu.memory_space<vmem>> -> memref<1x128xi32, #tpu.memory_space<vmem>>
          %dma_wait3A_480 = arith.constant 0 : i32
          %dma_wait3A_481 = tpu.memref_slice %arg3[%add3A_324, %dma_wait3A_480] : memref<6400x128xi32, #tpu.memory_space<hbm>> -> memref<1x128xi32, #tpu.memory_space<hbm>>
          %dma_wait3A_482 = arith.constant 0 : i32
          %dma_wait3A_483 = arith.constant 0 : i32
          %dma_wait3A_484 = tpu.memref_slice %arg5[%run_scoped3A_325, %dma_wait3A_482, %dma_wait3A_483] : memref<2x1x128xi32, #tpu.memory_space<vmem>> -> memref<1x1x128xi32, #tpu.memory_space<vmem>>
          %dma_wait3A_485 = tpu.memref_squeeze %dma_wait3A_484 : memref<1x1x128xi32, #tpu.memory_space<vmem>> -> memref<1x128xi32, #tpu.memory_space<vmem>>
          %dma_wait3A_486 = arith.constant 0 : i32
          %dma_wait3A_487 = tpu.memref_slice %arg3[%add3A_324, %dma_wait3A_486] : memref<6400x128xi32, #tpu.memory_space<hbm>> -> memref<1x128xi32, #tpu.memory_space<hbm>>
          tpu.wait_dma2 semaphore(%run_scoped3A_463 : memref<!tpu.dma_semaphore, #tpu.memory_space<semaphore_mem>>) src(%dma_wait3A_487 : memref<1x128xi32, #tpu.memory_space<hbm>>) dst(%dma_wait3A_485 : memref<1x128xi32, #tpu.memory_space<vmem>>)
          tpu.yield
        }) : () -> ()
        %get3A_326 = arith.constant 1 : i32
        %get3A_327 = arith.constant 0 : i32
        %get3A_328 = arith.index_cast %get3A_326 : i32 to index
        %get3A_329 = arith.index_cast %get3A_327 : i32 to index
        %get3A_330 = arith.constant 0 : index
        %get3A_331 = tpu.vector_load %arg5[%get3A_328, %get3A_329, %get3A_330] {strides = array<i32>} : memref<2x1x128xi32, #tpu.memory_space<vmem>>, vector<16xi32>,
        %shift_right_arithmetic3A_332 = arith.constant 1 : i32
        %shift_right_arithmetic3A_333 = vector.broadcast %shift_right_arithmetic3A_332 : i32 to vector<16xi32>
        %shift_right_arithmetic3A_334 = arith.shrsi %get3A_331, %shift_right_arithmetic3A_333 : vector<16xi32>
        %swap3A_335 = arith.constant 1 : i32
        %swap3A_336 = arith.constant 0 : i32
        %swap3A_337 = arith.index_cast %swap3A_335 : i32 to index
        %swap3A_338 = arith.index_cast %swap3A_336 : i32 to index
        %swap3A_339 = arith.constant 0 : index
        %swap3A_340 = tpu.vector_load %arg6[%swap3A_337, %swap3A_338, %swap3A_339] {strides = array<i32>} : memref<2x1x128xi32, #tpu.memory_space<vmem>>, vector<16xi32>,
        tpu.vector_store %arg6[%swap3A_337, %swap3A_338, %swap3A_339], %shift_right_arithmetic3A_334 {strides = array<i32>} : memref<2x1x128xi32, #tpu.memory_space<vmem>>, vector<16xi32>,
        %get3A_341 = arith.constant 1 : i32
        %get3A_342 = arith.constant 0 : i32
        %get3A_343 = arith.index_cast %get3A_341 : i32 to index
        %get3A_344 = arith.index_cast %get3A_342 : i32 to index
        %get3A_345 = arith.constant 16 : index
        %get3A_346 = tpu.vector_load %arg5[%get3A_343, %get3A_344, %get3A_345] {strides = array<i32>} : memref<2x1x128xi32, #tpu.memory_space<vmem>>, vector<16xi32>,
        %shift_right_arithmetic3A_347 = arith.constant 1 : i32
        %shift_right_arithmetic3A_348 = vector.broadcast %shift_right_arithmetic3A_347 : i32 to vector<16xi32>
        %shift_right_arithmetic3A_349 = arith.shrsi %get3A_346, %shift_right_arithmetic3A_348 : vector<16xi32>
        %swap3A_350 = arith.constant 1 : i32
        %swap3A_351 = arith.constant 0 : i32
        %swap3A_352 = arith.index_cast %swap3A_350 : i32 to index
        %swap3A_353 = arith.index_cast %swap3A_351 : i32 to index
        %swap3A_354 = arith.constant 16 : index
        %swap3A_355 = tpu.vector_load %arg6[%swap3A_352, %swap3A_353, %swap3A_354] {strides = array<i32>} : memref<2x1x128xi32, #tpu.memory_space<vmem>>, vector<16xi32>,
        tpu.vector_store %arg6[%swap3A_352, %swap3A_353, %swap3A_354], %shift_right_arithmetic3A_349 {strides = array<i32>} : memref<2x1x128xi32, #tpu.memory_space<vmem>>, vector<16xi32>,
        %get3A_356 = arith.constant 1 : i32
        %get3A_357 = arith.constant 0 : i32
        %get3A_358 = arith.index_cast %get3A_356 : i32 to index
        %get3A_359 = arith.index_cast %get3A_357 : i32 to index
        %get3A_360 = arith.constant 32 : index
        %get3A_361 = tpu.vector_load %arg5[%get3A_358, %get3A_359, %get3A_360] {strides = array<i32>} : memref<2x1x128xi32, #tpu.memory_space<vmem>>, vector<16xi32>,
        %shift_right_arithmetic3A_362 = arith.constant 1 : i32
        %shift_right_arithmetic3A_363 = vector.broadcast %shift_right_arithmetic3A_362 : i32 to vector<16xi32>
        %shift_right_arithmetic3A_364 = arith.shrsi %get3A_361, %shift_right_arithmetic3A_363 : vector<16xi32>
        %swap3A_365 = arith.constant 1 : i32
        %swap3A_366 = arith.constant 0 : i32
        %swap3A_367 = arith.index_cast %swap3A_365 : i32 to index
        %swap3A_368 = arith.index_cast %swap3A_366 : i32 to index
        %swap3A_369 = arith.constant 32 : index
        %swap3A_370 = tpu.vector_load %arg6[%swap3A_367, %swap3A_368, %swap3A_369] {strides = array<i32>} : memref<2x1x128xi32, #tpu.memory_space<vmem>>, vector<16xi32>,
        tpu.vector_store %arg6[%swap3A_367, %swap3A_368, %swap3A_369], %shift_right_arithmetic3A_364 {strides = array<i32>} : memref<2x1x128xi32, #tpu.memory_space<vmem>>, vector<16xi32>,
        %get3A_371 = arith.constant 1 : i32
        %get3A_372 = arith.constant 0 : i32
        %get3A_373 = arith.index_cast %get3A_371 : i32 to index
        %get3A_374 = arith.index_cast %get3A_372 : i32 to index
        %get3A_375 = arith.constant 48 : index
        %get3A_376 = tpu.vector_load %arg5[%get3A_373, %get3A_374, %get3A_375] {strides = array<i32>} : memref<2x1x128xi32, #tpu.memory_space<vmem>>, vector<16xi32>,
        %shift_right_arithmetic3A_377 = arith.constant 1 : i32
        %shift_right_arithmetic3A_378 = vector.broadcast %shift_right_arithmetic3A_377 : i32 to vector<16xi32>
        %shift_right_arithmetic3A_379 = arith.shrsi %get3A_376, %shift_right_arithmetic3A_378 : vector<16xi32>
        %swap3A_380 = arith.constant 1 : i32
        %swap3A_381 = arith.constant 0 : i32
        %swap3A_382 = arith.index_cast %swap3A_380 : i32 to index
        %swap3A_383 = arith.index_cast %swap3A_381 : i32 to index
        %swap3A_384 = arith.constant 48 : index
        %swap3A_385 = tpu.vector_load %arg6[%swap3A_382, %swap3A_383, %swap3A_384] {strides = array<i32>} : memref<2x1x128xi32, #tpu.memory_space<vmem>>, vector<16xi32>,
        tpu.vector_store %arg6[%swap3A_382, %swap3A_383, %swap3A_384], %shift_right_arithmetic3A_379 {strides = array<i32>} : memref<2x1x128xi32, #tpu.memory_space<vmem>>, vector<16xi32>,
        %get3A_386 = arith.constant 1 : i32
        %get3A_387 = arith.constant 0 : i32
        %get3A_388 = arith.index_cast %get3A_386 : i32 to index
        %get3A_389 = arith.index_cast %get3A_387 : i32 to index
        %get3A_390 = arith.constant 64 : index
        %get3A_391 = tpu.vector_load %arg5[%get3A_388, %get3A_389, %get3A_390] {strides = array<i32>} : memref<2x1x128xi32, #tpu.memory_space<vmem>>, vector<16xi32>,
        %shift_right_arithmetic3A_392 = arith.constant 1 : i32
        %shift_right_arithmetic3A_393 = vector.broadcast %shift_right_arithmetic3A_392 : i32 to vector<16xi32>
        %shift_right_arithmetic3A_394 = arith.shrsi %get3A_391, %shift_right_arithmetic3A_393 : vector<16xi32>
        %swap3A_395 = arith.constant 1 : i32
        %swap3A_396 = arith.constant 0 : i32
        %swap3A_397 = arith.index_cast %swap3A_395 : i32 to index
        %swap3A_398 = arith.index_cast %swap3A_396 : i32 to index
        %swap3A_399 = arith.constant 64 : index
        %swap3A_400 = tpu.vector_load %arg6[%swap3A_397, %swap3A_398, %swap3A_399] {strides = array<i32>} : memref<2x1x128xi32, #tpu.memory_space<vmem>>, vector<16xi32>,
        tpu.vector_store %arg6[%swap3A_397, %swap3A_398, %swap3A_399], %shift_right_arithmetic3A_394 {strides = array<i32>} : memref<2x1x128xi32, #tpu.memory_space<vmem>>, vector<16xi32>,
        %get3A_401 = arith.constant 1 : i32
        %get3A_402 = arith.constant 0 : i32
        %get3A_403 = arith.index_cast %get3A_401 : i32 to index
        %get3A_404 = arith.index_cast %get3A_402 : i32 to index
        %get3A_405 = arith.constant 80 : index
        %get3A_406 = tpu.vector_load %arg5[%get3A_403, %get3A_404, %get3A_405] {strides = array<i32>} : memref<2x1x128xi32, #tpu.memory_space<vmem>>, vector<16xi32>,
        %shift_right_arithmetic3A_407 = arith.constant 1 : i32
        %shift_right_arithmetic3A_408 = vector.broadcast %shift_right_arithmetic3A_407 : i32 to vector<16xi32>
        %shift_right_arithmetic3A_409 = arith.shrsi %get3A_406, %shift_right_arithmetic3A_408 : vector<16xi32>
        %swap3A_410 = arith.constant 1 : i32
        %swap3A_411 = arith.constant 0 : i32
        %swap3A_412 = arith.index_cast %swap3A_410 : i32 to index
        %swap3A_413 = arith.index_cast %swap3A_411 : i32 to index
        %swap3A_414 = arith.constant 80 : index
        %swap3A_415 = tpu.vector_load %arg6[%swap3A_412, %swap3A_413, %swap3A_414] {strides = array<i32>} : memref<2x1x128xi32, #tpu.memory_space<vmem>>, vector<16xi32>,
        tpu.vector_store %arg6[%swap3A_412, %swap3A_413, %swap3A_414], %shift_right_arithmetic3A_409 {strides = array<i32>} : memref<2x1x128xi32, #tpu.memory_space<vmem>>, vector<16xi32>,
        %get3A_416 = arith.constant 1 : i32
        %get3A_417 = arith.constant 0 : i32
        %get3A_418 = arith.index_cast %get3A_416 : i32 to index
        %get3A_419 = arith.index_cast %get3A_417 : i32 to index
        %get3A_420 = arith.constant 96 : index
        %get3A_421 = tpu.vector_load %arg5[%get3A_418, %get3A_419, %get3A_420] {strides = array<i32>} : memref<2x1x128xi32, #tpu.memory_space<vmem>>, vector<16xi32>,
        %shift_right_arithmetic3A_422 = arith.constant 1 : i32
        %shift_right_arithmetic3A_423 = vector.broadcast %shift_right_arithmetic3A_422 : i32 to vector<16xi32>
        %shift_right_arithmetic3A_424 = arith.shrsi %get3A_421, %shift_right_arithmetic3A_423 : vector<16xi32>
        %swap3A_425 = arith.constant 1 : i32
        %swap3A_426 = arith.constant 0 : i32
        %swap3A_427 = arith.index_cast %swap3A_425 : i32 to index
        %swap3A_428 = arith.index_cast %swap3A_426 : i32 to index
        %swap3A_429 = arith.constant 96 : index
        %swap3A_430 = tpu.vector_load %arg6[%swap3A_427, %swap3A_428, %swap3A_429] {strides = array<i32>} : memref<2x1x128xi32, #tpu.memory_space<vmem>>, vector<16xi32>,
        tpu.vector_store %arg6[%swap3A_427, %swap3A_428, %swap3A_429], %shift_right_arithmetic3A_424 {strides = array<i32>} : memref<2x1x128xi32, #tpu.memory_space<vmem>>, vector<16xi32>,
        %get3A_431 = arith.constant 1 : i32
        %get3A_432 = arith.constant 0 : i32
        %get3A_433 = arith.index_cast %get3A_431 : i32 to index
        %get3A_434 = arith.index_cast %get3A_432 : i32 to index
        %get3A_435 = arith.constant 112 : index
        %get3A_436 = tpu.vector_load %arg5[%get3A_433, %get3A_434, %get3A_435] {strides = array<i32>} : memref<2x1x128xi32, #tpu.memory_space<vmem>>, vector<16xi32>,
        %shift_right_arithmetic3A_437 = arith.constant 1 : i32
        %shift_right_arithmetic3A_438 = vector.broadcast %shift_right_arithmetic3A_437 : i32 to vector<16xi32>
        %shift_right_arithmetic3A_439 = arith.shrsi %get3A_436, %shift_right_arithmetic3A_438 : vector<16xi32>
        %swap3A_440 = arith.constant 1 : i32
        %swap3A_441 = arith.constant 0 : i32
        %swap3A_442 = arith.index_cast %swap3A_440 : i32 to index
        %swap3A_443 = arith.index_cast %swap3A_441 : i32 to index
        %swap3A_444 = arith.constant 112 : index
        %swap3A_445 = tpu.vector_load %arg6[%swap3A_442, %swap3A_443, %swap3A_444] {strides = array<i32>} : memref<2x1x128xi32, #tpu.memory_space<vmem>>, vector<16xi32>,
        tpu.vector_store %arg6[%swap3A_442, %swap3A_443, %swap3A_444], %shift_right_arithmetic3A_439 {strides = array<i32>} : memref<2x1x128xi32, #tpu.memory_space<vmem>>, vector<16xi32>,
        %dma_start3A_446 = arith.constant 1 : i32
        %dma_start3A_447 = arith.constant 0 : i32
        %dma_start3A_448 = arith.constant 1 : i32
        %dma_start3A_449 = arith.constant 0 : i32
        %dma_start3A_450 = arith.constant 0 : i32
        %dma_start3A_451 = tpu.memref_slice %arg7[%dma_start3A_448, %dma_start3A_449, %dma_start3A_450] : memref<2x128x128xf32, #tpu.memory_space<vmem>> -> memref<1x128x128xf32, #tpu.memory_space<vmem>>
        %dma_start3A_452 = tpu.memref_squeeze %dma_start3A_451 : memref<1x128x128xf32, #tpu.memory_space<vmem>> -> memref<128x128xf32, #tpu.memory_space<vmem>>
        %dma_start3A_453 = arith.constant 0 : i32
        %dma_start3A_454 = arith.constant 0 : i32
        %dma_start3A_455 = tpu.memref_slice %arg6[%dma_start3A_446, %dma_start3A_453, %dma_start3A_454] : memref<2x1x128xi32, #tpu.memory_space<vmem>> -> memref<1x1x128xi32, #tpu.memory_space<vmem>>
        %dma_start3A_456 = tpu.memref_squeeze %dma_start3A_455 : memref<1x1x128xi32, #tpu.memory_space<vmem>> -> memref<1x128xi32, #tpu.memory_space<vmem>>
        %dma_start3A_457 = arith.constant 0 : i32
        %dma_start3A_458 = tpu.memref_slice %dma_start3A_456[%dma_start3A_447, %dma_start3A_457] : memref<1x128xi32, #tpu.memory_space<vmem>> -> memref<1x128xi32, #tpu.memory_space<vmem>>
        %dma_start3A_459 = tpu.memref_squeeze %dma_start3A_458 : memref<1x128xi32, #tpu.memory_space<vmem>> -> memref<128xi32, #tpu.memory_space<vmem>>
        %dma_start3A_460 = arith.constant 0 : i32
        %dma_start3A_461 = arith.constant 0 : i32
        %dma_start3A_462 = tpu.memref_slice %arg2[%dma_start3A_460, %dma_start3A_461] : memref<500000x128xf32, #tpu.memory_space<hbm>> -> memref<500000x128xf32, #tpu.memory_space<hbm>>
        tpu.enqueue_indirect_dma source(%dma_start3A_462 : memref<500000x128xf32, #tpu.memory_space<hbm>>) target(%dma_start3A_452 : memref<128x128xf32, #tpu.memory_space<vmem>>) offsets(%dma_start3A_459 : memref<128xi32, #tpu.memory_space<vmem>>) semaphore(%arg9 : memref<!tpu.dma_semaphore, #tpu.memory_space<semaphore_mem>>)
      } else {
      }
      %dma_wait3A_230 = arith.constant 0 : i32
      %dma_wait3A_231 = arith.constant 0 : i32
      %dma_wait3A_232 = arith.constant 0 : i32
      %dma_wait3A_233 = tpu.memref_slice %arg7[%dma_wait3A_230, %dma_wait3A_231, %dma_wait3A_232] : memref<2x128x128xf32, #tpu.memory_space<vmem>> -> memref<1x128x128xf32, #tpu.memory_space<vmem>>
      %dma_wait3A_234 = tpu.memref_squeeze %dma_wait3A_233 : memref<1x128x128xf32, #tpu.memory_space<vmem>> -> memref<128x128xf32, #tpu.memory_space<vmem>>
      %dma_wait3A_235 = arith.constant 0 : i32
      %dma_wait3A_236 = arith.constant 0 : i32
      %dma_wait3A_237 = tpu.memref_slice %arg2[%dma_wait3A_235, %dma_wait3A_236] : memref<500000x128xf32, #tpu.memory_space<hbm>> -> memref<128x128xf32, #tpu.memory_space<hbm>>
      %dma_wait3A_238 = arith.constant 0 : i32
      %dma_wait3A_239 = arith.constant 0 : i32
      %dma_wait3A_240 = tpu.memref_slice %arg7[%dma_wait3A_230, %dma_wait3A_238, %dma_wait3A_239] : memref<2x128x128xf32, #tpu.memory_space<vmem>> -> memref<1x128x128xf32, #tpu.memory_space<vmem>>
      %dma_wait3A_241 = tpu.memref_squeeze %dma_wait3A_240 : memref<1x128x128xf32, #tpu.memory_space<vmem>> -> memref<128x128xf32, #tpu.memory_space<vmem>>
      %dma_wait3A_242 = arith.constant 0 : i32
      %dma_wait3A_243 = arith.constant 0 : i32
      %dma_wait3A_244 = tpu.memref_slice %arg2[%dma_wait3A_242, %dma_wait3A_243] : memref<500000x128xf32, #tpu.memory_space<hbm>> -> memref<128x128xf32, #tpu.memory_space<hbm>>
      tpu.wait_dma2 semaphore(%arg9 : memref<!tpu.dma_semaphore, #tpu.memory_space<semaphore_mem>>) src(%dma_wait3A_244 : memref<128x128xf32, #tpu.memory_space<hbm>>) dst(%dma_wait3A_241 : memref<128x128xf32, #tpu.memory_space<vmem>>)
      %ge3A = arith.constant 2 : i32
      %ge3A_245 = arith.cmpi sge, %add3A_225, %ge3A : i32
      %convert_element_type3A_246 = arith.extui %ge3A_245 : i1 to i32
      %cond3A_247 = arith.constant 0 : i32
      %cond3A_248 = arith.cmpi ne, %convert_element_type3A_246, %cond3A_247 : i32
      scf.if %cond3A_248 {
        %dma_wait3A_322 = arith.constant 0 : i32
        %dma_wait3A_323 = arith.constant 0 : i32
        %dma_wait3A_324 = arith.constant 0 : i32
        %dma_wait3A_325 = tpu.memref_slice %arg8[%dma_wait3A_322, %dma_wait3A_323, %dma_wait3A_324] : memref<2x128x64xf32, #tpu.memory_space<vmem>> -> memref<1x128x64xf32, #tpu.memory_space<vmem>>
        %dma_wait3A_326 = tpu.memref_squeeze %dma_wait3A_325 : memref<1x128x64xf32, #tpu.memory_space<vmem>> -> memref<128x64xf32, #tpu.memory_space<vmem>>
        %dma_wait3A_327 = arith.constant 0 : i32
        %dma_wait3A_328 = arith.constant 0 : i32
        %dma_wait3A_329 = tpu.memref_slice %arg4[%dma_wait3A_327, %dma_wait3A_328] : memref<819200x64xf32, #tpu.memory_space<hbm>> -> memref<128x64xf32, #tpu.memory_space<hbm>>
        %dma_wait3A_330 = arith.constant 0 : i32
        %dma_wait3A_331 = arith.constant 0 : i32
        %dma_wait3A_332 = tpu.memref_slice %arg4[%dma_wait3A_330, %dma_wait3A_331] : memref<819200x64xf32, #tpu.memory_space<hbm>> -> memref<128x64xf32, #tpu.memory_space<hbm>>
        %dma_wait3A_333 = arith.constant 0 : i32
        %dma_wait3A_334 = arith.constant 0 : i32
        %dma_wait3A_335 = tpu.memref_slice %arg8[%dma_wait3A_322, %dma_wait3A_333, %dma_wait3A_334] : memref<2x128x64xf32, #tpu.memory_space<vmem>> -> memref<1x128x64xf32, #tpu.memory_space<vmem>>
        %dma_wait3A_336 = tpu.memref_squeeze %dma_wait3A_335 : memref<1x128x64xf32, #tpu.memory_space<vmem>> -> memref<128x64xf32, #tpu.memory_space<vmem>>
        tpu.wait_dma2 semaphore(%arg10 : memref<!tpu.dma_semaphore, #tpu.memory_space<semaphore_mem>>) src(%dma_wait3A_336 : memref<128x64xf32, #tpu.memory_space<vmem>>) dst(%dma_wait3A_332 : memref<128x64xf32, #tpu.memory_space<hbm>>)
      } else {
      }
      %scan3A_249 = arith.constant 0 : i32
      %scan3A_250 = arith.constant 0 : i32
      %scan3A_251 = arith.constant 8 : i32
      %scan3A_252 = arith.addi %scan3A_250, %scan3A_251 : i32
      %scan3A_253 = arith.constant 1 : i32
      scf.for %scan3A_322 = %scan3A_250 to %scan3A_252 step %scan3A_253  : i32 {
        %mul3A_323 = arith.constant 16 : i32
        %mul3A_324 = arith.muli %scan3A_322, %mul3A_323 : i32
        %get3A_325 = arith.constant 0 : i32
        %get3A_326 = arith.constant 0 : i32
        %get3A_327 = arith.index_cast %get3A_325 : i32 to index
        %get3A_328 = arith.index_cast %get3A_326 : i32 to index
        %get3A_329 = arith.index_cast %mul3A_324 : i32 to index
        %get3A_330 = tpu.vector_load %arg5[%get3A_327, %get3A_328, %get3A_329] {strides = array<i32>} : memref<2x1x128xi32, #tpu.memory_space<vmem>>, vector<16xi32>,
        %and3A = arith.constant 1 : i32
        %and3A_331 = vector.broadcast %and3A : i32 to vector<16xi32>
        %and3A_332 = arith.andi %get3A_330, %and3A_331 : vector<16xi32>
        %shift_left3A = arith.constant 6 : i32
        %shift_left3A_333 = vector.broadcast %shift_left3A : i32 to vector<16xi32>
        %shift_left3A_334 = arith.shli %and3A_332, %shift_left3A_333 : vector<16xi32>
        %broadcast_in_dim3A = arith.constant 0.000000e+00 : f32
        %broadcast_in_dim3A_335 = vector.broadcast %broadcast_in_dim3A : f32 to vector<16xf32>
        %add3A_336 = arith.constant 0 : i32
        %add3A_337 = arith.addi %mul3A_324, %add3A_336 : i32
        %slice3A = vector.extract_strided_slice %shift_left3A_334 {offsets = [0], sizes = [1], strides = [1]} : vector<16xi32> to vector<1xi32>
        %squeeze3A = vector.extract %slice3A[0] : i32 from vector<1xi32>
        %get3A_338 = arith.constant 0 : i32
        %get3A_339 = arith.index_cast %get3A_338 : i32 to index
        %get3A_340 = arith.index_cast %add3A_337 : i32 to index
        %get3A_341 = arith.index_cast %squeeze3A : i32 to index
        %get3A_342 = tpu.vector_load %arg7[%get3A_339, %get3A_340, %get3A_341] {strides = array<i32>} : memref<2x128x128xf32, #tpu.memory_space<vmem>>, vector<16xf32>,
        %add3A_343 = arith.constant 16 : i32
        %add3A_344 = arith.addi %squeeze3A, %add3A_343 : i32
        %get3A_345 = arith.constant 0 : i32
        %get3A_346 = arith.index_cast %get3A_345 : i32 to index
        %get3A_347 = arith.index_cast %add3A_337 : i32 to index
        %get3A_348 = arith.index_cast %add3A_344 : i32 to index
        %get3A_349 = tpu.vector_load %arg7[%get3A_346, %get3A_347, %get3A_348] {strides = array<i32>} : memref<2x128x128xf32, #tpu.memory_space<vmem>>, vector<16xf32>,
        %add3A_350 = arith.constant 32 : i32
        %add3A_351 = arith.addi %squeeze3A, %add3A_350 : i32
        %get3A_352 = arith.constant 0 : i32
        %get3A_353 = arith.index_cast %get3A_352 : i32 to index
        %get3A_354 = arith.index_cast %add3A_337 : i32 to index
        %get3A_355 = arith.index_cast %add3A_351 : i32 to index
        %get3A_356 = tpu.vector_load %arg7[%get3A_353, %get3A_354, %get3A_355] {strides = array<i32>} : memref<2x128x128xf32, #tpu.memory_space<vmem>>, vector<16xf32>,
        %add3A_357 = arith.constant 48 : i32
        %add3A_358 = arith.addi %squeeze3A, %add3A_357 : i32
        %get3A_359 = arith.constant 0 : i32
        %get3A_360 = arith.index_cast %get3A_359 : i32 to index
        %get3A_361 = arith.index_cast %add3A_337 : i32 to index
        %get3A_362 = arith.index_cast %add3A_358 : i32 to index
        %get3A_363 = tpu.vector_load %arg7[%get3A_360, %get3A_361, %get3A_362] {strides = array<i32>} : memref<2x128x128xf32, #tpu.memory_space<vmem>>, vector<16xf32>,
        %mul3A_364 = arith.mulf %get3A_342, %get3A_342 : vector<16xf32>
        %mul3A_365 = arith.mulf %get3A_349, %get3A_349 : vector<16xf32>
        %add3A_366 = arith.addf %mul3A_364, %mul3A_365 : vector<16xf32>
        %mul3A_367 = arith.mulf %get3A_356, %get3A_356 : vector<16xf32>
        %add3A_368 = arith.addf %add3A_366, %mul3A_367 : vector<16xf32>
        %mul3A_369 = arith.mulf %get3A_363, %get3A_363 : vector<16xf32>
        %add3A_370 = arith.addf %add3A_368, %mul3A_369 : vector<16xf32>
        %reduce_sum3A = arith.constant true
        %reduce_sum3A_371 = vector.broadcast %reduce_sum3A : i1 to vector<16xi1>
        %reduce_sum3A_372 = tpu.scan <sum>, %add3A_370 masked %reduce_sum3A_371 : vector<16xf32>, vector<16xi1> -> vector<16xf32>
        %reduce_sum3A_373 = vector.extract %reduce_sum3A_372[15] : f32 from vector<16xf32>
        %broadcast_in_dim3A_374 = vector.broadcast %reduce_sum3A_373 : f32 to vector<16xf32>
        %select_n3A = arith.select %eq3A_6, %broadcast_in_dim3A_374, %broadcast_in_dim3A_335 : vector<16xi1>, vector<16xf32>
        %add3A_375 = arith.constant 1 : i32
        %add3A_376 = arith.addi %mul3A_324, %add3A_375 : i32
        %slice3A_377 = vector.extract_strided_slice %shift_left3A_334 {offsets = [1], sizes = [1], strides = [1]} : vector<16xi32> to vector<1xi32>
        %squeeze3A_378 = vector.extract %slice3A_377[0] : i32 from vector<1xi32>
        %get3A_379 = arith.constant 0 : i32
        %get3A_380 = arith.index_cast %get3A_379 : i32 to index
        %get3A_381 = arith.index_cast %add3A_376 : i32 to index
        %get3A_382 = arith.index_cast %squeeze3A_378 : i32 to index
        %get3A_383 = tpu.vector_load %arg7[%get3A_380, %get3A_381, %get3A_382] {strides = array<i32>} : memref<2x128x128xf32, #tpu.memory_space<vmem>>, vector<16xf32>,
        %add3A_384 = arith.constant 16 : i32
        %add3A_385 = arith.addi %squeeze3A_378, %add3A_384 : i32
        %get3A_386 = arith.constant 0 : i32
        %get3A_387 = arith.index_cast %get3A_386 : i32 to index
        %get3A_388 = arith.index_cast %add3A_376 : i32 to index
        %get3A_389 = arith.index_cast %add3A_385 : i32 to index
        %get3A_390 = tpu.vector_load %arg7[%get3A_387, %get3A_388, %get3A_389] {strides = array<i32>} : memref<2x128x128xf32, #tpu.memory_space<vmem>>, vector<16xf32>,
        %add3A_391 = arith.constant 32 : i32
        %add3A_392 = arith.addi %squeeze3A_378, %add3A_391 : i32
        %get3A_393 = arith.constant 0 : i32
        %get3A_394 = arith.index_cast %get3A_393 : i32 to index
        %get3A_395 = arith.index_cast %add3A_376 : i32 to index
        %get3A_396 = arith.index_cast %add3A_392 : i32 to index
        %get3A_397 = tpu.vector_load %arg7[%get3A_394, %get3A_395, %get3A_396] {strides = array<i32>} : memref<2x128x128xf32, #tpu.memory_space<vmem>>, vector<16xf32>,
        %add3A_398 = arith.constant 48 : i32
        %add3A_399 = arith.addi %squeeze3A_378, %add3A_398 : i32
        %get3A_400 = arith.constant 0 : i32
        %get3A_401 = arith.index_cast %get3A_400 : i32 to index
        %get3A_402 = arith.index_cast %add3A_376 : i32 to index
        %get3A_403 = arith.index_cast %add3A_399 : i32 to index
        %get3A_404 = tpu.vector_load %arg7[%get3A_401, %get3A_402, %get3A_403] {strides = array<i32>} : memref<2x128x128xf32, #tpu.memory_space<vmem>>, vector<16xf32>,
        %mul3A_405 = arith.mulf %get3A_383, %get3A_383 : vector<16xf32>
        %mul3A_406 = arith.mulf %get3A_390, %get3A_390 : vector<16xf32>
        %add3A_407 = arith.addf %mul3A_405, %mul3A_406 : vector<16xf32>
        %mul3A_408 = arith.mulf %get3A_397, %get3A_397 : vector<16xf32>
        %add3A_409 = arith.addf %add3A_407, %mul3A_408 : vector<16xf32>
        %mul3A_410 = arith.mulf %get3A_404, %get3A_404 : vector<16xf32>
        %add3A_411 = arith.addf %add3A_409, %mul3A_410 : vector<16xf32>
        %reduce_sum3A_412 = arith.constant true
        %reduce_sum3A_413 = vector.broadcast %reduce_sum3A_412 : i1 to vector<16xi1>
        %reduce_sum3A_414 = tpu.scan <sum>, %add3A_411 masked %reduce_sum3A_413 : vector<16xf32>, vector<16xi1> -> vector<16xf32>
        %reduce_sum3A_415 = vector.extract %reduce_sum3A_414[15] : f32 from vector<16xf32>
        %broadcast_in_dim3A_416 = vector.broadcast %reduce_sum3A_415 : f32 to vector<16xf32>
        %select_n3A_417 = arith.select %eq3A_9, %broadcast_in_dim3A_416, %select_n3A : vector<16xi1>, vector<16xf32>
        %add3A_418 = arith.constant 2 : i32
        %add3A_419 = arith.addi %mul3A_324, %add3A_418 : i32
        %slice3A_420 = vector.extract_strided_slice %shift_left3A_334 {offsets = [2], sizes = [1], strides = [1]} : vector<16xi32> to vector<1xi32>
        %squeeze3A_421 = vector.extract %slice3A_420[0] : i32 from vector<1xi32>
        %get3A_422 = arith.constant 0 : i32
        %get3A_423 = arith.index_cast %get3A_422 : i32 to index
        %get3A_424 = arith.index_cast %add3A_419 : i32 to index
        %get3A_425 = arith.index_cast %squeeze3A_421 : i32 to index
        %get3A_426 = tpu.vector_load %arg7[%get3A_423, %get3A_424, %get3A_425] {strides = array<i32>} : memref<2x128x128xf32, #tpu.memory_space<vmem>>, vector<16xf32>,
        %add3A_427 = arith.constant 16 : i32
        %add3A_428 = arith.addi %squeeze3A_421, %add3A_427 : i32
        %get3A_429 = arith.constant 0 : i32
        %get3A_430 = arith.index_cast %get3A_429 : i32 to index
        %get3A_431 = arith.index_cast %add3A_419 : i32 to index
        %get3A_432 = arith.index_cast %add3A_428 : i32 to index
        %get3A_433 = tpu.vector_load %arg7[%get3A_430, %get3A_431, %get3A_432] {strides = array<i32>} : memref<2x128x128xf32, #tpu.memory_space<vmem>>, vector<16xf32>,
        %add3A_434 = arith.constant 32 : i32
        %add3A_435 = arith.addi %squeeze3A_421, %add3A_434 : i32
        %get3A_436 = arith.constant 0 : i32
        %get3A_437 = arith.index_cast %get3A_436 : i32 to index
        %get3A_438 = arith.index_cast %add3A_419 : i32 to index
        %get3A_439 = arith.index_cast %add3A_435 : i32 to index
        %get3A_440 = tpu.vector_load %arg7[%get3A_437, %get3A_438, %get3A_439] {strides = array<i32>} : memref<2x128x128xf32, #tpu.memory_space<vmem>>, vector<16xf32>,
        %add3A_441 = arith.constant 48 : i32
        %add3A_442 = arith.addi %squeeze3A_421, %add3A_441 : i32
        %get3A_443 = arith.constant 0 : i32
        %get3A_444 = arith.index_cast %get3A_443 : i32 to index
        %get3A_445 = arith.index_cast %add3A_419 : i32 to index
        %get3A_446 = arith.index_cast %add3A_442 : i32 to index
        %get3A_447 = tpu.vector_load %arg7[%get3A_444, %get3A_445, %get3A_446] {strides = array<i32>} : memref<2x128x128xf32, #tpu.memory_space<vmem>>, vector<16xf32>,
        %mul3A_448 = arith.mulf %get3A_426, %get3A_426 : vector<16xf32>
        %mul3A_449 = arith.mulf %get3A_433, %get3A_433 : vector<16xf32>
        %add3A_450 = arith.addf %mul3A_448, %mul3A_449 : vector<16xf32>
        %mul3A_451 = arith.mulf %get3A_440, %get3A_440 : vector<16xf32>
        %add3A_452 = arith.addf %add3A_450, %mul3A_451 : vector<16xf32>
        %mul3A_453 = arith.mulf %get3A_447, %get3A_447 : vector<16xf32>
        %add3A_454 = arith.addf %add3A_452, %mul3A_453 : vector<16xf32>
        %reduce_sum3A_455 = arith.constant true
        %reduce_sum3A_456 = vector.broadcast %reduce_sum3A_455 : i1 to vector<16xi1>
        %reduce_sum3A_457 = tpu.scan <sum>, %add3A_454 masked %reduce_sum3A_456 : vector<16xf32>, vector<16xi1> -> vector<16xf32>
        %reduce_sum3A_458 = vector.extract %reduce_sum3A_457[15] : f32 from vector<16xf32>
        %broadcast_in_dim3A_459 = vector.broadcast %reduce_sum3A_458 : f32 to vector<16xf32>
        %select_n3A_460 = arith.select %eq3A_12, %broadcast_in_dim3A_459, %select_n3A_417 : vector<16xi1>, vector<16xf32>
        %add3A_461 = arith.constant 3 : i32
        %add3A_462 = arith.addi %mul3A_324, %add3A_461 : i32
        %slice3A_463 = vector.extract_strided_slice %shift_left3A_334 {offsets = [3], sizes = [1], strides = [1]} : vector<16xi32> to vector<1xi32>
        %squeeze3A_464 = vector.extract %slice3A_463[0] : i32 from vector<1xi32>
        %get3A_465 = arith.constant 0 : i32
        %get3A_466 = arith.index_cast %get3A_465 : i32 to index
        %get3A_467 = arith.index_cast %add3A_462 : i32 to index
        %get3A_468 = arith.index_cast %squeeze3A_464 : i32 to index
        %get3A_469 = tpu.vector_load %arg7[%get3A_466, %get3A_467, %get3A_468] {strides = array<i32>} : memref<2x128x128xf32, #tpu.memory_space<vmem>>, vector<16xf32>,
        %add3A_470 = arith.constant 16 : i32
        %add3A_471 = arith.addi %squeeze3A_464, %add3A_470 : i32
        %get3A_472 = arith.constant 0 : i32
        %get3A_473 = arith.index_cast %get3A_472 : i32 to index
        %get3A_474 = arith.index_cast %add3A_462 : i32 to index
        %get3A_475 = arith.index_cast %add3A_471 : i32 to index
        %get3A_476 = tpu.vector_load %arg7[%get3A_473, %get3A_474, %get3A_475] {strides = array<i32>} : memref<2x128x128xf32, #tpu.memory_space<vmem>>, vector<16xf32>,
        %add3A_477 = arith.constant 32 : i32
        %add3A_478 = arith.addi %squeeze3A_464, %add3A_477 : i32
        %get3A_479 = arith.constant 0 : i32
        %get3A_480 = arith.index_cast %get3A_479 : i32 to index
        %get3A_481 = arith.index_cast %add3A_462 : i32 to index
        %get3A_482 = arith.index_cast %add3A_478 : i32 to index
        %get3A_483 = tpu.vector_load %arg7[%get3A_480, %get3A_481, %get3A_482] {strides = array<i32>} : memref<2x128x128xf32, #tpu.memory_space<vmem>>, vector<16xf32>,
        %add3A_484 = arith.constant 48 : i32
        %add3A_485 = arith.addi %squeeze3A_464, %add3A_484 : i32
        %get3A_486 = arith.constant 0 : i32
        %get3A_487 = arith.index_cast %get3A_486 : i32 to index
        %get3A_488 = arith.index_cast %add3A_462 : i32 to index
        %get3A_489 = arith.index_cast %add3A_485 : i32 to index
        %get3A_490 = tpu.vector_load %arg7[%get3A_487, %get3A_488, %get3A_489] {strides = array<i32>} : memref<2x128x128xf32, #tpu.memory_space<vmem>>, vector<16xf32>,
        %mul3A_491 = arith.mulf %get3A_469, %get3A_469 : vector<16xf32>
        %mul3A_492 = arith.mulf %get3A_476, %get3A_476 : vector<16xf32>
        %add3A_493 = arith.addf %mul3A_491, %mul3A_492 : vector<16xf32>
        %mul3A_494 = arith.mulf %get3A_483, %get3A_483 : vector<16xf32>
        %add3A_495 = arith.addf %add3A_493, %mul3A_494 : vector<16xf32>
        %mul3A_496 = arith.mulf %get3A_490, %get3A_490 : vector<16xf32>
        %add3A_497 = arith.addf %add3A_495, %mul3A_496 : vector<16xf32>
        %reduce_sum3A_498 = arith.constant true
        %reduce_sum3A_499 = vector.broadcast %reduce_sum3A_498 : i1 to vector<16xi1>
        %reduce_sum3A_500 = tpu.scan <sum>, %add3A_497 masked %reduce_sum3A_499 : vector<16xf32>, vector<16xi1> -> vector<16xf32>
        %reduce_sum3A_501 = vector.extract %reduce_sum3A_500[15] : f32 from vector<16xf32>
        %broadcast_in_dim3A_502 = vector.broadcast %reduce_sum3A_501 : f32 to vector<16xf32>
        %select_n3A_503 = arith.select %eq3A_15, %broadcast_in_dim3A_502, %select_n3A_460 : vector<16xi1>, vector<16xf32>
        %add3A_504 = arith.constant 4 : i32
        %add3A_505 = arith.addi %mul3A_324, %add3A_504 : i32
        %slice3A_506 = vector.extract_strided_slice %shift_left3A_334 {offsets = [4], sizes = [1], strides = [1]} : vector<16xi32> to vector<1xi32>
        %squeeze3A_507 = vector.extract %slice3A_506[0] : i32 from vector<1xi32>
        %get3A_508 = arith.constant 0 : i32
        %get3A_509 = arith.index_cast %get3A_508 : i32 to index
        %get3A_510 = arith.index_cast %add3A_505 : i32 to index
        %get3A_511 = arith.index_cast %squeeze3A_507 : i32 to index
        %get3A_512 = tpu.vector_load %arg7[%get3A_509, %get3A_510, %get3A_511] {strides = array<i32>} : memref<2x128x128xf32, #tpu.memory_space<vmem>>, vector<16xf32>,
        %add3A_513 = arith.constant 16 : i32
        %add3A_514 = arith.addi %squeeze3A_507, %add3A_513 : i32
        %get3A_515 = arith.constant 0 : i32
        %get3A_516 = arith.index_cast %get3A_515 : i32 to index
        %get3A_517 = arith.index_cast %add3A_505 : i32 to index
        %get3A_518 = arith.index_cast %add3A_514 : i32 to index
        %get3A_519 = tpu.vector_load %arg7[%get3A_516, %get3A_517, %get3A_518] {strides = array<i32>} : memref<2x128x128xf32, #tpu.memory_space<vmem>>, vector<16xf32>,
        %add3A_520 = arith.constant 32 : i32
        %add3A_521 = arith.addi %squeeze3A_507, %add3A_520 : i32
        %get3A_522 = arith.constant 0 : i32
        %get3A_523 = arith.index_cast %get3A_522 : i32 to index
        %get3A_524 = arith.index_cast %add3A_505 : i32 to index
        %get3A_525 = arith.index_cast %add3A_521 : i32 to index
        %get3A_526 = tpu.vector_load %arg7[%get3A_523, %get3A_524, %get3A_525] {strides = array<i32>} : memref<2x128x128xf32, #tpu.memory_space<vmem>>, vector<16xf32>,
        %add3A_527 = arith.constant 48 : i32
        %add3A_528 = arith.addi %squeeze3A_507, %add3A_527 : i32
        %get3A_529 = arith.constant 0 : i32
        %get3A_530 = arith.index_cast %get3A_529 : i32 to index
        %get3A_531 = arith.index_cast %add3A_505 : i32 to index
        %get3A_532 = arith.index_cast %add3A_528 : i32 to index
        %get3A_533 = tpu.vector_load %arg7[%get3A_530, %get3A_531, %get3A_532] {strides = array<i32>} : memref<2x128x128xf32, #tpu.memory_space<vmem>>, vector<16xf32>,
        %mul3A_534 = arith.mulf %get3A_512, %get3A_512 : vector<16xf32>
        %mul3A_535 = arith.mulf %get3A_519, %get3A_519 : vector<16xf32>
        %add3A_536 = arith.addf %mul3A_534, %mul3A_535 : vector<16xf32>
        %mul3A_537 = arith.mulf %get3A_526, %get3A_526 : vector<16xf32>
        %add3A_538 = arith.addf %add3A_536, %mul3A_537 : vector<16xf32>
        %mul3A_539 = arith.mulf %get3A_533, %get3A_533 : vector<16xf32>
        %add3A_540 = arith.addf %add3A_538, %mul3A_539 : vector<16xf32>
        %reduce_sum3A_541 = arith.constant true
        %reduce_sum3A_542 = vector.broadcast %reduce_sum3A_541 : i1 to vector<16xi1>
        %reduce_sum3A_543 = tpu.scan <sum>, %add3A_540 masked %reduce_sum3A_542 : vector<16xf32>, vector<16xi1> -> vector<16xf32>
        %reduce_sum3A_544 = vector.extract %reduce_sum3A_543[15] : f32 from vector<16xf32>
        %broadcast_in_dim3A_545 = vector.broadcast %reduce_sum3A_544 : f32 to vector<16xf32>
        %select_n3A_546 = arith.select %eq3A_18, %broadcast_in_dim3A_545, %select_n3A_503 : vector<16xi1>, vector<16xf32>
        %add3A_547 = arith.constant 5 : i32
        %add3A_548 = arith.addi %mul3A_324, %add3A_547 : i32
        %slice3A_549 = vector.extract_strided_slice %shift_left3A_334 {offsets = [5], sizes = [1], strides = [1]} : vector<16xi32> to vector<1xi32>
        %squeeze3A_550 = vector.extract %slice3A_549[0] : i32 from vector<1xi32>
        %get3A_551 = arith.constant 0 : i32
        %get3A_552 = arith.index_cast %get3A_551 : i32 to index
        %get3A_553 = arith.index_cast %add3A_548 : i32 to index
        %get3A_554 = arith.index_cast %squeeze3A_550 : i32 to index
        %get3A_555 = tpu.vector_load %arg7[%get3A_552, %get3A_553, %get3A_554] {strides = array<i32>} : memref<2x128x128xf32, #tpu.memory_space<vmem>>, vector<16xf32>,
        %add3A_556 = arith.constant 16 : i32
        %add3A_557 = arith.addi %squeeze3A_550, %add3A_556 : i32
        %get3A_558 = arith.constant 0 : i32
        %get3A_559 = arith.index_cast %get3A_558 : i32 to index
        %get3A_560 = arith.index_cast %add3A_548 : i32 to index
        %get3A_561 = arith.index_cast %add3A_557 : i32 to index
        %get3A_562 = tpu.vector_load %arg7[%get3A_559, %get3A_560, %get3A_561] {strides = array<i32>} : memref<2x128x128xf32, #tpu.memory_space<vmem>>, vector<16xf32>,
        %add3A_563 = arith.constant 32 : i32
        %add3A_564 = arith.addi %squeeze3A_550, %add3A_563 : i32
        %get3A_565 = arith.constant 0 : i32
        %get3A_566 = arith.index_cast %get3A_565 : i32 to index
        %get3A_567 = arith.index_cast %add3A_548 : i32 to index
        %get3A_568 = arith.index_cast %add3A_564 : i32 to index
        %get3A_569 = tpu.vector_load %arg7[%get3A_566, %get3A_567, %get3A_568] {strides = array<i32>} : memref<2x128x128xf32, #tpu.memory_space<vmem>>, vector<16xf32>,
        %add3A_570 = arith.constant 48 : i32
        %add3A_571 = arith.addi %squeeze3A_550, %add3A_570 : i32
        %get3A_572 = arith.constant 0 : i32
        %get3A_573 = arith.index_cast %get3A_572 : i32 to index
        %get3A_574 = arith.index_cast %add3A_548 : i32 to index
        %get3A_575 = arith.index_cast %add3A_571 : i32 to index
        %get3A_576 = tpu.vector_load %arg7[%get3A_573, %get3A_574, %get3A_575] {strides = array<i32>} : memref<2x128x128xf32, #tpu.memory_space<vmem>>, vector<16xf32>,
        %mul3A_577 = arith.mulf %get3A_555, %get3A_555 : vector<16xf32>
        %mul3A_578 = arith.mulf %get3A_562, %get3A_562 : vector<16xf32>
        %add3A_579 = arith.addf %mul3A_577, %mul3A_578 : vector<16xf32>
        %mul3A_580 = arith.mulf %get3A_569, %get3A_569 : vector<16xf32>
        %add3A_581 = arith.addf %add3A_579, %mul3A_580 : vector<16xf32>
        %mul3A_582 = arith.mulf %get3A_576, %get3A_576 : vector<16xf32>
        %add3A_583 = arith.addf %add3A_581, %mul3A_582 : vector<16xf32>
        %reduce_sum3A_584 = arith.constant true
        %reduce_sum3A_585 = vector.broadcast %reduce_sum3A_584 : i1 to vector<16xi1>
        %reduce_sum3A_586 = tpu.scan <sum>, %add3A_583 masked %reduce_sum3A_585 : vector<16xf32>, vector<16xi1> -> vector<16xf32>
        %reduce_sum3A_587 = vector.extract %reduce_sum3A_586[15] : f32 from vector<16xf32>
        %broadcast_in_dim3A_588 = vector.broadcast %reduce_sum3A_587 : f32 to vector<16xf32>
        %select_n3A_589 = arith.select %eq3A_21, %broadcast_in_dim3A_588, %select_n3A_546 : vector<16xi1>, vector<16xf32>
        %add3A_590 = arith.constant 6 : i32
        %add3A_591 = arith.addi %mul3A_324, %add3A_590 : i32
        %slice3A_592 = vector.extract_strided_slice %shift_left3A_334 {offsets = [6], sizes = [1], strides = [1]} : vector<16xi32> to vector<1xi32>
        %squeeze3A_593 = vector.extract %slice3A_592[0] : i32 from vector<1xi32>
        %get3A_594 = arith.constant 0 : i32
        %get3A_595 = arith.index_cast %get3A_594 : i32 to index
        %get3A_596 = arith.index_cast %add3A_591 : i32 to index
        %get3A_597 = arith.index_cast %squeeze3A_593 : i32 to index
        %get3A_598 = tpu.vector_load %arg7[%get3A_595, %get3A_596, %get3A_597] {strides = array<i32>} : memref<2x128x128xf32, #tpu.memory_space<vmem>>, vector<16xf32>,
        %add3A_599 = arith.constant 16 : i32
        %add3A_600 = arith.addi %squeeze3A_593, %add3A_599 : i32
        %get3A_601 = arith.constant 0 : i32
        %get3A_602 = arith.index_cast %get3A_601 : i32 to index
        %get3A_603 = arith.index_cast %add3A_591 : i32 to index
        %get3A_604 = arith.index_cast %add3A_600 : i32 to index
        %get3A_605 = tpu.vector_load %arg7[%get3A_602, %get3A_603, %get3A_604] {strides = array<i32>} : memref<2x128x128xf32, #tpu.memory_space<vmem>>, vector<16xf32>,
        %add3A_606 = arith.constant 32 : i32
        %add3A_607 = arith.addi %squeeze3A_593, %add3A_606 : i32
        %get3A_608 = arith.constant 0 : i32
        %get3A_609 = arith.index_cast %get3A_608 : i32 to index
        %get3A_610 = arith.index_cast %add3A_591 : i32 to index
        %get3A_611 = arith.index_cast %add3A_607 : i32 to index
        %get3A_612 = tpu.vector_load %arg7[%get3A_609, %get3A_610, %get3A_611] {strides = array<i32>} : memref<2x128x128xf32, #tpu.memory_space<vmem>>, vector<16xf32>,
        %add3A_613 = arith.constant 48 : i32
        %add3A_614 = arith.addi %squeeze3A_593, %add3A_613 : i32
        %get3A_615 = arith.constant 0 : i32
        %get3A_616 = arith.index_cast %get3A_615 : i32 to index
        %get3A_617 = arith.index_cast %add3A_591 : i32 to index
        %get3A_618 = arith.index_cast %add3A_614 : i32 to index
        %get3A_619 = tpu.vector_load %arg7[%get3A_616, %get3A_617, %get3A_618] {strides = array<i32>} : memref<2x128x128xf32, #tpu.memory_space<vmem>>, vector<16xf32>,
        %mul3A_620 = arith.mulf %get3A_598, %get3A_598 : vector<16xf32>
        %mul3A_621 = arith.mulf %get3A_605, %get3A_605 : vector<16xf32>
        %add3A_622 = arith.addf %mul3A_620, %mul3A_621 : vector<16xf32>
        %mul3A_623 = arith.mulf %get3A_612, %get3A_612 : vector<16xf32>
        %add3A_624 = arith.addf %add3A_622, %mul3A_623 : vector<16xf32>
        %mul3A_625 = arith.mulf %get3A_619, %get3A_619 : vector<16xf32>
        %add3A_626 = arith.addf %add3A_624, %mul3A_625 : vector<16xf32>
        %reduce_sum3A_627 = arith.constant true
        %reduce_sum3A_628 = vector.broadcast %reduce_sum3A_627 : i1 to vector<16xi1>
        %reduce_sum3A_629 = tpu.scan <sum>, %add3A_626 masked %reduce_sum3A_628 : vector<16xf32>, vector<16xi1> -> vector<16xf32>
        %reduce_sum3A_630 = vector.extract %reduce_sum3A_629[15] : f32 from vector<16xf32>
        %broadcast_in_dim3A_631 = vector.broadcast %reduce_sum3A_630 : f32 to vector<16xf32>
        %select_n3A_632 = arith.select %eq3A_24, %broadcast_in_dim3A_631, %select_n3A_589 : vector<16xi1>, vector<16xf32>
        %add3A_633 = arith.constant 7 : i32
        %add3A_634 = arith.addi %mul3A_324, %add3A_633 : i32
        %slice3A_635 = vector.extract_strided_slice %shift_left3A_334 {offsets = [7], sizes = [1], strides = [1]} : vector<16xi32> to vector<1xi32>
        %squeeze3A_636 = vector.extract %slice3A_635[0] : i32 from vector<1xi32>
        %get3A_637 = arith.constant 0 : i32
        %get3A_638 = arith.index_cast %get3A_637 : i32 to index
        %get3A_639 = arith.index_cast %add3A_634 : i32 to index
        %get3A_640 = arith.index_cast %squeeze3A_636 : i32 to index
        %get3A_641 = tpu.vector_load %arg7[%get3A_638, %get3A_639, %get3A_640] {strides = array<i32>} : memref<2x128x128xf32, #tpu.memory_space<vmem>>, vector<16xf32>,
        %add3A_642 = arith.constant 16 : i32
        %add3A_643 = arith.addi %squeeze3A_636, %add3A_642 : i32
        %get3A_644 = arith.constant 0 : i32
        %get3A_645 = arith.index_cast %get3A_644 : i32 to index
        %get3A_646 = arith.index_cast %add3A_634 : i32 to index
        %get3A_647 = arith.index_cast %add3A_643 : i32 to index
        %get3A_648 = tpu.vector_load %arg7[%get3A_645, %get3A_646, %get3A_647] {strides = array<i32>} : memref<2x128x128xf32, #tpu.memory_space<vmem>>, vector<16xf32>,
        %add3A_649 = arith.constant 32 : i32
        %add3A_650 = arith.addi %squeeze3A_636, %add3A_649 : i32
        %get3A_651 = arith.constant 0 : i32
        %get3A_652 = arith.index_cast %get3A_651 : i32 to index
        %get3A_653 = arith.index_cast %add3A_634 : i32 to index
        %get3A_654 = arith.index_cast %add3A_650 : i32 to index
        %get3A_655 = tpu.vector_load %arg7[%get3A_652, %get3A_653, %get3A_654] {strides = array<i32>} : memref<2x128x128xf32, #tpu.memory_space<vmem>>, vector<16xf32>,
        %add3A_656 = arith.constant 48 : i32
        %add3A_657 = arith.addi %squeeze3A_636, %add3A_656 : i32
        %get3A_658 = arith.constant 0 : i32
        %get3A_659 = arith.index_cast %get3A_658 : i32 to index
        %get3A_660 = arith.index_cast %add3A_634 : i32 to index
        %get3A_661 = arith.index_cast %add3A_657 : i32 to index
        %get3A_662 = tpu.vector_load %arg7[%get3A_659, %get3A_660, %get3A_661] {strides = array<i32>} : memref<2x128x128xf32, #tpu.memory_space<vmem>>, vector<16xf32>,
        %mul3A_663 = arith.mulf %get3A_641, %get3A_641 : vector<16xf32>
        %mul3A_664 = arith.mulf %get3A_648, %get3A_648 : vector<16xf32>
        %add3A_665 = arith.addf %mul3A_663, %mul3A_664 : vector<16xf32>
        %mul3A_666 = arith.mulf %get3A_655, %get3A_655 : vector<16xf32>
        %add3A_667 = arith.addf %add3A_665, %mul3A_666 : vector<16xf32>
        %mul3A_668 = arith.mulf %get3A_662, %get3A_662 : vector<16xf32>
        %add3A_669 = arith.addf %add3A_667, %mul3A_668 : vector<16xf32>
        %reduce_sum3A_670 = arith.constant true
        %reduce_sum3A_671 = vector.broadcast %reduce_sum3A_670 : i1 to vector<16xi1>
        %reduce_sum3A_672 = tpu.scan <sum>, %add3A_669 masked %reduce_sum3A_671 : vector<16xf32>, vector<16xi1> -> vector<16xf32>
        %reduce_sum3A_673 = vector.extract %reduce_sum3A_672[15] : f32 from vector<16xf32>
        %broadcast_in_dim3A_674 = vector.broadcast %reduce_sum3A_673 : f32 to vector<16xf32>
        %select_n3A_675 = arith.select %eq3A_27, %broadcast_in_dim3A_674, %select_n3A_632 : vector<16xi1>, vector<16xf32>
        %bitcast3A = vector.bitcast %select_n3A_675 : vector<16xf32> to vector<16xi32>
        %shift_right_arithmetic3A_676 = arith.constant 1 : i32
        %shift_right_arithmetic3A_677 = vector.broadcast %shift_right_arithmetic3A_676 : i32 to vector<16xi32>
        %shift_right_arithmetic3A_678 = arith.shrsi %bitcast3A, %shift_right_arithmetic3A_677 : vector<16xi32>
        %sub3A = arith.constant 1597463007 : i32
        %sub3A_679 = vector.broadcast %sub3A : i32 to vector<16xi32>
        %sub3A_680 = arith.subi %sub3A_679, %shift_right_arithmetic3A_678 : vector<16xi32>
        %bitcast3A_681 = vector.bitcast %sub3A_680 : vector<16xi32> to vector<16xf32>
        %mul3A_682 = arith.constant 5.000000e-01 : f32
        %mul3A_683 = vector.broadcast %mul3A_682 : f32 to vector<16xf32>
        %mul3A_684 = arith.mulf %mul3A_683, %select_n3A_675 : vector<16xf32>
        %mul3A_685 = arith.mulf %mul3A_684, %bitcast3A_681 : vector<16xf32>
        %mul3A_686 = arith.mulf %mul3A_685, %bitcast3A_681 : vector<16xf32>
        %sub3A_687 = arith.constant 1.500000e+00 : f32
        %sub3A_688 = vector.broadcast %sub3A_687 : f32 to vector<16xf32>
        %sub3A_689 = arith.subf %sub3A_688, %mul3A_686 : vector<16xf32>
        %mul3A_690 = arith.mulf %bitcast3A_681, %sub3A_689 : vector<16xf32>
        %mul3A_691 = arith.mulf %mul3A_684, %mul3A_690 : vector<16xf32>
        %mul3A_692 = arith.mulf %mul3A_691, %mul3A_690 : vector<16xf32>
        %sub3A_693 = arith.constant 1.500000e+00 : f32
        %sub3A_694 = vector.broadcast %sub3A_693 : f32 to vector<16xf32>
        %sub3A_695 = arith.subf %sub3A_694, %mul3A_692 : vector<16xf32>
        %mul3A_696 = arith.mulf %mul3A_690, %sub3A_695 : vector<16xf32>
        %add3A_697 = arith.constant 0 : i32
        %add3A_698 = arith.addi %mul3A_324, %add3A_697 : i32
        %slice3A_699 = vector.extract_strided_slice %mul3A_696 {offsets = [0], sizes = [1], strides = [1]} : vector<16xf32> to vector<1xf32>
        %squeeze3A_700 = vector.extract %slice3A_699[0] : f32 from vector<1xf32>
        %mul3A_701 = vector.broadcast %squeeze3A_700 : f32 to vector<16xf32>
        %mul3A_702 = arith.mulf %get3A_342, %mul3A_701 : vector<16xf32>
        %swap3A_703 = arith.constant 0 : i32
        %swap3A_704 = arith.index_cast %swap3A_703 : i32 to index
        %swap3A_705 = arith.index_cast %add3A_698 : i32 to index
        %swap3A_706 = arith.constant 0 : index
        %swap3A_707 = tpu.vector_load %arg8[%swap3A_704, %swap3A_705, %swap3A_706] {strides = array<i32>} : memref<2x128x64xf32, #tpu.memory_space<vmem>>, vector<16xf32>,
        tpu.vector_store %arg8[%swap3A_704, %swap3A_705, %swap3A_706], %mul3A_702 {strides = array<i32>} : memref<2x128x64xf32, #tpu.memory_space<vmem>>, vector<16xf32>,
        %mul3A_708 = vector.broadcast %squeeze3A_700 : f32 to vector<16xf32>
        %mul3A_709 = arith.mulf %get3A_349, %mul3A_708 : vector<16xf32>
        %swap3A_710 = arith.constant 0 : i32
        %swap3A_711 = arith.index_cast %swap3A_710 : i32 to index
        %swap3A_712 = arith.index_cast %add3A_698 : i32 to index
        %swap3A_713 = arith.constant 16 : index
        %swap3A_714 = tpu.vector_load %arg8[%swap3A_711, %swap3A_712, %swap3A_713] {strides = array<i32>} : memref<2x128x64xf32, #tpu.memory_space<vmem>>, vector<16xf32>,
        tpu.vector_store %arg8[%swap3A_711, %swap3A_712, %swap3A_713], %mul3A_709 {strides = array<i32>} : memref<2x128x64xf32, #tpu.memory_space<vmem>>, vector<16xf32>,
        %mul3A_715 = vector.broadcast %squeeze3A_700 : f32 to vector<16xf32>
        %mul3A_716 = arith.mulf %get3A_356, %mul3A_715 : vector<16xf32>
        %swap3A_717 = arith.constant 0 : i32
        %swap3A_718 = arith.index_cast %swap3A_717 : i32 to index
        %swap3A_719 = arith.index_cast %add3A_698 : i32 to index
        %swap3A_720 = arith.constant 32 : index
        %swap3A_721 = tpu.vector_load %arg8[%swap3A_718, %swap3A_719, %swap3A_720] {strides = array<i32>} : memref<2x128x64xf32, #tpu.memory_space<vmem>>, vector<16xf32>,
        tpu.vector_store %arg8[%swap3A_718, %swap3A_719, %swap3A_720], %mul3A_716 {strides = array<i32>} : memref<2x128x64xf32, #tpu.memory_space<vmem>>, vector<16xf32>,
        %mul3A_722 = vector.broadcast %squeeze3A_700 : f32 to vector<16xf32>
        %mul3A_723 = arith.mulf %get3A_363, %mul3A_722 : vector<16xf32>
        %swap3A_724 = arith.constant 0 : i32
        %swap3A_725 = arith.index_cast %swap3A_724 : i32 to index
        %swap3A_726 = arith.index_cast %add3A_698 : i32 to index
        %swap3A_727 = arith.constant 48 : index
        %swap3A_728 = tpu.vector_load %arg8[%swap3A_725, %swap3A_726, %swap3A_727] {strides = array<i32>} : memref<2x128x64xf32, #tpu.memory_space<vmem>>, vector<16xf32>,
        tpu.vector_store %arg8[%swap3A_725, %swap3A_726, %swap3A_727], %mul3A_723 {strides = array<i32>} : memref<2x128x64xf32, #tpu.memory_space<vmem>>, vector<16xf32>,
        %add3A_729 = arith.constant 1 : i32
        %add3A_730 = arith.addi %mul3A_324, %add3A_729 : i32
        %slice3A_731 = vector.extract_strided_slice %mul3A_696 {offsets = [1], sizes = [1], strides = [1]} : vector<16xf32> to vector<1xf32>
        %squeeze3A_732 = vector.extract %slice3A_731[0] : f32 from vector<1xf32>
        %mul3A_733 = vector.broadcast %squeeze3A_732 : f32 to vector<16xf32>
        %mul3A_734 = arith.mulf %get3A_383, %mul3A_733 : vector<16xf32>
        %swap3A_735 = arith.constant 0 : i32
        %swap3A_736 = arith.index_cast %swap3A_735 : i32 to index
        %swap3A_737 = arith.index_cast %add3A_730 : i32 to index
        %swap3A_738 = arith.constant 0 : index
        %swap3A_739 = tpu.vector_load %arg8[%swap3A_736, %swap3A_737, %swap3A_738] {strides = array<i32>} : memref<2x128x64xf32, #tpu.memory_space<vmem>>, vector<16xf32>,
        tpu.vector_store %arg8[%swap3A_736, %swap3A_737, %swap3A_738], %mul3A_734 {strides = array<i32>} : memref<2x128x64xf32, #tpu.memory_space<vmem>>, vector<16xf32>,
        %mul3A_740 = vector.broadcast %squeeze3A_732 : f32 to vector<16xf32>
        %mul3A_741 = arith.mulf %get3A_390, %mul3A_740 : vector<16xf32>
        %swap3A_742 = arith.constant 0 : i32
        %swap3A_743 = arith.index_cast %swap3A_742 : i32 to index
        %swap3A_744 = arith.index_cast %add3A_730 : i32 to index
        %swap3A_745 = arith.constant 16 : index
        %swap3A_746 = tpu.vector_load %arg8[%swap3A_743, %swap3A_744, %swap3A_745] {strides = array<i32>} : memref<2x128x64xf32, #tpu.memory_space<vmem>>, vector<16xf32>,
        tpu.vector_store %arg8[%swap3A_743, %swap3A_744, %swap3A_745], %mul3A_741 {strides = array<i32>} : memref<2x128x64xf32, #tpu.memory_space<vmem>>, vector<16xf32>,
        %mul3A_747 = vector.broadcast %squeeze3A_732 : f32 to vector<16xf32>
        %mul3A_748 = arith.mulf %get3A_397, %mul3A_747 : vector<16xf32>
        %swap3A_749 = arith.constant 0 : i32
        %swap3A_750 = arith.index_cast %swap3A_749 : i32 to index
        %swap3A_751 = arith.index_cast %add3A_730 : i32 to index
        %swap3A_752 = arith.constant 32 : index
        %swap3A_753 = tpu.vector_load %arg8[%swap3A_750, %swap3A_751, %swap3A_752] {strides = array<i32>} : memref<2x128x64xf32, #tpu.memory_space<vmem>>, vector<16xf32>,
        tpu.vector_store %arg8[%swap3A_750, %swap3A_751, %swap3A_752], %mul3A_748 {strides = array<i32>} : memref<2x128x64xf32, #tpu.memory_space<vmem>>, vector<16xf32>,
        %mul3A_754 = vector.broadcast %squeeze3A_732 : f32 to vector<16xf32>
        %mul3A_755 = arith.mulf %get3A_404, %mul3A_754 : vector<16xf32>
        %swap3A_756 = arith.constant 0 : i32
        %swap3A_757 = arith.index_cast %swap3A_756 : i32 to index
        %swap3A_758 = arith.index_cast %add3A_730 : i32 to index
        %swap3A_759 = arith.constant 48 : index
        %swap3A_760 = tpu.vector_load %arg8[%swap3A_757, %swap3A_758, %swap3A_759] {strides = array<i32>} : memref<2x128x64xf32, #tpu.memory_space<vmem>>, vector<16xf32>,
        tpu.vector_store %arg8[%swap3A_757, %swap3A_758, %swap3A_759], %mul3A_755 {strides = array<i32>} : memref<2x128x64xf32, #tpu.memory_space<vmem>>, vector<16xf32>,
        %add3A_761 = arith.constant 2 : i32
        %add3A_762 = arith.addi %mul3A_324, %add3A_761 : i32
        %slice3A_763 = vector.extract_strided_slice %mul3A_696 {offsets = [2], sizes = [1], strides = [1]} : vector<16xf32> to vector<1xf32>
        %squeeze3A_764 = vector.extract %slice3A_763[0] : f32 from vector<1xf32>
        %mul3A_765 = vector.broadcast %squeeze3A_764 : f32 to vector<16xf32>
        %mul3A_766 = arith.mulf %get3A_426, %mul3A_765 : vector<16xf32>
        %swap3A_767 = arith.constant 0 : i32
        %swap3A_768 = arith.index_cast %swap3A_767 : i32 to index
        %swap3A_769 = arith.index_cast %add3A_762 : i32 to index
        %swap3A_770 = arith.constant 0 : index
        %swap3A_771 = tpu.vector_load %arg8[%swap3A_768, %swap3A_769, %swap3A_770] {strides = array<i32>} : memref<2x128x64xf32, #tpu.memory_space<vmem>>, vector<16xf32>,
        tpu.vector_store %arg8[%swap3A_768, %swap3A_769, %swap3A_770], %mul3A_766 {strides = array<i32>} : memref<2x128x64xf32, #tpu.memory_space<vmem>>, vector<16xf32>,
        %mul3A_772 = vector.broadcast %squeeze3A_764 : f32 to vector<16xf32>
        %mul3A_773 = arith.mulf %get3A_433, %mul3A_772 : vector<16xf32>
        %swap3A_774 = arith.constant 0 : i32
        %swap3A_775 = arith.index_cast %swap3A_774 : i32 to index
        %swap3A_776 = arith.index_cast %add3A_762 : i32 to index
        %swap3A_777 = arith.constant 16 : index
        %swap3A_778 = tpu.vector_load %arg8[%swap3A_775, %swap3A_776, %swap3A_777] {strides = array<i32>} : memref<2x128x64xf32, #tpu.memory_space<vmem>>, vector<16xf32>,
        tpu.vector_store %arg8[%swap3A_775, %swap3A_776, %swap3A_777], %mul3A_773 {strides = array<i32>} : memref<2x128x64xf32, #tpu.memory_space<vmem>>, vector<16xf32>,
        %mul3A_779 = vector.broadcast %squeeze3A_764 : f32 to vector<16xf32>
        %mul3A_780 = arith.mulf %get3A_440, %mul3A_779 : vector<16xf32>
        %swap3A_781 = arith.constant 0 : i32
        %swap3A_782 = arith.index_cast %swap3A_781 : i32 to index
        %swap3A_783 = arith.index_cast %add3A_762 : i32 to index
        %swap3A_784 = arith.constant 32 : index
        %swap3A_785 = tpu.vector_load %arg8[%swap3A_782, %swap3A_783, %swap3A_784] {strides = array<i32>} : memref<2x128x64xf32, #tpu.memory_space<vmem>>, vector<16xf32>,
        tpu.vector_store %arg8[%swap3A_782, %swap3A_783, %swap3A_784], %mul3A_780 {strides = array<i32>} : memref<2x128x64xf32, #tpu.memory_space<vmem>>, vector<16xf32>,
        %mul3A_786 = vector.broadcast %squeeze3A_764 : f32 to vector<16xf32>
        %mul3A_787 = arith.mulf %get3A_447, %mul3A_786 : vector<16xf32>
        %swap3A_788 = arith.constant 0 : i32
        %swap3A_789 = arith.index_cast %swap3A_788 : i32 to index
        %swap3A_790 = arith.index_cast %add3A_762 : i32 to index
        %swap3A_791 = arith.constant 48 : index
        %swap3A_792 = tpu.vector_load %arg8[%swap3A_789, %swap3A_790, %swap3A_791] {strides = array<i32>} : memref<2x128x64xf32, #tpu.memory_space<vmem>>, vector<16xf32>,
        tpu.vector_store %arg8[%swap3A_789, %swap3A_790, %swap3A_791], %mul3A_787 {strides = array<i32>} : memref<2x128x64xf32, #tpu.memory_space<vmem>>, vector<16xf32>,
        %add3A_793 = arith.constant 3 : i32
        %add3A_794 = arith.addi %mul3A_324, %add3A_793 : i32
        %slice3A_795 = vector.extract_strided_slice %mul3A_696 {offsets = [3], sizes = [1], strides = [1]} : vector<16xf32> to vector<1xf32>
        %squeeze3A_796 = vector.extract %slice3A_795[0] : f32 from vector<1xf32>
        %mul3A_797 = vector.broadcast %squeeze3A_796 : f32 to vector<16xf32>
        %mul3A_798 = arith.mulf %get3A_469, %mul3A_797 : vector<16xf32>
        %swap3A_799 = arith.constant 0 : i32
        %swap3A_800 = arith.index_cast %swap3A_799 : i32 to index
        %swap3A_801 = arith.index_cast %add3A_794 : i32 to index
        %swap3A_802 = arith.constant 0 : index
        %swap3A_803 = tpu.vector_load %arg8[%swap3A_800, %swap3A_801, %swap3A_802] {strides = array<i32>} : memref<2x128x64xf32, #tpu.memory_space<vmem>>, vector<16xf32>,
        tpu.vector_store %arg8[%swap3A_800, %swap3A_801, %swap3A_802], %mul3A_798 {strides = array<i32>} : memref<2x128x64xf32, #tpu.memory_space<vmem>>, vector<16xf32>,
        %mul3A_804 = vector.broadcast %squeeze3A_796 : f32 to vector<16xf32>
        %mul3A_805 = arith.mulf %get3A_476, %mul3A_804 : vector<16xf32>
        %swap3A_806 = arith.constant 0 : i32
        %swap3A_807 = arith.index_cast %swap3A_806 : i32 to index
        %swap3A_808 = arith.index_cast %add3A_794 : i32 to index
        %swap3A_809 = arith.constant 16 : index
        %swap3A_810 = tpu.vector_load %arg8[%swap3A_807, %swap3A_808, %swap3A_809] {strides = array<i32>} : memref<2x128x64xf32, #tpu.memory_space<vmem>>, vector<16xf32>,
        tpu.vector_store %arg8[%swap3A_807, %swap3A_808, %swap3A_809], %mul3A_805 {strides = array<i32>} : memref<2x128x64xf32, #tpu.memory_space<vmem>>, vector<16xf32>,
        %mul3A_811 = vector.broadcast %squeeze3A_796 : f32 to vector<16xf32>
        %mul3A_812 = arith.mulf %get3A_483, %mul3A_811 : vector<16xf32>
        %swap3A_813 = arith.constant 0 : i32
        %swap3A_814 = arith.index_cast %swap3A_813 : i32 to index
        %swap3A_815 = arith.index_cast %add3A_794 : i32 to index
        %swap3A_816 = arith.constant 32 : index
        %swap3A_817 = tpu.vector_load %arg8[%swap3A_814, %swap3A_815, %swap3A_816] {strides = array<i32>} : memref<2x128x64xf32, #tpu.memory_space<vmem>>, vector<16xf32>,
        tpu.vector_store %arg8[%swap3A_814, %swap3A_815, %swap3A_816], %mul3A_812 {strides = array<i32>} : memref<2x128x64xf32, #tpu.memory_space<vmem>>, vector<16xf32>,
        %mul3A_818 = vector.broadcast %squeeze3A_796 : f32 to vector<16xf32>
        %mul3A_819 = arith.mulf %get3A_490, %mul3A_818 : vector<16xf32>
        %swap3A_820 = arith.constant 0 : i32
        %swap3A_821 = arith.index_cast %swap3A_820 : i32 to index
        %swap3A_822 = arith.index_cast %add3A_794 : i32 to index
        %swap3A_823 = arith.constant 48 : index
        %swap3A_824 = tpu.vector_load %arg8[%swap3A_821, %swap3A_822, %swap3A_823] {strides = array<i32>} : memref<2x128x64xf32, #tpu.memory_space<vmem>>, vector<16xf32>,
        tpu.vector_store %arg8[%swap3A_821, %swap3A_822, %swap3A_823], %mul3A_819 {strides = array<i32>} : memref<2x128x64xf32, #tpu.memory_space<vmem>>, vector<16xf32>,
        %add3A_825 = arith.constant 4 : i32
        %add3A_826 = arith.addi %mul3A_324, %add3A_825 : i32
        %slice3A_827 = vector.extract_strided_slice %mul3A_696 {offsets = [4], sizes = [1], strides = [1]} : vector<16xf32> to vector<1xf32>
        %squeeze3A_828 = vector.extract %slice3A_827[0] : f32 from vector<1xf32>
        %mul3A_829 = vector.broadcast %squeeze3A_828 : f32 to vector<16xf32>
        %mul3A_830 = arith.mulf %get3A_512, %mul3A_829 : vector<16xf32>
        %swap3A_831 = arith.constant 0 : i32
        %swap3A_832 = arith.index_cast %swap3A_831 : i32 to index
        %swap3A_833 = arith.index_cast %add3A_826 : i32 to index
        %swap3A_834 = arith.constant 0 : index
        %swap3A_835 = tpu.vector_load %arg8[%swap3A_832, %swap3A_833, %swap3A_834] {strides = array<i32>} : memref<2x128x64xf32, #tpu.memory_space<vmem>>, vector<16xf32>,
        tpu.vector_store %arg8[%swap3A_832, %swap3A_833, %swap3A_834], %mul3A_830 {strides = array<i32>} : memref<2x128x64xf32, #tpu.memory_space<vmem>>, vector<16xf32>,
        %mul3A_836 = vector.broadcast %squeeze3A_828 : f32 to vector<16xf32>
        %mul3A_837 = arith.mulf %get3A_519, %mul3A_836 : vector<16xf32>
        %swap3A_838 = arith.constant 0 : i32
        %swap3A_839 = arith.index_cast %swap3A_838 : i32 to index
        %swap3A_840 = arith.index_cast %add3A_826 : i32 to index
        %swap3A_841 = arith.constant 16 : index
        %swap3A_842 = tpu.vector_load %arg8[%swap3A_839, %swap3A_840, %swap3A_841] {strides = array<i32>} : memref<2x128x64xf32, #tpu.memory_space<vmem>>, vector<16xf32>,
        tpu.vector_store %arg8[%swap3A_839, %swap3A_840, %swap3A_841], %mul3A_837 {strides = array<i32>} : memref<2x128x64xf32, #tpu.memory_space<vmem>>, vector<16xf32>,
        %mul3A_843 = vector.broadcast %squeeze3A_828 : f32 to vector<16xf32>
        %mul3A_844 = arith.mulf %get3A_526, %mul3A_843 : vector<16xf32>
        %swap3A_845 = arith.constant 0 : i32
        %swap3A_846 = arith.index_cast %swap3A_845 : i32 to index
        %swap3A_847 = arith.index_cast %add3A_826 : i32 to index
        %swap3A_848 = arith.constant 32 : index
        %swap3A_849 = tpu.vector_load %arg8[%swap3A_846, %swap3A_847, %swap3A_848] {strides = array<i32>} : memref<2x128x64xf32, #tpu.memory_space<vmem>>, vector<16xf32>,
        tpu.vector_store %arg8[%swap3A_846, %swap3A_847, %swap3A_848], %mul3A_844 {strides = array<i32>} : memref<2x128x64xf32, #tpu.memory_space<vmem>>, vector<16xf32>,
        %mul3A_850 = vector.broadcast %squeeze3A_828 : f32 to vector<16xf32>
        %mul3A_851 = arith.mulf %get3A_533, %mul3A_850 : vector<16xf32>
        %swap3A_852 = arith.constant 0 : i32
        %swap3A_853 = arith.index_cast %swap3A_852 : i32 to index
        %swap3A_854 = arith.index_cast %add3A_826 : i32 to index
        %swap3A_855 = arith.constant 48 : index
        %swap3A_856 = tpu.vector_load %arg8[%swap3A_853, %swap3A_854, %swap3A_855] {strides = array<i32>} : memref<2x128x64xf32, #tpu.memory_space<vmem>>, vector<16xf32>,
        tpu.vector_store %arg8[%swap3A_853, %swap3A_854, %swap3A_855], %mul3A_851 {strides = array<i32>} : memref<2x128x64xf32, #tpu.memory_space<vmem>>, vector<16xf32>,
        %add3A_857 = arith.constant 5 : i32
        %add3A_858 = arith.addi %mul3A_324, %add3A_857 : i32
        %slice3A_859 = vector.extract_strided_slice %mul3A_696 {offsets = [5], sizes = [1], strides = [1]} : vector<16xf32> to vector<1xf32>
        %squeeze3A_860 = vector.extract %slice3A_859[0] : f32 from vector<1xf32>
        %mul3A_861 = vector.broadcast %squeeze3A_860 : f32 to vector<16xf32>
        %mul3A_862 = arith.mulf %get3A_555, %mul3A_861 : vector<16xf32>
        %swap3A_863 = arith.constant 0 : i32
        %swap3A_864 = arith.index_cast %swap3A_863 : i32 to index
        %swap3A_865 = arith.index_cast %add3A_858 : i32 to index
        %swap3A_866 = arith.constant 0 : index
        %swap3A_867 = tpu.vector_load %arg8[%swap3A_864, %swap3A_865, %swap3A_866] {strides = array<i32>} : memref<2x128x64xf32, #tpu.memory_space<vmem>>, vector<16xf32>,
        tpu.vector_store %arg8[%swap3A_864, %swap3A_865, %swap3A_866], %mul3A_862 {strides = array<i32>} : memref<2x128x64xf32, #tpu.memory_space<vmem>>, vector<16xf32>,
        %mul3A_868 = vector.broadcast %squeeze3A_860 : f32 to vector<16xf32>
        %mul3A_869 = arith.mulf %get3A_562, %mul3A_868 : vector<16xf32>
        %swap3A_870 = arith.constant 0 : i32
        %swap3A_871 = arith.index_cast %swap3A_870 : i32 to index
        %swap3A_872 = arith.index_cast %add3A_858 : i32 to index
        %swap3A_873 = arith.constant 16 : index
        %swap3A_874 = tpu.vector_load %arg8[%swap3A_871, %swap3A_872, %swap3A_873] {strides = array<i32>} : memref<2x128x64xf32, #tpu.memory_space<vmem>>, vector<16xf32>,
        tpu.vector_store %arg8[%swap3A_871, %swap3A_872, %swap3A_873], %mul3A_869 {strides = array<i32>} : memref<2x128x64xf32, #tpu.memory_space<vmem>>, vector<16xf32>,
        %mul3A_875 = vector.broadcast %squeeze3A_860 : f32 to vector<16xf32>
        %mul3A_876 = arith.mulf %get3A_569, %mul3A_875 : vector<16xf32>
        %swap3A_877 = arith.constant 0 : i32
        %swap3A_878 = arith.index_cast %swap3A_877 : i32 to index
        %swap3A_879 = arith.index_cast %add3A_858 : i32 to index
        %swap3A_880 = arith.constant 32 : index
        %swap3A_881 = tpu.vector_load %arg8[%swap3A_878, %swap3A_879, %swap3A_880] {strides = array<i32>} : memref<2x128x64xf32, #tpu.memory_space<vmem>>, vector<16xf32>,
        tpu.vector_store %arg8[%swap3A_878, %swap3A_879, %swap3A_880], %mul3A_876 {strides = array<i32>} : memref<2x128x64xf32, #tpu.memory_space<vmem>>, vector<16xf32>,
        %mul3A_882 = vector.broadcast %squeeze3A_860 : f32 to vector<16xf32>
        %mul3A_883 = arith.mulf %get3A_576, %mul3A_882 : vector<16xf32>
        %swap3A_884 = arith.constant 0 : i32
        %swap3A_885 = arith.index_cast %swap3A_884 : i32 to index
        %swap3A_886 = arith.index_cast %add3A_858 : i32 to index
        %swap3A_887 = arith.constant 48 : index
        %swap3A_888 = tpu.vector_load %arg8[%swap3A_885, %swap3A_886, %swap3A_887] {strides = array<i32>} : memref<2x128x64xf32, #tpu.memory_space<vmem>>, vector<16xf32>,
        tpu.vector_store %arg8[%swap3A_885, %swap3A_886, %swap3A_887], %mul3A_883 {strides = array<i32>} : memref<2x128x64xf32, #tpu.memory_space<vmem>>, vector<16xf32>,
        %add3A_889 = arith.constant 6 : i32
        %add3A_890 = arith.addi %mul3A_324, %add3A_889 : i32
        %slice3A_891 = vector.extract_strided_slice %mul3A_696 {offsets = [6], sizes = [1], strides = [1]} : vector<16xf32> to vector<1xf32>
        %squeeze3A_892 = vector.extract %slice3A_891[0] : f32 from vector<1xf32>
        %mul3A_893 = vector.broadcast %squeeze3A_892 : f32 to vector<16xf32>
        %mul3A_894 = arith.mulf %get3A_598, %mul3A_893 : vector<16xf32>
        %swap3A_895 = arith.constant 0 : i32
        %swap3A_896 = arith.index_cast %swap3A_895 : i32 to index
        %swap3A_897 = arith.index_cast %add3A_890 : i32 to index
        %swap3A_898 = arith.constant 0 : index
        %swap3A_899 = tpu.vector_load %arg8[%swap3A_896, %swap3A_897, %swap3A_898] {strides = array<i32>} : memref<2x128x64xf32, #tpu.memory_space<vmem>>, vector<16xf32>,
        tpu.vector_store %arg8[%swap3A_896, %swap3A_897, %swap3A_898], %mul3A_894 {strides = array<i32>} : memref<2x128x64xf32, #tpu.memory_space<vmem>>, vector<16xf32>,
        %mul3A_900 = vector.broadcast %squeeze3A_892 : f32 to vector<16xf32>
        %mul3A_901 = arith.mulf %get3A_605, %mul3A_900 : vector<16xf32>
        %swap3A_902 = arith.constant 0 : i32
        %swap3A_903 = arith.index_cast %swap3A_902 : i32 to index
        %swap3A_904 = arith.index_cast %add3A_890 : i32 to index
        %swap3A_905 = arith.constant 16 : index
        %swap3A_906 = tpu.vector_load %arg8[%swap3A_903, %swap3A_904, %swap3A_905] {strides = array<i32>} : memref<2x128x64xf32, #tpu.memory_space<vmem>>, vector<16xf32>,
        tpu.vector_store %arg8[%swap3A_903, %swap3A_904, %swap3A_905], %mul3A_901 {strides = array<i32>} : memref<2x128x64xf32, #tpu.memory_space<vmem>>, vector<16xf32>,
        %mul3A_907 = vector.broadcast %squeeze3A_892 : f32 to vector<16xf32>
        %mul3A_908 = arith.mulf %get3A_612, %mul3A_907 : vector<16xf32>
        %swap3A_909 = arith.constant 0 : i32
        %swap3A_910 = arith.index_cast %swap3A_909 : i32 to index
        %swap3A_911 = arith.index_cast %add3A_890 : i32 to index
        %swap3A_912 = arith.constant 32 : index
        %swap3A_913 = tpu.vector_load %arg8[%swap3A_910, %swap3A_911, %swap3A_912] {strides = array<i32>} : memref<2x128x64xf32, #tpu.memory_space<vmem>>, vector<16xf32>,
        tpu.vector_store %arg8[%swap3A_910, %swap3A_911, %swap3A_912], %mul3A_908 {strides = array<i32>} : memref<2x128x64xf32, #tpu.memory_space<vmem>>, vector<16xf32>,
        %mul3A_914 = vector.broadcast %squeeze3A_892 : f32 to vector<16xf32>
        %mul3A_915 = arith.mulf %get3A_619, %mul3A_914 : vector<16xf32>
        %swap3A_916 = arith.constant 0 : i32
        %swap3A_917 = arith.index_cast %swap3A_916 : i32 to index
        %swap3A_918 = arith.index_cast %add3A_890 : i32 to index
        %swap3A_919 = arith.constant 48 : index
        %swap3A_920 = tpu.vector_load %arg8[%swap3A_917, %swap3A_918, %swap3A_919] {strides = array<i32>} : memref<2x128x64xf32, #tpu.memory_space<vmem>>, vector<16xf32>,
        tpu.vector_store %arg8[%swap3A_917, %swap3A_918, %swap3A_919], %mul3A_915 {strides = array<i32>} : memref<2x128x64xf32, #tpu.memory_space<vmem>>, vector<16xf32>,
        %add3A_921 = arith.constant 7 : i32
        %add3A_922 = arith.addi %mul3A_324, %add3A_921 : i32
        %slice3A_923 = vector.extract_strided_slice %mul3A_696 {offsets = [7], sizes = [1], strides = [1]} : vector<16xf32> to vector<1xf32>
        %squeeze3A_924 = vector.extract %slice3A_923[0] : f32 from vector<1xf32>
        %mul3A_925 = vector.broadcast %squeeze3A_924 : f32 to vector<16xf32>
        %mul3A_926 = arith.mulf %get3A_641, %mul3A_925 : vector<16xf32>
        %swap3A_927 = arith.constant 0 : i32
        %swap3A_928 = arith.index_cast %swap3A_927 : i32 to index
        %swap3A_929 = arith.index_cast %add3A_922 : i32 to index
        %swap3A_930 = arith.constant 0 : index
        %swap3A_931 = tpu.vector_load %arg8[%swap3A_928, %swap3A_929, %swap3A_930] {strides = array<i32>} : memref<2x128x64xf32, #tpu.memory_space<vmem>>, vector<16xf32>,
        tpu.vector_store %arg8[%swap3A_928, %swap3A_929, %swap3A_930], %mul3A_926 {strides = array<i32>} : memref<2x128x64xf32, #tpu.memory_space<vmem>>, vector<16xf32>,
        %mul3A_932 = vector.broadcast %squeeze3A_924 : f32 to vector<16xf32>
        %mul3A_933 = arith.mulf %get3A_648, %mul3A_932 : vector<16xf32>
        %swap3A_934 = arith.constant 0 : i32
        %swap3A_935 = arith.index_cast %swap3A_934 : i32 to index
        %swap3A_936 = arith.index_cast %add3A_922 : i32 to index
        %swap3A_937 = arith.constant 16 : index
        %swap3A_938 = tpu.vector_load %arg8[%swap3A_935, %swap3A_936, %swap3A_937] {strides = array<i32>} : memref<2x128x64xf32, #tpu.memory_space<vmem>>, vector<16xf32>,
        tpu.vector_store %arg8[%swap3A_935, %swap3A_936, %swap3A_937], %mul3A_933 {strides = array<i32>} : memref<2x128x64xf32, #tpu.memory_space<vmem>>, vector<16xf32>,
        %mul3A_939 = vector.broadcast %squeeze3A_924 : f32 to vector<16xf32>
        %mul3A_940 = arith.mulf %get3A_655, %mul3A_939 : vector<16xf32>
        %swap3A_941 = arith.constant 0 : i32
        %swap3A_942 = arith.index_cast %swap3A_941 : i32 to index
        %swap3A_943 = arith.index_cast %add3A_922 : i32 to index
        %swap3A_944 = arith.constant 32 : index
        %swap3A_945 = tpu.vector_load %arg8[%swap3A_942, %swap3A_943, %swap3A_944] {strides = array<i32>} : memref<2x128x64xf32, #tpu.memory_space<vmem>>, vector<16xf32>,
        tpu.vector_store %arg8[%swap3A_942, %swap3A_943, %swap3A_944], %mul3A_940 {strides = array<i32>} : memref<2x128x64xf32, #tpu.memory_space<vmem>>, vector<16xf32>,
        %mul3A_946 = vector.broadcast %squeeze3A_924 : f32 to vector<16xf32>
        %mul3A_947 = arith.mulf %get3A_662, %mul3A_946 : vector<16xf32>
        %swap3A_948 = arith.constant 0 : i32
        %swap3A_949 = arith.index_cast %swap3A_948 : i32 to index
        %swap3A_950 = arith.index_cast %add3A_922 : i32 to index
        %swap3A_951 = arith.constant 48 : index
        %swap3A_952 = tpu.vector_load %arg8[%swap3A_949, %swap3A_950, %swap3A_951] {strides = array<i32>} : memref<2x128x64xf32, #tpu.memory_space<vmem>>, vector<16xf32>,
        tpu.vector_store %arg8[%swap3A_949, %swap3A_950, %swap3A_951], %mul3A_947 {strides = array<i32>} : memref<2x128x64xf32, #tpu.memory_space<vmem>>, vector<16xf32>,
        %broadcast_in_dim3A_953 = arith.constant 0.000000e+00 : f32
        %broadcast_in_dim3A_954 = vector.broadcast %broadcast_in_dim3A_953 : f32 to vector<16xf32>
        %add3A_955 = arith.constant 8 : i32
        %add3A_956 = arith.addi %mul3A_324, %add3A_955 : i32
        %slice3A_957 = vector.extract_strided_slice %shift_left3A_334 {offsets = [8], sizes = [1], strides = [1]} : vector<16xi32> to vector<1xi32>
        %squeeze3A_958 = vector.extract %slice3A_957[0] : i32 from vector<1xi32>
        %get3A_959 = arith.constant 0 : i32
        %get3A_960 = arith.index_cast %get3A_959 : i32 to index
        %get3A_961 = arith.index_cast %add3A_956 : i32 to index
        %get3A_962 = arith.index_cast %squeeze3A_958 : i32 to index
        %get3A_963 = tpu.vector_load %arg7[%get3A_960, %get3A_961, %get3A_962] {strides = array<i32>} : memref<2x128x128xf32, #tpu.memory_space<vmem>>, vector<16xf32>,
        %add3A_964 = arith.constant 16 : i32
        %add3A_965 = arith.addi %squeeze3A_958, %add3A_964 : i32
        %get3A_966 = arith.constant 0 : i32
        %get3A_967 = arith.index_cast %get3A_966 : i32 to index
        %get3A_968 = arith.index_cast %add3A_956 : i32 to index
        %get3A_969 = arith.index_cast %add3A_965 : i32 to index
        %get3A_970 = tpu.vector_load %arg7[%get3A_967, %get3A_968, %get3A_969] {strides = array<i32>} : memref<2x128x128xf32, #tpu.memory_space<vmem>>, vector<16xf32>,
        %add3A_971 = arith.constant 32 : i32
        %add3A_972 = arith.addi %squeeze3A_958, %add3A_971 : i32
        %get3A_973 = arith.constant 0 : i32
        %get3A_974 = arith.index_cast %get3A_973 : i32 to index
        %get3A_975 = arith.index_cast %add3A_956 : i32 to index
        %get3A_976 = arith.index_cast %add3A_972 : i32 to index
        %get3A_977 = tpu.vector_load %arg7[%get3A_974, %get3A_975, %get3A_976] {strides = array<i32>} : memref<2x128x128xf32, #tpu.memory_space<vmem>>, vector<16xf32>,
        %add3A_978 = arith.constant 48 : i32
        %add3A_979 = arith.addi %squeeze3A_958, %add3A_978 : i32
        %get3A_980 = arith.constant 0 : i32
        %get3A_981 = arith.index_cast %get3A_980 : i32 to index
        %get3A_982 = arith.index_cast %add3A_956 : i32 to index
        %get3A_983 = arith.index_cast %add3A_979 : i32 to index
        %get3A_984 = tpu.vector_load %arg7[%get3A_981, %get3A_982, %get3A_983] {strides = array<i32>} : memref<2x128x128xf32, #tpu.memory_space<vmem>>, vector<16xf32>,
        %mul3A_985 = arith.mulf %get3A_963, %get3A_963 : vector<16xf32>
        %mul3A_986 = arith.mulf %get3A_970, %get3A_970 : vector<16xf32>
        %add3A_987 = arith.addf %mul3A_985, %mul3A_986 : vector<16xf32>
        %mul3A_988 = arith.mulf %get3A_977, %get3A_977 : vector<16xf32>
        %add3A_989 = arith.addf %add3A_987, %mul3A_988 : vector<16xf32>
        %mul3A_990 = arith.mulf %get3A_984, %get3A_984 : vector<16xf32>
        %add3A_991 = arith.addf %add3A_989, %mul3A_990 : vector<16xf32>
        %reduce_sum3A_992 = arith.constant true
        %reduce_sum3A_993 = vector.broadcast %reduce_sum3A_992 : i1 to vector<16xi1>
        %reduce_sum3A_994 = tpu.scan <sum>, %add3A_991 masked %reduce_sum3A_993 : vector<16xf32>, vector<16xi1> -> vector<16xf32>
        %reduce_sum3A_995 = vector.extract %reduce_sum3A_994[15] : f32 from vector<16xf32>
        %broadcast_in_dim3A_996 = vector.broadcast %reduce_sum3A_995 : f32 to vector<16xf32>
        %select_n3A_997 = arith.select %eq3A_30, %broadcast_in_dim3A_996, %broadcast_in_dim3A_954 : vector<16xi1>, vector<16xf32>
        %add3A_998 = arith.constant 9 : i32
        %add3A_999 = arith.addi %mul3A_324, %add3A_998 : i32
        %slice3A_1000 = vector.extract_strided_slice %shift_left3A_334 {offsets = [9], sizes = [1], strides = [1]} : vector<16xi32> to vector<1xi32>
        %squeeze3A_1001 = vector.extract %slice3A_1000[0] : i32 from vector<1xi32>
        %get3A_1002 = arith.constant 0 : i32
        %get3A_1003 = arith.index_cast %get3A_1002 : i32 to index
        %get3A_1004 = arith.index_cast %add3A_999 : i32 to index
        %get3A_1005 = arith.index_cast %squeeze3A_1001 : i32 to index
        %get3A_1006 = tpu.vector_load %arg7[%get3A_1003, %get3A_1004, %get3A_1005] {strides = array<i32>} : memref<2x128x128xf32, #tpu.memory_space<vmem>>, vector<16xf32>,
        %add3A_1007 = arith.constant 16 : i32
        %add3A_1008 = arith.addi %squeeze3A_1001, %add3A_1007 : i32
        %get3A_1009 = arith.constant 0 : i32
        %get3A_1010 = arith.index_cast %get3A_1009 : i32 to index
        %get3A_1011 = arith.index_cast %add3A_999 : i32 to index
        %get3A_1012 = arith.index_cast %add3A_1008 : i32 to index
        %get3A_1013 = tpu.vector_load %arg7[%get3A_1010, %get3A_1011, %get3A_1012] {strides = array<i32>} : memref<2x128x128xf32, #tpu.memory_space<vmem>>, vector<16xf32>,
        %add3A_1014 = arith.constant 32 : i32
        %add3A_1015 = arith.addi %squeeze3A_1001, %add3A_1014 : i32
        %get3A_1016 = arith.constant 0 : i32
        %get3A_1017 = arith.index_cast %get3A_1016 : i32 to index
        %get3A_1018 = arith.index_cast %add3A_999 : i32 to index
        %get3A_1019 = arith.index_cast %add3A_1015 : i32 to index
        %get3A_1020 = tpu.vector_load %arg7[%get3A_1017, %get3A_1018, %get3A_1019] {strides = array<i32>} : memref<2x128x128xf32, #tpu.memory_space<vmem>>, vector<16xf32>,
        %add3A_1021 = arith.constant 48 : i32
        %add3A_1022 = arith.addi %squeeze3A_1001, %add3A_1021 : i32
        %get3A_1023 = arith.constant 0 : i32
        %get3A_1024 = arith.index_cast %get3A_1023 : i32 to index
        %get3A_1025 = arith.index_cast %add3A_999 : i32 to index
        %get3A_1026 = arith.index_cast %add3A_1022 : i32 to index
        %get3A_1027 = tpu.vector_load %arg7[%get3A_1024, %get3A_1025, %get3A_1026] {strides = array<i32>} : memref<2x128x128xf32, #tpu.memory_space<vmem>>, vector<16xf32>,
        %mul3A_1028 = arith.mulf %get3A_1006, %get3A_1006 : vector<16xf32>
        %mul3A_1029 = arith.mulf %get3A_1013, %get3A_1013 : vector<16xf32>
        %add3A_1030 = arith.addf %mul3A_1028, %mul3A_1029 : vector<16xf32>
        %mul3A_1031 = arith.mulf %get3A_1020, %get3A_1020 : vector<16xf32>
        %add3A_1032 = arith.addf %add3A_1030, %mul3A_1031 : vector<16xf32>
        %mul3A_1033 = arith.mulf %get3A_1027, %get3A_1027 : vector<16xf32>
        %add3A_1034 = arith.addf %add3A_1032, %mul3A_1033 : vector<16xf32>
        %reduce_sum3A_1035 = arith.constant true
        %reduce_sum3A_1036 = vector.broadcast %reduce_sum3A_1035 : i1 to vector<16xi1>
        %reduce_sum3A_1037 = tpu.scan <sum>, %add3A_1034 masked %reduce_sum3A_1036 : vector<16xf32>, vector<16xi1> -> vector<16xf32>
        %reduce_sum3A_1038 = vector.extract %reduce_sum3A_1037[15] : f32 from vector<16xf32>
        %broadcast_in_dim3A_1039 = vector.broadcast %reduce_sum3A_1038 : f32 to vector<16xf32>
        %select_n3A_1040 = arith.select %eq3A_33, %broadcast_in_dim3A_1039, %select_n3A_997 : vector<16xi1>, vector<16xf32>
        %add3A_1041 = arith.constant 10 : i32
        %add3A_1042 = arith.addi %mul3A_324, %add3A_1041 : i32
        %slice3A_1043 = vector.extract_strided_slice %shift_left3A_334 {offsets = [10], sizes = [1], strides = [1]} : vector<16xi32> to vector<1xi32>
        %squeeze3A_1044 = vector.extract %slice3A_1043[0] : i32 from vector<1xi32>
        %get3A_1045 = arith.constant 0 : i32
        %get3A_1046 = arith.index_cast %get3A_1045 : i32 to index
        %get3A_1047 = arith.index_cast %add3A_1042 : i32 to index
        %get3A_1048 = arith.index_cast %squeeze3A_1044 : i32 to index
        %get3A_1049 = tpu.vector_load %arg7[%get3A_1046, %get3A_1047, %get3A_1048] {strides = array<i32>} : memref<2x128x128xf32, #tpu.memory_space<vmem>>, vector<16xf32>,
        %add3A_1050 = arith.constant 16 : i32
        %add3A_1051 = arith.addi %squeeze3A_1044, %add3A_1050 : i32
        %get3A_1052 = arith.constant 0 : i32
        %get3A_1053 = arith.index_cast %get3A_1052 : i32 to index
        %get3A_1054 = arith.index_cast %add3A_1042 : i32 to index
        %get3A_1055 = arith.index_cast %add3A_1051 : i32 to index
        %get3A_1056 = tpu.vector_load %arg7[%get3A_1053, %get3A_1054, %get3A_1055] {strides = array<i32>} : memref<2x128x128xf32, #tpu.memory_space<vmem>>, vector<16xf32>,
        %add3A_1057 = arith.constant 32 : i32
        %add3A_1058 = arith.addi %squeeze3A_1044, %add3A_1057 : i32
        %get3A_1059 = arith.constant 0 : i32
        %get3A_1060 = arith.index_cast %get3A_1059 : i32 to index
        %get3A_1061 = arith.index_cast %add3A_1042 : i32 to index
        %get3A_1062 = arith.index_cast %add3A_1058 : i32 to index
        %get3A_1063 = tpu.vector_load %arg7[%get3A_1060, %get3A_1061, %get3A_1062] {strides = array<i32>} : memref<2x128x128xf32, #tpu.memory_space<vmem>>, vector<16xf32>,
        %add3A_1064 = arith.constant 48 : i32
        %add3A_1065 = arith.addi %squeeze3A_1044, %add3A_1064 : i32
        %get3A_1066 = arith.constant 0 : i32
        %get3A_1067 = arith.index_cast %get3A_1066 : i32 to index
        %get3A_1068 = arith.index_cast %add3A_1042 : i32 to index
        %get3A_1069 = arith.index_cast %add3A_1065 : i32 to index
        %get3A_1070 = tpu.vector_load %arg7[%get3A_1067, %get3A_1068, %get3A_1069] {strides = array<i32>} : memref<2x128x128xf32, #tpu.memory_space<vmem>>, vector<16xf32>,
        %mul3A_1071 = arith.mulf %get3A_1049, %get3A_1049 : vector<16xf32>
        %mul3A_1072 = arith.mulf %get3A_1056, %get3A_1056 : vector<16xf32>
        %add3A_1073 = arith.addf %mul3A_1071, %mul3A_1072 : vector<16xf32>
        %mul3A_1074 = arith.mulf %get3A_1063, %get3A_1063 : vector<16xf32>
        %add3A_1075 = arith.addf %add3A_1073, %mul3A_1074 : vector<16xf32>
        %mul3A_1076 = arith.mulf %get3A_1070, %get3A_1070 : vector<16xf32>
        %add3A_1077 = arith.addf %add3A_1075, %mul3A_1076 : vector<16xf32>
        %reduce_sum3A_1078 = arith.constant true
        %reduce_sum3A_1079 = vector.broadcast %reduce_sum3A_1078 : i1 to vector<16xi1>
        %reduce_sum3A_1080 = tpu.scan <sum>, %add3A_1077 masked %reduce_sum3A_1079 : vector<16xf32>, vector<16xi1> -> vector<16xf32>
        %reduce_sum3A_1081 = vector.extract %reduce_sum3A_1080[15] : f32 from vector<16xf32>
        %broadcast_in_dim3A_1082 = vector.broadcast %reduce_sum3A_1081 : f32 to vector<16xf32>
        %select_n3A_1083 = arith.select %eq3A_36, %broadcast_in_dim3A_1082, %select_n3A_1040 : vector<16xi1>, vector<16xf32>
        %add3A_1084 = arith.constant 11 : i32
        %add3A_1085 = arith.addi %mul3A_324, %add3A_1084 : i32
        %slice3A_1086 = vector.extract_strided_slice %shift_left3A_334 {offsets = [11], sizes = [1], strides = [1]} : vector<16xi32> to vector<1xi32>
        %squeeze3A_1087 = vector.extract %slice3A_1086[0] : i32 from vector<1xi32>
        %get3A_1088 = arith.constant 0 : i32
        %get3A_1089 = arith.index_cast %get3A_1088 : i32 to index
        %get3A_1090 = arith.index_cast %add3A_1085 : i32 to index
        %get3A_1091 = arith.index_cast %squeeze3A_1087 : i32 to index
        %get3A_1092 = tpu.vector_load %arg7[%get3A_1089, %get3A_1090, %get3A_1091] {strides = array<i32>} : memref<2x128x128xf32, #tpu.memory_space<vmem>>, vector<16xf32>,
        %add3A_1093 = arith.constant 16 : i32
        %add3A_1094 = arith.addi %squeeze3A_1087, %add3A_1093 : i32
        %get3A_1095 = arith.constant 0 : i32
        %get3A_1096 = arith.index_cast %get3A_1095 : i32 to index
        %get3A_1097 = arith.index_cast %add3A_1085 : i32 to index
        %get3A_1098 = arith.index_cast %add3A_1094 : i32 to index
        %get3A_1099 = tpu.vector_load %arg7[%get3A_1096, %get3A_1097, %get3A_1098] {strides = array<i32>} : memref<2x128x128xf32, #tpu.memory_space<vmem>>, vector<16xf32>,
        %add3A_1100 = arith.constant 32 : i32
        %add3A_1101 = arith.addi %squeeze3A_1087, %add3A_1100 : i32
        %get3A_1102 = arith.constant 0 : i32
        %get3A_1103 = arith.index_cast %get3A_1102 : i32 to index
        %get3A_1104 = arith.index_cast %add3A_1085 : i32 to index
        %get3A_1105 = arith.index_cast %add3A_1101 : i32 to index
        %get3A_1106 = tpu.vector_load %arg7[%get3A_1103, %get3A_1104, %get3A_1105] {strides = array<i32>} : memref<2x128x128xf32, #tpu.memory_space<vmem>>, vector<16xf32>,
        %add3A_1107 = arith.constant 48 : i32
        %add3A_1108 = arith.addi %squeeze3A_1087, %add3A_1107 : i32
        %get3A_1109 = arith.constant 0 : i32
        %get3A_1110 = arith.index_cast %get3A_1109 : i32 to index
        %get3A_1111 = arith.index_cast %add3A_1085 : i32 to index
        %get3A_1112 = arith.index_cast %add3A_1108 : i32 to index
        %get3A_1113 = tpu.vector_load %arg7[%get3A_1110, %get3A_1111, %get3A_1112] {strides = array<i32>} : memref<2x128x128xf32, #tpu.memory_space<vmem>>, vector<16xf32>,
        %mul3A_1114 = arith.mulf %get3A_1092, %get3A_1092 : vector<16xf32>
        %mul3A_1115 = arith.mulf %get3A_1099, %get3A_1099 : vector<16xf32>
        %add3A_1116 = arith.addf %mul3A_1114, %mul3A_1115 : vector<16xf32>
        %mul3A_1117 = arith.mulf %get3A_1106, %get3A_1106 : vector<16xf32>
        %add3A_1118 = arith.addf %add3A_1116, %mul3A_1117 : vector<16xf32>
        %mul3A_1119 = arith.mulf %get3A_1113, %get3A_1113 : vector<16xf32>
        %add3A_1120 = arith.addf %add3A_1118, %mul3A_1119 : vector<16xf32>
        %reduce_sum3A_1121 = arith.constant true
        %reduce_sum3A_1122 = vector.broadcast %reduce_sum3A_1121 : i1 to vector<16xi1>
        %reduce_sum3A_1123 = tpu.scan <sum>, %add3A_1120 masked %reduce_sum3A_1122 : vector<16xf32>, vector<16xi1> -> vector<16xf32>
        %reduce_sum3A_1124 = vector.extract %reduce_sum3A_1123[15] : f32 from vector<16xf32>
        %broadcast_in_dim3A_1125 = vector.broadcast %reduce_sum3A_1124 : f32 to vector<16xf32>
        %select_n3A_1126 = arith.select %eq3A_39, %broadcast_in_dim3A_1125, %select_n3A_1083 : vector<16xi1>, vector<16xf32>
        %add3A_1127 = arith.constant 12 : i32
        %add3A_1128 = arith.addi %mul3A_324, %add3A_1127 : i32
        %slice3A_1129 = vector.extract_strided_slice %shift_left3A_334 {offsets = [12], sizes = [1], strides = [1]} : vector<16xi32> to vector<1xi32>
        %squeeze3A_1130 = vector.extract %slice3A_1129[0] : i32 from vector<1xi32>
        %get3A_1131 = arith.constant 0 : i32
        %get3A_1132 = arith.index_cast %get3A_1131 : i32 to index
        %get3A_1133 = arith.index_cast %add3A_1128 : i32 to index
        %get3A_1134 = arith.index_cast %squeeze3A_1130 : i32 to index
        %get3A_1135 = tpu.vector_load %arg7[%get3A_1132, %get3A_1133, %get3A_1134] {strides = array<i32>} : memref<2x128x128xf32, #tpu.memory_space<vmem>>, vector<16xf32>,
        %add3A_1136 = arith.constant 16 : i32
        %add3A_1137 = arith.addi %squeeze3A_1130, %add3A_1136 : i32
        %get3A_1138 = arith.constant 0 : i32
        %get3A_1139 = arith.index_cast %get3A_1138 : i32 to index
        %get3A_1140 = arith.index_cast %add3A_1128 : i32 to index
        %get3A_1141 = arith.index_cast %add3A_1137 : i32 to index
        %get3A_1142 = tpu.vector_load %arg7[%get3A_1139, %get3A_1140, %get3A_1141] {strides = array<i32>} : memref<2x128x128xf32, #tpu.memory_space<vmem>>, vector<16xf32>,
        %add3A_1143 = arith.constant 32 : i32
        %add3A_1144 = arith.addi %squeeze3A_1130, %add3A_1143 : i32
        %get3A_1145 = arith.constant 0 : i32
        %get3A_1146 = arith.index_cast %get3A_1145 : i32 to index
        %get3A_1147 = arith.index_cast %add3A_1128 : i32 to index
        %get3A_1148 = arith.index_cast %add3A_1144 : i32 to index
        %get3A_1149 = tpu.vector_load %arg7[%get3A_1146, %get3A_1147, %get3A_1148] {strides = array<i32>} : memref<2x128x128xf32, #tpu.memory_space<vmem>>, vector<16xf32>,
        %add3A_1150 = arith.constant 48 : i32
        %add3A_1151 = arith.addi %squeeze3A_1130, %add3A_1150 : i32
        %get3A_1152 = arith.constant 0 : i32
        %get3A_1153 = arith.index_cast %get3A_1152 : i32 to index
        %get3A_1154 = arith.index_cast %add3A_1128 : i32 to index
        %get3A_1155 = arith.index_cast %add3A_1151 : i32 to index
        %get3A_1156 = tpu.vector_load %arg7[%get3A_1153, %get3A_1154, %get3A_1155] {strides = array<i32>} : memref<2x128x128xf32, #tpu.memory_space<vmem>>, vector<16xf32>,
        %mul3A_1157 = arith.mulf %get3A_1135, %get3A_1135 : vector<16xf32>
        %mul3A_1158 = arith.mulf %get3A_1142, %get3A_1142 : vector<16xf32>
        %add3A_1159 = arith.addf %mul3A_1157, %mul3A_1158 : vector<16xf32>
        %mul3A_1160 = arith.mulf %get3A_1149, %get3A_1149 : vector<16xf32>
        %add3A_1161 = arith.addf %add3A_1159, %mul3A_1160 : vector<16xf32>
        %mul3A_1162 = arith.mulf %get3A_1156, %get3A_1156 : vector<16xf32>
        %add3A_1163 = arith.addf %add3A_1161, %mul3A_1162 : vector<16xf32>
        %reduce_sum3A_1164 = arith.constant true
        %reduce_sum3A_1165 = vector.broadcast %reduce_sum3A_1164 : i1 to vector<16xi1>
        %reduce_sum3A_1166 = tpu.scan <sum>, %add3A_1163 masked %reduce_sum3A_1165 : vector<16xf32>, vector<16xi1> -> vector<16xf32>
        %reduce_sum3A_1167 = vector.extract %reduce_sum3A_1166[15] : f32 from vector<16xf32>
        %broadcast_in_dim3A_1168 = vector.broadcast %reduce_sum3A_1167 : f32 to vector<16xf32>
        %select_n3A_1169 = arith.select %eq3A_42, %broadcast_in_dim3A_1168, %select_n3A_1126 : vector<16xi1>, vector<16xf32>
        %add3A_1170 = arith.constant 13 : i32
        %add3A_1171 = arith.addi %mul3A_324, %add3A_1170 : i32
        %slice3A_1172 = vector.extract_strided_slice %shift_left3A_334 {offsets = [13], sizes = [1], strides = [1]} : vector<16xi32> to vector<1xi32>
        %squeeze3A_1173 = vector.extract %slice3A_1172[0] : i32 from vector<1xi32>
        %get3A_1174 = arith.constant 0 : i32
        %get3A_1175 = arith.index_cast %get3A_1174 : i32 to index
        %get3A_1176 = arith.index_cast %add3A_1171 : i32 to index
        %get3A_1177 = arith.index_cast %squeeze3A_1173 : i32 to index
        %get3A_1178 = tpu.vector_load %arg7[%get3A_1175, %get3A_1176, %get3A_1177] {strides = array<i32>} : memref<2x128x128xf32, #tpu.memory_space<vmem>>, vector<16xf32>,
        %add3A_1179 = arith.constant 16 : i32
        %add3A_1180 = arith.addi %squeeze3A_1173, %add3A_1179 : i32
        %get3A_1181 = arith.constant 0 : i32
        %get3A_1182 = arith.index_cast %get3A_1181 : i32 to index
        %get3A_1183 = arith.index_cast %add3A_1171 : i32 to index
        %get3A_1184 = arith.index_cast %add3A_1180 : i32 to index
        %get3A_1185 = tpu.vector_load %arg7[%get3A_1182, %get3A_1183, %get3A_1184] {strides = array<i32>} : memref<2x128x128xf32, #tpu.memory_space<vmem>>, vector<16xf32>,
        %add3A_1186 = arith.constant 32 : i32
        %add3A_1187 = arith.addi %squeeze3A_1173, %add3A_1186 : i32
        %get3A_1188 = arith.constant 0 : i32
        %get3A_1189 = arith.index_cast %get3A_1188 : i32 to index
        %get3A_1190 = arith.index_cast %add3A_1171 : i32 to index
        %get3A_1191 = arith.index_cast %add3A_1187 : i32 to index
        %get3A_1192 = tpu.vector_load %arg7[%get3A_1189, %get3A_1190, %get3A_1191] {strides = array<i32>} : memref<2x128x128xf32, #tpu.memory_space<vmem>>, vector<16xf32>,
        %add3A_1193 = arith.constant 48 : i32
        %add3A_1194 = arith.addi %squeeze3A_1173, %add3A_1193 : i32
        %get3A_1195 = arith.constant 0 : i32
        %get3A_1196 = arith.index_cast %get3A_1195 : i32 to index
        %get3A_1197 = arith.index_cast %add3A_1171 : i32 to index
        %get3A_1198 = arith.index_cast %add3A_1194 : i32 to index
        %get3A_1199 = tpu.vector_load %arg7[%get3A_1196, %get3A_1197, %get3A_1198] {strides = array<i32>} : memref<2x128x128xf32, #tpu.memory_space<vmem>>, vector<16xf32>,
        %mul3A_1200 = arith.mulf %get3A_1178, %get3A_1178 : vector<16xf32>
        %mul3A_1201 = arith.mulf %get3A_1185, %get3A_1185 : vector<16xf32>
        %add3A_1202 = arith.addf %mul3A_1200, %mul3A_1201 : vector<16xf32>
        %mul3A_1203 = arith.mulf %get3A_1192, %get3A_1192 : vector<16xf32>
        %add3A_1204 = arith.addf %add3A_1202, %mul3A_1203 : vector<16xf32>
        %mul3A_1205 = arith.mulf %get3A_1199, %get3A_1199 : vector<16xf32>
        %add3A_1206 = arith.addf %add3A_1204, %mul3A_1205 : vector<16xf32>
        %reduce_sum3A_1207 = arith.constant true
        %reduce_sum3A_1208 = vector.broadcast %reduce_sum3A_1207 : i1 to vector<16xi1>
        %reduce_sum3A_1209 = tpu.scan <sum>, %add3A_1206 masked %reduce_sum3A_1208 : vector<16xf32>, vector<16xi1> -> vector<16xf32>
        %reduce_sum3A_1210 = vector.extract %reduce_sum3A_1209[15] : f32 from vector<16xf32>
        %broadcast_in_dim3A_1211 = vector.broadcast %reduce_sum3A_1210 : f32 to vector<16xf32>
        %select_n3A_1212 = arith.select %eq3A_45, %broadcast_in_dim3A_1211, %select_n3A_1169 : vector<16xi1>, vector<16xf32>
        %add3A_1213 = arith.constant 14 : i32
        %add3A_1214 = arith.addi %mul3A_324, %add3A_1213 : i32
        %slice3A_1215 = vector.extract_strided_slice %shift_left3A_334 {offsets = [14], sizes = [1], strides = [1]} : vector<16xi32> to vector<1xi32>
        %squeeze3A_1216 = vector.extract %slice3A_1215[0] : i32 from vector<1xi32>
        %get3A_1217 = arith.constant 0 : i32
        %get3A_1218 = arith.index_cast %get3A_1217 : i32 to index
        %get3A_1219 = arith.index_cast %add3A_1214 : i32 to index
        %get3A_1220 = arith.index_cast %squeeze3A_1216 : i32 to index
        %get3A_1221 = tpu.vector_load %arg7[%get3A_1218, %get3A_1219, %get3A_1220] {strides = array<i32>} : memref<2x128x128xf32, #tpu.memory_space<vmem>>, vector<16xf32>,
        %add3A_1222 = arith.constant 16 : i32
        %add3A_1223 = arith.addi %squeeze3A_1216, %add3A_1222 : i32
        %get3A_1224 = arith.constant 0 : i32
        %get3A_1225 = arith.index_cast %get3A_1224 : i32 to index
        %get3A_1226 = arith.index_cast %add3A_1214 : i32 to index
        %get3A_1227 = arith.index_cast %add3A_1223 : i32 to index
        %get3A_1228 = tpu.vector_load %arg7[%get3A_1225, %get3A_1226, %get3A_1227] {strides = array<i32>} : memref<2x128x128xf32, #tpu.memory_space<vmem>>, vector<16xf32>,
        %add3A_1229 = arith.constant 32 : i32
        %add3A_1230 = arith.addi %squeeze3A_1216, %add3A_1229 : i32
        %get3A_1231 = arith.constant 0 : i32
        %get3A_1232 = arith.index_cast %get3A_1231 : i32 to index
        %get3A_1233 = arith.index_cast %add3A_1214 : i32 to index
        %get3A_1234 = arith.index_cast %add3A_1230 : i32 to index
        %get3A_1235 = tpu.vector_load %arg7[%get3A_1232, %get3A_1233, %get3A_1234] {strides = array<i32>} : memref<2x128x128xf32, #tpu.memory_space<vmem>>, vector<16xf32>,
        %add3A_1236 = arith.constant 48 : i32
        %add3A_1237 = arith.addi %squeeze3A_1216, %add3A_1236 : i32
        %get3A_1238 = arith.constant 0 : i32
        %get3A_1239 = arith.index_cast %get3A_1238 : i32 to index
        %get3A_1240 = arith.index_cast %add3A_1214 : i32 to index
        %get3A_1241 = arith.index_cast %add3A_1237 : i32 to index
        %get3A_1242 = tpu.vector_load %arg7[%get3A_1239, %get3A_1240, %get3A_1241] {strides = array<i32>} : memref<2x128x128xf32, #tpu.memory_space<vmem>>, vector<16xf32>,
        %mul3A_1243 = arith.mulf %get3A_1221, %get3A_1221 : vector<16xf32>
        %mul3A_1244 = arith.mulf %get3A_1228, %get3A_1228 : vector<16xf32>
        %add3A_1245 = arith.addf %mul3A_1243, %mul3A_1244 : vector<16xf32>
        %mul3A_1246 = arith.mulf %get3A_1235, %get3A_1235 : vector<16xf32>
        %add3A_1247 = arith.addf %add3A_1245, %mul3A_1246 : vector<16xf32>
        %mul3A_1248 = arith.mulf %get3A_1242, %get3A_1242 : vector<16xf32>
        %add3A_1249 = arith.addf %add3A_1247, %mul3A_1248 : vector<16xf32>
        %reduce_sum3A_1250 = arith.constant true
        %reduce_sum3A_1251 = vector.broadcast %reduce_sum3A_1250 : i1 to vector<16xi1>
        %reduce_sum3A_1252 = tpu.scan <sum>, %add3A_1249 masked %reduce_sum3A_1251 : vector<16xf32>, vector<16xi1> -> vector<16xf32>
        %reduce_sum3A_1253 = vector.extract %reduce_sum3A_1252[15] : f32 from vector<16xf32>
        %broadcast_in_dim3A_1254 = vector.broadcast %reduce_sum3A_1253 : f32 to vector<16xf32>
        %select_n3A_1255 = arith.select %eq3A_48, %broadcast_in_dim3A_1254, %select_n3A_1212 : vector<16xi1>, vector<16xf32>
        %add3A_1256 = arith.constant 15 : i32
        %add3A_1257 = arith.addi %mul3A_324, %add3A_1256 : i32
        %slice3A_1258 = vector.extract_strided_slice %shift_left3A_334 {offsets = [15], sizes = [1], strides = [1]} : vector<16xi32> to vector<1xi32>
        %squeeze3A_1259 = vector.extract %slice3A_1258[0] : i32 from vector<1xi32>
        %get3A_1260 = arith.constant 0 : i32
        %get3A_1261 = arith.index_cast %get3A_1260 : i32 to index
        %get3A_1262 = arith.index_cast %add3A_1257 : i32 to index
        %get3A_1263 = arith.index_cast %squeeze3A_1259 : i32 to index
        %get3A_1264 = tpu.vector_load %arg7[%get3A_1261, %get3A_1262, %get3A_1263] {strides = array<i32>} : memref<2x128x128xf32, #tpu.memory_space<vmem>>, vector<16xf32>,
        %add3A_1265 = arith.constant 16 : i32
        %add3A_1266 = arith.addi %squeeze3A_1259, %add3A_1265 : i32
        %get3A_1267 = arith.constant 0 : i32
        %get3A_1268 = arith.index_cast %get3A_1267 : i32 to index
        %get3A_1269 = arith.index_cast %add3A_1257 : i32 to index
        %get3A_1270 = arith.index_cast %add3A_1266 : i32 to index
        %get3A_1271 = tpu.vector_load %arg7[%get3A_1268, %get3A_1269, %get3A_1270] {strides = array<i32>} : memref<2x128x128xf32, #tpu.memory_space<vmem>>, vector<16xf32>,
        %add3A_1272 = arith.constant 32 : i32
        %add3A_1273 = arith.addi %squeeze3A_1259, %add3A_1272 : i32
        %get3A_1274 = arith.constant 0 : i32
        %get3A_1275 = arith.index_cast %get3A_1274 : i32 to index
        %get3A_1276 = arith.index_cast %add3A_1257 : i32 to index
        %get3A_1277 = arith.index_cast %add3A_1273 : i32 to index
        %get3A_1278 = tpu.vector_load %arg7[%get3A_1275, %get3A_1276, %get3A_1277] {strides = array<i32>} : memref<2x128x128xf32, #tpu.memory_space<vmem>>, vector<16xf32>,
        %add3A_1279 = arith.constant 48 : i32
        %add3A_1280 = arith.addi %squeeze3A_1259, %add3A_1279 : i32
        %get3A_1281 = arith.constant 0 : i32
        %get3A_1282 = arith.index_cast %get3A_1281 : i32 to index
        %get3A_1283 = arith.index_cast %add3A_1257 : i32 to index
        %get3A_1284 = arith.index_cast %add3A_1280 : i32 to index
        %get3A_1285 = tpu.vector_load %arg7[%get3A_1282, %get3A_1283, %get3A_1284] {strides = array<i32>} : memref<2x128x128xf32, #tpu.memory_space<vmem>>, vector<16xf32>,
        %mul3A_1286 = arith.mulf %get3A_1264, %get3A_1264 : vector<16xf32>
        %mul3A_1287 = arith.mulf %get3A_1271, %get3A_1271 : vector<16xf32>
        %add3A_1288 = arith.addf %mul3A_1286, %mul3A_1287 : vector<16xf32>
        %mul3A_1289 = arith.mulf %get3A_1278, %get3A_1278 : vector<16xf32>
        %add3A_1290 = arith.addf %add3A_1288, %mul3A_1289 : vector<16xf32>
        %mul3A_1291 = arith.mulf %get3A_1285, %get3A_1285 : vector<16xf32>
        %add3A_1292 = arith.addf %add3A_1290, %mul3A_1291 : vector<16xf32>
        %reduce_sum3A_1293 = arith.constant true
        %reduce_sum3A_1294 = vector.broadcast %reduce_sum3A_1293 : i1 to vector<16xi1>
        %reduce_sum3A_1295 = tpu.scan <sum>, %add3A_1292 masked %reduce_sum3A_1294 : vector<16xf32>, vector<16xi1> -> vector<16xf32>
        %reduce_sum3A_1296 = vector.extract %reduce_sum3A_1295[15] : f32 from vector<16xf32>
        %broadcast_in_dim3A_1297 = vector.broadcast %reduce_sum3A_1296 : f32 to vector<16xf32>
        %select_n3A_1298 = arith.select %eq3A_51, %broadcast_in_dim3A_1297, %select_n3A_1255 : vector<16xi1>, vector<16xf32>
        %bitcast3A_1299 = vector.bitcast %select_n3A_1298 : vector<16xf32> to vector<16xi32>
        %shift_right_arithmetic3A_1300 = arith.constant 1 : i32
        %shift_right_arithmetic3A_1301 = vector.broadcast %shift_right_arithmetic3A_1300 : i32 to vector<16xi32>
        %shift_right_arithmetic3A_1302 = arith.shrsi %bitcast3A_1299, %shift_right_arithmetic3A_1301 : vector<16xi32>
        %sub3A_1303 = arith.constant 1597463007 : i32
        %sub3A_1304 = vector.broadcast %sub3A_1303 : i32 to vector<16xi32>
        %sub3A_1305 = arith.subi %sub3A_1304, %shift_right_arithmetic3A_1302 : vector<16xi32>
        %bitcast3A_1306 = vector.bitcast %sub3A_1305 : vector<16xi32> to vector<16xf32>
        %mul3A_1307 = arith.constant 5.000000e-01 : f32
        %mul3A_1308 = vector.broadcast %mul3A_1307 : f32 to vector<16xf32>
        %mul3A_1309 = arith.mulf %mul3A_1308, %select_n3A_1298 : vector<16xf32>
        %mul3A_1310 = arith.mulf %mul3A_1309, %bitcast3A_1306 : vector<16xf32>
        %mul3A_1311 = arith.mulf %mul3A_1310, %bitcast3A_1306 : vector<16xf32>
        %sub3A_1312 = arith.constant 1.500000e+00 : f32
        %sub3A_1313 = vector.broadcast %sub3A_1312 : f32 to vector<16xf32>
        %sub3A_1314 = arith.subf %sub3A_1313, %mul3A_1311 : vector<16xf32>
        %mul3A_1315 = arith.mulf %bitcast3A_1306, %sub3A_1314 : vector<16xf32>
        %mul3A_1316 = arith.mulf %mul3A_1309, %mul3A_1315 : vector<16xf32>
        %mul3A_1317 = arith.mulf %mul3A_1316, %mul3A_1315 : vector<16xf32>
        %sub3A_1318 = arith.constant 1.500000e+00 : f32
        %sub3A_1319 = vector.broadcast %sub3A_1318 : f32 to vector<16xf32>
        %sub3A_1320 = arith.subf %sub3A_1319, %mul3A_1317 : vector<16xf32>
        %mul3A_1321 = arith.mulf %mul3A_1315, %sub3A_1320 : vector<16xf32>
        %add3A_1322 = arith.constant 8 : i32
        %add3A_1323 = arith.addi %mul3A_324, %add3A_1322 : i32
        %slice3A_1324 = vector.extract_strided_slice %mul3A_1321 {offsets = [8], sizes = [1], strides = [1]} : vector<16xf32> to vector<1xf32>
        %squeeze3A_1325 = vector.extract %slice3A_1324[0] : f32 from vector<1xf32>
        %mul3A_1326 = vector.broadcast %squeeze3A_1325 : f32 to vector<16xf32>
        %mul3A_1327 = arith.mulf %get3A_963, %mul3A_1326 : vector<16xf32>
        %swap3A_1328 = arith.constant 0 : i32
        %swap3A_1329 = arith.index_cast %swap3A_1328 : i32 to index
        %swap3A_1330 = arith.index_cast %add3A_1323 : i32 to index
        %swap3A_1331 = arith.constant 0 : index
        %swap3A_1332 = tpu.vector_load %arg8[%swap3A_1329, %swap3A_1330, %swap3A_1331] {strides = array<i32>} : memref<2x128x64xf32, #tpu.memory_space<vmem>>, vector<16xf32>,
        tpu.vector_store %arg8[%swap3A_1329, %swap3A_1330, %swap3A_1331], %mul3A_1327 {strides = array<i32>} : memref<2x128x64xf32, #tpu.memory_space<vmem>>, vector<16xf32>,
        %mul3A_1333 = vector.broadcast %squeeze3A_1325 : f32 to vector<16xf32>
        %mul3A_1334 = arith.mulf %get3A_970, %mul3A_1333 : vector<16xf32>
        %swap3A_1335 = arith.constant 0 : i32
        %swap3A_1336 = arith.index_cast %swap3A_1335 : i32 to index
        %swap3A_1337 = arith.index_cast %add3A_1323 : i32 to index
        %swap3A_1338 = arith.constant 16 : index
        %swap3A_1339 = tpu.vector_load %arg8[%swap3A_1336, %swap3A_1337, %swap3A_1338] {strides = array<i32>} : memref<2x128x64xf32, #tpu.memory_space<vmem>>, vector<16xf32>,
        tpu.vector_store %arg8[%swap3A_1336, %swap3A_1337, %swap3A_1338], %mul3A_1334 {strides = array<i32>} : memref<2x128x64xf32, #tpu.memory_space<vmem>>, vector<16xf32>,
        %mul3A_1340 = vector.broadcast %squeeze3A_1325 : f32 to vector<16xf32>
        %mul3A_1341 = arith.mulf %get3A_977, %mul3A_1340 : vector<16xf32>
        %swap3A_1342 = arith.constant 0 : i32
        %swap3A_1343 = arith.index_cast %swap3A_1342 : i32 to index
        %swap3A_1344 = arith.index_cast %add3A_1323 : i32 to index
        %swap3A_1345 = arith.constant 32 : index
        %swap3A_1346 = tpu.vector_load %arg8[%swap3A_1343, %swap3A_1344, %swap3A_1345] {strides = array<i32>} : memref<2x128x64xf32, #tpu.memory_space<vmem>>, vector<16xf32>,
        tpu.vector_store %arg8[%swap3A_1343, %swap3A_1344, %swap3A_1345], %mul3A_1341 {strides = array<i32>} : memref<2x128x64xf32, #tpu.memory_space<vmem>>, vector<16xf32>,
        %mul3A_1347 = vector.broadcast %squeeze3A_1325 : f32 to vector<16xf32>
        %mul3A_1348 = arith.mulf %get3A_984, %mul3A_1347 : vector<16xf32>
        %swap3A_1349 = arith.constant 0 : i32
        %swap3A_1350 = arith.index_cast %swap3A_1349 : i32 to index
        %swap3A_1351 = arith.index_cast %add3A_1323 : i32 to index
        %swap3A_1352 = arith.constant 48 : index
        %swap3A_1353 = tpu.vector_load %arg8[%swap3A_1350, %swap3A_1351, %swap3A_1352] {strides = array<i32>} : memref<2x128x64xf32, #tpu.memory_space<vmem>>, vector<16xf32>,
        tpu.vector_store %arg8[%swap3A_1350, %swap3A_1351, %swap3A_1352], %mul3A_1348 {strides = array<i32>} : memref<2x128x64xf32, #tpu.memory_space<vmem>>, vector<16xf32>,
        %add3A_1354 = arith.constant 9 : i32
        %add3A_1355 = arith.addi %mul3A_324, %add3A_1354 : i32
        %slice3A_1356 = vector.extract_strided_slice %mul3A_1321 {offsets = [9], sizes = [1], strides = [1]} : vector<16xf32> to vector<1xf32>
        %squeeze3A_1357 = vector.extract %slice3A_1356[0] : f32 from vector<1xf32>
        %mul3A_1358 = vector.broadcast %squeeze3A_1357 : f32 to vector<16xf32>
        %mul3A_1359 = arith.mulf %get3A_1006, %mul3A_1358 : vector<16xf32>
        %swap3A_1360 = arith.constant 0 : i32
        %swap3A_1361 = arith.index_cast %swap3A_1360 : i32 to index
        %swap3A_1362 = arith.index_cast %add3A_1355 : i32 to index
        %swap3A_1363 = arith.constant 0 : index
        %swap3A_1364 = tpu.vector_load %arg8[%swap3A_1361, %swap3A_1362, %swap3A_1363] {strides = array<i32>} : memref<2x128x64xf32, #tpu.memory_space<vmem>>, vector<16xf32>,
        tpu.vector_store %arg8[%swap3A_1361, %swap3A_1362, %swap3A_1363], %mul3A_1359 {strides = array<i32>} : memref<2x128x64xf32, #tpu.memory_space<vmem>>, vector<16xf32>,
        %mul3A_1365 = vector.broadcast %squeeze3A_1357 : f32 to vector<16xf32>
        %mul3A_1366 = arith.mulf %get3A_1013, %mul3A_1365 : vector<16xf32>
        %swap3A_1367 = arith.constant 0 : i32
        %swap3A_1368 = arith.index_cast %swap3A_1367 : i32 to index
        %swap3A_1369 = arith.index_cast %add3A_1355 : i32 to index
        %swap3A_1370 = arith.constant 16 : index
        %swap3A_1371 = tpu.vector_load %arg8[%swap3A_1368, %swap3A_1369, %swap3A_1370] {strides = array<i32>} : memref<2x128x64xf32, #tpu.memory_space<vmem>>, vector<16xf32>,
        tpu.vector_store %arg8[%swap3A_1368, %swap3A_1369, %swap3A_1370], %mul3A_1366 {strides = array<i32>} : memref<2x128x64xf32, #tpu.memory_space<vmem>>, vector<16xf32>,
        %mul3A_1372 = vector.broadcast %squeeze3A_1357 : f32 to vector<16xf32>
        %mul3A_1373 = arith.mulf %get3A_1020, %mul3A_1372 : vector<16xf32>
        %swap3A_1374 = arith.constant 0 : i32
        %swap3A_1375 = arith.index_cast %swap3A_1374 : i32 to index
        %swap3A_1376 = arith.index_cast %add3A_1355 : i32 to index
        %swap3A_1377 = arith.constant 32 : index
        %swap3A_1378 = tpu.vector_load %arg8[%swap3A_1375, %swap3A_1376, %swap3A_1377] {strides = array<i32>} : memref<2x128x64xf32, #tpu.memory_space<vmem>>, vector<16xf32>,
        tpu.vector_store %arg8[%swap3A_1375, %swap3A_1376, %swap3A_1377], %mul3A_1373 {strides = array<i32>} : memref<2x128x64xf32, #tpu.memory_space<vmem>>, vector<16xf32>,
        %mul3A_1379 = vector.broadcast %squeeze3A_1357 : f32 to vector<16xf32>
        %mul3A_1380 = arith.mulf %get3A_1027, %mul3A_1379 : vector<16xf32>
        %swap3A_1381 = arith.constant 0 : i32
        %swap3A_1382 = arith.index_cast %swap3A_1381 : i32 to index
        %swap3A_1383 = arith.index_cast %add3A_1355 : i32 to index
        %swap3A_1384 = arith.constant 48 : index
        %swap3A_1385 = tpu.vector_load %arg8[%swap3A_1382, %swap3A_1383, %swap3A_1384] {strides = array<i32>} : memref<2x128x64xf32, #tpu.memory_space<vmem>>, vector<16xf32>,
        tpu.vector_store %arg8[%swap3A_1382, %swap3A_1383, %swap3A_1384], %mul3A_1380 {strides = array<i32>} : memref<2x128x64xf32, #tpu.memory_space<vmem>>, vector<16xf32>,
        %add3A_1386 = arith.constant 10 : i32
        %add3A_1387 = arith.addi %mul3A_324, %add3A_1386 : i32
        %slice3A_1388 = vector.extract_strided_slice %mul3A_1321 {offsets = [10], sizes = [1], strides = [1]} : vector<16xf32> to vector<1xf32>
        %squeeze3A_1389 = vector.extract %slice3A_1388[0] : f32 from vector<1xf32>
        %mul3A_1390 = vector.broadcast %squeeze3A_1389 : f32 to vector<16xf32>
        %mul3A_1391 = arith.mulf %get3A_1049, %mul3A_1390 : vector<16xf32>
        %swap3A_1392 = arith.constant 0 : i32
        %swap3A_1393 = arith.index_cast %swap3A_1392 : i32 to index
        %swap3A_1394 = arith.index_cast %add3A_1387 : i32 to index
        %swap3A_1395 = arith.constant 0 : index
        %swap3A_1396 = tpu.vector_load %arg8[%swap3A_1393, %swap3A_1394, %swap3A_1395] {strides = array<i32>} : memref<2x128x64xf32, #tpu.memory_space<vmem>>, vector<16xf32>,
        tpu.vector_store %arg8[%swap3A_1393, %swap3A_1394, %swap3A_1395], %mul3A_1391 {strides = array<i32>} : memref<2x128x64xf32, #tpu.memory_space<vmem>>, vector<16xf32>,
        %mul3A_1397 = vector.broadcast %squeeze3A_1389 : f32 to vector<16xf32>
        %mul3A_1398 = arith.mulf %get3A_1056, %mul3A_1397 : vector<16xf32>
        %swap3A_1399 = arith.constant 0 : i32
        %swap3A_1400 = arith.index_cast %swap3A_1399 : i32 to index
        %swap3A_1401 = arith.index_cast %add3A_1387 : i32 to index
        %swap3A_1402 = arith.constant 16 : index
        %swap3A_1403 = tpu.vector_load %arg8[%swap3A_1400, %swap3A_1401, %swap3A_1402] {strides = array<i32>} : memref<2x128x64xf32, #tpu.memory_space<vmem>>, vector<16xf32>,
        tpu.vector_store %arg8[%swap3A_1400, %swap3A_1401, %swap3A_1402], %mul3A_1398 {strides = array<i32>} : memref<2x128x64xf32, #tpu.memory_space<vmem>>, vector<16xf32>,
        %mul3A_1404 = vector.broadcast %squeeze3A_1389 : f32 to vector<16xf32>
        %mul3A_1405 = arith.mulf %get3A_1063, %mul3A_1404 : vector<16xf32>
        %swap3A_1406 = arith.constant 0 : i32
        %swap3A_1407 = arith.index_cast %swap3A_1406 : i32 to index
        %swap3A_1408 = arith.index_cast %add3A_1387 : i32 to index
        %swap3A_1409 = arith.constant 32 : index
        %swap3A_1410 = tpu.vector_load %arg8[%swap3A_1407, %swap3A_1408, %swap3A_1409] {strides = array<i32>} : memref<2x128x64xf32, #tpu.memory_space<vmem>>, vector<16xf32>,
        tpu.vector_store %arg8[%swap3A_1407, %swap3A_1408, %swap3A_1409], %mul3A_1405 {strides = array<i32>} : memref<2x128x64xf32, #tpu.memory_space<vmem>>, vector<16xf32>,
        %mul3A_1411 = vector.broadcast %squeeze3A_1389 : f32 to vector<16xf32>
        %mul3A_1412 = arith.mulf %get3A_1070, %mul3A_1411 : vector<16xf32>
        %swap3A_1413 = arith.constant 0 : i32
        %swap3A_1414 = arith.index_cast %swap3A_1413 : i32 to index
        %swap3A_1415 = arith.index_cast %add3A_1387 : i32 to index
        %swap3A_1416 = arith.constant 48 : index
        %swap3A_1417 = tpu.vector_load %arg8[%swap3A_1414, %swap3A_1415, %swap3A_1416] {strides = array<i32>} : memref<2x128x64xf32, #tpu.memory_space<vmem>>, vector<16xf32>,
        tpu.vector_store %arg8[%swap3A_1414, %swap3A_1415, %swap3A_1416], %mul3A_1412 {strides = array<i32>} : memref<2x128x64xf32, #tpu.memory_space<vmem>>, vector<16xf32>,
        %add3A_1418 = arith.constant 11 : i32
        %add3A_1419 = arith.addi %mul3A_324, %add3A_1418 : i32
        %slice3A_1420 = vector.extract_strided_slice %mul3A_1321 {offsets = [11], sizes = [1], strides = [1]} : vector<16xf32> to vector<1xf32>
        %squeeze3A_1421 = vector.extract %slice3A_1420[0] : f32 from vector<1xf32>
        %mul3A_1422 = vector.broadcast %squeeze3A_1421 : f32 to vector<16xf32>
        %mul3A_1423 = arith.mulf %get3A_1092, %mul3A_1422 : vector<16xf32>
        %swap3A_1424 = arith.constant 0 : i32
        %swap3A_1425 = arith.index_cast %swap3A_1424 : i32 to index
        %swap3A_1426 = arith.index_cast %add3A_1419 : i32 to index
        %swap3A_1427 = arith.constant 0 : index
        %swap3A_1428 = tpu.vector_load %arg8[%swap3A_1425, %swap3A_1426, %swap3A_1427] {strides = array<i32>} : memref<2x128x64xf32, #tpu.memory_space<vmem>>, vector<16xf32>,
        tpu.vector_store %arg8[%swap3A_1425, %swap3A_1426, %swap3A_1427], %mul3A_1423 {strides = array<i32>} : memref<2x128x64xf32, #tpu.memory_space<vmem>>, vector<16xf32>,
        %mul3A_1429 = vector.broadcast %squeeze3A_1421 : f32 to vector<16xf32>
        %mul3A_1430 = arith.mulf %get3A_1099, %mul3A_1429 : vector<16xf32>
        %swap3A_1431 = arith.constant 0 : i32
        %swap3A_1432 = arith.index_cast %swap3A_1431 : i32 to index
        %swap3A_1433 = arith.index_cast %add3A_1419 : i32 to index
        %swap3A_1434 = arith.constant 16 : index
        %swap3A_1435 = tpu.vector_load %arg8[%swap3A_1432, %swap3A_1433, %swap3A_1434] {strides = array<i32>} : memref<2x128x64xf32, #tpu.memory_space<vmem>>, vector<16xf32>,
        tpu.vector_store %arg8[%swap3A_1432, %swap3A_1433, %swap3A_1434], %mul3A_1430 {strides = array<i32>} : memref<2x128x64xf32, #tpu.memory_space<vmem>>, vector<16xf32>,
        %mul3A_1436 = vector.broadcast %squeeze3A_1421 : f32 to vector<16xf32>
        %mul3A_1437 = arith.mulf %get3A_1106, %mul3A_1436 : vector<16xf32>
        %swap3A_1438 = arith.constant 0 : i32
        %swap3A_1439 = arith.index_cast %swap3A_1438 : i32 to index
        %swap3A_1440 = arith.index_cast %add3A_1419 : i32 to index
        %swap3A_1441 = arith.constant 32 : index
        %swap3A_1442 = tpu.vector_load %arg8[%swap3A_1439, %swap3A_1440, %swap3A_1441] {strides = array<i32>} : memref<2x128x64xf32, #tpu.memory_space<vmem>>, vector<16xf32>,
        tpu.vector_store %arg8[%swap3A_1439, %swap3A_1440, %swap3A_1441], %mul3A_1437 {strides = array<i32>} : memref<2x128x64xf32, #tpu.memory_space<vmem>>, vector<16xf32>,
        %mul3A_1443 = vector.broadcast %squeeze3A_1421 : f32 to vector<16xf32>
        %mul3A_1444 = arith.mulf %get3A_1113, %mul3A_1443 : vector<16xf32>
        %swap3A_1445 = arith.constant 0 : i32
        %swap3A_1446 = arith.index_cast %swap3A_1445 : i32 to index
        %swap3A_1447 = arith.index_cast %add3A_1419 : i32 to index
        %swap3A_1448 = arith.constant 48 : index
        %swap3A_1449 = tpu.vector_load %arg8[%swap3A_1446, %swap3A_1447, %swap3A_1448] {strides = array<i32>} : memref<2x128x64xf32, #tpu.memory_space<vmem>>, vector<16xf32>,
        tpu.vector_store %arg8[%swap3A_1446, %swap3A_1447, %swap3A_1448], %mul3A_1444 {strides = array<i32>} : memref<2x128x64xf32, #tpu.memory_space<vmem>>, vector<16xf32>,
        %add3A_1450 = arith.constant 12 : i32
        %add3A_1451 = arith.addi %mul3A_324, %add3A_1450 : i32
        %slice3A_1452 = vector.extract_strided_slice %mul3A_1321 {offsets = [12], sizes = [1], strides = [1]} : vector<16xf32> to vector<1xf32>
        %squeeze3A_1453 = vector.extract %slice3A_1452[0] : f32 from vector<1xf32>
        %mul3A_1454 = vector.broadcast %squeeze3A_1453 : f32 to vector<16xf32>
        %mul3A_1455 = arith.mulf %get3A_1135, %mul3A_1454 : vector<16xf32>
        %swap3A_1456 = arith.constant 0 : i32
        %swap3A_1457 = arith.index_cast %swap3A_1456 : i32 to index
        %swap3A_1458 = arith.index_cast %add3A_1451 : i32 to index
        %swap3A_1459 = arith.constant 0 : index
        %swap3A_1460 = tpu.vector_load %arg8[%swap3A_1457, %swap3A_1458, %swap3A_1459] {strides = array<i32>} : memref<2x128x64xf32, #tpu.memory_space<vmem>>, vector<16xf32>,
        tpu.vector_store %arg8[%swap3A_1457, %swap3A_1458, %swap3A_1459], %mul3A_1455 {strides = array<i32>} : memref<2x128x64xf32, #tpu.memory_space<vmem>>, vector<16xf32>,
        %mul3A_1461 = vector.broadcast %squeeze3A_1453 : f32 to vector<16xf32>
        %mul3A_1462 = arith.mulf %get3A_1142, %mul3A_1461 : vector<16xf32>
        %swap3A_1463 = arith.constant 0 : i32
        %swap3A_1464 = arith.index_cast %swap3A_1463 : i32 to index
        %swap3A_1465 = arith.index_cast %add3A_1451 : i32 to index
        %swap3A_1466 = arith.constant 16 : index
        %swap3A_1467 = tpu.vector_load %arg8[%swap3A_1464, %swap3A_1465, %swap3A_1466] {strides = array<i32>} : memref<2x128x64xf32, #tpu.memory_space<vmem>>, vector<16xf32>,
        tpu.vector_store %arg8[%swap3A_1464, %swap3A_1465, %swap3A_1466], %mul3A_1462 {strides = array<i32>} : memref<2x128x64xf32, #tpu.memory_space<vmem>>, vector<16xf32>,
        %mul3A_1468 = vector.broadcast %squeeze3A_1453 : f32 to vector<16xf32>
        %mul3A_1469 = arith.mulf %get3A_1149, %mul3A_1468 : vector<16xf32>
        %swap3A_1470 = arith.constant 0 : i32
        %swap3A_1471 = arith.index_cast %swap3A_1470 : i32 to index
        %swap3A_1472 = arith.index_cast %add3A_1451 : i32 to index
        %swap3A_1473 = arith.constant 32 : index
        %swap3A_1474 = tpu.vector_load %arg8[%swap3A_1471, %swap3A_1472, %swap3A_1473] {strides = array<i32>} : memref<2x128x64xf32, #tpu.memory_space<vmem>>, vector<16xf32>,
        tpu.vector_store %arg8[%swap3A_1471, %swap3A_1472, %swap3A_1473], %mul3A_1469 {strides = array<i32>} : memref<2x128x64xf32, #tpu.memory_space<vmem>>, vector<16xf32>,
        %mul3A_1475 = vector.broadcast %squeeze3A_1453 : f32 to vector<16xf32>
        %mul3A_1476 = arith.mulf %get3A_1156, %mul3A_1475 : vector<16xf32>
        %swap3A_1477 = arith.constant 0 : i32
        %swap3A_1478 = arith.index_cast %swap3A_1477 : i32 to index
        %swap3A_1479 = arith.index_cast %add3A_1451 : i32 to index
        %swap3A_1480 = arith.constant 48 : index
        %swap3A_1481 = tpu.vector_load %arg8[%swap3A_1478, %swap3A_1479, %swap3A_1480] {strides = array<i32>} : memref<2x128x64xf32, #tpu.memory_space<vmem>>, vector<16xf32>,
        tpu.vector_store %arg8[%swap3A_1478, %swap3A_1479, %swap3A_1480], %mul3A_1476 {strides = array<i32>} : memref<2x128x64xf32, #tpu.memory_space<vmem>>, vector<16xf32>,
        %add3A_1482 = arith.constant 13 : i32
        %add3A_1483 = arith.addi %mul3A_324, %add3A_1482 : i32
        %slice3A_1484 = vector.extract_strided_slice %mul3A_1321 {offsets = [13], sizes = [1], strides = [1]} : vector<16xf32> to vector<1xf32>
        %squeeze3A_1485 = vector.extract %slice3A_1484[0] : f32 from vector<1xf32>
        %mul3A_1486 = vector.broadcast %squeeze3A_1485 : f32 to vector<16xf32>
        %mul3A_1487 = arith.mulf %get3A_1178, %mul3A_1486 : vector<16xf32>
        %swap3A_1488 = arith.constant 0 : i32
        %swap3A_1489 = arith.index_cast %swap3A_1488 : i32 to index
        %swap3A_1490 = arith.index_cast %add3A_1483 : i32 to index
        %swap3A_1491 = arith.constant 0 : index
        %swap3A_1492 = tpu.vector_load %arg8[%swap3A_1489, %swap3A_1490, %swap3A_1491] {strides = array<i32>} : memref<2x128x64xf32, #tpu.memory_space<vmem>>, vector<16xf32>,
        tpu.vector_store %arg8[%swap3A_1489, %swap3A_1490, %swap3A_1491], %mul3A_1487 {strides = array<i32>} : memref<2x128x64xf32, #tpu.memory_space<vmem>>, vector<16xf32>,
        %mul3A_1493 = vector.broadcast %squeeze3A_1485 : f32 to vector<16xf32>
        %mul3A_1494 = arith.mulf %get3A_1185, %mul3A_1493 : vector<16xf32>
        %swap3A_1495 = arith.constant 0 : i32
        %swap3A_1496 = arith.index_cast %swap3A_1495 : i32 to index
        %swap3A_1497 = arith.index_cast %add3A_1483 : i32 to index
        %swap3A_1498 = arith.constant 16 : index
        %swap3A_1499 = tpu.vector_load %arg8[%swap3A_1496, %swap3A_1497, %swap3A_1498] {strides = array<i32>} : memref<2x128x64xf32, #tpu.memory_space<vmem>>, vector<16xf32>,
        tpu.vector_store %arg8[%swap3A_1496, %swap3A_1497, %swap3A_1498], %mul3A_1494 {strides = array<i32>} : memref<2x128x64xf32, #tpu.memory_space<vmem>>, vector<16xf32>,
        %mul3A_1500 = vector.broadcast %squeeze3A_1485 : f32 to vector<16xf32>
        %mul3A_1501 = arith.mulf %get3A_1192, %mul3A_1500 : vector<16xf32>
        %swap3A_1502 = arith.constant 0 : i32
        %swap3A_1503 = arith.index_cast %swap3A_1502 : i32 to index
        %swap3A_1504 = arith.index_cast %add3A_1483 : i32 to index
        %swap3A_1505 = arith.constant 32 : index
        %swap3A_1506 = tpu.vector_load %arg8[%swap3A_1503, %swap3A_1504, %swap3A_1505] {strides = array<i32>} : memref<2x128x64xf32, #tpu.memory_space<vmem>>, vector<16xf32>,
        tpu.vector_store %arg8[%swap3A_1503, %swap3A_1504, %swap3A_1505], %mul3A_1501 {strides = array<i32>} : memref<2x128x64xf32, #tpu.memory_space<vmem>>, vector<16xf32>,
        %mul3A_1507 = vector.broadcast %squeeze3A_1485 : f32 to vector<16xf32>
        %mul3A_1508 = arith.mulf %get3A_1199, %mul3A_1507 : vector<16xf32>
        %swap3A_1509 = arith.constant 0 : i32
        %swap3A_1510 = arith.index_cast %swap3A_1509 : i32 to index
        %swap3A_1511 = arith.index_cast %add3A_1483 : i32 to index
        %swap3A_1512 = arith.constant 48 : index
        %swap3A_1513 = tpu.vector_load %arg8[%swap3A_1510, %swap3A_1511, %swap3A_1512] {strides = array<i32>} : memref<2x128x64xf32, #tpu.memory_space<vmem>>, vector<16xf32>,
        tpu.vector_store %arg8[%swap3A_1510, %swap3A_1511, %swap3A_1512], %mul3A_1508 {strides = array<i32>} : memref<2x128x64xf32, #tpu.memory_space<vmem>>, vector<16xf32>,
        %add3A_1514 = arith.constant 14 : i32
        %add3A_1515 = arith.addi %mul3A_324, %add3A_1514 : i32
        %slice3A_1516 = vector.extract_strided_slice %mul3A_1321 {offsets = [14], sizes = [1], strides = [1]} : vector<16xf32> to vector<1xf32>
        %squeeze3A_1517 = vector.extract %slice3A_1516[0] : f32 from vector<1xf32>
        %mul3A_1518 = vector.broadcast %squeeze3A_1517 : f32 to vector<16xf32>
        %mul3A_1519 = arith.mulf %get3A_1221, %mul3A_1518 : vector<16xf32>
        %swap3A_1520 = arith.constant 0 : i32
        %swap3A_1521 = arith.index_cast %swap3A_1520 : i32 to index
        %swap3A_1522 = arith.index_cast %add3A_1515 : i32 to index
        %swap3A_1523 = arith.constant 0 : index
        %swap3A_1524 = tpu.vector_load %arg8[%swap3A_1521, %swap3A_1522, %swap3A_1523] {strides = array<i32>} : memref<2x128x64xf32, #tpu.memory_space<vmem>>, vector<16xf32>,
        tpu.vector_store %arg8[%swap3A_1521, %swap3A_1522, %swap3A_1523], %mul3A_1519 {strides = array<i32>} : memref<2x128x64xf32, #tpu.memory_space<vmem>>, vector<16xf32>,
        %mul3A_1525 = vector.broadcast %squeeze3A_1517 : f32 to vector<16xf32>
        %mul3A_1526 = arith.mulf %get3A_1228, %mul3A_1525 : vector<16xf32>
        %swap3A_1527 = arith.constant 0 : i32
        %swap3A_1528 = arith.index_cast %swap3A_1527 : i32 to index
        %swap3A_1529 = arith.index_cast %add3A_1515 : i32 to index
        %swap3A_1530 = arith.constant 16 : index
        %swap3A_1531 = tpu.vector_load %arg8[%swap3A_1528, %swap3A_1529, %swap3A_1530] {strides = array<i32>} : memref<2x128x64xf32, #tpu.memory_space<vmem>>, vector<16xf32>,
        tpu.vector_store %arg8[%swap3A_1528, %swap3A_1529, %swap3A_1530], %mul3A_1526 {strides = array<i32>} : memref<2x128x64xf32, #tpu.memory_space<vmem>>, vector<16xf32>,
        %mul3A_1532 = vector.broadcast %squeeze3A_1517 : f32 to vector<16xf32>
        %mul3A_1533 = arith.mulf %get3A_1235, %mul3A_1532 : vector<16xf32>
        %swap3A_1534 = arith.constant 0 : i32
        %swap3A_1535 = arith.index_cast %swap3A_1534 : i32 to index
        %swap3A_1536 = arith.index_cast %add3A_1515 : i32 to index
        %swap3A_1537 = arith.constant 32 : index
        %swap3A_1538 = tpu.vector_load %arg8[%swap3A_1535, %swap3A_1536, %swap3A_1537] {strides = array<i32>} : memref<2x128x64xf32, #tpu.memory_space<vmem>>, vector<16xf32>,
        tpu.vector_store %arg8[%swap3A_1535, %swap3A_1536, %swap3A_1537], %mul3A_1533 {strides = array<i32>} : memref<2x128x64xf32, #tpu.memory_space<vmem>>, vector<16xf32>,
        %mul3A_1539 = vector.broadcast %squeeze3A_1517 : f32 to vector<16xf32>
        %mul3A_1540 = arith.mulf %get3A_1242, %mul3A_1539 : vector<16xf32>
        %swap3A_1541 = arith.constant 0 : i32
        %swap3A_1542 = arith.index_cast %swap3A_1541 : i32 to index
        %swap3A_1543 = arith.index_cast %add3A_1515 : i32 to index
        %swap3A_1544 = arith.constant 48 : index
        %swap3A_1545 = tpu.vector_load %arg8[%swap3A_1542, %swap3A_1543, %swap3A_1544] {strides = array<i32>} : memref<2x128x64xf32, #tpu.memory_space<vmem>>, vector<16xf32>,
        tpu.vector_store %arg8[%swap3A_1542, %swap3A_1543, %swap3A_1544], %mul3A_1540 {strides = array<i32>} : memref<2x128x64xf32, #tpu.memory_space<vmem>>, vector<16xf32>,
        %add3A_1546 = arith.constant 15 : i32
        %add3A_1547 = arith.addi %mul3A_324, %add3A_1546 : i32
        %slice3A_1548 = vector.extract_strided_slice %mul3A_1321 {offsets = [15], sizes = [1], strides = [1]} : vector<16xf32> to vector<1xf32>
        %squeeze3A_1549 = vector.extract %slice3A_1548[0] : f32 from vector<1xf32>
        %mul3A_1550 = vector.broadcast %squeeze3A_1549 : f32 to vector<16xf32>
        %mul3A_1551 = arith.mulf %get3A_1264, %mul3A_1550 : vector<16xf32>
        %swap3A_1552 = arith.constant 0 : i32
        %swap3A_1553 = arith.index_cast %swap3A_1552 : i32 to index
        %swap3A_1554 = arith.index_cast %add3A_1547 : i32 to index
        %swap3A_1555 = arith.constant 0 : index
        %swap3A_1556 = tpu.vector_load %arg8[%swap3A_1553, %swap3A_1554, %swap3A_1555] {strides = array<i32>} : memref<2x128x64xf32, #tpu.memory_space<vmem>>, vector<16xf32>,
        tpu.vector_store %arg8[%swap3A_1553, %swap3A_1554, %swap3A_1555], %mul3A_1551 {strides = array<i32>} : memref<2x128x64xf32, #tpu.memory_space<vmem>>, vector<16xf32>,
        %mul3A_1557 = vector.broadcast %squeeze3A_1549 : f32 to vector<16xf32>
        %mul3A_1558 = arith.mulf %get3A_1271, %mul3A_1557 : vector<16xf32>
        %swap3A_1559 = arith.constant 0 : i32
        %swap3A_1560 = arith.index_cast %swap3A_1559 : i32 to index
        %swap3A_1561 = arith.index_cast %add3A_1547 : i32 to index
        %swap3A_1562 = arith.constant 16 : index
        %swap3A_1563 = tpu.vector_load %arg8[%swap3A_1560, %swap3A_1561, %swap3A_1562] {strides = array<i32>} : memref<2x128x64xf32, #tpu.memory_space<vmem>>, vector<16xf32>,
        tpu.vector_store %arg8[%swap3A_1560, %swap3A_1561, %swap3A_1562], %mul3A_1558 {strides = array<i32>} : memref<2x128x64xf32, #tpu.memory_space<vmem>>, vector<16xf32>,
        %mul3A_1564 = vector.broadcast %squeeze3A_1549 : f32 to vector<16xf32>
        %mul3A_1565 = arith.mulf %get3A_1278, %mul3A_1564 : vector<16xf32>
        %swap3A_1566 = arith.constant 0 : i32
        %swap3A_1567 = arith.index_cast %swap3A_1566 : i32 to index
        %swap3A_1568 = arith.index_cast %add3A_1547 : i32 to index
        %swap3A_1569 = arith.constant 32 : index
        %swap3A_1570 = tpu.vector_load %arg8[%swap3A_1567, %swap3A_1568, %swap3A_1569] {strides = array<i32>} : memref<2x128x64xf32, #tpu.memory_space<vmem>>, vector<16xf32>,
        tpu.vector_store %arg8[%swap3A_1567, %swap3A_1568, %swap3A_1569], %mul3A_1565 {strides = array<i32>} : memref<2x128x64xf32, #tpu.memory_space<vmem>>, vector<16xf32>,
        %mul3A_1571 = vector.broadcast %squeeze3A_1549 : f32 to vector<16xf32>
        %mul3A_1572 = arith.mulf %get3A_1285, %mul3A_1571 : vector<16xf32>
        %swap3A_1573 = arith.constant 0 : i32
        %swap3A_1574 = arith.index_cast %swap3A_1573 : i32 to index
        %swap3A_1575 = arith.index_cast %add3A_1547 : i32 to index
        %swap3A_1576 = arith.constant 48 : index
        %swap3A_1577 = tpu.vector_load %arg8[%swap3A_1574, %swap3A_1575, %swap3A_1576] {strides = array<i32>} : memref<2x128x64xf32, #tpu.memory_space<vmem>>, vector<16xf32>,
        tpu.vector_store %arg8[%swap3A_1574, %swap3A_1575, %swap3A_1576], %mul3A_1572 {strides = array<i32>} : memref<2x128x64xf32, #tpu.memory_space<vmem>>, vector<16xf32>,
      }
      %scan3A_254 = arith.constant 8 : i32
      %mul3A_255 = arith.constant 128 : i32
      %mul3A_256 = arith.muli %add3A_225, %mul3A_255 : i32
      %add3A_257 = arith.addi %mul3A_4, %mul3A_256 : i32
      %dma_start3A_258 = arith.constant 0 : i32
      %dma_start3A_259 = arith.constant 0 : i32
      %dma_start3A_260 = arith.constant 0 : i32
      %dma_start3A_261 = tpu.memref_slice %arg8[%dma_start3A_258, %dma_start3A_259, %dma_start3A_260] : memref<2x128x64xf32, #tpu.memory_space<vmem>> -> memref<1x128x64xf32, #tpu.memory_space<vmem>>
      %dma_start3A_262 = tpu.memref_squeeze %dma_start3A_261 : memref<1x128x64xf32, #tpu.memory_space<vmem>> -> memref<128x64xf32, #tpu.memory_space<vmem>>
      %dma_start3A_263 = arith.constant 0 : i32
      %dma_start3A_264 = tpu.memref_slice %arg4[%add3A_257, %dma_start3A_263] : memref<819200x64xf32, #tpu.memory_space<hbm>> -> memref<128x64xf32, #tpu.memory_space<hbm>>
      %dma_start3A_265 = arith.constant 0 : i32
      %dma_start3A_266 = tpu.memref_slice %arg4[%add3A_257, %dma_start3A_265] : memref<819200x64xf32, #tpu.memory_space<hbm>> -> memref<128x64xf32, #tpu.memory_space<hbm>>
      %dma_start3A_267 = arith.constant 0 : i32
      %dma_start3A_268 = arith.constant 0 : i32
      %dma_start3A_269 = tpu.memref_slice %arg8[%dma_start3A_258, %dma_start3A_267, %dma_start3A_268] : memref<2x128x64xf32, #tpu.memory_space<vmem>> -> memref<1x128x64xf32, #tpu.memory_space<vmem>>
      %dma_start3A_270 = tpu.memref_squeeze %dma_start3A_269 : memref<1x128x64xf32, #tpu.memory_space<vmem>> -> memref<128x64xf32, #tpu.memory_space<vmem>>
      tpu.enqueue_dma source(%dma_start3A_270 : memref<128x64xf32, #tpu.memory_space<vmem>>) target(%dma_start3A_266 : memref<128x64xf32, #tpu.memory_space<hbm>>) target_semaphore(%arg10 : memref<!tpu.dma_semaphore, #tpu.memory_space<semaphore_mem>>)
      %add3A_271 = arith.constant 1 : i32
      %add3A_272 = arith.addi %mul3A_223, %add3A_271 : i32
      %add3A_273 = arith.constant 1 : i32
      %add3A_274 = arith.addi %add3A_272, %add3A_273 : i32
      %lt3A_275 = arith.constant 200 : i32
      %lt3A_276 = arith.cmpi slt, %add3A_274, %lt3A_275 : i32
      %convert_element_type3A_277 = arith.extui %lt3A_276 : i1 to i32
      %cond3A_278 = arith.constant 0 : i32
      %cond3A_279 = arith.cmpi ne, %convert_element_type3A_277, %cond3A_278 : i32
      scf.if %cond3A_279 {
        %add3A_322 = arith.constant 1 : i32
        %add3A_323 = arith.addi %add3A_272, %add3A_322 : i32
        %add3A_324 = arith.addi %mul3A_2, %add3A_323 : i32
        %run_scoped3A_325 = arith.constant 0 : i32
        "tpu.region"() ({
          %run_scoped3A_463 = tpu.sem_alloc : memref<!tpu.dma_semaphore, #tpu.memory_space<semaphore_mem>>
          %dma_start3A_464 = arith.constant 0 : i32
          %dma_start3A_465 = arith.constant 0 : i32
          %dma_start3A_466 = tpu.memref_slice %arg5[%run_scoped3A_325, %dma_start3A_464, %dma_start3A_465] : memref<2x1x128xi32, #tpu.memory_space<vmem>> -> memref<1x1x128xi32, #tpu.memory_space<vmem>>
          %dma_start3A_467 = tpu.memref_squeeze %dma_start3A_466 : memref<1x1x128xi32, #tpu.memory_space<vmem>> -> memref<1x128xi32, #tpu.memory_space<vmem>>
          %dma_start3A_468 = arith.constant 0 : i32
          %dma_start3A_469 = tpu.memref_slice %arg3[%add3A_324, %dma_start3A_468] : memref<6400x128xi32, #tpu.memory_space<hbm>> -> memref<1x128xi32, #tpu.memory_space<hbm>>
          %dma_start3A_470 = arith.constant 0 : i32
          %dma_start3A_471 = arith.constant 0 : i32
          %dma_start3A_472 = tpu.memref_slice %arg5[%run_scoped3A_325, %dma_start3A_470, %dma_start3A_471] : memref<2x1x128xi32, #tpu.memory_space<vmem>> -> memref<1x1x128xi32, #tpu.memory_space<vmem>>
          %dma_start3A_473 = tpu.memref_squeeze %dma_start3A_472 : memref<1x1x128xi32, #tpu.memory_space<vmem>> -> memref<1x128xi32, #tpu.memory_space<vmem>>
          %dma_start3A_474 = arith.constant 0 : i32
          %dma_start3A_475 = tpu.memref_slice %arg3[%add3A_324, %dma_start3A_474] : memref<6400x128xi32, #tpu.memory_space<hbm>> -> memref<1x128xi32, #tpu.memory_space<hbm>>
          tpu.enqueue_dma source(%dma_start3A_475 : memref<1x128xi32, #tpu.memory_space<hbm>>) target(%dma_start3A_473 : memref<1x128xi32, #tpu.memory_space<vmem>>) target_semaphore(%run_scoped3A_463 : memref<!tpu.dma_semaphore, #tpu.memory_space<semaphore_mem>>)
          %dma_wait3A_476 = arith.constant 0 : i32
          %dma_wait3A_477 = arith.constant 0 : i32
          %dma_wait3A_478 = tpu.memref_slice %arg5[%run_scoped3A_325, %dma_wait3A_476, %dma_wait3A_477] : memref<2x1x128xi32, #tpu.memory_space<vmem>> -> memref<1x1x128xi32, #tpu.memory_space<vmem>>
          %dma_wait3A_479 = tpu.memref_squeeze %dma_wait3A_478 : memref<1x1x128xi32, #tpu.memory_space<vmem>> -> memref<1x128xi32, #tpu.memory_space<vmem>>
          %dma_wait3A_480 = arith.constant 0 : i32
          %dma_wait3A_481 = tpu.memref_slice %arg3[%add3A_324, %dma_wait3A_480] : memref<6400x128xi32, #tpu.memory_space<hbm>> -> memref<1x128xi32, #tpu.memory_space<hbm>>
          %dma_wait3A_482 = arith.constant 0 : i32
          %dma_wait3A_483 = arith.constant 0 : i32
          %dma_wait3A_484 = tpu.memref_slice %arg5[%run_scoped3A_325, %dma_wait3A_482, %dma_wait3A_483] : memref<2x1x128xi32, #tpu.memory_space<vmem>> -> memref<1x1x128xi32, #tpu.memory_space<vmem>>
          %dma_wait3A_485 = tpu.memref_squeeze %dma_wait3A_484 : memref<1x1x128xi32, #tpu.memory_space<vmem>> -> memref<1x128xi32, #tpu.memory_space<vmem>>
          %dma_wait3A_486 = arith.constant 0 : i32
          %dma_wait3A_487 = tpu.memref_slice %arg3[%add3A_324, %dma_wait3A_486] : memref<6400x128xi32, #tpu.memory_space<hbm>> -> memref<1x128xi32, #tpu.memory_space<hbm>>
          tpu.wait_dma2 semaphore(%run_scoped3A_463 : memref<!tpu.dma_semaphore, #tpu.memory_space<semaphore_mem>>) src(%dma_wait3A_487 : memref<1x128xi32, #tpu.memory_space<hbm>>) dst(%dma_wait3A_485 : memref<1x128xi32, #tpu.memory_space<vmem>>)
          tpu.yield
        }) : () -> ()
        %get3A_326 = arith.constant 0 : i32
        %get3A_327 = arith.constant 0 : i32
        %get3A_328 = arith.index_cast %get3A_326 : i32 to index
        %get3A_329 = arith.index_cast %get3A_327 : i32 to index
        %get3A_330 = arith.constant 0 : index
        %get3A_331 = tpu.vector_load %arg5[%get3A_328, %get3A_329, %get3A_330] {strides = array<i32>} : memref<2x1x128xi32, #tpu.memory_space<vmem>>, vector<16xi32>,
        %shift_right_arithmetic3A_332 = arith.constant 1 : i32
        %shift_right_arithmetic3A_333 = vector.broadcast %shift_right_arithmetic3A_332 : i32 to vector<16xi32>
        %shift_right_arithmetic3A_334 = arith.shrsi %get3A_331, %shift_right_arithmetic3A_333 : vector<16xi32>
        %swap3A_335 = arith.constant 0 : i32
        %swap3A_336 = arith.constant 0 : i32
        %swap3A_337 = arith.index_cast %swap3A_335 : i32 to index
        %swap3A_338 = arith.index_cast %swap3A_336 : i32 to index
        %swap3A_339 = arith.constant 0 : index
        %swap3A_340 = tpu.vector_load %arg6[%swap3A_337, %swap3A_338, %swap3A_339] {strides = array<i32>} : memref<2x1x128xi32, #tpu.memory_space<vmem>>, vector<16xi32>,
        tpu.vector_store %arg6[%swap3A_337, %swap3A_338, %swap3A_339], %shift_right_arithmetic3A_334 {strides = array<i32>} : memref<2x1x128xi32, #tpu.memory_space<vmem>>, vector<16xi32>,
        %get3A_341 = arith.constant 0 : i32
        %get3A_342 = arith.constant 0 : i32
        %get3A_343 = arith.index_cast %get3A_341 : i32 to index
        %get3A_344 = arith.index_cast %get3A_342 : i32 to index
        %get3A_345 = arith.constant 16 : index
        %get3A_346 = tpu.vector_load %arg5[%get3A_343, %get3A_344, %get3A_345] {strides = array<i32>} : memref<2x1x128xi32, #tpu.memory_space<vmem>>, vector<16xi32>,
        %shift_right_arithmetic3A_347 = arith.constant 1 : i32
        %shift_right_arithmetic3A_348 = vector.broadcast %shift_right_arithmetic3A_347 : i32 to vector<16xi32>
        %shift_right_arithmetic3A_349 = arith.shrsi %get3A_346, %shift_right_arithmetic3A_348 : vector<16xi32>
        %swap3A_350 = arith.constant 0 : i32
        %swap3A_351 = arith.constant 0 : i32
        %swap3A_352 = arith.index_cast %swap3A_350 : i32 to index
        %swap3A_353 = arith.index_cast %swap3A_351 : i32 to index
        %swap3A_354 = arith.constant 16 : index
        %swap3A_355 = tpu.vector_load %arg6[%swap3A_352, %swap3A_353, %swap3A_354] {strides = array<i32>} : memref<2x1x128xi32, #tpu.memory_space<vmem>>, vector<16xi32>,
        tpu.vector_store %arg6[%swap3A_352, %swap3A_353, %swap3A_354], %shift_right_arithmetic3A_349 {strides = array<i32>} : memref<2x1x128xi32, #tpu.memory_space<vmem>>, vector<16xi32>,
        %get3A_356 = arith.constant 0 : i32
        %get3A_357 = arith.constant 0 : i32
        %get3A_358 = arith.index_cast %get3A_356 : i32 to index
        %get3A_359 = arith.index_cast %get3A_357 : i32 to index
        %get3A_360 = arith.constant 32 : index
        %get3A_361 = tpu.vector_load %arg5[%get3A_358, %get3A_359, %get3A_360] {strides = array<i32>} : memref<2x1x128xi32, #tpu.memory_space<vmem>>, vector<16xi32>,
        %shift_right_arithmetic3A_362 = arith.constant 1 : i32
        %shift_right_arithmetic3A_363 = vector.broadcast %shift_right_arithmetic3A_362 : i32 to vector<16xi32>
        %shift_right_arithmetic3A_364 = arith.shrsi %get3A_361, %shift_right_arithmetic3A_363 : vector<16xi32>
        %swap3A_365 = arith.constant 0 : i32
        %swap3A_366 = arith.constant 0 : i32
        %swap3A_367 = arith.index_cast %swap3A_365 : i32 to index
        %swap3A_368 = arith.index_cast %swap3A_366 : i32 to index
        %swap3A_369 = arith.constant 32 : index
        %swap3A_370 = tpu.vector_load %arg6[%swap3A_367, %swap3A_368, %swap3A_369] {strides = array<i32>} : memref<2x1x128xi32, #tpu.memory_space<vmem>>, vector<16xi32>,
        tpu.vector_store %arg6[%swap3A_367, %swap3A_368, %swap3A_369], %shift_right_arithmetic3A_364 {strides = array<i32>} : memref<2x1x128xi32, #tpu.memory_space<vmem>>, vector<16xi32>,
        %get3A_371 = arith.constant 0 : i32
        %get3A_372 = arith.constant 0 : i32
        %get3A_373 = arith.index_cast %get3A_371 : i32 to index
        %get3A_374 = arith.index_cast %get3A_372 : i32 to index
        %get3A_375 = arith.constant 48 : index
        %get3A_376 = tpu.vector_load %arg5[%get3A_373, %get3A_374, %get3A_375] {strides = array<i32>} : memref<2x1x128xi32, #tpu.memory_space<vmem>>, vector<16xi32>,
        %shift_right_arithmetic3A_377 = arith.constant 1 : i32
        %shift_right_arithmetic3A_378 = vector.broadcast %shift_right_arithmetic3A_377 : i32 to vector<16xi32>
        %shift_right_arithmetic3A_379 = arith.shrsi %get3A_376, %shift_right_arithmetic3A_378 : vector<16xi32>
        %swap3A_380 = arith.constant 0 : i32
        %swap3A_381 = arith.constant 0 : i32
        %swap3A_382 = arith.index_cast %swap3A_380 : i32 to index
        %swap3A_383 = arith.index_cast %swap3A_381 : i32 to index
        %swap3A_384 = arith.constant 48 : index
        %swap3A_385 = tpu.vector_load %arg6[%swap3A_382, %swap3A_383, %swap3A_384] {strides = array<i32>} : memref<2x1x128xi32, #tpu.memory_space<vmem>>, vector<16xi32>,
        tpu.vector_store %arg6[%swap3A_382, %swap3A_383, %swap3A_384], %shift_right_arithmetic3A_379 {strides = array<i32>} : memref<2x1x128xi32, #tpu.memory_space<vmem>>, vector<16xi32>,
        %get3A_386 = arith.constant 0 : i32
        %get3A_387 = arith.constant 0 : i32
        %get3A_388 = arith.index_cast %get3A_386 : i32 to index
        %get3A_389 = arith.index_cast %get3A_387 : i32 to index
        %get3A_390 = arith.constant 64 : index
        %get3A_391 = tpu.vector_load %arg5[%get3A_388, %get3A_389, %get3A_390] {strides = array<i32>} : memref<2x1x128xi32, #tpu.memory_space<vmem>>, vector<16xi32>,
        %shift_right_arithmetic3A_392 = arith.constant 1 : i32
        %shift_right_arithmetic3A_393 = vector.broadcast %shift_right_arithmetic3A_392 : i32 to vector<16xi32>
        %shift_right_arithmetic3A_394 = arith.shrsi %get3A_391, %shift_right_arithmetic3A_393 : vector<16xi32>
        %swap3A_395 = arith.constant 0 : i32
        %swap3A_396 = arith.constant 0 : i32
        %swap3A_397 = arith.index_cast %swap3A_395 : i32 to index
        %swap3A_398 = arith.index_cast %swap3A_396 : i32 to index
        %swap3A_399 = arith.constant 64 : index
        %swap3A_400 = tpu.vector_load %arg6[%swap3A_397, %swap3A_398, %swap3A_399] {strides = array<i32>} : memref<2x1x128xi32, #tpu.memory_space<vmem>>, vector<16xi32>,
        tpu.vector_store %arg6[%swap3A_397, %swap3A_398, %swap3A_399], %shift_right_arithmetic3A_394 {strides = array<i32>} : memref<2x1x128xi32, #tpu.memory_space<vmem>>, vector<16xi32>,
        %get3A_401 = arith.constant 0 : i32
        %get3A_402 = arith.constant 0 : i32
        %get3A_403 = arith.index_cast %get3A_401 : i32 to index
        %get3A_404 = arith.index_cast %get3A_402 : i32 to index
        %get3A_405 = arith.constant 80 : index
        %get3A_406 = tpu.vector_load %arg5[%get3A_403, %get3A_404, %get3A_405] {strides = array<i32>} : memref<2x1x128xi32, #tpu.memory_space<vmem>>, vector<16xi32>,
        %shift_right_arithmetic3A_407 = arith.constant 1 : i32
        %shift_right_arithmetic3A_408 = vector.broadcast %shift_right_arithmetic3A_407 : i32 to vector<16xi32>
        %shift_right_arithmetic3A_409 = arith.shrsi %get3A_406, %shift_right_arithmetic3A_408 : vector<16xi32>
        %swap3A_410 = arith.constant 0 : i32
        %swap3A_411 = arith.constant 0 : i32
        %swap3A_412 = arith.index_cast %swap3A_410 : i32 to index
        %swap3A_413 = arith.index_cast %swap3A_411 : i32 to index
        %swap3A_414 = arith.constant 80 : index
        %swap3A_415 = tpu.vector_load %arg6[%swap3A_412, %swap3A_413, %swap3A_414] {strides = array<i32>} : memref<2x1x128xi32, #tpu.memory_space<vmem>>, vector<16xi32>,
        tpu.vector_store %arg6[%swap3A_412, %swap3A_413, %swap3A_414], %shift_right_arithmetic3A_409 {strides = array<i32>} : memref<2x1x128xi32, #tpu.memory_space<vmem>>, vector<16xi32>,
        %get3A_416 = arith.constant 0 : i32
        %get3A_417 = arith.constant 0 : i32
        %get3A_418 = arith.index_cast %get3A_416 : i32 to index
        %get3A_419 = arith.index_cast %get3A_417 : i32 to index
        %get3A_420 = arith.constant 96 : index
        %get3A_421 = tpu.vector_load %arg5[%get3A_418, %get3A_419, %get3A_420] {strides = array<i32>} : memref<2x1x128xi32, #tpu.memory_space<vmem>>, vector<16xi32>,
        %shift_right_arithmetic3A_422 = arith.constant 1 : i32
        %shift_right_arithmetic3A_423 = vector.broadcast %shift_right_arithmetic3A_422 : i32 to vector<16xi32>
        %shift_right_arithmetic3A_424 = arith.shrsi %get3A_421, %shift_right_arithmetic3A_423 : vector<16xi32>
        %swap3A_425 = arith.constant 0 : i32
        %swap3A_426 = arith.constant 0 : i32
        %swap3A_427 = arith.index_cast %swap3A_425 : i32 to index
        %swap3A_428 = arith.index_cast %swap3A_426 : i32 to index
        %swap3A_429 = arith.constant 96 : index
        %swap3A_430 = tpu.vector_load %arg6[%swap3A_427, %swap3A_428, %swap3A_429] {strides = array<i32>} : memref<2x1x128xi32, #tpu.memory_space<vmem>>, vector<16xi32>,
        tpu.vector_store %arg6[%swap3A_427, %swap3A_428, %swap3A_429], %shift_right_arithmetic3A_424 {strides = array<i32>} : memref<2x1x128xi32, #tpu.memory_space<vmem>>, vector<16xi32>,
        %get3A_431 = arith.constant 0 : i32
        %get3A_432 = arith.constant 0 : i32
        %get3A_433 = arith.index_cast %get3A_431 : i32 to index
        %get3A_434 = arith.index_cast %get3A_432 : i32 to index
        %get3A_435 = arith.constant 112 : index
        %get3A_436 = tpu.vector_load %arg5[%get3A_433, %get3A_434, %get3A_435] {strides = array<i32>} : memref<2x1x128xi32, #tpu.memory_space<vmem>>, vector<16xi32>,
        %shift_right_arithmetic3A_437 = arith.constant 1 : i32
        %shift_right_arithmetic3A_438 = vector.broadcast %shift_right_arithmetic3A_437 : i32 to vector<16xi32>
        %shift_right_arithmetic3A_439 = arith.shrsi %get3A_436, %shift_right_arithmetic3A_438 : vector<16xi32>
        %swap3A_440 = arith.constant 0 : i32
        %swap3A_441 = arith.constant 0 : i32
        %swap3A_442 = arith.index_cast %swap3A_440 : i32 to index
        %swap3A_443 = arith.index_cast %swap3A_441 : i32 to index
        %swap3A_444 = arith.constant 112 : index
        %swap3A_445 = tpu.vector_load %arg6[%swap3A_442, %swap3A_443, %swap3A_444] {strides = array<i32>} : memref<2x1x128xi32, #tpu.memory_space<vmem>>, vector<16xi32>,
        tpu.vector_store %arg6[%swap3A_442, %swap3A_443, %swap3A_444], %shift_right_arithmetic3A_439 {strides = array<i32>} : memref<2x1x128xi32, #tpu.memory_space<vmem>>, vector<16xi32>,
        %dma_start3A_446 = arith.constant 0 : i32
        %dma_start3A_447 = arith.constant 0 : i32
        %dma_start3A_448 = arith.constant 0 : i32
        %dma_start3A_449 = arith.constant 0 : i32
        %dma_start3A_450 = arith.constant 0 : i32
        %dma_start3A_451 = tpu.memref_slice %arg7[%dma_start3A_448, %dma_start3A_449, %dma_start3A_450] : memref<2x128x128xf32, #tpu.memory_space<vmem>> -> memref<1x128x128xf32, #tpu.memory_space<vmem>>
        %dma_start3A_452 = tpu.memref_squeeze %dma_start3A_451 : memref<1x128x128xf32, #tpu.memory_space<vmem>> -> memref<128x128xf32, #tpu.memory_space<vmem>>
        %dma_start3A_453 = arith.constant 0 : i32
        %dma_start3A_454 = arith.constant 0 : i32
        %dma_start3A_455 = tpu.memref_slice %arg6[%dma_start3A_446, %dma_start3A_453, %dma_start3A_454] : memref<2x1x128xi32, #tpu.memory_space<vmem>> -> memref<1x1x128xi32, #tpu.memory_space<vmem>>
        %dma_start3A_456 = tpu.memref_squeeze %dma_start3A_455 : memref<1x1x128xi32, #tpu.memory_space<vmem>> -> memref<1x128xi32, #tpu.memory_space<vmem>>
        %dma_start3A_457 = arith.constant 0 : i32
        %dma_start3A_458 = tpu.memref_slice %dma_start3A_456[%dma_start3A_447, %dma_start3A_457] : memref<1x128xi32, #tpu.memory_space<vmem>> -> memref<1x128xi32, #tpu.memory_space<vmem>>
        %dma_start3A_459 = tpu.memref_squeeze %dma_start3A_458 : memref<1x128xi32, #tpu.memory_space<vmem>> -> memref<128xi32, #tpu.memory_space<vmem>>
        %dma_start3A_460 = arith.constant 0 : i32
        %dma_start3A_461 = arith.constant 0 : i32
        %dma_start3A_462 = tpu.memref_slice %arg2[%dma_start3A_460, %dma_start3A_461] : memref<500000x128xf32, #tpu.memory_space<hbm>> -> memref<500000x128xf32, #tpu.memory_space<hbm>>
        tpu.enqueue_indirect_dma source(%dma_start3A_462 : memref<500000x128xf32, #tpu.memory_space<hbm>>) target(%dma_start3A_452 : memref<128x128xf32, #tpu.memory_space<vmem>>) offsets(%dma_start3A_459 : memref<128xi32, #tpu.memory_space<vmem>>) semaphore(%arg9 : memref<!tpu.dma_semaphore, #tpu.memory_space<semaphore_mem>>)
      } else {
      }
      %dma_wait3A_280 = arith.constant 1 : i32
      %dma_wait3A_281 = arith.constant 0 : i32
      %dma_wait3A_282 = arith.constant 0 : i32
      %dma_wait3A_283 = tpu.memref_slice %arg7[%dma_wait3A_280, %dma_wait3A_281, %dma_wait3A_282] : memref<2x128x128xf32, #tpu.memory_space<vmem>> -> memref<1x128x128xf32, #tpu.memory_space<vmem>>
      %dma_wait3A_284 = tpu.memref_squeeze %dma_wait3A_283 : memref<1x128x128xf32, #tpu.memory_space<vmem>> -> memref<128x128xf32, #tpu.memory_space<vmem>>
      %dma_wait3A_285 = arith.constant 0 : i32
      %dma_wait3A_286 = arith.constant 0 : i32
      %dma_wait3A_287 = tpu.memref_slice %arg2[%dma_wait3A_285, %dma_wait3A_286] : memref<500000x128xf32, #tpu.memory_space<hbm>> -> memref<128x128xf32, #tpu.memory_space<hbm>>
      %dma_wait3A_288 = arith.constant 0 : i32
      %dma_wait3A_289 = arith.constant 0 : i32
      %dma_wait3A_290 = tpu.memref_slice %arg7[%dma_wait3A_280, %dma_wait3A_288, %dma_wait3A_289] : memref<2x128x128xf32, #tpu.memory_space<vmem>> -> memref<1x128x128xf32, #tpu.memory_space<vmem>>
      %dma_wait3A_291 = tpu.memref_squeeze %dma_wait3A_290 : memref<1x128x128xf32, #tpu.memory_space<vmem>> -> memref<128x128xf32, #tpu.memory_space<vmem>>
      %dma_wait3A_292 = arith.constant 0 : i32
      %dma_wait3A_293 = arith.constant 0 : i32
      %dma_wait3A_294 = tpu.memref_slice %arg2[%dma_wait3A_292, %dma_wait3A_293] : memref<500000x128xf32, #tpu.memory_space<hbm>> -> memref<128x128xf32, #tpu.memory_space<hbm>>
      tpu.wait_dma2 semaphore(%arg9 : memref<!tpu.dma_semaphore, #tpu.memory_space<semaphore_mem>>) src(%dma_wait3A_294 : memref<128x128xf32, #tpu.memory_space<hbm>>) dst(%dma_wait3A_291 : memref<128x128xf32, #tpu.memory_space<vmem>>)
      %ge3A_295 = arith.constant 2 : i32
      %ge3A_296 = arith.cmpi sge, %add3A_272, %ge3A_295 : i32
      %convert_element_type3A_297 = arith.extui %ge3A_296 : i1 to i32
      %cond3A_298 = arith.constant 0 : i32
      %cond3A_299 = arith.cmpi ne, %convert_element_type3A_297, %cond3A_298 : i32
      scf.if %cond3A_299 {
        %dma_wait3A_322 = arith.constant 1 : i32
        %dma_wait3A_323 = arith.constant 0 : i32
        %dma_wait3A_324 = arith.constant 0 : i32
        %dma_wait3A_325 = tpu.memref_slice %arg8[%dma_wait3A_322, %dma_wait3A_323, %dma_wait3A_324] : memref<2x128x64xf32, #tpu.memory_space<vmem>> -> memref<1x128x64xf32, #tpu.memory_space<vmem>>
        %dma_wait3A_326 = tpu.memref_squeeze %dma_wait3A_325 : memref<1x128x64xf32, #tpu.memory_space<vmem>> -> memref<128x64xf32, #tpu.memory_space<vmem>>
        %dma_wait3A_327 = arith.constant 0 : i32
        %dma_wait3A_328 = arith.constant 0 : i32
        %dma_wait3A_329 = tpu.memref_slice %arg4[%dma_wait3A_327, %dma_wait3A_328] : memref<819200x64xf32, #tpu.memory_space<hbm>> -> memref<128x64xf32, #tpu.memory_space<hbm>>
        %dma_wait3A_330 = arith.constant 0 : i32
        %dma_wait3A_331 = arith.constant 0 : i32
        %dma_wait3A_332 = tpu.memref_slice %arg4[%dma_wait3A_330, %dma_wait3A_331] : memref<819200x64xf32, #tpu.memory_space<hbm>> -> memref<128x64xf32, #tpu.memory_space<hbm>>
        %dma_wait3A_333 = arith.constant 0 : i32
        %dma_wait3A_334 = arith.constant 0 : i32
        %dma_wait3A_335 = tpu.memref_slice %arg8[%dma_wait3A_322, %dma_wait3A_333, %dma_wait3A_334] : memref<2x128x64xf32, #tpu.memory_space<vmem>> -> memref<1x128x64xf32, #tpu.memory_space<vmem>>
        %dma_wait3A_336 = tpu.memref_squeeze %dma_wait3A_335 : memref<1x128x64xf32, #tpu.memory_space<vmem>> -> memref<128x64xf32, #tpu.memory_space<vmem>>
        tpu.wait_dma2 semaphore(%arg10 : memref<!tpu.dma_semaphore, #tpu.memory_space<semaphore_mem>>) src(%dma_wait3A_336 : memref<128x64xf32, #tpu.memory_space<vmem>>) dst(%dma_wait3A_332 : memref<128x64xf32, #tpu.memory_space<hbm>>)
      } else {
      }
      %scan3A_300 = arith.constant 0 : i32
      %scan3A_301 = arith.constant 0 : i32
      %scan3A_302 = arith.constant 8 : i32
      %scan3A_303 = arith.addi %scan3A_301, %scan3A_302 : i32
      %scan3A_304 = arith.constant 1 : i32
      scf.for %scan3A_322 = %scan3A_301 to %scan3A_303 step %scan3A_304  : i32 {
        %mul3A_323 = arith.constant 16 : i32
        %mul3A_324 = arith.muli %scan3A_322, %mul3A_323 : i32
        %get3A_325 = arith.constant 1 : i32
        %get3A_326 = arith.constant 0 : i32
        %get3A_327 = arith.index_cast %get3A_325 : i32 to index
        %get3A_328 = arith.index_cast %get3A_326 : i32 to index
        %get3A_329 = arith.index_cast %mul3A_324 : i32 to index
        %get3A_330 = tpu.vector_load %arg5[%get3A_327, %get3A_328, %get3A_329] {strides = array<i32>} : memref<2x1x128xi32, #tpu.memory_space<vmem>>, vector<16xi32>,
        %and3A = arith.constant 1 : i32
        %and3A_331 = vector.broadcast %and3A : i32 to vector<16xi32>
        %and3A_332 = arith.andi %get3A_330, %and3A_331 : vector<16xi32>
        %shift_left3A = arith.constant 6 : i32
        %shift_left3A_333 = vector.broadcast %shift_left3A : i32 to vector<16xi32>
        %shift_left3A_334 = arith.shli %and3A_332, %shift_left3A_333 : vector<16xi32>
        %broadcast_in_dim3A = arith.constant 0.000000e+00 : f32
        %broadcast_in_dim3A_335 = vector.broadcast %broadcast_in_dim3A : f32 to vector<16xf32>
        %add3A_336 = arith.constant 0 : i32
        %add3A_337 = arith.addi %mul3A_324, %add3A_336 : i32
        %slice3A = vector.extract_strided_slice %shift_left3A_334 {offsets = [0], sizes = [1], strides = [1]} : vector<16xi32> to vector<1xi32>
        %squeeze3A = vector.extract %slice3A[0] : i32 from vector<1xi32>
        %get3A_338 = arith.constant 1 : i32
        %get3A_339 = arith.index_cast %get3A_338 : i32 to index
        %get3A_340 = arith.index_cast %add3A_337 : i32 to index
        %get3A_341 = arith.index_cast %squeeze3A : i32 to index
        %get3A_342 = tpu.vector_load %arg7[%get3A_339, %get3A_340, %get3A_341] {strides = array<i32>} : memref<2x128x128xf32, #tpu.memory_space<vmem>>, vector<16xf32>,
        %add3A_343 = arith.constant 16 : i32
        %add3A_344 = arith.addi %squeeze3A, %add3A_343 : i32
        %get3A_345 = arith.constant 1 : i32
        %get3A_346 = arith.index_cast %get3A_345 : i32 to index
        %get3A_347 = arith.index_cast %add3A_337 : i32 to index
        %get3A_348 = arith.index_cast %add3A_344 : i32 to index
        %get3A_349 = tpu.vector_load %arg7[%get3A_346, %get3A_347, %get3A_348] {strides = array<i32>} : memref<2x128x128xf32, #tpu.memory_space<vmem>>, vector<16xf32>,
        %add3A_350 = arith.constant 32 : i32
        %add3A_351 = arith.addi %squeeze3A, %add3A_350 : i32
        %get3A_352 = arith.constant 1 : i32
        %get3A_353 = arith.index_cast %get3A_352 : i32 to index
        %get3A_354 = arith.index_cast %add3A_337 : i32 to index
        %get3A_355 = arith.index_cast %add3A_351 : i32 to index
        %get3A_356 = tpu.vector_load %arg7[%get3A_353, %get3A_354, %get3A_355] {strides = array<i32>} : memref<2x128x128xf32, #tpu.memory_space<vmem>>, vector<16xf32>,
        %add3A_357 = arith.constant 48 : i32
        %add3A_358 = arith.addi %squeeze3A, %add3A_357 : i32
        %get3A_359 = arith.constant 1 : i32
        %get3A_360 = arith.index_cast %get3A_359 : i32 to index
        %get3A_361 = arith.index_cast %add3A_337 : i32 to index
        %get3A_362 = arith.index_cast %add3A_358 : i32 to index
        %get3A_363 = tpu.vector_load %arg7[%get3A_360, %get3A_361, %get3A_362] {strides = array<i32>} : memref<2x128x128xf32, #tpu.memory_space<vmem>>, vector<16xf32>,
        %mul3A_364 = arith.mulf %get3A_342, %get3A_342 : vector<16xf32>
        %mul3A_365 = arith.mulf %get3A_349, %get3A_349 : vector<16xf32>
        %add3A_366 = arith.addf %mul3A_364, %mul3A_365 : vector<16xf32>
        %mul3A_367 = arith.mulf %get3A_356, %get3A_356 : vector<16xf32>
        %add3A_368 = arith.addf %add3A_366, %mul3A_367 : vector<16xf32>
        %mul3A_369 = arith.mulf %get3A_363, %get3A_363 : vector<16xf32>
        %add3A_370 = arith.addf %add3A_368, %mul3A_369 : vector<16xf32>
        %reduce_sum3A = arith.constant true
        %reduce_sum3A_371 = vector.broadcast %reduce_sum3A : i1 to vector<16xi1>
        %reduce_sum3A_372 = tpu.scan <sum>, %add3A_370 masked %reduce_sum3A_371 : vector<16xf32>, vector<16xi1> -> vector<16xf32>
        %reduce_sum3A_373 = vector.extract %reduce_sum3A_372[15] : f32 from vector<16xf32>
        %broadcast_in_dim3A_374 = vector.broadcast %reduce_sum3A_373 : f32 to vector<16xf32>
        %select_n3A = arith.select %eq3A_6, %broadcast_in_dim3A_374, %broadcast_in_dim3A_335 : vector<16xi1>, vector<16xf32>
        %add3A_375 = arith.constant 1 : i32
        %add3A_376 = arith.addi %mul3A_324, %add3A_375 : i32
        %slice3A_377 = vector.extract_strided_slice %shift_left3A_334 {offsets = [1], sizes = [1], strides = [1]} : vector<16xi32> to vector<1xi32>
        %squeeze3A_378 = vector.extract %slice3A_377[0] : i32 from vector<1xi32>
        %get3A_379 = arith.constant 1 : i32
        %get3A_380 = arith.index_cast %get3A_379 : i32 to index
        %get3A_381 = arith.index_cast %add3A_376 : i32 to index
        %get3A_382 = arith.index_cast %squeeze3A_378 : i32 to index
        %get3A_383 = tpu.vector_load %arg7[%get3A_380, %get3A_381, %get3A_382] {strides = array<i32>} : memref<2x128x128xf32, #tpu.memory_space<vmem>>, vector<16xf32>,
        %add3A_384 = arith.constant 16 : i32
        %add3A_385 = arith.addi %squeeze3A_378, %add3A_384 : i32
        %get3A_386 = arith.constant 1 : i32
        %get3A_387 = arith.index_cast %get3A_386 : i32 to index
        %get3A_388 = arith.index_cast %add3A_376 : i32 to index
        %get3A_389 = arith.index_cast %add3A_385 : i32 to index
        %get3A_390 = tpu.vector_load %arg7[%get3A_387, %get3A_388, %get3A_389] {strides = array<i32>} : memref<2x128x128xf32, #tpu.memory_space<vmem>>, vector<16xf32>,
        %add3A_391 = arith.constant 32 : i32
        %add3A_392 = arith.addi %squeeze3A_378, %add3A_391 : i32
        %get3A_393 = arith.constant 1 : i32
        %get3A_394 = arith.index_cast %get3A_393 : i32 to index
        %get3A_395 = arith.index_cast %add3A_376 : i32 to index
        %get3A_396 = arith.index_cast %add3A_392 : i32 to index
        %get3A_397 = tpu.vector_load %arg7[%get3A_394, %get3A_395, %get3A_396] {strides = array<i32>} : memref<2x128x128xf32, #tpu.memory_space<vmem>>, vector<16xf32>,
        %add3A_398 = arith.constant 48 : i32
        %add3A_399 = arith.addi %squeeze3A_378, %add3A_398 : i32
        %get3A_400 = arith.constant 1 : i32
        %get3A_401 = arith.index_cast %get3A_400 : i32 to index
        %get3A_402 = arith.index_cast %add3A_376 : i32 to index
        %get3A_403 = arith.index_cast %add3A_399 : i32 to index
        %get3A_404 = tpu.vector_load %arg7[%get3A_401, %get3A_402, %get3A_403] {strides = array<i32>} : memref<2x128x128xf32, #tpu.memory_space<vmem>>, vector<16xf32>,
        %mul3A_405 = arith.mulf %get3A_383, %get3A_383 : vector<16xf32>
        %mul3A_406 = arith.mulf %get3A_390, %get3A_390 : vector<16xf32>
        %add3A_407 = arith.addf %mul3A_405, %mul3A_406 : vector<16xf32>
        %mul3A_408 = arith.mulf %get3A_397, %get3A_397 : vector<16xf32>
        %add3A_409 = arith.addf %add3A_407, %mul3A_408 : vector<16xf32>
        %mul3A_410 = arith.mulf %get3A_404, %get3A_404 : vector<16xf32>
        %add3A_411 = arith.addf %add3A_409, %mul3A_410 : vector<16xf32>
        %reduce_sum3A_412 = arith.constant true
        %reduce_sum3A_413 = vector.broadcast %reduce_sum3A_412 : i1 to vector<16xi1>
        %reduce_sum3A_414 = tpu.scan <sum>, %add3A_411 masked %reduce_sum3A_413 : vector<16xf32>, vector<16xi1> -> vector<16xf32>
        %reduce_sum3A_415 = vector.extract %reduce_sum3A_414[15] : f32 from vector<16xf32>
        %broadcast_in_dim3A_416 = vector.broadcast %reduce_sum3A_415 : f32 to vector<16xf32>
        %select_n3A_417 = arith.select %eq3A_9, %broadcast_in_dim3A_416, %select_n3A : vector<16xi1>, vector<16xf32>
        %add3A_418 = arith.constant 2 : i32
        %add3A_419 = arith.addi %mul3A_324, %add3A_418 : i32
        %slice3A_420 = vector.extract_strided_slice %shift_left3A_334 {offsets = [2], sizes = [1], strides = [1]} : vector<16xi32> to vector<1xi32>
        %squeeze3A_421 = vector.extract %slice3A_420[0] : i32 from vector<1xi32>
        %get3A_422 = arith.constant 1 : i32
        %get3A_423 = arith.index_cast %get3A_422 : i32 to index
        %get3A_424 = arith.index_cast %add3A_419 : i32 to index
        %get3A_425 = arith.index_cast %squeeze3A_421 : i32 to index
        %get3A_426 = tpu.vector_load %arg7[%get3A_423, %get3A_424, %get3A_425] {strides = array<i32>} : memref<2x128x128xf32, #tpu.memory_space<vmem>>, vector<16xf32>,
        %add3A_427 = arith.constant 16 : i32
        %add3A_428 = arith.addi %squeeze3A_421, %add3A_427 : i32
        %get3A_429 = arith.constant 1 : i32
        %get3A_430 = arith.index_cast %get3A_429 : i32 to index
        %get3A_431 = arith.index_cast %add3A_419 : i32 to index
        %get3A_432 = arith.index_cast %add3A_428 : i32 to index
        %get3A_433 = tpu.vector_load %arg7[%get3A_430, %get3A_431, %get3A_432] {strides = array<i32>} : memref<2x128x128xf32, #tpu.memory_space<vmem>>, vector<16xf32>,
        %add3A_434 = arith.constant 32 : i32
        %add3A_435 = arith.addi %squeeze3A_421, %add3A_434 : i32
        %get3A_436 = arith.constant 1 : i32
        %get3A_437 = arith.index_cast %get3A_436 : i32 to index
        %get3A_438 = arith.index_cast %add3A_419 : i32 to index
        %get3A_439 = arith.index_cast %add3A_435 : i32 to index
        %get3A_440 = tpu.vector_load %arg7[%get3A_437, %get3A_438, %get3A_439] {strides = array<i32>} : memref<2x128x128xf32, #tpu.memory_space<vmem>>, vector<16xf32>,
        %add3A_441 = arith.constant 48 : i32
        %add3A_442 = arith.addi %squeeze3A_421, %add3A_441 : i32
        %get3A_443 = arith.constant 1 : i32
        %get3A_444 = arith.index_cast %get3A_443 : i32 to index
        %get3A_445 = arith.index_cast %add3A_419 : i32 to index
        %get3A_446 = arith.index_cast %add3A_442 : i32 to index
        %get3A_447 = tpu.vector_load %arg7[%get3A_444, %get3A_445, %get3A_446] {strides = array<i32>} : memref<2x128x128xf32, #tpu.memory_space<vmem>>, vector<16xf32>,
        %mul3A_448 = arith.mulf %get3A_426, %get3A_426 : vector<16xf32>
        %mul3A_449 = arith.mulf %get3A_433, %get3A_433 : vector<16xf32>
        %add3A_450 = arith.addf %mul3A_448, %mul3A_449 : vector<16xf32>
        %mul3A_451 = arith.mulf %get3A_440, %get3A_440 : vector<16xf32>
        %add3A_452 = arith.addf %add3A_450, %mul3A_451 : vector<16xf32>
        %mul3A_453 = arith.mulf %get3A_447, %get3A_447 : vector<16xf32>
        %add3A_454 = arith.addf %add3A_452, %mul3A_453 : vector<16xf32>
        %reduce_sum3A_455 = arith.constant true
        %reduce_sum3A_456 = vector.broadcast %reduce_sum3A_455 : i1 to vector<16xi1>
        %reduce_sum3A_457 = tpu.scan <sum>, %add3A_454 masked %reduce_sum3A_456 : vector<16xf32>, vector<16xi1> -> vector<16xf32>
        %reduce_sum3A_458 = vector.extract %reduce_sum3A_457[15] : f32 from vector<16xf32>
        %broadcast_in_dim3A_459 = vector.broadcast %reduce_sum3A_458 : f32 to vector<16xf32>
        %select_n3A_460 = arith.select %eq3A_12, %broadcast_in_dim3A_459, %select_n3A_417 : vector<16xi1>, vector<16xf32>
        %add3A_461 = arith.constant 3 : i32
        %add3A_462 = arith.addi %mul3A_324, %add3A_461 : i32
        %slice3A_463 = vector.extract_strided_slice %shift_left3A_334 {offsets = [3], sizes = [1], strides = [1]} : vector<16xi32> to vector<1xi32>
        %squeeze3A_464 = vector.extract %slice3A_463[0] : i32 from vector<1xi32>
        %get3A_465 = arith.constant 1 : i32
        %get3A_466 = arith.index_cast %get3A_465 : i32 to index
        %get3A_467 = arith.index_cast %add3A_462 : i32 to index
        %get3A_468 = arith.index_cast %squeeze3A_464 : i32 to index
        %get3A_469 = tpu.vector_load %arg7[%get3A_466, %get3A_467, %get3A_468] {strides = array<i32>} : memref<2x128x128xf32, #tpu.memory_space<vmem>>, vector<16xf32>,
        %add3A_470 = arith.constant 16 : i32
        %add3A_471 = arith.addi %squeeze3A_464, %add3A_470 : i32
        %get3A_472 = arith.constant 1 : i32
        %get3A_473 = arith.index_cast %get3A_472 : i32 to index
        %get3A_474 = arith.index_cast %add3A_462 : i32 to index
        %get3A_475 = arith.index_cast %add3A_471 : i32 to index
        %get3A_476 = tpu.vector_load %arg7[%get3A_473, %get3A_474, %get3A_475] {strides = array<i32>} : memref<2x128x128xf32, #tpu.memory_space<vmem>>, vector<16xf32>,
        %add3A_477 = arith.constant 32 : i32
        %add3A_478 = arith.addi %squeeze3A_464, %add3A_477 : i32
        %get3A_479 = arith.constant 1 : i32
        %get3A_480 = arith.index_cast %get3A_479 : i32 to index
        %get3A_481 = arith.index_cast %add3A_462 : i32 to index
        %get3A_482 = arith.index_cast %add3A_478 : i32 to index
        %get3A_483 = tpu.vector_load %arg7[%get3A_480, %get3A_481, %get3A_482] {strides = array<i32>} : memref<2x128x128xf32, #tpu.memory_space<vmem>>, vector<16xf32>,
        %add3A_484 = arith.constant 48 : i32
        %add3A_485 = arith.addi %squeeze3A_464, %add3A_484 : i32
        %get3A_486 = arith.constant 1 : i32
        %get3A_487 = arith.index_cast %get3A_486 : i32 to index
        %get3A_488 = arith.index_cast %add3A_462 : i32 to index
        %get3A_489 = arith.index_cast %add3A_485 : i32 to index
        %get3A_490 = tpu.vector_load %arg7[%get3A_487, %get3A_488, %get3A_489] {strides = array<i32>} : memref<2x128x128xf32, #tpu.memory_space<vmem>>, vector<16xf32>,
        %mul3A_491 = arith.mulf %get3A_469, %get3A_469 : vector<16xf32>
        %mul3A_492 = arith.mulf %get3A_476, %get3A_476 : vector<16xf32>
        %add3A_493 = arith.addf %mul3A_491, %mul3A_492 : vector<16xf32>
        %mul3A_494 = arith.mulf %get3A_483, %get3A_483 : vector<16xf32>
        %add3A_495 = arith.addf %add3A_493, %mul3A_494 : vector<16xf32>
        %mul3A_496 = arith.mulf %get3A_490, %get3A_490 : vector<16xf32>
        %add3A_497 = arith.addf %add3A_495, %mul3A_496 : vector<16xf32>
        %reduce_sum3A_498 = arith.constant true
        %reduce_sum3A_499 = vector.broadcast %reduce_sum3A_498 : i1 to vector<16xi1>
        %reduce_sum3A_500 = tpu.scan <sum>, %add3A_497 masked %reduce_sum3A_499 : vector<16xf32>, vector<16xi1> -> vector<16xf32>
        %reduce_sum3A_501 = vector.extract %reduce_sum3A_500[15] : f32 from vector<16xf32>
        %broadcast_in_dim3A_502 = vector.broadcast %reduce_sum3A_501 : f32 to vector<16xf32>
        %select_n3A_503 = arith.select %eq3A_15, %broadcast_in_dim3A_502, %select_n3A_460 : vector<16xi1>, vector<16xf32>
        %add3A_504 = arith.constant 4 : i32
        %add3A_505 = arith.addi %mul3A_324, %add3A_504 : i32
        %slice3A_506 = vector.extract_strided_slice %shift_left3A_334 {offsets = [4], sizes = [1], strides = [1]} : vector<16xi32> to vector<1xi32>
        %squeeze3A_507 = vector.extract %slice3A_506[0] : i32 from vector<1xi32>
        %get3A_508 = arith.constant 1 : i32
        %get3A_509 = arith.index_cast %get3A_508 : i32 to index
        %get3A_510 = arith.index_cast %add3A_505 : i32 to index
        %get3A_511 = arith.index_cast %squeeze3A_507 : i32 to index
        %get3A_512 = tpu.vector_load %arg7[%get3A_509, %get3A_510, %get3A_511] {strides = array<i32>} : memref<2x128x128xf32, #tpu.memory_space<vmem>>, vector<16xf32>,
        %add3A_513 = arith.constant 16 : i32
        %add3A_514 = arith.addi %squeeze3A_507, %add3A_513 : i32
        %get3A_515 = arith.constant 1 : i32
        %get3A_516 = arith.index_cast %get3A_515 : i32 to index
        %get3A_517 = arith.index_cast %add3A_505 : i32 to index
        %get3A_518 = arith.index_cast %add3A_514 : i32 to index
        %get3A_519 = tpu.vector_load %arg7[%get3A_516, %get3A_517, %get3A_518] {strides = array<i32>} : memref<2x128x128xf32, #tpu.memory_space<vmem>>, vector<16xf32>,
        %add3A_520 = arith.constant 32 : i32
        %add3A_521 = arith.addi %squeeze3A_507, %add3A_520 : i32
        %get3A_522 = arith.constant 1 : i32
        %get3A_523 = arith.index_cast %get3A_522 : i32 to index
        %get3A_524 = arith.index_cast %add3A_505 : i32 to index
        %get3A_525 = arith.index_cast %add3A_521 : i32 to index
        %get3A_526 = tpu.vector_load %arg7[%get3A_523, %get3A_524, %get3A_525] {strides = array<i32>} : memref<2x128x128xf32, #tpu.memory_space<vmem>>, vector<16xf32>,
        %add3A_527 = arith.constant 48 : i32
        %add3A_528 = arith.addi %squeeze3A_507, %add3A_527 : i32
        %get3A_529 = arith.constant 1 : i32
        %get3A_530 = arith.index_cast %get3A_529 : i32 to index
        %get3A_531 = arith.index_cast %add3A_505 : i32 to index
        %get3A_532 = arith.index_cast %add3A_528 : i32 to index
        %get3A_533 = tpu.vector_load %arg7[%get3A_530, %get3A_531, %get3A_532] {strides = array<i32>} : memref<2x128x128xf32, #tpu.memory_space<vmem>>, vector<16xf32>,
        %mul3A_534 = arith.mulf %get3A_512, %get3A_512 : vector<16xf32>
        %mul3A_535 = arith.mulf %get3A_519, %get3A_519 : vector<16xf32>
        %add3A_536 = arith.addf %mul3A_534, %mul3A_535 : vector<16xf32>
        %mul3A_537 = arith.mulf %get3A_526, %get3A_526 : vector<16xf32>
        %add3A_538 = arith.addf %add3A_536, %mul3A_537 : vector<16xf32>
        %mul3A_539 = arith.mulf %get3A_533, %get3A_533 : vector<16xf32>
        %add3A_540 = arith.addf %add3A_538, %mul3A_539 : vector<16xf32>
        %reduce_sum3A_541 = arith.constant true
        %reduce_sum3A_542 = vector.broadcast %reduce_sum3A_541 : i1 to vector<16xi1>
        %reduce_sum3A_543 = tpu.scan <sum>, %add3A_540 masked %reduce_sum3A_542 : vector<16xf32>, vector<16xi1> -> vector<16xf32>
        %reduce_sum3A_544 = vector.extract %reduce_sum3A_543[15] : f32 from vector<16xf32>
        %broadcast_in_dim3A_545 = vector.broadcast %reduce_sum3A_544 : f32 to vector<16xf32>
        %select_n3A_546 = arith.select %eq3A_18, %broadcast_in_dim3A_545, %select_n3A_503 : vector<16xi1>, vector<16xf32>
        %add3A_547 = arith.constant 5 : i32
        %add3A_548 = arith.addi %mul3A_324, %add3A_547 : i32
        %slice3A_549 = vector.extract_strided_slice %shift_left3A_334 {offsets = [5], sizes = [1], strides = [1]} : vector<16xi32> to vector<1xi32>
        %squeeze3A_550 = vector.extract %slice3A_549[0] : i32 from vector<1xi32>
        %get3A_551 = arith.constant 1 : i32
        %get3A_552 = arith.index_cast %get3A_551 : i32 to index
        %get3A_553 = arith.index_cast %add3A_548 : i32 to index
        %get3A_554 = arith.index_cast %squeeze3A_550 : i32 to index
        %get3A_555 = tpu.vector_load %arg7[%get3A_552, %get3A_553, %get3A_554] {strides = array<i32>} : memref<2x128x128xf32, #tpu.memory_space<vmem>>, vector<16xf32>,
        %add3A_556 = arith.constant 16 : i32
        %add3A_557 = arith.addi %squeeze3A_550, %add3A_556 : i32
        %get3A_558 = arith.constant 1 : i32
        %get3A_559 = arith.index_cast %get3A_558 : i32 to index
        %get3A_560 = arith.index_cast %add3A_548 : i32 to index
        %get3A_561 = arith.index_cast %add3A_557 : i32 to index
        %get3A_562 = tpu.vector_load %arg7[%get3A_559, %get3A_560, %get3A_561] {strides = array<i32>} : memref<2x128x128xf32, #tpu.memory_space<vmem>>, vector<16xf32>,
        %add3A_563 = arith.constant 32 : i32
        %add3A_564 = arith.addi %squeeze3A_550, %add3A_563 : i32
        %get3A_565 = arith.constant 1 : i32
        %get3A_566 = arith.index_cast %get3A_565 : i32 to index
        %get3A_567 = arith.index_cast %add3A_548 : i32 to index
        %get3A_568 = arith.index_cast %add3A_564 : i32 to index
        %get3A_569 = tpu.vector_load %arg7[%get3A_566, %get3A_567, %get3A_568] {strides = array<i32>} : memref<2x128x128xf32, #tpu.memory_space<vmem>>, vector<16xf32>,
        %add3A_570 = arith.constant 48 : i32
        %add3A_571 = arith.addi %squeeze3A_550, %add3A_570 : i32
        %get3A_572 = arith.constant 1 : i32
        %get3A_573 = arith.index_cast %get3A_572 : i32 to index
        %get3A_574 = arith.index_cast %add3A_548 : i32 to index
        %get3A_575 = arith.index_cast %add3A_571 : i32 to index
        %get3A_576 = tpu.vector_load %arg7[%get3A_573, %get3A_574, %get3A_575] {strides = array<i32>} : memref<2x128x128xf32, #tpu.memory_space<vmem>>, vector<16xf32>,
        %mul3A_577 = arith.mulf %get3A_555, %get3A_555 : vector<16xf32>
        %mul3A_578 = arith.mulf %get3A_562, %get3A_562 : vector<16xf32>
        %add3A_579 = arith.addf %mul3A_577, %mul3A_578 : vector<16xf32>
        %mul3A_580 = arith.mulf %get3A_569, %get3A_569 : vector<16xf32>
        %add3A_581 = arith.addf %add3A_579, %mul3A_580 : vector<16xf32>
        %mul3A_582 = arith.mulf %get3A_576, %get3A_576 : vector<16xf32>
        %add3A_583 = arith.addf %add3A_581, %mul3A_582 : vector<16xf32>
        %reduce_sum3A_584 = arith.constant true
        %reduce_sum3A_585 = vector.broadcast %reduce_sum3A_584 : i1 to vector<16xi1>
        %reduce_sum3A_586 = tpu.scan <sum>, %add3A_583 masked %reduce_sum3A_585 : vector<16xf32>, vector<16xi1> -> vector<16xf32>
        %reduce_sum3A_587 = vector.extract %reduce_sum3A_586[15] : f32 from vector<16xf32>
        %broadcast_in_dim3A_588 = vector.broadcast %reduce_sum3A_587 : f32 to vector<16xf32>
        %select_n3A_589 = arith.select %eq3A_21, %broadcast_in_dim3A_588, %select_n3A_546 : vector<16xi1>, vector<16xf32>
        %add3A_590 = arith.constant 6 : i32
        %add3A_591 = arith.addi %mul3A_324, %add3A_590 : i32
        %slice3A_592 = vector.extract_strided_slice %shift_left3A_334 {offsets = [6], sizes = [1], strides = [1]} : vector<16xi32> to vector<1xi32>
        %squeeze3A_593 = vector.extract %slice3A_592[0] : i32 from vector<1xi32>
        %get3A_594 = arith.constant 1 : i32
        %get3A_595 = arith.index_cast %get3A_594 : i32 to index
        %get3A_596 = arith.index_cast %add3A_591 : i32 to index
        %get3A_597 = arith.index_cast %squeeze3A_593 : i32 to index
        %get3A_598 = tpu.vector_load %arg7[%get3A_595, %get3A_596, %get3A_597] {strides = array<i32>} : memref<2x128x128xf32, #tpu.memory_space<vmem>>, vector<16xf32>,
        %add3A_599 = arith.constant 16 : i32
        %add3A_600 = arith.addi %squeeze3A_593, %add3A_599 : i32
        %get3A_601 = arith.constant 1 : i32
        %get3A_602 = arith.index_cast %get3A_601 : i32 to index
        %get3A_603 = arith.index_cast %add3A_591 : i32 to index
        %get3A_604 = arith.index_cast %add3A_600 : i32 to index
        %get3A_605 = tpu.vector_load %arg7[%get3A_602, %get3A_603, %get3A_604] {strides = array<i32>} : memref<2x128x128xf32, #tpu.memory_space<vmem>>, vector<16xf32>,
        %add3A_606 = arith.constant 32 : i32
        %add3A_607 = arith.addi %squeeze3A_593, %add3A_606 : i32
        %get3A_608 = arith.constant 1 : i32
        %get3A_609 = arith.index_cast %get3A_608 : i32 to index
        %get3A_610 = arith.index_cast %add3A_591 : i32 to index
        %get3A_611 = arith.index_cast %add3A_607 : i32 to index
        %get3A_612 = tpu.vector_load %arg7[%get3A_609, %get3A_610, %get3A_611] {strides = array<i32>} : memref<2x128x128xf32, #tpu.memory_space<vmem>>, vector<16xf32>,
        %add3A_613 = arith.constant 48 : i32
        %add3A_614 = arith.addi %squeeze3A_593, %add3A_613 : i32
        %get3A_615 = arith.constant 1 : i32
        %get3A_616 = arith.index_cast %get3A_615 : i32 to index
        %get3A_617 = arith.index_cast %add3A_591 : i32 to index
        %get3A_618 = arith.index_cast %add3A_614 : i32 to index
        %get3A_619 = tpu.vector_load %arg7[%get3A_616, %get3A_617, %get3A_618] {strides = array<i32>} : memref<2x128x128xf32, #tpu.memory_space<vmem>>, vector<16xf32>,
        %mul3A_620 = arith.mulf %get3A_598, %get3A_598 : vector<16xf32>
        %mul3A_621 = arith.mulf %get3A_605, %get3A_605 : vector<16xf32>
        %add3A_622 = arith.addf %mul3A_620, %mul3A_621 : vector<16xf32>
        %mul3A_623 = arith.mulf %get3A_612, %get3A_612 : vector<16xf32>
        %add3A_624 = arith.addf %add3A_622, %mul3A_623 : vector<16xf32>
        %mul3A_625 = arith.mulf %get3A_619, %get3A_619 : vector<16xf32>
        %add3A_626 = arith.addf %add3A_624, %mul3A_625 : vector<16xf32>
        %reduce_sum3A_627 = arith.constant true
        %reduce_sum3A_628 = vector.broadcast %reduce_sum3A_627 : i1 to vector<16xi1>
        %reduce_sum3A_629 = tpu.scan <sum>, %add3A_626 masked %reduce_sum3A_628 : vector<16xf32>, vector<16xi1> -> vector<16xf32>
        %reduce_sum3A_630 = vector.extract %reduce_sum3A_629[15] : f32 from vector<16xf32>
        %broadcast_in_dim3A_631 = vector.broadcast %reduce_sum3A_630 : f32 to vector<16xf32>
        %select_n3A_632 = arith.select %eq3A_24, %broadcast_in_dim3A_631, %select_n3A_589 : vector<16xi1>, vector<16xf32>
        %add3A_633 = arith.constant 7 : i32
        %add3A_634 = arith.addi %mul3A_324, %add3A_633 : i32
        %slice3A_635 = vector.extract_strided_slice %shift_left3A_334 {offsets = [7], sizes = [1], strides = [1]} : vector<16xi32> to vector<1xi32>
        %squeeze3A_636 = vector.extract %slice3A_635[0] : i32 from vector<1xi32>
        %get3A_637 = arith.constant 1 : i32
        %get3A_638 = arith.index_cast %get3A_637 : i32 to index
        %get3A_639 = arith.index_cast %add3A_634 : i32 to index
        %get3A_640 = arith.index_cast %squeeze3A_636 : i32 to index
        %get3A_641 = tpu.vector_load %arg7[%get3A_638, %get3A_639, %get3A_640] {strides = array<i32>} : memref<2x128x128xf32, #tpu.memory_space<vmem>>, vector<16xf32>,
        %add3A_642 = arith.constant 16 : i32
        %add3A_643 = arith.addi %squeeze3A_636, %add3A_642 : i32
        %get3A_644 = arith.constant 1 : i32
        %get3A_645 = arith.index_cast %get3A_644 : i32 to index
        %get3A_646 = arith.index_cast %add3A_634 : i32 to index
        %get3A_647 = arith.index_cast %add3A_643 : i32 to index
        %get3A_648 = tpu.vector_load %arg7[%get3A_645, %get3A_646, %get3A_647] {strides = array<i32>} : memref<2x128x128xf32, #tpu.memory_space<vmem>>, vector<16xf32>,
        %add3A_649 = arith.constant 32 : i32
        %add3A_650 = arith.addi %squeeze3A_636, %add3A_649 : i32
        %get3A_651 = arith.constant 1 : i32
        %get3A_652 = arith.index_cast %get3A_651 : i32 to index
        %get3A_653 = arith.index_cast %add3A_634 : i32 to index
        %get3A_654 = arith.index_cast %add3A_650 : i32 to index
        %get3A_655 = tpu.vector_load %arg7[%get3A_652, %get3A_653, %get3A_654] {strides = array<i32>} : memref<2x128x128xf32, #tpu.memory_space<vmem>>, vector<16xf32>,
        %add3A_656 = arith.constant 48 : i32
        %add3A_657 = arith.addi %squeeze3A_636, %add3A_656 : i32
        %get3A_658 = arith.constant 1 : i32
        %get3A_659 = arith.index_cast %get3A_658 : i32 to index
        %get3A_660 = arith.index_cast %add3A_634 : i32 to index
        %get3A_661 = arith.index_cast %add3A_657 : i32 to index
        %get3A_662 = tpu.vector_load %arg7[%get3A_659, %get3A_660, %get3A_661] {strides = array<i32>} : memref<2x128x128xf32, #tpu.memory_space<vmem>>, vector<16xf32>,
        %mul3A_663 = arith.mulf %get3A_641, %get3A_641 : vector<16xf32>
        %mul3A_664 = arith.mulf %get3A_648, %get3A_648 : vector<16xf32>
        %add3A_665 = arith.addf %mul3A_663, %mul3A_664 : vector<16xf32>
        %mul3A_666 = arith.mulf %get3A_655, %get3A_655 : vector<16xf32>
        %add3A_667 = arith.addf %add3A_665, %mul3A_666 : vector<16xf32>
        %mul3A_668 = arith.mulf %get3A_662, %get3A_662 : vector<16xf32>
        %add3A_669 = arith.addf %add3A_667, %mul3A_668 : vector<16xf32>
        %reduce_sum3A_670 = arith.constant true
        %reduce_sum3A_671 = vector.broadcast %reduce_sum3A_670 : i1 to vector<16xi1>
        %reduce_sum3A_672 = tpu.scan <sum>, %add3A_669 masked %reduce_sum3A_671 : vector<16xf32>, vector<16xi1> -> vector<16xf32>
        %reduce_sum3A_673 = vector.extract %reduce_sum3A_672[15] : f32 from vector<16xf32>
        %broadcast_in_dim3A_674 = vector.broadcast %reduce_sum3A_673 : f32 to vector<16xf32>
        %select_n3A_675 = arith.select %eq3A_27, %broadcast_in_dim3A_674, %select_n3A_632 : vector<16xi1>, vector<16xf32>
        %bitcast3A = vector.bitcast %select_n3A_675 : vector<16xf32> to vector<16xi32>
        %shift_right_arithmetic3A_676 = arith.constant 1 : i32
        %shift_right_arithmetic3A_677 = vector.broadcast %shift_right_arithmetic3A_676 : i32 to vector<16xi32>
        %shift_right_arithmetic3A_678 = arith.shrsi %bitcast3A, %shift_right_arithmetic3A_677 : vector<16xi32>
        %sub3A = arith.constant 1597463007 : i32
        %sub3A_679 = vector.broadcast %sub3A : i32 to vector<16xi32>
        %sub3A_680 = arith.subi %sub3A_679, %shift_right_arithmetic3A_678 : vector<16xi32>
        %bitcast3A_681 = vector.bitcast %sub3A_680 : vector<16xi32> to vector<16xf32>
        %mul3A_682 = arith.constant 5.000000e-01 : f32
        %mul3A_683 = vector.broadcast %mul3A_682 : f32 to vector<16xf32>
        %mul3A_684 = arith.mulf %mul3A_683, %select_n3A_675 : vector<16xf32>
        %mul3A_685 = arith.mulf %mul3A_684, %bitcast3A_681 : vector<16xf32>
        %mul3A_686 = arith.mulf %mul3A_685, %bitcast3A_681 : vector<16xf32>
        %sub3A_687 = arith.constant 1.500000e+00 : f32
        %sub3A_688 = vector.broadcast %sub3A_687 : f32 to vector<16xf32>
        %sub3A_689 = arith.subf %sub3A_688, %mul3A_686 : vector<16xf32>
        %mul3A_690 = arith.mulf %bitcast3A_681, %sub3A_689 : vector<16xf32>
        %mul3A_691 = arith.mulf %mul3A_684, %mul3A_690 : vector<16xf32>
        %mul3A_692 = arith.mulf %mul3A_691, %mul3A_690 : vector<16xf32>
        %sub3A_693 = arith.constant 1.500000e+00 : f32
        %sub3A_694 = vector.broadcast %sub3A_693 : f32 to vector<16xf32>
        %sub3A_695 = arith.subf %sub3A_694, %mul3A_692 : vector<16xf32>
        %mul3A_696 = arith.mulf %mul3A_690, %sub3A_695 : vector<16xf32>
        %add3A_697 = arith.constant 0 : i32
        %add3A_698 = arith.addi %mul3A_324, %add3A_697 : i32
        %slice3A_699 = vector.extract_strided_slice %mul3A_696 {offsets = [0], sizes = [1], strides = [1]} : vector<16xf32> to vector<1xf32>
        %squeeze3A_700 = vector.extract %slice3A_699[0] : f32 from vector<1xf32>
        %mul3A_701 = vector.broadcast %squeeze3A_700 : f32 to vector<16xf32>
        %mul3A_702 = arith.mulf %get3A_342, %mul3A_701 : vector<16xf32>
        %swap3A_703 = arith.constant 1 : i32
        %swap3A_704 = arith.index_cast %swap3A_703 : i32 to index
        %swap3A_705 = arith.index_cast %add3A_698 : i32 to index
        %swap3A_706 = arith.constant 0 : index
        %swap3A_707 = tpu.vector_load %arg8[%swap3A_704, %swap3A_705, %swap3A_706] {strides = array<i32>} : memref<2x128x64xf32, #tpu.memory_space<vmem>>, vector<16xf32>,
        tpu.vector_store %arg8[%swap3A_704, %swap3A_705, %swap3A_706], %mul3A_702 {strides = array<i32>} : memref<2x128x64xf32, #tpu.memory_space<vmem>>, vector<16xf32>,
        %mul3A_708 = vector.broadcast %squeeze3A_700 : f32 to vector<16xf32>
        %mul3A_709 = arith.mulf %get3A_349, %mul3A_708 : vector<16xf32>
        %swap3A_710 = arith.constant 1 : i32
        %swap3A_711 = arith.index_cast %swap3A_710 : i32 to index
        %swap3A_712 = arith.index_cast %add3A_698 : i32 to index
        %swap3A_713 = arith.constant 16 : index
        %swap3A_714 = tpu.vector_load %arg8[%swap3A_711, %swap3A_712, %swap3A_713] {strides = array<i32>} : memref<2x128x64xf32, #tpu.memory_space<vmem>>, vector<16xf32>,
        tpu.vector_store %arg8[%swap3A_711, %swap3A_712, %swap3A_713], %mul3A_709 {strides = array<i32>} : memref<2x128x64xf32, #tpu.memory_space<vmem>>, vector<16xf32>,
        %mul3A_715 = vector.broadcast %squeeze3A_700 : f32 to vector<16xf32>
        %mul3A_716 = arith.mulf %get3A_356, %mul3A_715 : vector<16xf32>
        %swap3A_717 = arith.constant 1 : i32
        %swap3A_718 = arith.index_cast %swap3A_717 : i32 to index
        %swap3A_719 = arith.index_cast %add3A_698 : i32 to index
        %swap3A_720 = arith.constant 32 : index
        %swap3A_721 = tpu.vector_load %arg8[%swap3A_718, %swap3A_719, %swap3A_720] {strides = array<i32>} : memref<2x128x64xf32, #tpu.memory_space<vmem>>, vector<16xf32>,
        tpu.vector_store %arg8[%swap3A_718, %swap3A_719, %swap3A_720], %mul3A_716 {strides = array<i32>} : memref<2x128x64xf32, #tpu.memory_space<vmem>>, vector<16xf32>,
        %mul3A_722 = vector.broadcast %squeeze3A_700 : f32 to vector<16xf32>
        %mul3A_723 = arith.mulf %get3A_363, %mul3A_722 : vector<16xf32>
        %swap3A_724 = arith.constant 1 : i32
        %swap3A_725 = arith.index_cast %swap3A_724 : i32 to index
        %swap3A_726 = arith.index_cast %add3A_698 : i32 to index
        %swap3A_727 = arith.constant 48 : index
        %swap3A_728 = tpu.vector_load %arg8[%swap3A_725, %swap3A_726, %swap3A_727] {strides = array<i32>} : memref<2x128x64xf32, #tpu.memory_space<vmem>>, vector<16xf32>,
        tpu.vector_store %arg8[%swap3A_725, %swap3A_726, %swap3A_727], %mul3A_723 {strides = array<i32>} : memref<2x128x64xf32, #tpu.memory_space<vmem>>, vector<16xf32>,
        %add3A_729 = arith.constant 1 : i32
        %add3A_730 = arith.addi %mul3A_324, %add3A_729 : i32
        %slice3A_731 = vector.extract_strided_slice %mul3A_696 {offsets = [1], sizes = [1], strides = [1]} : vector<16xf32> to vector<1xf32>
        %squeeze3A_732 = vector.extract %slice3A_731[0] : f32 from vector<1xf32>
        %mul3A_733 = vector.broadcast %squeeze3A_732 : f32 to vector<16xf32>
        %mul3A_734 = arith.mulf %get3A_383, %mul3A_733 : vector<16xf32>
        %swap3A_735 = arith.constant 1 : i32
        %swap3A_736 = arith.index_cast %swap3A_735 : i32 to index
        %swap3A_737 = arith.index_cast %add3A_730 : i32 to index
        %swap3A_738 = arith.constant 0 : index
        %swap3A_739 = tpu.vector_load %arg8[%swap3A_736, %swap3A_737, %swap3A_738] {strides = array<i32>} : memref<2x128x64xf32, #tpu.memory_space<vmem>>, vector<16xf32>,
        tpu.vector_store %arg8[%swap3A_736, %swap3A_737, %swap3A_738], %mul3A_734 {strides = array<i32>} : memref<2x128x64xf32, #tpu.memory_space<vmem>>, vector<16xf32>,
        %mul3A_740 = vector.broadcast %squeeze3A_732 : f32 to vector<16xf32>
        %mul3A_741 = arith.mulf %get3A_390, %mul3A_740 : vector<16xf32>
        %swap3A_742 = arith.constant 1 : i32
        %swap3A_743 = arith.index_cast %swap3A_742 : i32 to index
        %swap3A_744 = arith.index_cast %add3A_730 : i32 to index
        %swap3A_745 = arith.constant 16 : index
        %swap3A_746 = tpu.vector_load %arg8[%swap3A_743, %swap3A_744, %swap3A_745] {strides = array<i32>} : memref<2x128x64xf32, #tpu.memory_space<vmem>>, vector<16xf32>,
        tpu.vector_store %arg8[%swap3A_743, %swap3A_744, %swap3A_745], %mul3A_741 {strides = array<i32>} : memref<2x128x64xf32, #tpu.memory_space<vmem>>, vector<16xf32>,
        %mul3A_747 = vector.broadcast %squeeze3A_732 : f32 to vector<16xf32>
        %mul3A_748 = arith.mulf %get3A_397, %mul3A_747 : vector<16xf32>
        %swap3A_749 = arith.constant 1 : i32
        %swap3A_750 = arith.index_cast %swap3A_749 : i32 to index
        %swap3A_751 = arith.index_cast %add3A_730 : i32 to index
        %swap3A_752 = arith.constant 32 : index
        %swap3A_753 = tpu.vector_load %arg8[%swap3A_750, %swap3A_751, %swap3A_752] {strides = array<i32>} : memref<2x128x64xf32, #tpu.memory_space<vmem>>, vector<16xf32>,
        tpu.vector_store %arg8[%swap3A_750, %swap3A_751, %swap3A_752], %mul3A_748 {strides = array<i32>} : memref<2x128x64xf32, #tpu.memory_space<vmem>>, vector<16xf32>,
        %mul3A_754 = vector.broadcast %squeeze3A_732 : f32 to vector<16xf32>
        %mul3A_755 = arith.mulf %get3A_404, %mul3A_754 : vector<16xf32>
        %swap3A_756 = arith.constant 1 : i32
        %swap3A_757 = arith.index_cast %swap3A_756 : i32 to index
        %swap3A_758 = arith.index_cast %add3A_730 : i32 to index
        %swap3A_759 = arith.constant 48 : index
        %swap3A_760 = tpu.vector_load %arg8[%swap3A_757, %swap3A_758, %swap3A_759] {strides = array<i32>} : memref<2x128x64xf32, #tpu.memory_space<vmem>>, vector<16xf32>,
        tpu.vector_store %arg8[%swap3A_757, %swap3A_758, %swap3A_759], %mul3A_755 {strides = array<i32>} : memref<2x128x64xf32, #tpu.memory_space<vmem>>, vector<16xf32>,
        %add3A_761 = arith.constant 2 : i32
        %add3A_762 = arith.addi %mul3A_324, %add3A_761 : i32
        %slice3A_763 = vector.extract_strided_slice %mul3A_696 {offsets = [2], sizes = [1], strides = [1]} : vector<16xf32> to vector<1xf32>
        %squeeze3A_764 = vector.extract %slice3A_763[0] : f32 from vector<1xf32>
        %mul3A_765 = vector.broadcast %squeeze3A_764 : f32 to vector<16xf32>
        %mul3A_766 = arith.mulf %get3A_426, %mul3A_765 : vector<16xf32>
        %swap3A_767 = arith.constant 1 : i32
        %swap3A_768 = arith.index_cast %swap3A_767 : i32 to index
        %swap3A_769 = arith.index_cast %add3A_762 : i32 to index
        %swap3A_770 = arith.constant 0 : index
        %swap3A_771 = tpu.vector_load %arg8[%swap3A_768, %swap3A_769, %swap3A_770] {strides = array<i32>} : memref<2x128x64xf32, #tpu.memory_space<vmem>>, vector<16xf32>,
        tpu.vector_store %arg8[%swap3A_768, %swap3A_769, %swap3A_770], %mul3A_766 {strides = array<i32>} : memref<2x128x64xf32, #tpu.memory_space<vmem>>, vector<16xf32>,
        %mul3A_772 = vector.broadcast %squeeze3A_764 : f32 to vector<16xf32>
        %mul3A_773 = arith.mulf %get3A_433, %mul3A_772 : vector<16xf32>
        %swap3A_774 = arith.constant 1 : i32
        %swap3A_775 = arith.index_cast %swap3A_774 : i32 to index
        %swap3A_776 = arith.index_cast %add3A_762 : i32 to index
        %swap3A_777 = arith.constant 16 : index
        %swap3A_778 = tpu.vector_load %arg8[%swap3A_775, %swap3A_776, %swap3A_777] {strides = array<i32>} : memref<2x128x64xf32, #tpu.memory_space<vmem>>, vector<16xf32>,
        tpu.vector_store %arg8[%swap3A_775, %swap3A_776, %swap3A_777], %mul3A_773 {strides = array<i32>} : memref<2x128x64xf32, #tpu.memory_space<vmem>>, vector<16xf32>,
        %mul3A_779 = vector.broadcast %squeeze3A_764 : f32 to vector<16xf32>
        %mul3A_780 = arith.mulf %get3A_440, %mul3A_779 : vector<16xf32>
        %swap3A_781 = arith.constant 1 : i32
        %swap3A_782 = arith.index_cast %swap3A_781 : i32 to index
        %swap3A_783 = arith.index_cast %add3A_762 : i32 to index
        %swap3A_784 = arith.constant 32 : index
        %swap3A_785 = tpu.vector_load %arg8[%swap3A_782, %swap3A_783, %swap3A_784] {strides = array<i32>} : memref<2x128x64xf32, #tpu.memory_space<vmem>>, vector<16xf32>,
        tpu.vector_store %arg8[%swap3A_782, %swap3A_783, %swap3A_784], %mul3A_780 {strides = array<i32>} : memref<2x128x64xf32, #tpu.memory_space<vmem>>, vector<16xf32>,
        %mul3A_786 = vector.broadcast %squeeze3A_764 : f32 to vector<16xf32>
        %mul3A_787 = arith.mulf %get3A_447, %mul3A_786 : vector<16xf32>
        %swap3A_788 = arith.constant 1 : i32
        %swap3A_789 = arith.index_cast %swap3A_788 : i32 to index
        %swap3A_790 = arith.index_cast %add3A_762 : i32 to index
        %swap3A_791 = arith.constant 48 : index
        %swap3A_792 = tpu.vector_load %arg8[%swap3A_789, %swap3A_790, %swap3A_791] {strides = array<i32>} : memref<2x128x64xf32, #tpu.memory_space<vmem>>, vector<16xf32>,
        tpu.vector_store %arg8[%swap3A_789, %swap3A_790, %swap3A_791], %mul3A_787 {strides = array<i32>} : memref<2x128x64xf32, #tpu.memory_space<vmem>>, vector<16xf32>,
        %add3A_793 = arith.constant 3 : i32
        %add3A_794 = arith.addi %mul3A_324, %add3A_793 : i32
        %slice3A_795 = vector.extract_strided_slice %mul3A_696 {offsets = [3], sizes = [1], strides = [1]} : vector<16xf32> to vector<1xf32>
        %squeeze3A_796 = vector.extract %slice3A_795[0] : f32 from vector<1xf32>
        %mul3A_797 = vector.broadcast %squeeze3A_796 : f32 to vector<16xf32>
        %mul3A_798 = arith.mulf %get3A_469, %mul3A_797 : vector<16xf32>
        %swap3A_799 = arith.constant 1 : i32
        %swap3A_800 = arith.index_cast %swap3A_799 : i32 to index
        %swap3A_801 = arith.index_cast %add3A_794 : i32 to index
        %swap3A_802 = arith.constant 0 : index
        %swap3A_803 = tpu.vector_load %arg8[%swap3A_800, %swap3A_801, %swap3A_802] {strides = array<i32>} : memref<2x128x64xf32, #tpu.memory_space<vmem>>, vector<16xf32>,
        tpu.vector_store %arg8[%swap3A_800, %swap3A_801, %swap3A_802], %mul3A_798 {strides = array<i32>} : memref<2x128x64xf32, #tpu.memory_space<vmem>>, vector<16xf32>,
        %mul3A_804 = vector.broadcast %squeeze3A_796 : f32 to vector<16xf32>
        %mul3A_805 = arith.mulf %get3A_476, %mul3A_804 : vector<16xf32>
        %swap3A_806 = arith.constant 1 : i32
        %swap3A_807 = arith.index_cast %swap3A_806 : i32 to index
        %swap3A_808 = arith.index_cast %add3A_794 : i32 to index
        %swap3A_809 = arith.constant 16 : index
        %swap3A_810 = tpu.vector_load %arg8[%swap3A_807, %swap3A_808, %swap3A_809] {strides = array<i32>} : memref<2x128x64xf32, #tpu.memory_space<vmem>>, vector<16xf32>,
        tpu.vector_store %arg8[%swap3A_807, %swap3A_808, %swap3A_809], %mul3A_805 {strides = array<i32>} : memref<2x128x64xf32, #tpu.memory_space<vmem>>, vector<16xf32>,
        %mul3A_811 = vector.broadcast %squeeze3A_796 : f32 to vector<16xf32>
        %mul3A_812 = arith.mulf %get3A_483, %mul3A_811 : vector<16xf32>
        %swap3A_813 = arith.constant 1 : i32
        %swap3A_814 = arith.index_cast %swap3A_813 : i32 to index
        %swap3A_815 = arith.index_cast %add3A_794 : i32 to index
        %swap3A_816 = arith.constant 32 : index
        %swap3A_817 = tpu.vector_load %arg8[%swap3A_814, %swap3A_815, %swap3A_816] {strides = array<i32>} : memref<2x128x64xf32, #tpu.memory_space<vmem>>, vector<16xf32>,
        tpu.vector_store %arg8[%swap3A_814, %swap3A_815, %swap3A_816], %mul3A_812 {strides = array<i32>} : memref<2x128x64xf32, #tpu.memory_space<vmem>>, vector<16xf32>,
        %mul3A_818 = vector.broadcast %squeeze3A_796 : f32 to vector<16xf32>
        %mul3A_819 = arith.mulf %get3A_490, %mul3A_818 : vector<16xf32>
        %swap3A_820 = arith.constant 1 : i32
        %swap3A_821 = arith.index_cast %swap3A_820 : i32 to index
        %swap3A_822 = arith.index_cast %add3A_794 : i32 to index
        %swap3A_823 = arith.constant 48 : index
        %swap3A_824 = tpu.vector_load %arg8[%swap3A_821, %swap3A_822, %swap3A_823] {strides = array<i32>} : memref<2x128x64xf32, #tpu.memory_space<vmem>>, vector<16xf32>,
        tpu.vector_store %arg8[%swap3A_821, %swap3A_822, %swap3A_823], %mul3A_819 {strides = array<i32>} : memref<2x128x64xf32, #tpu.memory_space<vmem>>, vector<16xf32>,
        %add3A_825 = arith.constant 4 : i32
        %add3A_826 = arith.addi %mul3A_324, %add3A_825 : i32
        %slice3A_827 = vector.extract_strided_slice %mul3A_696 {offsets = [4], sizes = [1], strides = [1]} : vector<16xf32> to vector<1xf32>
        %squeeze3A_828 = vector.extract %slice3A_827[0] : f32 from vector<1xf32>
        %mul3A_829 = vector.broadcast %squeeze3A_828 : f32 to vector<16xf32>
        %mul3A_830 = arith.mulf %get3A_512, %mul3A_829 : vector<16xf32>
        %swap3A_831 = arith.constant 1 : i32
        %swap3A_832 = arith.index_cast %swap3A_831 : i32 to index
        %swap3A_833 = arith.index_cast %add3A_826 : i32 to index
        %swap3A_834 = arith.constant 0 : index
        %swap3A_835 = tpu.vector_load %arg8[%swap3A_832, %swap3A_833, %swap3A_834] {strides = array<i32>} : memref<2x128x64xf32, #tpu.memory_space<vmem>>, vector<16xf32>,
        tpu.vector_store %arg8[%swap3A_832, %swap3A_833, %swap3A_834], %mul3A_830 {strides = array<i32>} : memref<2x128x64xf32, #tpu.memory_space<vmem>>, vector<16xf32>,
        %mul3A_836 = vector.broadcast %squeeze3A_828 : f32 to vector<16xf32>
        %mul3A_837 = arith.mulf %get3A_519, %mul3A_836 : vector<16xf32>
        %swap3A_838 = arith.constant 1 : i32
        %swap3A_839 = arith.index_cast %swap3A_838 : i32 to index
        %swap3A_840 = arith.index_cast %add3A_826 : i32 to index
        %swap3A_841 = arith.constant 16 : index
        %swap3A_842 = tpu.vector_load %arg8[%swap3A_839, %swap3A_840, %swap3A_841] {strides = array<i32>} : memref<2x128x64xf32, #tpu.memory_space<vmem>>, vector<16xf32>,
        tpu.vector_store %arg8[%swap3A_839, %swap3A_840, %swap3A_841], %mul3A_837 {strides = array<i32>} : memref<2x128x64xf32, #tpu.memory_space<vmem>>, vector<16xf32>,
        %mul3A_843 = vector.broadcast %squeeze3A_828 : f32 to vector<16xf32>
        %mul3A_844 = arith.mulf %get3A_526, %mul3A_843 : vector<16xf32>
        %swap3A_845 = arith.constant 1 : i32
        %swap3A_846 = arith.index_cast %swap3A_845 : i32 to index
        %swap3A_847 = arith.index_cast %add3A_826 : i32 to index
        %swap3A_848 = arith.constant 32 : index
        %swap3A_849 = tpu.vector_load %arg8[%swap3A_846, %swap3A_847, %swap3A_848] {strides = array<i32>} : memref<2x128x64xf32, #tpu.memory_space<vmem>>, vector<16xf32>,
        tpu.vector_store %arg8[%swap3A_846, %swap3A_847, %swap3A_848], %mul3A_844 {strides = array<i32>} : memref<2x128x64xf32, #tpu.memory_space<vmem>>, vector<16xf32>,
        %mul3A_850 = vector.broadcast %squeeze3A_828 : f32 to vector<16xf32>
        %mul3A_851 = arith.mulf %get3A_533, %mul3A_850 : vector<16xf32>
        %swap3A_852 = arith.constant 1 : i32
        %swap3A_853 = arith.index_cast %swap3A_852 : i32 to index
        %swap3A_854 = arith.index_cast %add3A_826 : i32 to index
        %swap3A_855 = arith.constant 48 : index
        %swap3A_856 = tpu.vector_load %arg8[%swap3A_853, %swap3A_854, %swap3A_855] {strides = array<i32>} : memref<2x128x64xf32, #tpu.memory_space<vmem>>, vector<16xf32>,
        tpu.vector_store %arg8[%swap3A_853, %swap3A_854, %swap3A_855], %mul3A_851 {strides = array<i32>} : memref<2x128x64xf32, #tpu.memory_space<vmem>>, vector<16xf32>,
        %add3A_857 = arith.constant 5 : i32
        %add3A_858 = arith.addi %mul3A_324, %add3A_857 : i32
        %slice3A_859 = vector.extract_strided_slice %mul3A_696 {offsets = [5], sizes = [1], strides = [1]} : vector<16xf32> to vector<1xf32>
        %squeeze3A_860 = vector.extract %slice3A_859[0] : f32 from vector<1xf32>
        %mul3A_861 = vector.broadcast %squeeze3A_860 : f32 to vector<16xf32>
        %mul3A_862 = arith.mulf %get3A_555, %mul3A_861 : vector<16xf32>
        %swap3A_863 = arith.constant 1 : i32
        %swap3A_864 = arith.index_cast %swap3A_863 : i32 to index
        %swap3A_865 = arith.index_cast %add3A_858 : i32 to index
        %swap3A_866 = arith.constant 0 : index
        %swap3A_867 = tpu.vector_load %arg8[%swap3A_864, %swap3A_865, %swap3A_866] {strides = array<i32>} : memref<2x128x64xf32, #tpu.memory_space<vmem>>, vector<16xf32>,
        tpu.vector_store %arg8[%swap3A_864, %swap3A_865, %swap3A_866], %mul3A_862 {strides = array<i32>} : memref<2x128x64xf32, #tpu.memory_space<vmem>>, vector<16xf32>,
        %mul3A_868 = vector.broadcast %squeeze3A_860 : f32 to vector<16xf32>
        %mul3A_869 = arith.mulf %get3A_562, %mul3A_868 : vector<16xf32>
        %swap3A_870 = arith.constant 1 : i32
        %swap3A_871 = arith.index_cast %swap3A_870 : i32 to index
        %swap3A_872 = arith.index_cast %add3A_858 : i32 to index
        %swap3A_873 = arith.constant 16 : index
        %swap3A_874 = tpu.vector_load %arg8[%swap3A_871, %swap3A_872, %swap3A_873] {strides = array<i32>} : memref<2x128x64xf32, #tpu.memory_space<vmem>>, vector<16xf32>,
        tpu.vector_store %arg8[%swap3A_871, %swap3A_872, %swap3A_873], %mul3A_869 {strides = array<i32>} : memref<2x128x64xf32, #tpu.memory_space<vmem>>, vector<16xf32>,
        %mul3A_875 = vector.broadcast %squeeze3A_860 : f32 to vector<16xf32>
        %mul3A_876 = arith.mulf %get3A_569, %mul3A_875 : vector<16xf32>
        %swap3A_877 = arith.constant 1 : i32
        %swap3A_878 = arith.index_cast %swap3A_877 : i32 to index
        %swap3A_879 = arith.index_cast %add3A_858 : i32 to index
        %swap3A_880 = arith.constant 32 : index
        %swap3A_881 = tpu.vector_load %arg8[%swap3A_878, %swap3A_879, %swap3A_880] {strides = array<i32>} : memref<2x128x64xf32, #tpu.memory_space<vmem>>, vector<16xf32>,
        tpu.vector_store %arg8[%swap3A_878, %swap3A_879, %swap3A_880], %mul3A_876 {strides = array<i32>} : memref<2x128x64xf32, #tpu.memory_space<vmem>>, vector<16xf32>,
        %mul3A_882 = vector.broadcast %squeeze3A_860 : f32 to vector<16xf32>
        %mul3A_883 = arith.mulf %get3A_576, %mul3A_882 : vector<16xf32>
        %swap3A_884 = arith.constant 1 : i32
        %swap3A_885 = arith.index_cast %swap3A_884 : i32 to index
        %swap3A_886 = arith.index_cast %add3A_858 : i32 to index
        %swap3A_887 = arith.constant 48 : index
        %swap3A_888 = tpu.vector_load %arg8[%swap3A_885, %swap3A_886, %swap3A_887] {strides = array<i32>} : memref<2x128x64xf32, #tpu.memory_space<vmem>>, vector<16xf32>,
        tpu.vector_store %arg8[%swap3A_885, %swap3A_886, %swap3A_887], %mul3A_883 {strides = array<i32>} : memref<2x128x64xf32, #tpu.memory_space<vmem>>, vector<16xf32>,
        %add3A_889 = arith.constant 6 : i32
        %add3A_890 = arith.addi %mul3A_324, %add3A_889 : i32
        %slice3A_891 = vector.extract_strided_slice %mul3A_696 {offsets = [6], sizes = [1], strides = [1]} : vector<16xf32> to vector<1xf32>
        %squeeze3A_892 = vector.extract %slice3A_891[0] : f32 from vector<1xf32>
        %mul3A_893 = vector.broadcast %squeeze3A_892 : f32 to vector<16xf32>
        %mul3A_894 = arith.mulf %get3A_598, %mul3A_893 : vector<16xf32>
        %swap3A_895 = arith.constant 1 : i32
        %swap3A_896 = arith.index_cast %swap3A_895 : i32 to index
        %swap3A_897 = arith.index_cast %add3A_890 : i32 to index
        %swap3A_898 = arith.constant 0 : index
        %swap3A_899 = tpu.vector_load %arg8[%swap3A_896, %swap3A_897, %swap3A_898] {strides = array<i32>} : memref<2x128x64xf32, #tpu.memory_space<vmem>>, vector<16xf32>,
        tpu.vector_store %arg8[%swap3A_896, %swap3A_897, %swap3A_898], %mul3A_894 {strides = array<i32>} : memref<2x128x64xf32, #tpu.memory_space<vmem>>, vector<16xf32>,
        %mul3A_900 = vector.broadcast %squeeze3A_892 : f32 to vector<16xf32>
        %mul3A_901 = arith.mulf %get3A_605, %mul3A_900 : vector<16xf32>
        %swap3A_902 = arith.constant 1 : i32
        %swap3A_903 = arith.index_cast %swap3A_902 : i32 to index
        %swap3A_904 = arith.index_cast %add3A_890 : i32 to index
        %swap3A_905 = arith.constant 16 : index
        %swap3A_906 = tpu.vector_load %arg8[%swap3A_903, %swap3A_904, %swap3A_905] {strides = array<i32>} : memref<2x128x64xf32, #tpu.memory_space<vmem>>, vector<16xf32>,
        tpu.vector_store %arg8[%swap3A_903, %swap3A_904, %swap3A_905], %mul3A_901 {strides = array<i32>} : memref<2x128x64xf32, #tpu.memory_space<vmem>>, vector<16xf32>,
        %mul3A_907 = vector.broadcast %squeeze3A_892 : f32 to vector<16xf32>
        %mul3A_908 = arith.mulf %get3A_612, %mul3A_907 : vector<16xf32>
        %swap3A_909 = arith.constant 1 : i32
        %swap3A_910 = arith.index_cast %swap3A_909 : i32 to index
        %swap3A_911 = arith.index_cast %add3A_890 : i32 to index
        %swap3A_912 = arith.constant 32 : index
        %swap3A_913 = tpu.vector_load %arg8[%swap3A_910, %swap3A_911, %swap3A_912] {strides = array<i32>} : memref<2x128x64xf32, #tpu.memory_space<vmem>>, vector<16xf32>,
        tpu.vector_store %arg8[%swap3A_910, %swap3A_911, %swap3A_912], %mul3A_908 {strides = array<i32>} : memref<2x128x64xf32, #tpu.memory_space<vmem>>, vector<16xf32>,
        %mul3A_914 = vector.broadcast %squeeze3A_892 : f32 to vector<16xf32>
        %mul3A_915 = arith.mulf %get3A_619, %mul3A_914 : vector<16xf32>
        %swap3A_916 = arith.constant 1 : i32
        %swap3A_917 = arith.index_cast %swap3A_916 : i32 to index
        %swap3A_918 = arith.index_cast %add3A_890 : i32 to index
        %swap3A_919 = arith.constant 48 : index
        %swap3A_920 = tpu.vector_load %arg8[%swap3A_917, %swap3A_918, %swap3A_919] {strides = array<i32>} : memref<2x128x64xf32, #tpu.memory_space<vmem>>, vector<16xf32>,
        tpu.vector_store %arg8[%swap3A_917, %swap3A_918, %swap3A_919], %mul3A_915 {strides = array<i32>} : memref<2x128x64xf32, #tpu.memory_space<vmem>>, vector<16xf32>,
        %add3A_921 = arith.constant 7 : i32
        %add3A_922 = arith.addi %mul3A_324, %add3A_921 : i32
        %slice3A_923 = vector.extract_strided_slice %mul3A_696 {offsets = [7], sizes = [1], strides = [1]} : vector<16xf32> to vector<1xf32>
        %squeeze3A_924 = vector.extract %slice3A_923[0] : f32 from vector<1xf32>
        %mul3A_925 = vector.broadcast %squeeze3A_924 : f32 to vector<16xf32>
        %mul3A_926 = arith.mulf %get3A_641, %mul3A_925 : vector<16xf32>
        %swap3A_927 = arith.constant 1 : i32
        %swap3A_928 = arith.index_cast %swap3A_927 : i32 to index
        %swap3A_929 = arith.index_cast %add3A_922 : i32 to index
        %swap3A_930 = arith.constant 0 : index
        %swap3A_931 = tpu.vector_load %arg8[%swap3A_928, %swap3A_929, %swap3A_930] {strides = array<i32>} : memref<2x128x64xf32, #tpu.memory_space<vmem>>, vector<16xf32>,
        tpu.vector_store %arg8[%swap3A_928, %swap3A_929, %swap3A_930], %mul3A_926 {strides = array<i32>} : memref<2x128x64xf32, #tpu.memory_space<vmem>>, vector<16xf32>,
        %mul3A_932 = vector.broadcast %squeeze3A_924 : f32 to vector<16xf32>
        %mul3A_933 = arith.mulf %get3A_648, %mul3A_932 : vector<16xf32>
        %swap3A_934 = arith.constant 1 : i32
        %swap3A_935 = arith.index_cast %swap3A_934 : i32 to index
        %swap3A_936 = arith.index_cast %add3A_922 : i32 to index
        %swap3A_937 = arith.constant 16 : index
        %swap3A_938 = tpu.vector_load %arg8[%swap3A_935, %swap3A_936, %swap3A_937] {strides = array<i32>} : memref<2x128x64xf32, #tpu.memory_space<vmem>>, vector<16xf32>,
        tpu.vector_store %arg8[%swap3A_935, %swap3A_936, %swap3A_937], %mul3A_933 {strides = array<i32>} : memref<2x128x64xf32, #tpu.memory_space<vmem>>, vector<16xf32>,
        %mul3A_939 = vector.broadcast %squeeze3A_924 : f32 to vector<16xf32>
        %mul3A_940 = arith.mulf %get3A_655, %mul3A_939 : vector<16xf32>
        %swap3A_941 = arith.constant 1 : i32
        %swap3A_942 = arith.index_cast %swap3A_941 : i32 to index
        %swap3A_943 = arith.index_cast %add3A_922 : i32 to index
        %swap3A_944 = arith.constant 32 : index
        %swap3A_945 = tpu.vector_load %arg8[%swap3A_942, %swap3A_943, %swap3A_944] {strides = array<i32>} : memref<2x128x64xf32, #tpu.memory_space<vmem>>, vector<16xf32>,
        tpu.vector_store %arg8[%swap3A_942, %swap3A_943, %swap3A_944], %mul3A_940 {strides = array<i32>} : memref<2x128x64xf32, #tpu.memory_space<vmem>>, vector<16xf32>,
        %mul3A_946 = vector.broadcast %squeeze3A_924 : f32 to vector<16xf32>
        %mul3A_947 = arith.mulf %get3A_662, %mul3A_946 : vector<16xf32>
        %swap3A_948 = arith.constant 1 : i32
        %swap3A_949 = arith.index_cast %swap3A_948 : i32 to index
        %swap3A_950 = arith.index_cast %add3A_922 : i32 to index
        %swap3A_951 = arith.constant 48 : index
        %swap3A_952 = tpu.vector_load %arg8[%swap3A_949, %swap3A_950, %swap3A_951] {strides = array<i32>} : memref<2x128x64xf32, #tpu.memory_space<vmem>>, vector<16xf32>,
        tpu.vector_store %arg8[%swap3A_949, %swap3A_950, %swap3A_951], %mul3A_947 {strides = array<i32>} : memref<2x128x64xf32, #tpu.memory_space<vmem>>, vector<16xf32>,
        %broadcast_in_dim3A_953 = arith.constant 0.000000e+00 : f32
        %broadcast_in_dim3A_954 = vector.broadcast %broadcast_in_dim3A_953 : f32 to vector<16xf32>
        %add3A_955 = arith.constant 8 : i32
        %add3A_956 = arith.addi %mul3A_324, %add3A_955 : i32
        %slice3A_957 = vector.extract_strided_slice %shift_left3A_334 {offsets = [8], sizes = [1], strides = [1]} : vector<16xi32> to vector<1xi32>
        %squeeze3A_958 = vector.extract %slice3A_957[0] : i32 from vector<1xi32>
        %get3A_959 = arith.constant 1 : i32
        %get3A_960 = arith.index_cast %get3A_959 : i32 to index
        %get3A_961 = arith.index_cast %add3A_956 : i32 to index
        %get3A_962 = arith.index_cast %squeeze3A_958 : i32 to index
        %get3A_963 = tpu.vector_load %arg7[%get3A_960, %get3A_961, %get3A_962] {strides = array<i32>} : memref<2x128x128xf32, #tpu.memory_space<vmem>>, vector<16xf32>,
        %add3A_964 = arith.constant 16 : i32
        %add3A_965 = arith.addi %squeeze3A_958, %add3A_964 : i32
        %get3A_966 = arith.constant 1 : i32
        %get3A_967 = arith.index_cast %get3A_966 : i32 to index
        %get3A_968 = arith.index_cast %add3A_956 : i32 to index
        %get3A_969 = arith.index_cast %add3A_965 : i32 to index
        %get3A_970 = tpu.vector_load %arg7[%get3A_967, %get3A_968, %get3A_969] {strides = array<i32>} : memref<2x128x128xf32, #tpu.memory_space<vmem>>, vector<16xf32>,
        %add3A_971 = arith.constant 32 : i32
        %add3A_972 = arith.addi %squeeze3A_958, %add3A_971 : i32
        %get3A_973 = arith.constant 1 : i32
        %get3A_974 = arith.index_cast %get3A_973 : i32 to index
        %get3A_975 = arith.index_cast %add3A_956 : i32 to index
        %get3A_976 = arith.index_cast %add3A_972 : i32 to index
        %get3A_977 = tpu.vector_load %arg7[%get3A_974, %get3A_975, %get3A_976] {strides = array<i32>} : memref<2x128x128xf32, #tpu.memory_space<vmem>>, vector<16xf32>,
        %add3A_978 = arith.constant 48 : i32
        %add3A_979 = arith.addi %squeeze3A_958, %add3A_978 : i32
        %get3A_980 = arith.constant 1 : i32
        %get3A_981 = arith.index_cast %get3A_980 : i32 to index
        %get3A_982 = arith.index_cast %add3A_956 : i32 to index
        %get3A_983 = arith.index_cast %add3A_979 : i32 to index
        %get3A_984 = tpu.vector_load %arg7[%get3A_981, %get3A_982, %get3A_983] {strides = array<i32>} : memref<2x128x128xf32, #tpu.memory_space<vmem>>, vector<16xf32>,
        %mul3A_985 = arith.mulf %get3A_963, %get3A_963 : vector<16xf32>
        %mul3A_986 = arith.mulf %get3A_970, %get3A_970 : vector<16xf32>
        %add3A_987 = arith.addf %mul3A_985, %mul3A_986 : vector<16xf32>
        %mul3A_988 = arith.mulf %get3A_977, %get3A_977 : vector<16xf32>
        %add3A_989 = arith.addf %add3A_987, %mul3A_988 : vector<16xf32>
        %mul3A_990 = arith.mulf %get3A_984, %get3A_984 : vector<16xf32>
        %add3A_991 = arith.addf %add3A_989, %mul3A_990 : vector<16xf32>
        %reduce_sum3A_992 = arith.constant true
        %reduce_sum3A_993 = vector.broadcast %reduce_sum3A_992 : i1 to vector<16xi1>
        %reduce_sum3A_994 = tpu.scan <sum>, %add3A_991 masked %reduce_sum3A_993 : vector<16xf32>, vector<16xi1> -> vector<16xf32>
        %reduce_sum3A_995 = vector.extract %reduce_sum3A_994[15] : f32 from vector<16xf32>
        %broadcast_in_dim3A_996 = vector.broadcast %reduce_sum3A_995 : f32 to vector<16xf32>
        %select_n3A_997 = arith.select %eq3A_30, %broadcast_in_dim3A_996, %broadcast_in_dim3A_954 : vector<16xi1>, vector<16xf32>
        %add3A_998 = arith.constant 9 : i32
        %add3A_999 = arith.addi %mul3A_324, %add3A_998 : i32
        %slice3A_1000 = vector.extract_strided_slice %shift_left3A_334 {offsets = [9], sizes = [1], strides = [1]} : vector<16xi32> to vector<1xi32>
        %squeeze3A_1001 = vector.extract %slice3A_1000[0] : i32 from vector<1xi32>
        %get3A_1002 = arith.constant 1 : i32
        %get3A_1003 = arith.index_cast %get3A_1002 : i32 to index
        %get3A_1004 = arith.index_cast %add3A_999 : i32 to index
        %get3A_1005 = arith.index_cast %squeeze3A_1001 : i32 to index
        %get3A_1006 = tpu.vector_load %arg7[%get3A_1003, %get3A_1004, %get3A_1005] {strides = array<i32>} : memref<2x128x128xf32, #tpu.memory_space<vmem>>, vector<16xf32>,
        %add3A_1007 = arith.constant 16 : i32
        %add3A_1008 = arith.addi %squeeze3A_1001, %add3A_1007 : i32
        %get3A_1009 = arith.constant 1 : i32
        %get3A_1010 = arith.index_cast %get3A_1009 : i32 to index
        %get3A_1011 = arith.index_cast %add3A_999 : i32 to index
        %get3A_1012 = arith.index_cast %add3A_1008 : i32 to index
        %get3A_1013 = tpu.vector_load %arg7[%get3A_1010, %get3A_1011, %get3A_1012] {strides = array<i32>} : memref<2x128x128xf32, #tpu.memory_space<vmem>>, vector<16xf32>,
        %add3A_1014 = arith.constant 32 : i32
        %add3A_1015 = arith.addi %squeeze3A_1001, %add3A_1014 : i32
        %get3A_1016 = arith.constant 1 : i32
        %get3A_1017 = arith.index_cast %get3A_1016 : i32 to index
        %get3A_1018 = arith.index_cast %add3A_999 : i32 to index
        %get3A_1019 = arith.index_cast %add3A_1015 : i32 to index
        %get3A_1020 = tpu.vector_load %arg7[%get3A_1017, %get3A_1018, %get3A_1019] {strides = array<i32>} : memref<2x128x128xf32, #tpu.memory_space<vmem>>, vector<16xf32>,
        %add3A_1021 = arith.constant 48 : i32
        %add3A_1022 = arith.addi %squeeze3A_1001, %add3A_1021 : i32
        %get3A_1023 = arith.constant 1 : i32
        %get3A_1024 = arith.index_cast %get3A_1023 : i32 to index
        %get3A_1025 = arith.index_cast %add3A_999 : i32 to index
        %get3A_1026 = arith.index_cast %add3A_1022 : i32 to index
        %get3A_1027 = tpu.vector_load %arg7[%get3A_1024, %get3A_1025, %get3A_1026] {strides = array<i32>} : memref<2x128x128xf32, #tpu.memory_space<vmem>>, vector<16xf32>,
        %mul3A_1028 = arith.mulf %get3A_1006, %get3A_1006 : vector<16xf32>
        %mul3A_1029 = arith.mulf %get3A_1013, %get3A_1013 : vector<16xf32>
        %add3A_1030 = arith.addf %mul3A_1028, %mul3A_1029 : vector<16xf32>
        %mul3A_1031 = arith.mulf %get3A_1020, %get3A_1020 : vector<16xf32>
        %add3A_1032 = arith.addf %add3A_1030, %mul3A_1031 : vector<16xf32>
        %mul3A_1033 = arith.mulf %get3A_1027, %get3A_1027 : vector<16xf32>
        %add3A_1034 = arith.addf %add3A_1032, %mul3A_1033 : vector<16xf32>
        %reduce_sum3A_1035 = arith.constant true
        %reduce_sum3A_1036 = vector.broadcast %reduce_sum3A_1035 : i1 to vector<16xi1>
        %reduce_sum3A_1037 = tpu.scan <sum>, %add3A_1034 masked %reduce_sum3A_1036 : vector<16xf32>, vector<16xi1> -> vector<16xf32>
        %reduce_sum3A_1038 = vector.extract %reduce_sum3A_1037[15] : f32 from vector<16xf32>
        %broadcast_in_dim3A_1039 = vector.broadcast %reduce_sum3A_1038 : f32 to vector<16xf32>
        %select_n3A_1040 = arith.select %eq3A_33, %broadcast_in_dim3A_1039, %select_n3A_997 : vector<16xi1>, vector<16xf32>
        %add3A_1041 = arith.constant 10 : i32
        %add3A_1042 = arith.addi %mul3A_324, %add3A_1041 : i32
        %slice3A_1043 = vector.extract_strided_slice %shift_left3A_334 {offsets = [10], sizes = [1], strides = [1]} : vector<16xi32> to vector<1xi32>
        %squeeze3A_1044 = vector.extract %slice3A_1043[0] : i32 from vector<1xi32>
        %get3A_1045 = arith.constant 1 : i32
        %get3A_1046 = arith.index_cast %get3A_1045 : i32 to index
        %get3A_1047 = arith.index_cast %add3A_1042 : i32 to index
        %get3A_1048 = arith.index_cast %squeeze3A_1044 : i32 to index
        %get3A_1049 = tpu.vector_load %arg7[%get3A_1046, %get3A_1047, %get3A_1048] {strides = array<i32>} : memref<2x128x128xf32, #tpu.memory_space<vmem>>, vector<16xf32>,
        %add3A_1050 = arith.constant 16 : i32
        %add3A_1051 = arith.addi %squeeze3A_1044, %add3A_1050 : i32
        %get3A_1052 = arith.constant 1 : i32
        %get3A_1053 = arith.index_cast %get3A_1052 : i32 to index
        %get3A_1054 = arith.index_cast %add3A_1042 : i32 to index
        %get3A_1055 = arith.index_cast %add3A_1051 : i32 to index
        %get3A_1056 = tpu.vector_load %arg7[%get3A_1053, %get3A_1054, %get3A_1055] {strides = array<i32>} : memref<2x128x128xf32, #tpu.memory_space<vmem>>, vector<16xf32>,
        %add3A_1057 = arith.constant 32 : i32
        %add3A_1058 = arith.addi %squeeze3A_1044, %add3A_1057 : i32
        %get3A_1059 = arith.constant 1 : i32
        %get3A_1060 = arith.index_cast %get3A_1059 : i32 to index
        %get3A_1061 = arith.index_cast %add3A_1042 : i32 to index
        %get3A_1062 = arith.index_cast %add3A_1058 : i32 to index
        %get3A_1063 = tpu.vector_load %arg7[%get3A_1060, %get3A_1061, %get3A_1062] {strides = array<i32>} : memref<2x128x128xf32, #tpu.memory_space<vmem>>, vector<16xf32>,
        %add3A_1064 = arith.constant 48 : i32
        %add3A_1065 = arith.addi %squeeze3A_1044, %add3A_1064 : i32
        %get3A_1066 = arith.constant 1 : i32
        %get3A_1067 = arith.index_cast %get3A_1066 : i32 to index
        %get3A_1068 = arith.index_cast %add3A_1042 : i32 to index
        %get3A_1069 = arith.index_cast %add3A_1065 : i32 to index
        %get3A_1070 = tpu.vector_load %arg7[%get3A_1067, %get3A_1068, %get3A_1069] {strides = array<i32>} : memref<2x128x128xf32, #tpu.memory_space<vmem>>, vector<16xf32>,
        %mul3A_1071 = arith.mulf %get3A_1049, %get3A_1049 : vector<16xf32>
        %mul3A_1072 = arith.mulf %get3A_1056, %get3A_1056 : vector<16xf32>
        %add3A_1073 = arith.addf %mul3A_1071, %mul3A_1072 : vector<16xf32>
        %mul3A_1074 = arith.mulf %get3A_1063, %get3A_1063 : vector<16xf32>
        %add3A_1075 = arith.addf %add3A_1073, %mul3A_1074 : vector<16xf32>
        %mul3A_1076 = arith.mulf %get3A_1070, %get3A_1070 : vector<16xf32>
        %add3A_1077 = arith.addf %add3A_1075, %mul3A_1076 : vector<16xf32>
        %reduce_sum3A_1078 = arith.constant true
        %reduce_sum3A_1079 = vector.broadcast %reduce_sum3A_1078 : i1 to vector<16xi1>
        %reduce_sum3A_1080 = tpu.scan <sum>, %add3A_1077 masked %reduce_sum3A_1079 : vector<16xf32>, vector<16xi1> -> vector<16xf32>
        %reduce_sum3A_1081 = vector.extract %reduce_sum3A_1080[15] : f32 from vector<16xf32>
        %broadcast_in_dim3A_1082 = vector.broadcast %reduce_sum3A_1081 : f32 to vector<16xf32>
        %select_n3A_1083 = arith.select %eq3A_36, %broadcast_in_dim3A_1082, %select_n3A_1040 : vector<16xi1>, vector<16xf32>
        %add3A_1084 = arith.constant 11 : i32
        %add3A_1085 = arith.addi %mul3A_324, %add3A_1084 : i32
        %slice3A_1086 = vector.extract_strided_slice %shift_left3A_334 {offsets = [11], sizes = [1], strides = [1]} : vector<16xi32> to vector<1xi32>
        %squeeze3A_1087 = vector.extract %slice3A_1086[0] : i32 from vector<1xi32>
        %get3A_1088 = arith.constant 1 : i32
        %get3A_1089 = arith.index_cast %get3A_1088 : i32 to index
        %get3A_1090 = arith.index_cast %add3A_1085 : i32 to index
        %get3A_1091 = arith.index_cast %squeeze3A_1087 : i32 to index
        %get3A_1092 = tpu.vector_load %arg7[%get3A_1089, %get3A_1090, %get3A_1091] {strides = array<i32>} : memref<2x128x128xf32, #tpu.memory_space<vmem>>, vector<16xf32>,
        %add3A_1093 = arith.constant 16 : i32
        %add3A_1094 = arith.addi %squeeze3A_1087, %add3A_1093 : i32
        %get3A_1095 = arith.constant 1 : i32
        %get3A_1096 = arith.index_cast %get3A_1095 : i32 to index
        %get3A_1097 = arith.index_cast %add3A_1085 : i32 to index
        %get3A_1098 = arith.index_cast %add3A_1094 : i32 to index
        %get3A_1099 = tpu.vector_load %arg7[%get3A_1096, %get3A_1097, %get3A_1098] {strides = array<i32>} : memref<2x128x128xf32, #tpu.memory_space<vmem>>, vector<16xf32>,
        %add3A_1100 = arith.constant 32 : i32
        %add3A_1101 = arith.addi %squeeze3A_1087, %add3A_1100 : i32
        %get3A_1102 = arith.constant 1 : i32
        %get3A_1103 = arith.index_cast %get3A_1102 : i32 to index
        %get3A_1104 = arith.index_cast %add3A_1085 : i32 to index
        %get3A_1105 = arith.index_cast %add3A_1101 : i32 to index
        %get3A_1106 = tpu.vector_load %arg7[%get3A_1103, %get3A_1104, %get3A_1105] {strides = array<i32>} : memref<2x128x128xf32, #tpu.memory_space<vmem>>, vector<16xf32>,
        %add3A_1107 = arith.constant 48 : i32
        %add3A_1108 = arith.addi %squeeze3A_1087, %add3A_1107 : i32
        %get3A_1109 = arith.constant 1 : i32
        %get3A_1110 = arith.index_cast %get3A_1109 : i32 to index
        %get3A_1111 = arith.index_cast %add3A_1085 : i32 to index
        %get3A_1112 = arith.index_cast %add3A_1108 : i32 to index
        %get3A_1113 = tpu.vector_load %arg7[%get3A_1110, %get3A_1111, %get3A_1112] {strides = array<i32>} : memref<2x128x128xf32, #tpu.memory_space<vmem>>, vector<16xf32>,
        %mul3A_1114 = arith.mulf %get3A_1092, %get3A_1092 : vector<16xf32>
        %mul3A_1115 = arith.mulf %get3A_1099, %get3A_1099 : vector<16xf32>
        %add3A_1116 = arith.addf %mul3A_1114, %mul3A_1115 : vector<16xf32>
        %mul3A_1117 = arith.mulf %get3A_1106, %get3A_1106 : vector<16xf32>
        %add3A_1118 = arith.addf %add3A_1116, %mul3A_1117 : vector<16xf32>
        %mul3A_1119 = arith.mulf %get3A_1113, %get3A_1113 : vector<16xf32>
        %add3A_1120 = arith.addf %add3A_1118, %mul3A_1119 : vector<16xf32>
        %reduce_sum3A_1121 = arith.constant true
        %reduce_sum3A_1122 = vector.broadcast %reduce_sum3A_1121 : i1 to vector<16xi1>
        %reduce_sum3A_1123 = tpu.scan <sum>, %add3A_1120 masked %reduce_sum3A_1122 : vector<16xf32>, vector<16xi1> -> vector<16xf32>
        %reduce_sum3A_1124 = vector.extract %reduce_sum3A_1123[15] : f32 from vector<16xf32>
        %broadcast_in_dim3A_1125 = vector.broadcast %reduce_sum3A_1124 : f32 to vector<16xf32>
        %select_n3A_1126 = arith.select %eq3A_39, %broadcast_in_dim3A_1125, %select_n3A_1083 : vector<16xi1>, vector<16xf32>
        %add3A_1127 = arith.constant 12 : i32
        %add3A_1128 = arith.addi %mul3A_324, %add3A_1127 : i32
        %slice3A_1129 = vector.extract_strided_slice %shift_left3A_334 {offsets = [12], sizes = [1], strides = [1]} : vector<16xi32> to vector<1xi32>
        %squeeze3A_1130 = vector.extract %slice3A_1129[0] : i32 from vector<1xi32>
        %get3A_1131 = arith.constant 1 : i32
        %get3A_1132 = arith.index_cast %get3A_1131 : i32 to index
        %get3A_1133 = arith.index_cast %add3A_1128 : i32 to index
        %get3A_1134 = arith.index_cast %squeeze3A_1130 : i32 to index
        %get3A_1135 = tpu.vector_load %arg7[%get3A_1132, %get3A_1133, %get3A_1134] {strides = array<i32>} : memref<2x128x128xf32, #tpu.memory_space<vmem>>, vector<16xf32>,
        %add3A_1136 = arith.constant 16 : i32
        %add3A_1137 = arith.addi %squeeze3A_1130, %add3A_1136 : i32
        %get3A_1138 = arith.constant 1 : i32
        %get3A_1139 = arith.index_cast %get3A_1138 : i32 to index
        %get3A_1140 = arith.index_cast %add3A_1128 : i32 to index
        %get3A_1141 = arith.index_cast %add3A_1137 : i32 to index
        %get3A_1142 = tpu.vector_load %arg7[%get3A_1139, %get3A_1140, %get3A_1141] {strides = array<i32>} : memref<2x128x128xf32, #tpu.memory_space<vmem>>, vector<16xf32>,
        %add3A_1143 = arith.constant 32 : i32
        %add3A_1144 = arith.addi %squeeze3A_1130, %add3A_1143 : i32
        %get3A_1145 = arith.constant 1 : i32
        %get3A_1146 = arith.index_cast %get3A_1145 : i32 to index
        %get3A_1147 = arith.index_cast %add3A_1128 : i32 to index
        %get3A_1148 = arith.index_cast %add3A_1144 : i32 to index
        %get3A_1149 = tpu.vector_load %arg7[%get3A_1146, %get3A_1147, %get3A_1148] {strides = array<i32>} : memref<2x128x128xf32, #tpu.memory_space<vmem>>, vector<16xf32>,
        %add3A_1150 = arith.constant 48 : i32
        %add3A_1151 = arith.addi %squeeze3A_1130, %add3A_1150 : i32
        %get3A_1152 = arith.constant 1 : i32
        %get3A_1153 = arith.index_cast %get3A_1152 : i32 to index
        %get3A_1154 = arith.index_cast %add3A_1128 : i32 to index
        %get3A_1155 = arith.index_cast %add3A_1151 : i32 to index
        %get3A_1156 = tpu.vector_load %arg7[%get3A_1153, %get3A_1154, %get3A_1155] {strides = array<i32>} : memref<2x128x128xf32, #tpu.memory_space<vmem>>, vector<16xf32>,
        %mul3A_1157 = arith.mulf %get3A_1135, %get3A_1135 : vector<16xf32>
        %mul3A_1158 = arith.mulf %get3A_1142, %get3A_1142 : vector<16xf32>
        %add3A_1159 = arith.addf %mul3A_1157, %mul3A_1158 : vector<16xf32>
        %mul3A_1160 = arith.mulf %get3A_1149, %get3A_1149 : vector<16xf32>
        %add3A_1161 = arith.addf %add3A_1159, %mul3A_1160 : vector<16xf32>
        %mul3A_1162 = arith.mulf %get3A_1156, %get3A_1156 : vector<16xf32>
        %add3A_1163 = arith.addf %add3A_1161, %mul3A_1162 : vector<16xf32>
        %reduce_sum3A_1164 = arith.constant true
        %reduce_sum3A_1165 = vector.broadcast %reduce_sum3A_1164 : i1 to vector<16xi1>
        %reduce_sum3A_1166 = tpu.scan <sum>, %add3A_1163 masked %reduce_sum3A_1165 : vector<16xf32>, vector<16xi1> -> vector<16xf32>
        %reduce_sum3A_1167 = vector.extract %reduce_sum3A_1166[15] : f32 from vector<16xf32>
        %broadcast_in_dim3A_1168 = vector.broadcast %reduce_sum3A_1167 : f32 to vector<16xf32>
        %select_n3A_1169 = arith.select %eq3A_42, %broadcast_in_dim3A_1168, %select_n3A_1126 : vector<16xi1>, vector<16xf32>
        %add3A_1170 = arith.constant 13 : i32
        %add3A_1171 = arith.addi %mul3A_324, %add3A_1170 : i32
        %slice3A_1172 = vector.extract_strided_slice %shift_left3A_334 {offsets = [13], sizes = [1], strides = [1]} : vector<16xi32> to vector<1xi32>
        %squeeze3A_1173 = vector.extract %slice3A_1172[0] : i32 from vector<1xi32>
        %get3A_1174 = arith.constant 1 : i32
        %get3A_1175 = arith.index_cast %get3A_1174 : i32 to index
        %get3A_1176 = arith.index_cast %add3A_1171 : i32 to index
        %get3A_1177 = arith.index_cast %squeeze3A_1173 : i32 to index
        %get3A_1178 = tpu.vector_load %arg7[%get3A_1175, %get3A_1176, %get3A_1177] {strides = array<i32>} : memref<2x128x128xf32, #tpu.memory_space<vmem>>, vector<16xf32>,
        %add3A_1179 = arith.constant 16 : i32
        %add3A_1180 = arith.addi %squeeze3A_1173, %add3A_1179 : i32
        %get3A_1181 = arith.constant 1 : i32
        %get3A_1182 = arith.index_cast %get3A_1181 : i32 to index
        %get3A_1183 = arith.index_cast %add3A_1171 : i32 to index
        %get3A_1184 = arith.index_cast %add3A_1180 : i32 to index
        %get3A_1185 = tpu.vector_load %arg7[%get3A_1182, %get3A_1183, %get3A_1184] {strides = array<i32>} : memref<2x128x128xf32, #tpu.memory_space<vmem>>, vector<16xf32>,
        %add3A_1186 = arith.constant 32 : i32
        %add3A_1187 = arith.addi %squeeze3A_1173, %add3A_1186 : i32
        %get3A_1188 = arith.constant 1 : i32
        %get3A_1189 = arith.index_cast %get3A_1188 : i32 to index
        %get3A_1190 = arith.index_cast %add3A_1171 : i32 to index
        %get3A_1191 = arith.index_cast %add3A_1187 : i32 to index
        %get3A_1192 = tpu.vector_load %arg7[%get3A_1189, %get3A_1190, %get3A_1191] {strides = array<i32>} : memref<2x128x128xf32, #tpu.memory_space<vmem>>, vector<16xf32>,
        %add3A_1193 = arith.constant 48 : i32
        %add3A_1194 = arith.addi %squeeze3A_1173, %add3A_1193 : i32
        %get3A_1195 = arith.constant 1 : i32
        %get3A_1196 = arith.index_cast %get3A_1195 : i32 to index
        %get3A_1197 = arith.index_cast %add3A_1171 : i32 to index
        %get3A_1198 = arith.index_cast %add3A_1194 : i32 to index
        %get3A_1199 = tpu.vector_load %arg7[%get3A_1196, %get3A_1197, %get3A_1198] {strides = array<i32>} : memref<2x128x128xf32, #tpu.memory_space<vmem>>, vector<16xf32>,
        %mul3A_1200 = arith.mulf %get3A_1178, %get3A_1178 : vector<16xf32>
        %mul3A_1201 = arith.mulf %get3A_1185, %get3A_1185 : vector<16xf32>
        %add3A_1202 = arith.addf %mul3A_1200, %mul3A_1201 : vector<16xf32>
        %mul3A_1203 = arith.mulf %get3A_1192, %get3A_1192 : vector<16xf32>
        %add3A_1204 = arith.addf %add3A_1202, %mul3A_1203 : vector<16xf32>
        %mul3A_1205 = arith.mulf %get3A_1199, %get3A_1199 : vector<16xf32>
        %add3A_1206 = arith.addf %add3A_1204, %mul3A_1205 : vector<16xf32>
        %reduce_sum3A_1207 = arith.constant true
        %reduce_sum3A_1208 = vector.broadcast %reduce_sum3A_1207 : i1 to vector<16xi1>
        %reduce_sum3A_1209 = tpu.scan <sum>, %add3A_1206 masked %reduce_sum3A_1208 : vector<16xf32>, vector<16xi1> -> vector<16xf32>
        %reduce_sum3A_1210 = vector.extract %reduce_sum3A_1209[15] : f32 from vector<16xf32>
        %broadcast_in_dim3A_1211 = vector.broadcast %reduce_sum3A_1210 : f32 to vector<16xf32>
        %select_n3A_1212 = arith.select %eq3A_45, %broadcast_in_dim3A_1211, %select_n3A_1169 : vector<16xi1>, vector<16xf32>
        %add3A_1213 = arith.constant 14 : i32
        %add3A_1214 = arith.addi %mul3A_324, %add3A_1213 : i32
        %slice3A_1215 = vector.extract_strided_slice %shift_left3A_334 {offsets = [14], sizes = [1], strides = [1]} : vector<16xi32> to vector<1xi32>
        %squeeze3A_1216 = vector.extract %slice3A_1215[0] : i32 from vector<1xi32>
        %get3A_1217 = arith.constant 1 : i32
        %get3A_1218 = arith.index_cast %get3A_1217 : i32 to index
        %get3A_1219 = arith.index_cast %add3A_1214 : i32 to index
        %get3A_1220 = arith.index_cast %squeeze3A_1216 : i32 to index
        %get3A_1221 = tpu.vector_load %arg7[%get3A_1218, %get3A_1219, %get3A_1220] {strides = array<i32>} : memref<2x128x128xf32, #tpu.memory_space<vmem>>, vector<16xf32>,
        %add3A_1222 = arith.constant 16 : i32
        %add3A_1223 = arith.addi %squeeze3A_1216, %add3A_1222 : i32
        %get3A_1224 = arith.constant 1 : i32
        %get3A_1225 = arith.index_cast %get3A_1224 : i32 to index
        %get3A_1226 = arith.index_cast %add3A_1214 : i32 to index
        %get3A_1227 = arith.index_cast %add3A_1223 : i32 to index
        %get3A_1228 = tpu.vector_load %arg7[%get3A_1225, %get3A_1226, %get3A_1227] {strides = array<i32>} : memref<2x128x128xf32, #tpu.memory_space<vmem>>, vector<16xf32>,
        %add3A_1229 = arith.constant 32 : i32
        %add3A_1230 = arith.addi %squeeze3A_1216, %add3A_1229 : i32
        %get3A_1231 = arith.constant 1 : i32
        %get3A_1232 = arith.index_cast %get3A_1231 : i32 to index
        %get3A_1233 = arith.index_cast %add3A_1214 : i32 to index
        %get3A_1234 = arith.index_cast %add3A_1230 : i32 to index
        %get3A_1235 = tpu.vector_load %arg7[%get3A_1232, %get3A_1233, %get3A_1234] {strides = array<i32>} : memref<2x128x128xf32, #tpu.memory_space<vmem>>, vector<16xf32>,
        %add3A_1236 = arith.constant 48 : i32
        %add3A_1237 = arith.addi %squeeze3A_1216, %add3A_1236 : i32
        %get3A_1238 = arith.constant 1 : i32
        %get3A_1239 = arith.index_cast %get3A_1238 : i32 to index
        %get3A_1240 = arith.index_cast %add3A_1214 : i32 to index
        %get3A_1241 = arith.index_cast %add3A_1237 : i32 to index
        %get3A_1242 = tpu.vector_load %arg7[%get3A_1239, %get3A_1240, %get3A_1241] {strides = array<i32>} : memref<2x128x128xf32, #tpu.memory_space<vmem>>, vector<16xf32>,
        %mul3A_1243 = arith.mulf %get3A_1221, %get3A_1221 : vector<16xf32>
        %mul3A_1244 = arith.mulf %get3A_1228, %get3A_1228 : vector<16xf32>
        %add3A_1245 = arith.addf %mul3A_1243, %mul3A_1244 : vector<16xf32>
        %mul3A_1246 = arith.mulf %get3A_1235, %get3A_1235 : vector<16xf32>
        %add3A_1247 = arith.addf %add3A_1245, %mul3A_1246 : vector<16xf32>
        %mul3A_1248 = arith.mulf %get3A_1242, %get3A_1242 : vector<16xf32>
        %add3A_1249 = arith.addf %add3A_1247, %mul3A_1248 : vector<16xf32>
        %reduce_sum3A_1250 = arith.constant true
        %reduce_sum3A_1251 = vector.broadcast %reduce_sum3A_1250 : i1 to vector<16xi1>
        %reduce_sum3A_1252 = tpu.scan <sum>, %add3A_1249 masked %reduce_sum3A_1251 : vector<16xf32>, vector<16xi1> -> vector<16xf32>
        %reduce_sum3A_1253 = vector.extract %reduce_sum3A_1252[15] : f32 from vector<16xf32>
        %broadcast_in_dim3A_1254 = vector.broadcast %reduce_sum3A_1253 : f32 to vector<16xf32>
        %select_n3A_1255 = arith.select %eq3A_48, %broadcast_in_dim3A_1254, %select_n3A_1212 : vector<16xi1>, vector<16xf32>
        %add3A_1256 = arith.constant 15 : i32
        %add3A_1257 = arith.addi %mul3A_324, %add3A_1256 : i32
        %slice3A_1258 = vector.extract_strided_slice %shift_left3A_334 {offsets = [15], sizes = [1], strides = [1]} : vector<16xi32> to vector<1xi32>
        %squeeze3A_1259 = vector.extract %slice3A_1258[0] : i32 from vector<1xi32>
        %get3A_1260 = arith.constant 1 : i32
        %get3A_1261 = arith.index_cast %get3A_1260 : i32 to index
        %get3A_1262 = arith.index_cast %add3A_1257 : i32 to index
        %get3A_1263 = arith.index_cast %squeeze3A_1259 : i32 to index
        %get3A_1264 = tpu.vector_load %arg7[%get3A_1261, %get3A_1262, %get3A_1263] {strides = array<i32>} : memref<2x128x128xf32, #tpu.memory_space<vmem>>, vector<16xf32>,
        %add3A_1265 = arith.constant 16 : i32
        %add3A_1266 = arith.addi %squeeze3A_1259, %add3A_1265 : i32
        %get3A_1267 = arith.constant 1 : i32
        %get3A_1268 = arith.index_cast %get3A_1267 : i32 to index
        %get3A_1269 = arith.index_cast %add3A_1257 : i32 to index
        %get3A_1270 = arith.index_cast %add3A_1266 : i32 to index
        %get3A_1271 = tpu.vector_load %arg7[%get3A_1268, %get3A_1269, %get3A_1270] {strides = array<i32>} : memref<2x128x128xf32, #tpu.memory_space<vmem>>, vector<16xf32>,
        %add3A_1272 = arith.constant 32 : i32
        %add3A_1273 = arith.addi %squeeze3A_1259, %add3A_1272 : i32
        %get3A_1274 = arith.constant 1 : i32
        %get3A_1275 = arith.index_cast %get3A_1274 : i32 to index
        %get3A_1276 = arith.index_cast %add3A_1257 : i32 to index
        %get3A_1277 = arith.index_cast %add3A_1273 : i32 to index
        %get3A_1278 = tpu.vector_load %arg7[%get3A_1275, %get3A_1276, %get3A_1277] {strides = array<i32>} : memref<2x128x128xf32, #tpu.memory_space<vmem>>, vector<16xf32>,
        %add3A_1279 = arith.constant 48 : i32
        %add3A_1280 = arith.addi %squeeze3A_1259, %add3A_1279 : i32
        %get3A_1281 = arith.constant 1 : i32
        %get3A_1282 = arith.index_cast %get3A_1281 : i32 to index
        %get3A_1283 = arith.index_cast %add3A_1257 : i32 to index
        %get3A_1284 = arith.index_cast %add3A_1280 : i32 to index
        %get3A_1285 = tpu.vector_load %arg7[%get3A_1282, %get3A_1283, %get3A_1284] {strides = array<i32>} : memref<2x128x128xf32, #tpu.memory_space<vmem>>, vector<16xf32>,
        %mul3A_1286 = arith.mulf %get3A_1264, %get3A_1264 : vector<16xf32>
        %mul3A_1287 = arith.mulf %get3A_1271, %get3A_1271 : vector<16xf32>
        %add3A_1288 = arith.addf %mul3A_1286, %mul3A_1287 : vector<16xf32>
        %mul3A_1289 = arith.mulf %get3A_1278, %get3A_1278 : vector<16xf32>
        %add3A_1290 = arith.addf %add3A_1288, %mul3A_1289 : vector<16xf32>
        %mul3A_1291 = arith.mulf %get3A_1285, %get3A_1285 : vector<16xf32>
        %add3A_1292 = arith.addf %add3A_1290, %mul3A_1291 : vector<16xf32>
        %reduce_sum3A_1293 = arith.constant true
        %reduce_sum3A_1294 = vector.broadcast %reduce_sum3A_1293 : i1 to vector<16xi1>
        %reduce_sum3A_1295 = tpu.scan <sum>, %add3A_1292 masked %reduce_sum3A_1294 : vector<16xf32>, vector<16xi1> -> vector<16xf32>
        %reduce_sum3A_1296 = vector.extract %reduce_sum3A_1295[15] : f32 from vector<16xf32>
        %broadcast_in_dim3A_1297 = vector.broadcast %reduce_sum3A_1296 : f32 to vector<16xf32>
        %select_n3A_1298 = arith.select %eq3A_51, %broadcast_in_dim3A_1297, %select_n3A_1255 : vector<16xi1>, vector<16xf32>
        %bitcast3A_1299 = vector.bitcast %select_n3A_1298 : vector<16xf32> to vector<16xi32>
        %shift_right_arithmetic3A_1300 = arith.constant 1 : i32
        %shift_right_arithmetic3A_1301 = vector.broadcast %shift_right_arithmetic3A_1300 : i32 to vector<16xi32>
        %shift_right_arithmetic3A_1302 = arith.shrsi %bitcast3A_1299, %shift_right_arithmetic3A_1301 : vector<16xi32>
        %sub3A_1303 = arith.constant 1597463007 : i32
        %sub3A_1304 = vector.broadcast %sub3A_1303 : i32 to vector<16xi32>
        %sub3A_1305 = arith.subi %sub3A_1304, %shift_right_arithmetic3A_1302 : vector<16xi32>
        %bitcast3A_1306 = vector.bitcast %sub3A_1305 : vector<16xi32> to vector<16xf32>
        %mul3A_1307 = arith.constant 5.000000e-01 : f32
        %mul3A_1308 = vector.broadcast %mul3A_1307 : f32 to vector<16xf32>
        %mul3A_1309 = arith.mulf %mul3A_1308, %select_n3A_1298 : vector<16xf32>
        %mul3A_1310 = arith.mulf %mul3A_1309, %bitcast3A_1306 : vector<16xf32>
        %mul3A_1311 = arith.mulf %mul3A_1310, %bitcast3A_1306 : vector<16xf32>
        %sub3A_1312 = arith.constant 1.500000e+00 : f32
        %sub3A_1313 = vector.broadcast %sub3A_1312 : f32 to vector<16xf32>
        %sub3A_1314 = arith.subf %sub3A_1313, %mul3A_1311 : vector<16xf32>
        %mul3A_1315 = arith.mulf %bitcast3A_1306, %sub3A_1314 : vector<16xf32>
        %mul3A_1316 = arith.mulf %mul3A_1309, %mul3A_1315 : vector<16xf32>
        %mul3A_1317 = arith.mulf %mul3A_1316, %mul3A_1315 : vector<16xf32>
        %sub3A_1318 = arith.constant 1.500000e+00 : f32
        %sub3A_1319 = vector.broadcast %sub3A_1318 : f32 to vector<16xf32>
        %sub3A_1320 = arith.subf %sub3A_1319, %mul3A_1317 : vector<16xf32>
        %mul3A_1321 = arith.mulf %mul3A_1315, %sub3A_1320 : vector<16xf32>
        %add3A_1322 = arith.constant 8 : i32
        %add3A_1323 = arith.addi %mul3A_324, %add3A_1322 : i32
        %slice3A_1324 = vector.extract_strided_slice %mul3A_1321 {offsets = [8], sizes = [1], strides = [1]} : vector<16xf32> to vector<1xf32>
        %squeeze3A_1325 = vector.extract %slice3A_1324[0] : f32 from vector<1xf32>
        %mul3A_1326 = vector.broadcast %squeeze3A_1325 : f32 to vector<16xf32>
        %mul3A_1327 = arith.mulf %get3A_963, %mul3A_1326 : vector<16xf32>
        %swap3A_1328 = arith.constant 1 : i32
        %swap3A_1329 = arith.index_cast %swap3A_1328 : i32 to index
        %swap3A_1330 = arith.index_cast %add3A_1323 : i32 to index
        %swap3A_1331 = arith.constant 0 : index
        %swap3A_1332 = tpu.vector_load %arg8[%swap3A_1329, %swap3A_1330, %swap3A_1331] {strides = array<i32>} : memref<2x128x64xf32, #tpu.memory_space<vmem>>, vector<16xf32>,
        tpu.vector_store %arg8[%swap3A_1329, %swap3A_1330, %swap3A_1331], %mul3A_1327 {strides = array<i32>} : memref<2x128x64xf32, #tpu.memory_space<vmem>>, vector<16xf32>,
        %mul3A_1333 = vector.broadcast %squeeze3A_1325 : f32 to vector<16xf32>
        %mul3A_1334 = arith.mulf %get3A_970, %mul3A_1333 : vector<16xf32>
        %swap3A_1335 = arith.constant 1 : i32
        %swap3A_1336 = arith.index_cast %swap3A_1335 : i32 to index
        %swap3A_1337 = arith.index_cast %add3A_1323 : i32 to index
        %swap3A_1338 = arith.constant 16 : index
        %swap3A_1339 = tpu.vector_load %arg8[%swap3A_1336, %swap3A_1337, %swap3A_1338] {strides = array<i32>} : memref<2x128x64xf32, #tpu.memory_space<vmem>>, vector<16xf32>,
        tpu.vector_store %arg8[%swap3A_1336, %swap3A_1337, %swap3A_1338], %mul3A_1334 {strides = array<i32>} : memref<2x128x64xf32, #tpu.memory_space<vmem>>, vector<16xf32>,
        %mul3A_1340 = vector.broadcast %squeeze3A_1325 : f32 to vector<16xf32>
        %mul3A_1341 = arith.mulf %get3A_977, %mul3A_1340 : vector<16xf32>
        %swap3A_1342 = arith.constant 1 : i32
        %swap3A_1343 = arith.index_cast %swap3A_1342 : i32 to index
        %swap3A_1344 = arith.index_cast %add3A_1323 : i32 to index
        %swap3A_1345 = arith.constant 32 : index
        %swap3A_1346 = tpu.vector_load %arg8[%swap3A_1343, %swap3A_1344, %swap3A_1345] {strides = array<i32>} : memref<2x128x64xf32, #tpu.memory_space<vmem>>, vector<16xf32>,
        tpu.vector_store %arg8[%swap3A_1343, %swap3A_1344, %swap3A_1345], %mul3A_1341 {strides = array<i32>} : memref<2x128x64xf32, #tpu.memory_space<vmem>>, vector<16xf32>,
        %mul3A_1347 = vector.broadcast %squeeze3A_1325 : f32 to vector<16xf32>
        %mul3A_1348 = arith.mulf %get3A_984, %mul3A_1347 : vector<16xf32>
        %swap3A_1349 = arith.constant 1 : i32
        %swap3A_1350 = arith.index_cast %swap3A_1349 : i32 to index
        %swap3A_1351 = arith.index_cast %add3A_1323 : i32 to index
        %swap3A_1352 = arith.constant 48 : index
        %swap3A_1353 = tpu.vector_load %arg8[%swap3A_1350, %swap3A_1351, %swap3A_1352] {strides = array<i32>} : memref<2x128x64xf32, #tpu.memory_space<vmem>>, vector<16xf32>,
        tpu.vector_store %arg8[%swap3A_1350, %swap3A_1351, %swap3A_1352], %mul3A_1348 {strides = array<i32>} : memref<2x128x64xf32, #tpu.memory_space<vmem>>, vector<16xf32>,
        %add3A_1354 = arith.constant 9 : i32
        %add3A_1355 = arith.addi %mul3A_324, %add3A_1354 : i32
        %slice3A_1356 = vector.extract_strided_slice %mul3A_1321 {offsets = [9], sizes = [1], strides = [1]} : vector<16xf32> to vector<1xf32>
        %squeeze3A_1357 = vector.extract %slice3A_1356[0] : f32 from vector<1xf32>
        %mul3A_1358 = vector.broadcast %squeeze3A_1357 : f32 to vector<16xf32>
        %mul3A_1359 = arith.mulf %get3A_1006, %mul3A_1358 : vector<16xf32>
        %swap3A_1360 = arith.constant 1 : i32
        %swap3A_1361 = arith.index_cast %swap3A_1360 : i32 to index
        %swap3A_1362 = arith.index_cast %add3A_1355 : i32 to index
        %swap3A_1363 = arith.constant 0 : index
        %swap3A_1364 = tpu.vector_load %arg8[%swap3A_1361, %swap3A_1362, %swap3A_1363] {strides = array<i32>} : memref<2x128x64xf32, #tpu.memory_space<vmem>>, vector<16xf32>,
        tpu.vector_store %arg8[%swap3A_1361, %swap3A_1362, %swap3A_1363], %mul3A_1359 {strides = array<i32>} : memref<2x128x64xf32, #tpu.memory_space<vmem>>, vector<16xf32>,
        %mul3A_1365 = vector.broadcast %squeeze3A_1357 : f32 to vector<16xf32>
        %mul3A_1366 = arith.mulf %get3A_1013, %mul3A_1365 : vector<16xf32>
        %swap3A_1367 = arith.constant 1 : i32
        %swap3A_1368 = arith.index_cast %swap3A_1367 : i32 to index
        %swap3A_1369 = arith.index_cast %add3A_1355 : i32 to index
        %swap3A_1370 = arith.constant 16 : index
        %swap3A_1371 = tpu.vector_load %arg8[%swap3A_1368, %swap3A_1369, %swap3A_1370] {strides = array<i32>} : memref<2x128x64xf32, #tpu.memory_space<vmem>>, vector<16xf32>,
        tpu.vector_store %arg8[%swap3A_1368, %swap3A_1369, %swap3A_1370], %mul3A_1366 {strides = array<i32>} : memref<2x128x64xf32, #tpu.memory_space<vmem>>, vector<16xf32>,
        %mul3A_1372 = vector.broadcast %squeeze3A_1357 : f32 to vector<16xf32>
        %mul3A_1373 = arith.mulf %get3A_1020, %mul3A_1372 : vector<16xf32>
        %swap3A_1374 = arith.constant 1 : i32
        %swap3A_1375 = arith.index_cast %swap3A_1374 : i32 to index
        %swap3A_1376 = arith.index_cast %add3A_1355 : i32 to index
        %swap3A_1377 = arith.constant 32 : index
        %swap3A_1378 = tpu.vector_load %arg8[%swap3A_1375, %swap3A_1376, %swap3A_1377] {strides = array<i32>} : memref<2x128x64xf32, #tpu.memory_space<vmem>>, vector<16xf32>,
        tpu.vector_store %arg8[%swap3A_1375, %swap3A_1376, %swap3A_1377], %mul3A_1373 {strides = array<i32>} : memref<2x128x64xf32, #tpu.memory_space<vmem>>, vector<16xf32>,
        %mul3A_1379 = vector.broadcast %squeeze3A_1357 : f32 to vector<16xf32>
        %mul3A_1380 = arith.mulf %get3A_1027, %mul3A_1379 : vector<16xf32>
        %swap3A_1381 = arith.constant 1 : i32
        %swap3A_1382 = arith.index_cast %swap3A_1381 : i32 to index
        %swap3A_1383 = arith.index_cast %add3A_1355 : i32 to index
        %swap3A_1384 = arith.constant 48 : index
        %swap3A_1385 = tpu.vector_load %arg8[%swap3A_1382, %swap3A_1383, %swap3A_1384] {strides = array<i32>} : memref<2x128x64xf32, #tpu.memory_space<vmem>>, vector<16xf32>,
        tpu.vector_store %arg8[%swap3A_1382, %swap3A_1383, %swap3A_1384], %mul3A_1380 {strides = array<i32>} : memref<2x128x64xf32, #tpu.memory_space<vmem>>, vector<16xf32>,
        %add3A_1386 = arith.constant 10 : i32
        %add3A_1387 = arith.addi %mul3A_324, %add3A_1386 : i32
        %slice3A_1388 = vector.extract_strided_slice %mul3A_1321 {offsets = [10], sizes = [1], strides = [1]} : vector<16xf32> to vector<1xf32>
        %squeeze3A_1389 = vector.extract %slice3A_1388[0] : f32 from vector<1xf32>
        %mul3A_1390 = vector.broadcast %squeeze3A_1389 : f32 to vector<16xf32>
        %mul3A_1391 = arith.mulf %get3A_1049, %mul3A_1390 : vector<16xf32>
        %swap3A_1392 = arith.constant 1 : i32
        %swap3A_1393 = arith.index_cast %swap3A_1392 : i32 to index
        %swap3A_1394 = arith.index_cast %add3A_1387 : i32 to index
        %swap3A_1395 = arith.constant 0 : index
        %swap3A_1396 = tpu.vector_load %arg8[%swap3A_1393, %swap3A_1394, %swap3A_1395] {strides = array<i32>} : memref<2x128x64xf32, #tpu.memory_space<vmem>>, vector<16xf32>,
        tpu.vector_store %arg8[%swap3A_1393, %swap3A_1394, %swap3A_1395], %mul3A_1391 {strides = array<i32>} : memref<2x128x64xf32, #tpu.memory_space<vmem>>, vector<16xf32>,
        %mul3A_1397 = vector.broadcast %squeeze3A_1389 : f32 to vector<16xf32>
        %mul3A_1398 = arith.mulf %get3A_1056, %mul3A_1397 : vector<16xf32>
        %swap3A_1399 = arith.constant 1 : i32
        %swap3A_1400 = arith.index_cast %swap3A_1399 : i32 to index
        %swap3A_1401 = arith.index_cast %add3A_1387 : i32 to index
        %swap3A_1402 = arith.constant 16 : index
        %swap3A_1403 = tpu.vector_load %arg8[%swap3A_1400, %swap3A_1401, %swap3A_1402] {strides = array<i32>} : memref<2x128x64xf32, #tpu.memory_space<vmem>>, vector<16xf32>,
        tpu.vector_store %arg8[%swap3A_1400, %swap3A_1401, %swap3A_1402], %mul3A_1398 {strides = array<i32>} : memref<2x128x64xf32, #tpu.memory_space<vmem>>, vector<16xf32>,
        %mul3A_1404 = vector.broadcast %squeeze3A_1389 : f32 to vector<16xf32>
        %mul3A_1405 = arith.mulf %get3A_1063, %mul3A_1404 : vector<16xf32>
        %swap3A_1406 = arith.constant 1 : i32
        %swap3A_1407 = arith.index_cast %swap3A_1406 : i32 to index
        %swap3A_1408 = arith.index_cast %add3A_1387 : i32 to index
        %swap3A_1409 = arith.constant 32 : index
        %swap3A_1410 = tpu.vector_load %arg8[%swap3A_1407, %swap3A_1408, %swap3A_1409] {strides = array<i32>} : memref<2x128x64xf32, #tpu.memory_space<vmem>>, vector<16xf32>,
        tpu.vector_store %arg8[%swap3A_1407, %swap3A_1408, %swap3A_1409], %mul3A_1405 {strides = array<i32>} : memref<2x128x64xf32, #tpu.memory_space<vmem>>, vector<16xf32>,
        %mul3A_1411 = vector.broadcast %squeeze3A_1389 : f32 to vector<16xf32>
        %mul3A_1412 = arith.mulf %get3A_1070, %mul3A_1411 : vector<16xf32>
        %swap3A_1413 = arith.constant 1 : i32
        %swap3A_1414 = arith.index_cast %swap3A_1413 : i32 to index
        %swap3A_1415 = arith.index_cast %add3A_1387 : i32 to index
        %swap3A_1416 = arith.constant 48 : index
        %swap3A_1417 = tpu.vector_load %arg8[%swap3A_1414, %swap3A_1415, %swap3A_1416] {strides = array<i32>} : memref<2x128x64xf32, #tpu.memory_space<vmem>>, vector<16xf32>,
        tpu.vector_store %arg8[%swap3A_1414, %swap3A_1415, %swap3A_1416], %mul3A_1412 {strides = array<i32>} : memref<2x128x64xf32, #tpu.memory_space<vmem>>, vector<16xf32>,
        %add3A_1418 = arith.constant 11 : i32
        %add3A_1419 = arith.addi %mul3A_324, %add3A_1418 : i32
        %slice3A_1420 = vector.extract_strided_slice %mul3A_1321 {offsets = [11], sizes = [1], strides = [1]} : vector<16xf32> to vector<1xf32>
        %squeeze3A_1421 = vector.extract %slice3A_1420[0] : f32 from vector<1xf32>
        %mul3A_1422 = vector.broadcast %squeeze3A_1421 : f32 to vector<16xf32>
        %mul3A_1423 = arith.mulf %get3A_1092, %mul3A_1422 : vector<16xf32>
        %swap3A_1424 = arith.constant 1 : i32
        %swap3A_1425 = arith.index_cast %swap3A_1424 : i32 to index
        %swap3A_1426 = arith.index_cast %add3A_1419 : i32 to index
        %swap3A_1427 = arith.constant 0 : index
        %swap3A_1428 = tpu.vector_load %arg8[%swap3A_1425, %swap3A_1426, %swap3A_1427] {strides = array<i32>} : memref<2x128x64xf32, #tpu.memory_space<vmem>>, vector<16xf32>,
        tpu.vector_store %arg8[%swap3A_1425, %swap3A_1426, %swap3A_1427], %mul3A_1423 {strides = array<i32>} : memref<2x128x64xf32, #tpu.memory_space<vmem>>, vector<16xf32>,
        %mul3A_1429 = vector.broadcast %squeeze3A_1421 : f32 to vector<16xf32>
        %mul3A_1430 = arith.mulf %get3A_1099, %mul3A_1429 : vector<16xf32>
        %swap3A_1431 = arith.constant 1 : i32
        %swap3A_1432 = arith.index_cast %swap3A_1431 : i32 to index
        %swap3A_1433 = arith.index_cast %add3A_1419 : i32 to index
        %swap3A_1434 = arith.constant 16 : index
        %swap3A_1435 = tpu.vector_load %arg8[%swap3A_1432, %swap3A_1433, %swap3A_1434] {strides = array<i32>} : memref<2x128x64xf32, #tpu.memory_space<vmem>>, vector<16xf32>,
        tpu.vector_store %arg8[%swap3A_1432, %swap3A_1433, %swap3A_1434], %mul3A_1430 {strides = array<i32>} : memref<2x128x64xf32, #tpu.memory_space<vmem>>, vector<16xf32>,
        %mul3A_1436 = vector.broadcast %squeeze3A_1421 : f32 to vector<16xf32>
        %mul3A_1437 = arith.mulf %get3A_1106, %mul3A_1436 : vector<16xf32>
        %swap3A_1438 = arith.constant 1 : i32
        %swap3A_1439 = arith.index_cast %swap3A_1438 : i32 to index
        %swap3A_1440 = arith.index_cast %add3A_1419 : i32 to index
        %swap3A_1441 = arith.constant 32 : index
        %swap3A_1442 = tpu.vector_load %arg8[%swap3A_1439, %swap3A_1440, %swap3A_1441] {strides = array<i32>} : memref<2x128x64xf32, #tpu.memory_space<vmem>>, vector<16xf32>,
        tpu.vector_store %arg8[%swap3A_1439, %swap3A_1440, %swap3A_1441], %mul3A_1437 {strides = array<i32>} : memref<2x128x64xf32, #tpu.memory_space<vmem>>, vector<16xf32>,
        %mul3A_1443 = vector.broadcast %squeeze3A_1421 : f32 to vector<16xf32>
        %mul3A_1444 = arith.mulf %get3A_1113, %mul3A_1443 : vector<16xf32>
        %swap3A_1445 = arith.constant 1 : i32
        %swap3A_1446 = arith.index_cast %swap3A_1445 : i32 to index
        %swap3A_1447 = arith.index_cast %add3A_1419 : i32 to index
        %swap3A_1448 = arith.constant 48 : index
        %swap3A_1449 = tpu.vector_load %arg8[%swap3A_1446, %swap3A_1447, %swap3A_1448] {strides = array<i32>} : memref<2x128x64xf32, #tpu.memory_space<vmem>>, vector<16xf32>,
        tpu.vector_store %arg8[%swap3A_1446, %swap3A_1447, %swap3A_1448], %mul3A_1444 {strides = array<i32>} : memref<2x128x64xf32, #tpu.memory_space<vmem>>, vector<16xf32>,
        %add3A_1450 = arith.constant 12 : i32
        %add3A_1451 = arith.addi %mul3A_324, %add3A_1450 : i32
        %slice3A_1452 = vector.extract_strided_slice %mul3A_1321 {offsets = [12], sizes = [1], strides = [1]} : vector<16xf32> to vector<1xf32>
        %squeeze3A_1453 = vector.extract %slice3A_1452[0] : f32 from vector<1xf32>
        %mul3A_1454 = vector.broadcast %squeeze3A_1453 : f32 to vector<16xf32>
        %mul3A_1455 = arith.mulf %get3A_1135, %mul3A_1454 : vector<16xf32>
        %swap3A_1456 = arith.constant 1 : i32
        %swap3A_1457 = arith.index_cast %swap3A_1456 : i32 to index
        %swap3A_1458 = arith.index_cast %add3A_1451 : i32 to index
        %swap3A_1459 = arith.constant 0 : index
        %swap3A_1460 = tpu.vector_load %arg8[%swap3A_1457, %swap3A_1458, %swap3A_1459] {strides = array<i32>} : memref<2x128x64xf32, #tpu.memory_space<vmem>>, vector<16xf32>,
        tpu.vector_store %arg8[%swap3A_1457, %swap3A_1458, %swap3A_1459], %mul3A_1455 {strides = array<i32>} : memref<2x128x64xf32, #tpu.memory_space<vmem>>, vector<16xf32>,
        %mul3A_1461 = vector.broadcast %squeeze3A_1453 : f32 to vector<16xf32>
        %mul3A_1462 = arith.mulf %get3A_1142, %mul3A_1461 : vector<16xf32>
        %swap3A_1463 = arith.constant 1 : i32
        %swap3A_1464 = arith.index_cast %swap3A_1463 : i32 to index
        %swap3A_1465 = arith.index_cast %add3A_1451 : i32 to index
        %swap3A_1466 = arith.constant 16 : index
        %swap3A_1467 = tpu.vector_load %arg8[%swap3A_1464, %swap3A_1465, %swap3A_1466] {strides = array<i32>} : memref<2x128x64xf32, #tpu.memory_space<vmem>>, vector<16xf32>,
        tpu.vector_store %arg8[%swap3A_1464, %swap3A_1465, %swap3A_1466], %mul3A_1462 {strides = array<i32>} : memref<2x128x64xf32, #tpu.memory_space<vmem>>, vector<16xf32>,
        %mul3A_1468 = vector.broadcast %squeeze3A_1453 : f32 to vector<16xf32>
        %mul3A_1469 = arith.mulf %get3A_1149, %mul3A_1468 : vector<16xf32>
        %swap3A_1470 = arith.constant 1 : i32
        %swap3A_1471 = arith.index_cast %swap3A_1470 : i32 to index
        %swap3A_1472 = arith.index_cast %add3A_1451 : i32 to index
        %swap3A_1473 = arith.constant 32 : index
        %swap3A_1474 = tpu.vector_load %arg8[%swap3A_1471, %swap3A_1472, %swap3A_1473] {strides = array<i32>} : memref<2x128x64xf32, #tpu.memory_space<vmem>>, vector<16xf32>,
        tpu.vector_store %arg8[%swap3A_1471, %swap3A_1472, %swap3A_1473], %mul3A_1469 {strides = array<i32>} : memref<2x128x64xf32, #tpu.memory_space<vmem>>, vector<16xf32>,
        %mul3A_1475 = vector.broadcast %squeeze3A_1453 : f32 to vector<16xf32>
        %mul3A_1476 = arith.mulf %get3A_1156, %mul3A_1475 : vector<16xf32>
        %swap3A_1477 = arith.constant 1 : i32
        %swap3A_1478 = arith.index_cast %swap3A_1477 : i32 to index
        %swap3A_1479 = arith.index_cast %add3A_1451 : i32 to index
        %swap3A_1480 = arith.constant 48 : index
        %swap3A_1481 = tpu.vector_load %arg8[%swap3A_1478, %swap3A_1479, %swap3A_1480] {strides = array<i32>} : memref<2x128x64xf32, #tpu.memory_space<vmem>>, vector<16xf32>,
        tpu.vector_store %arg8[%swap3A_1478, %swap3A_1479, %swap3A_1480], %mul3A_1476 {strides = array<i32>} : memref<2x128x64xf32, #tpu.memory_space<vmem>>, vector<16xf32>,
        %add3A_1482 = arith.constant 13 : i32
        %add3A_1483 = arith.addi %mul3A_324, %add3A_1482 : i32
        %slice3A_1484 = vector.extract_strided_slice %mul3A_1321 {offsets = [13], sizes = [1], strides = [1]} : vector<16xf32> to vector<1xf32>
        %squeeze3A_1485 = vector.extract %slice3A_1484[0] : f32 from vector<1xf32>
        %mul3A_1486 = vector.broadcast %squeeze3A_1485 : f32 to vector<16xf32>
        %mul3A_1487 = arith.mulf %get3A_1178, %mul3A_1486 : vector<16xf32>
        %swap3A_1488 = arith.constant 1 : i32
        %swap3A_1489 = arith.index_cast %swap3A_1488 : i32 to index
        %swap3A_1490 = arith.index_cast %add3A_1483 : i32 to index
        %swap3A_1491 = arith.constant 0 : index
        %swap3A_1492 = tpu.vector_load %arg8[%swap3A_1489, %swap3A_1490, %swap3A_1491] {strides = array<i32>} : memref<2x128x64xf32, #tpu.memory_space<vmem>>, vector<16xf32>,
        tpu.vector_store %arg8[%swap3A_1489, %swap3A_1490, %swap3A_1491], %mul3A_1487 {strides = array<i32>} : memref<2x128x64xf32, #tpu.memory_space<vmem>>, vector<16xf32>,
        %mul3A_1493 = vector.broadcast %squeeze3A_1485 : f32 to vector<16xf32>
        %mul3A_1494 = arith.mulf %get3A_1185, %mul3A_1493 : vector<16xf32>
        %swap3A_1495 = arith.constant 1 : i32
        %swap3A_1496 = arith.index_cast %swap3A_1495 : i32 to index
        %swap3A_1497 = arith.index_cast %add3A_1483 : i32 to index
        %swap3A_1498 = arith.constant 16 : index
        %swap3A_1499 = tpu.vector_load %arg8[%swap3A_1496, %swap3A_1497, %swap3A_1498] {strides = array<i32>} : memref<2x128x64xf32, #tpu.memory_space<vmem>>, vector<16xf32>,
        tpu.vector_store %arg8[%swap3A_1496, %swap3A_1497, %swap3A_1498], %mul3A_1494 {strides = array<i32>} : memref<2x128x64xf32, #tpu.memory_space<vmem>>, vector<16xf32>,
        %mul3A_1500 = vector.broadcast %squeeze3A_1485 : f32 to vector<16xf32>
        %mul3A_1501 = arith.mulf %get3A_1192, %mul3A_1500 : vector<16xf32>
        %swap3A_1502 = arith.constant 1 : i32
        %swap3A_1503 = arith.index_cast %swap3A_1502 : i32 to index
        %swap3A_1504 = arith.index_cast %add3A_1483 : i32 to index
        %swap3A_1505 = arith.constant 32 : index
        %swap3A_1506 = tpu.vector_load %arg8[%swap3A_1503, %swap3A_1504, %swap3A_1505] {strides = array<i32>} : memref<2x128x64xf32, #tpu.memory_space<vmem>>, vector<16xf32>,
        tpu.vector_store %arg8[%swap3A_1503, %swap3A_1504, %swap3A_1505], %mul3A_1501 {strides = array<i32>} : memref<2x128x64xf32, #tpu.memory_space<vmem>>, vector<16xf32>,
        %mul3A_1507 = vector.broadcast %squeeze3A_1485 : f32 to vector<16xf32>
        %mul3A_1508 = arith.mulf %get3A_1199, %mul3A_1507 : vector<16xf32>
        %swap3A_1509 = arith.constant 1 : i32
        %swap3A_1510 = arith.index_cast %swap3A_1509 : i32 to index
        %swap3A_1511 = arith.index_cast %add3A_1483 : i32 to index
        %swap3A_1512 = arith.constant 48 : index
        %swap3A_1513 = tpu.vector_load %arg8[%swap3A_1510, %swap3A_1511, %swap3A_1512] {strides = array<i32>} : memref<2x128x64xf32, #tpu.memory_space<vmem>>, vector<16xf32>,
        tpu.vector_store %arg8[%swap3A_1510, %swap3A_1511, %swap3A_1512], %mul3A_1508 {strides = array<i32>} : memref<2x128x64xf32, #tpu.memory_space<vmem>>, vector<16xf32>,
        %add3A_1514 = arith.constant 14 : i32
        %add3A_1515 = arith.addi %mul3A_324, %add3A_1514 : i32
        %slice3A_1516 = vector.extract_strided_slice %mul3A_1321 {offsets = [14], sizes = [1], strides = [1]} : vector<16xf32> to vector<1xf32>
        %squeeze3A_1517 = vector.extract %slice3A_1516[0] : f32 from vector<1xf32>
        %mul3A_1518 = vector.broadcast %squeeze3A_1517 : f32 to vector<16xf32>
        %mul3A_1519 = arith.mulf %get3A_1221, %mul3A_1518 : vector<16xf32>
        %swap3A_1520 = arith.constant 1 : i32
        %swap3A_1521 = arith.index_cast %swap3A_1520 : i32 to index
        %swap3A_1522 = arith.index_cast %add3A_1515 : i32 to index
        %swap3A_1523 = arith.constant 0 : index
        %swap3A_1524 = tpu.vector_load %arg8[%swap3A_1521, %swap3A_1522, %swap3A_1523] {strides = array<i32>} : memref<2x128x64xf32, #tpu.memory_space<vmem>>, vector<16xf32>,
        tpu.vector_store %arg8[%swap3A_1521, %swap3A_1522, %swap3A_1523], %mul3A_1519 {strides = array<i32>} : memref<2x128x64xf32, #tpu.memory_space<vmem>>, vector<16xf32>,
        %mul3A_1525 = vector.broadcast %squeeze3A_1517 : f32 to vector<16xf32>
        %mul3A_1526 = arith.mulf %get3A_1228, %mul3A_1525 : vector<16xf32>
        %swap3A_1527 = arith.constant 1 : i32
        %swap3A_1528 = arith.index_cast %swap3A_1527 : i32 to index
        %swap3A_1529 = arith.index_cast %add3A_1515 : i32 to index
        %swap3A_1530 = arith.constant 16 : index
        %swap3A_1531 = tpu.vector_load %arg8[%swap3A_1528, %swap3A_1529, %swap3A_1530] {strides = array<i32>} : memref<2x128x64xf32, #tpu.memory_space<vmem>>, vector<16xf32>,
        tpu.vector_store %arg8[%swap3A_1528, %swap3A_1529, %swap3A_1530], %mul3A_1526 {strides = array<i32>} : memref<2x128x64xf32, #tpu.memory_space<vmem>>, vector<16xf32>,
        %mul3A_1532 = vector.broadcast %squeeze3A_1517 : f32 to vector<16xf32>
        %mul3A_1533 = arith.mulf %get3A_1235, %mul3A_1532 : vector<16xf32>
        %swap3A_1534 = arith.constant 1 : i32
        %swap3A_1535 = arith.index_cast %swap3A_1534 : i32 to index
        %swap3A_1536 = arith.index_cast %add3A_1515 : i32 to index
        %swap3A_1537 = arith.constant 32 : index
        %swap3A_1538 = tpu.vector_load %arg8[%swap3A_1535, %swap3A_1536, %swap3A_1537] {strides = array<i32>} : memref<2x128x64xf32, #tpu.memory_space<vmem>>, vector<16xf32>,
        tpu.vector_store %arg8[%swap3A_1535, %swap3A_1536, %swap3A_1537], %mul3A_1533 {strides = array<i32>} : memref<2x128x64xf32, #tpu.memory_space<vmem>>, vector<16xf32>,
        %mul3A_1539 = vector.broadcast %squeeze3A_1517 : f32 to vector<16xf32>
        %mul3A_1540 = arith.mulf %get3A_1242, %mul3A_1539 : vector<16xf32>
        %swap3A_1541 = arith.constant 1 : i32
        %swap3A_1542 = arith.index_cast %swap3A_1541 : i32 to index
        %swap3A_1543 = arith.index_cast %add3A_1515 : i32 to index
        %swap3A_1544 = arith.constant 48 : index
        %swap3A_1545 = tpu.vector_load %arg8[%swap3A_1542, %swap3A_1543, %swap3A_1544] {strides = array<i32>} : memref<2x128x64xf32, #tpu.memory_space<vmem>>, vector<16xf32>,
        tpu.vector_store %arg8[%swap3A_1542, %swap3A_1543, %swap3A_1544], %mul3A_1540 {strides = array<i32>} : memref<2x128x64xf32, #tpu.memory_space<vmem>>, vector<16xf32>,
        %add3A_1546 = arith.constant 15 : i32
        %add3A_1547 = arith.addi %mul3A_324, %add3A_1546 : i32
        %slice3A_1548 = vector.extract_strided_slice %mul3A_1321 {offsets = [15], sizes = [1], strides = [1]} : vector<16xf32> to vector<1xf32>
        %squeeze3A_1549 = vector.extract %slice3A_1548[0] : f32 from vector<1xf32>
        %mul3A_1550 = vector.broadcast %squeeze3A_1549 : f32 to vector<16xf32>
        %mul3A_1551 = arith.mulf %get3A_1264, %mul3A_1550 : vector<16xf32>
        %swap3A_1552 = arith.constant 1 : i32
        %swap3A_1553 = arith.index_cast %swap3A_1552 : i32 to index
        %swap3A_1554 = arith.index_cast %add3A_1547 : i32 to index
        %swap3A_1555 = arith.constant 0 : index
        %swap3A_1556 = tpu.vector_load %arg8[%swap3A_1553, %swap3A_1554, %swap3A_1555] {strides = array<i32>} : memref<2x128x64xf32, #tpu.memory_space<vmem>>, vector<16xf32>,
        tpu.vector_store %arg8[%swap3A_1553, %swap3A_1554, %swap3A_1555], %mul3A_1551 {strides = array<i32>} : memref<2x128x64xf32, #tpu.memory_space<vmem>>, vector<16xf32>,
        %mul3A_1557 = vector.broadcast %squeeze3A_1549 : f32 to vector<16xf32>
        %mul3A_1558 = arith.mulf %get3A_1271, %mul3A_1557 : vector<16xf32>
        %swap3A_1559 = arith.constant 1 : i32
        %swap3A_1560 = arith.index_cast %swap3A_1559 : i32 to index
        %swap3A_1561 = arith.index_cast %add3A_1547 : i32 to index
        %swap3A_1562 = arith.constant 16 : index
        %swap3A_1563 = tpu.vector_load %arg8[%swap3A_1560, %swap3A_1561, %swap3A_1562] {strides = array<i32>} : memref<2x128x64xf32, #tpu.memory_space<vmem>>, vector<16xf32>,
        tpu.vector_store %arg8[%swap3A_1560, %swap3A_1561, %swap3A_1562], %mul3A_1558 {strides = array<i32>} : memref<2x128x64xf32, #tpu.memory_space<vmem>>, vector<16xf32>,
        %mul3A_1564 = vector.broadcast %squeeze3A_1549 : f32 to vector<16xf32>
        %mul3A_1565 = arith.mulf %get3A_1278, %mul3A_1564 : vector<16xf32>
        %swap3A_1566 = arith.constant 1 : i32
        %swap3A_1567 = arith.index_cast %swap3A_1566 : i32 to index
        %swap3A_1568 = arith.index_cast %add3A_1547 : i32 to index
        %swap3A_1569 = arith.constant 32 : index
        %swap3A_1570 = tpu.vector_load %arg8[%swap3A_1567, %swap3A_1568, %swap3A_1569] {strides = array<i32>} : memref<2x128x64xf32, #tpu.memory_space<vmem>>, vector<16xf32>,
        tpu.vector_store %arg8[%swap3A_1567, %swap3A_1568, %swap3A_1569], %mul3A_1565 {strides = array<i32>} : memref<2x128x64xf32, #tpu.memory_space<vmem>>, vector<16xf32>,
        %mul3A_1571 = vector.broadcast %squeeze3A_1549 : f32 to vector<16xf32>
        %mul3A_1572 = arith.mulf %get3A_1285, %mul3A_1571 : vector<16xf32>
        %swap3A_1573 = arith.constant 1 : i32
        %swap3A_1574 = arith.index_cast %swap3A_1573 : i32 to index
        %swap3A_1575 = arith.index_cast %add3A_1547 : i32 to index
        %swap3A_1576 = arith.constant 48 : index
        %swap3A_1577 = tpu.vector_load %arg8[%swap3A_1574, %swap3A_1575, %swap3A_1576] {strides = array<i32>} : memref<2x128x64xf32, #tpu.memory_space<vmem>>, vector<16xf32>,
        tpu.vector_store %arg8[%swap3A_1574, %swap3A_1575, %swap3A_1576], %mul3A_1572 {strides = array<i32>} : memref<2x128x64xf32, #tpu.memory_space<vmem>>, vector<16xf32>,
      }
      %scan3A_305 = arith.constant 8 : i32
      %mul3A_306 = arith.constant 128 : i32
      %mul3A_307 = arith.muli %add3A_272, %mul3A_306 : i32
      %add3A_308 = arith.addi %mul3A_4, %mul3A_307 : i32
      %dma_start3A_309 = arith.constant 1 : i32
      %dma_start3A_310 = arith.constant 0 : i32
      %dma_start3A_311 = arith.constant 0 : i32
      %dma_start3A_312 = tpu.memref_slice %arg8[%dma_start3A_309, %dma_start3A_310, %dma_start3A_311] : memref<2x128x64xf32, #tpu.memory_space<vmem>> -> memref<1x128x64xf32, #tpu.memory_space<vmem>>
      %dma_start3A_313 = tpu.memref_squeeze %dma_start3A_312 : memref<1x128x64xf32, #tpu.memory_space<vmem>> -> memref<128x64xf32, #tpu.memory_space<vmem>>
      %dma_start3A_314 = arith.constant 0 : i32
      %dma_start3A_315 = tpu.memref_slice %arg4[%add3A_308, %dma_start3A_314] : memref<819200x64xf32, #tpu.memory_space<hbm>> -> memref<128x64xf32, #tpu.memory_space<hbm>>
      %dma_start3A_316 = arith.constant 0 : i32
      %dma_start3A_317 = tpu.memref_slice %arg4[%add3A_308, %dma_start3A_316] : memref<819200x64xf32, #tpu.memory_space<hbm>> -> memref<128x64xf32, #tpu.memory_space<hbm>>
      %dma_start3A_318 = arith.constant 0 : i32
      %dma_start3A_319 = arith.constant 0 : i32
      %dma_start3A_320 = tpu.memref_slice %arg8[%dma_start3A_309, %dma_start3A_318, %dma_start3A_319] : memref<2x128x64xf32, #tpu.memory_space<vmem>> -> memref<1x128x64xf32, #tpu.memory_space<vmem>>
      %dma_start3A_321 = tpu.memref_squeeze %dma_start3A_320 : memref<1x128x64xf32, #tpu.memory_space<vmem>> -> memref<128x64xf32, #tpu.memory_space<vmem>>
      tpu.enqueue_dma source(%dma_start3A_321 : memref<128x64xf32, #tpu.memory_space<vmem>>) target(%dma_start3A_317 : memref<128x64xf32, #tpu.memory_space<hbm>>) target_semaphore(%arg10 : memref<!tpu.dma_semaphore, #tpu.memory_space<semaphore_mem>>)
    }
    %scan3A_191 = arith.constant 100 : i32
    %dma_wait3A = arith.constant 0 : i32
    %dma_wait3A_192 = arith.constant 0 : i32
    %dma_wait3A_193 = arith.constant 0 : i32
    %dma_wait3A_194 = tpu.memref_slice %arg8[%dma_wait3A, %dma_wait3A_192, %dma_wait3A_193] : memref<2x128x64xf32, #tpu.memory_space<vmem>> -> memref<1x128x64xf32, #tpu.memory_space<vmem>>
    %dma_wait3A_195 = tpu.memref_squeeze %dma_wait3A_194 : memref<1x128x64xf32, #tpu.memory_space<vmem>> -> memref<128x64xf32, #tpu.memory_space<vmem>>
    %dma_wait3A_196 = arith.constant 0 : i32
    %dma_wait3A_197 = arith.constant 0 : i32
    %dma_wait3A_198 = tpu.memref_slice %arg4[%dma_wait3A_196, %dma_wait3A_197] : memref<819200x64xf32, #tpu.memory_space<hbm>> -> memref<128x64xf32, #tpu.memory_space<hbm>>
    %dma_wait3A_199 = arith.constant 0 : i32
    %dma_wait3A_200 = arith.constant 0 : i32
    %dma_wait3A_201 = tpu.memref_slice %arg4[%dma_wait3A_199, %dma_wait3A_200] : memref<819200x64xf32, #tpu.memory_space<hbm>> -> memref<128x64xf32, #tpu.memory_space<hbm>>
    %dma_wait3A_202 = arith.constant 0 : i32
    %dma_wait3A_203 = arith.constant 0 : i32
    %dma_wait3A_204 = tpu.memref_slice %arg8[%dma_wait3A, %dma_wait3A_202, %dma_wait3A_203] : memref<2x128x64xf32, #tpu.memory_space<vmem>> -> memref<1x128x64xf32, #tpu.memory_space<vmem>>
    %dma_wait3A_205 = tpu.memref_squeeze %dma_wait3A_204 : memref<1x128x64xf32, #tpu.memory_space<vmem>> -> memref<128x64xf32, #tpu.memory_space<vmem>>
    tpu.wait_dma2 semaphore(%arg10 : memref<!tpu.dma_semaphore, #tpu.memory_space<semaphore_mem>>) src(%dma_wait3A_205 : memref<128x64xf32, #tpu.memory_space<vmem>>) dst(%dma_wait3A_201 : memref<128x64xf32, #tpu.memory_space<hbm>>)
    %dma_wait3A_206 = arith.constant 1 : i32
    %dma_wait3A_207 = arith.constant 0 : i32
    %dma_wait3A_208 = arith.constant 0 : i32
    %dma_wait3A_209 = tpu.memref_slice %arg8[%dma_wait3A_206, %dma_wait3A_207, %dma_wait3A_208] : memref<2x128x64xf32, #tpu.memory_space<vmem>> -> memref<1x128x64xf32, #tpu.memory_space<vmem>>
    %dma_wait3A_210 = tpu.memref_squeeze %dma_wait3A_209 : memref<1x128x64xf32, #tpu.memory_space<vmem>> -> memref<128x64xf32, #tpu.memory_space<vmem>>
    %dma_wait3A_211 = arith.constant 0 : i32
    %dma_wait3A_212 = arith.constant 0 : i32
    %dma_wait3A_213 = tpu.memref_slice %arg4[%dma_wait3A_211, %dma_wait3A_212] : memref<819200x64xf32, #tpu.memory_space<hbm>> -> memref<128x64xf32, #tpu.memory_space<hbm>>
    %dma_wait3A_214 = arith.constant 0 : i32
    %dma_wait3A_215 = arith.constant 0 : i32
    %dma_wait3A_216 = tpu.memref_slice %arg4[%dma_wait3A_214, %dma_wait3A_215] : memref<819200x64xf32, #tpu.memory_space<hbm>> -> memref<128x64xf32, #tpu.memory_space<hbm>>
    %dma_wait3A_217 = arith.constant 0 : i32
    %dma_wait3A_218 = arith.constant 0 : i32
    %dma_wait3A_219 = tpu.memref_slice %arg8[%dma_wait3A_206, %dma_wait3A_217, %dma_wait3A_218] : memref<2x128x64xf32, #tpu.memory_space<vmem>> -> memref<1x128x64xf32, #tpu.memory_space<vmem>>
    %dma_wait3A_220 = tpu.memref_squeeze %dma_wait3A_219 : memref<1x128x64xf32, #tpu.memory_space<vmem>> -> memref<128x64xf32, #tpu.memory_space<vmem>>
    tpu.wait_dma2 semaphore(%arg10 : memref<!tpu.dma_semaphore, #tpu.memory_space<semaphore_mem>>) src(%dma_wait3A_220 : memref<128x64xf32, #tpu.memory_space<vmem>>) dst(%dma_wait3A_216 : memref<128x64xf32, #tpu.memory_space<hbm>>)
    return
  }
}

</mosaic_0001>

<sc_bundles>
// kernel: kernel.3.cloned.1.call-start
scs
__scs_entry_jumppad:
0x0: {  	(pc) =	sbr.rel $0x88, $3  }
0x1: {  	(tag) =	ssettag $0x0;
	lr =	simm.s32 $0x1  }
0x2: {  	[smem:$0x3F9F] =	sst lr;
	_ =	strace $0xD0000000  }
0x3: {  	_ = 	snop  }
0x4: {  	_ = 	snop  }
0x5: {  	_ = 	snop  }
0x6: {  	_ = 	snop  }
0x7: {  	_ = 	snop  }
__scs_overlays_trampoline_lowered:
0x8: {  	[smem:$0x3FAE] =	sst s0  }
0x9: {  	[smem:$0x3FAF] =	sst s1  }
0xa: {  	[smem:$0x3FB0] =	sst s2  }
0xb: {  	[smem:$0x3FB1] =	sst s3  }
0xc: {  	[smem:$0x3FB2] =	sst s4  }
0xd: {  	[smem:$0x3FB3] =	sst s5  }
0xe: {  	[smem:$0x3FB4] =	sst s6  }
0xf: {  	[smem:$0x3FB5] =	sst s7  }
0x10: {  	[smem:$0x3FB6] =	sst s8  }
0x11: {  	[smem:$0x3FB7] =	sst s9;
	s0 =	simm.s32 @!p0 $0x0  }
0x12: {  	s1 =	sld [smem:$0x3F9D];
	s0 =	simm.s32 @p0 $0x1  }
0x13: {  	[smem:$0x3FB8] =	sst s0;
	s0 =	simm.s32 @!p1 $0x0  }
0x14: {  	s2 =	sld [smem:$0x3F9C];
	s0 =	simm.s32 @p1 $0x1  }
0x15: {  	[smem:$0x3FB9] =	sst s0;
	s0 =	simm.s32 @!p2 $0x0  }
0x16: {  	s3 =	sld [smem:$0x3FDB];
	s0 =	simm.s32 @p2 $0x1  }
0x17: {  	s4 =	simm.s32 $0x1BF5;
	[smem:$0x3FBB] =	sst s0  }
0x18: {  	s0 =	sld [smem:$0x3F9E];
	_ =	swait.ge [sflag:s4], $0x0  }
0x19: {  	s7 =	sld [smem:$0x3F9F]  }
0x1a: {  	s8 =	sadd.s32 $0xFFFFE003, lr  }
0x1b: {  	s9 =	sadd.s32 $0xFFFFFEF7, lr;
	s5 =	simm.s32 $0xFFFFFFFF;
	p2 =	slt.u32 s8, $0xFFFFF086  }
0x1c: {  	p1 =	slt.u32 s9, $0xF7A;
	s5 =	simm.s32 @!p2 $0x0  }
0x1d: {  	s5 =	simm.s32 @p1 $0x1;
	p0 =	seq.s32 s7, s2  }
0x1e: {  	s7 =	smul.u32 @!p0 $0xF7A, s2;
	p2 =	seq.s32 @!p0 s5, $0x0  }
0x1f: {  	s9 =	smul.u32 $0xF7A, s1;
	s8 =	simm.s32 @!p0 $0x1BF5;
	p2 =	por !p2, p0  }
0x20: {  	[sflag:s8] =	ssyncset.s32 @!p0 $0xFFFFF086;
	s6 =	sadd.s32 @!p0 s3, s7;
	s7 =	simm.s32 @!p0 $0x108  }
0x21: {  	s3 =	sadd.s32 s3, s9;
	s6 =	sadd.s32 @!p0 $0x88, s6;
	s7 =	simm.s32 @p2 $0x1082  }
0x22: {  	[simem:s7], [sflag:s8] =	dma.local @!p0 [hbm:s6], $0xF7A  }
0x23: {  	s9 =	sor.u32 $0xD0000000, s2;
	s6 =	simm.s32 $0x108;
	_ =	swait.ge @!p0 [sflag:s8], $0x0  }
0x24: {  	s3 =	sadd.s32 $0x88, s3;
	s6 =	simm.s32 @!p1 $0x1082;
	[sflag:s4] =	ssyncset.s32 $0xFFFFF086  }
0x25: {  	[simem:s6], [sflag:s4] =	dma.local [hbm:s3], $0xF7A  }
0x26: {  	[smem:$0x3F9F] =	sst s1;
	(tag) =	ssettag s2;
	_ =	strace s9  }
0x27: {  	s1 =	sld [smem:$0x3FAF]  }
0x28: {  	s2 =	sld [smem:$0x3FB0]  }
0x29: {  	s4 =	sld [smem:$0x3FB2]  }
0x2a: {  	p0 =	seq.s32 s5, $0x0;
	s5 =	sld [smem:$0x3FB3]  }
0x2b: {  	s6 =	sld [smem:$0x3FB4]  }
0x2c: {  	s7 =	sld [smem:$0x3FB5]  }
0x2d: {  	s3 =	simm.s32 $0x108;
	s8 =	sld [smem:$0x3FB6]  }
0x2e: {  	s3 =	simm.s32 @!p0 $0x1082;
	s9 =	sld [smem:$0x3FB7]  }
0x2f: {  	lr =	sadd.s32 s0, s3;
	s0 =	sld [smem:$0x3FAE]  }
0x30: {  	s3 =	sld [smem:$0x3FB1]  }
0x31: {  	[smem:$0x3FBA] =	sst s10  }
0x32: {  	s10 =	sld [smem:$0x3FB8];
	_ =	sdelay $0x3  }
0x33: {  	p0 =	seq.s32 s10, $0x1;
	s10 =	sld [smem:$0x3FBA];
	_ =	sdelay $0x3  }
0x34: {  	[smem:$0x3FBA] =	sst s10  }
0x35: {  	s10 =	sld [smem:$0x3FB9];
	_ =	sdelay $0x3  }
0x36: {  	p1 =	seq.s32 s10, $0x1;
	s10 =	sld [smem:$0x3FBA];
	_ =	sdelay $0x3  }
0x37: {  	[smem:$0x3FBA] =	sst s10  }
0x38: {  	s10 =	sld [smem:$0x3FBB]  }
0x39: {  	_ = 	snop;
	(pc) =	sbr.ind lr, $3  }
0x3a: {  	_ = 	snop  }
0x3b: {  	_ = 	snop  }
0x3c: {  	p2 =	seq.s32 s10, $0x1;
	s10 =	sld [smem:$0x3FBA]  }
0x3d: {  	_ =	shalt  }
0x3e: {  	_ =	shalt  }
0x3f: {  	_ =	shalt  }
0x40: {  	_ =	shalt  }
0x41: {  	_ =	shalt  }
0x42: {  	_ =	shalt  }
0x43: {  	_ =	shalt  }
0x44: {  	_ =	shalt  }
0x45: {  	_ =	shalt  }
0x46: {  	_ =	shalt  }
0x47: {  	_ =	shalt  }
0x48: {  	_ =	shalt  }
0x49: {  	_ =	shalt  }
0x4a: {  	_ =	shalt  }
0x4b: {  	_ =	shalt  }
0x4c: {  	_ =	shalt  }
0x4d: {  	_ =	shalt  }
0x4e: {  	_ =	shalt  }
0x4f: {  	_ =	shalt  }
0x50: {  	_ =	shalt  }
0x51: {  	_ =	shalt  }
0x52: {  	_ =	shalt  }
0x53: {  	_ =	shalt  }
0x54: {  	_ =	shalt  }
0x55: {  	_ =	shalt  }
0x56: {  	_ =	shalt  }
0x57: {  	_ =	shalt  }
0x58: {  	_ =	shalt  }
0x59: {  	_ =	shalt  }
0x5a: {  	_ =	shalt  }
0x5b: {  	_ =	shalt  }
0x5c: {  	_ =	shalt  }
0x5d: {  	_ =	shalt  }
0x5e: {  	_ =	shalt  }
0x5f: {  	_ =	shalt  }
0x60: {  	_ =	shalt  }
0x61: {  	_ =	shalt  }
0x62: {  	_ =	shalt  }
0x63: {  	_ =	shalt  }
0x64: {  	_ =	shalt  }
0x65: {  	_ =	shalt  }
0x66: {  	_ =	shalt  }
0x67: {  	_ =	shalt  }
0x68: {  	_ =	shalt  }
0x69: {  	_ =	shalt  }
0x6a: {  	_ =	shalt  }
0x6b: {  	_ =	shalt  }
0x6c: {  	_ =	shalt  }
0x6d: {  	_ =	shalt  }
0x6e: {  	_ =	shalt  }
0x6f: {  	_ =	shalt  }
0x70: {  	_ =	shalt  }
0x71: {  	_ =	shalt  }
0x72: {  	_ =	shalt  }
0x73: {  	_ =	shalt  }
0x74: {  	_ =	shalt  }
0x75: {  	_ =	shalt  }
0x76: {  	_ =	shalt  }
0x77: {  	_ =	shalt  }
0x78: {  	_ =	shalt  }
0x79: {  	_ =	shalt  }
0x7a: {  	_ =	shalt  }
0x7b: {  	_ =	shalt  }
0x7c: {  	_ =	shalt  }
0x7d: {  	_ =	shalt  }
0x7e: {  	_ =	shalt  }
0x7f: {  	_ =	shalt  }
0x80: {  	_ =	shalt  }
0x81: {  	_ =	shalt  }
0x82: {  	_ =	shalt  }
0x83: {  	_ =	shalt  }
0x84: {  	_ =	shalt  }
0x85: {  	_ =	shalt  }
0x86: {  	_ =	shalt  }
0x87: {  	_ =	shalt  }
.Lfunc_end0:
.L_simem_size_0:
called_computation_lowered:
.L_overlay_start_0:
0x88: {  	s2 =	sld [smem:$0x3FD9]  }
0x89: {  	s3 =	sld [smem:$0x3FFE];
	_ =	sdelay $0x1  }
0x8a: {  	s1 =	srdreg.scid  }
0x8b: {  	s0 =	sand.u32 $0x1, s1  }
0x8c: {  	s17 =	sshll.u32 s0, $0xA;
	s2 =	sadd.s32 s3, s2  }
0x8d: {  	s2 =	sadd.s32 s2, s17  }
0x8e: {  	[smem:$0x3FC6] =	sst s2  }
0x8f: {  	_ = 	snop  }
0x90: {  	s2 =	sld [smem:$0x3FC8];
	(tm) =	ssettm $0x1  }
0x91: {  	s18 =	sld [smem:$0x3FFB];
	_ =	sdelay $0x3  }
0x92: {  	_ =	strace s18  }
0x93: {  	s3 =	sld [smem:$0x3FFC];
	_ =	sdelay $0x3  }
0x94: {  	_ =	strace s3  }
0x95: {  	s3 =	sld [smem:$0x3FFD];
	_ =	sdelay $0x3  }
0x96: {  	_ =	strace s3  }
0x97: {  	_ =	strace $0x8FFFFFFF  }
0x98: {  	s19 =	sld [smem:$0x3FDB];
	_ =	sdelay $0x1  }
0x99: {  	s4 =	simm.s32 $_scs_section_size  }
0x9a: {  	s5 =	simm.s32 $_size__tile_overlayer_lowered;
	s6 =	simm.s32 $_tile_overlayer_lowered  }
0x9b: {  	s22 =	simm.s32 $0x1BFF;
	s21 =	sshll.u32 s6, $0x1;
	s3 =	sadd.s32 s4, s19  }
0x9c: {  	s7 =	simm.s32 $0x0;
	s20 =	sshll.u32 s5, $0x1;
	s5 =	sadd.s32 s21, s3  }
0x9d: {  	[timem:s7], [sflag:s22] =	dma.local [hbm:s5], s20  }
0x9e: {  	_ =	swait.ge [sflag:s22], s20  }
0x9f: {  	s4 =	ssub.s32 $0x0, s20;
	[sflag:s22] =	ssyncset.done $0x0  }
0xa0: {  	[sflag:s22] =	ssyncadd.s32 s4;
	_ =	sdelay $0x1  }
0xa1: {  	s23 =	simm.s32 $0x1B8B  }
0xa2: {  	_ =	swait.ge [sflag:s23], $0x1  }
0xa3: {  	[sflag:s23] =	ssyncset.done $0x0  }
0xa4: {  	s25 =	simm.s32 $0x1B8E;
	s24 =	sld [smem:$0x3FFE];
	[sflag:s23] =	ssyncadd.s32 $0xFFFFFFFF  }
0xa5: {  	s26 =	simm.s32 $execute0_lowered;
	[smem:$0x3FD2] =	sst s25  }
0xa6: {  	s5 =	sshll.u32 s26, $0x1;
	_ =	strace $0x80000046;
	[dreg:$0x1] =	wrdreg $0xFFFFFFFF  }
0xa7: {  	s28 =	simm.s32 $_size_execute0_lowered;
	s3 =	sadd.s32 s3, s5;
	[dreg:$0x0] =	wrdreg $0x0  }
0xa8: {  	s5 =	sshll.u32 s28, $0x1;
	[dreg:$0x2] =	wrdreg s3  }
0xa9: {  	[dreg:$0x3] =	wrdreg s5  }
0xaa: {  	[dreg:$0x4] =	wrdreg $0xC0  }
0xab: {  	_ =	task [dreg:s7], $0x5FFFF  }
0xac: {  	[dreg:$0x1] =	wrdreg $0xFFFFFFFF  }
0xad: {  	[dreg:$0x0] =	wrdreg $0x60  }
0xae: {  	[dreg:$0x2] =	wrdreg s24  }
0xaf: {  	[dreg:$0x3] =	wrdreg s2  }
0xb0: {  	[dreg:$0x4] =	wrdreg $0x9  }
0xb1: {  	_ =	task.clear_ibuf [dreg:s7], $0x5FFFF;
	_ =	strace $0x90000046  }
0xb2: {  	s29 =	simm.s32 $0x9;
	_ =	strace $0x80000048  }
0xb3: {  	_ =	swait.ge [sflag:s29], $0x1  }
0xb4: {  	[sflag:s29] =	ssyncadd.s32 $0xFFFFFFFF  }
0xb5: {  	_ =	strace $0x90000048  }
0xb6: {  	_ =	sfence  }
0xb7: {  	s30 =	sld [smem:$0x0];
	_ =	sdelay $0x2  }
0xb8: {  	s31 =	sshll.u32 s1, $0xD;
	s1 =	sshrl.u32 s1, $0x2  }
0xb9: {  	s3 =	sand.u32 $0x4000, s31;
	s1 =	sadd.s32 s1, s30  }
0xba: {  	s0 =	sor.u32 s3, s0;
	s1 =	sshll.u32 s1, $0x11  }
0xbb: {  	s0 =	sor.u32 s1, s0  }
0xbc: {  	s0 =	sadd.s32 $0x8F2B, s0  }
0xbd: {  	[sflag:s0] =	ssyncadd.remote.s32 $0x1  }
0xbe: {  	_ =	sfence.sel $0xFFFF  }
0xbf: {  	[dreg:$0x0] =	wrdreg $0xFFFFFFFF;
	(pc) =	sbr.abs _section_cstart, $3  }
0xc0: {  	[dreg:$0x1] =	wrdreg $0xFFFFFFFF  }
0xc1: {  	_ =	task.clear_ibuf [dreg:s7], $0x2FFFF;
	_ =	strace $0x9FFFFFFF  }
0xc2: {  	(tm) =	ssettm $0x7FFFFFFF  }
0xc3: {  	_ =	shalt  }
tec
execute0_lowered:
.L_overlay_start_1:
0x0: {  	(tag) =	ssettag $0x1  }
0x1: {  	s5 =	rddreg [dreg:$0x0]  }
0x2: {  	s2 =	rddreg [dreg:$0x1]  }
0x3: {  	s0 =	rddreg [dreg:$0x2];
	s3 =	simm.s32 $0x0;
	s4 =	srdreg.scid  }
0x4: {  	s1 =	stileid.u32;
	s11 =	simm.s32 $0x80;
	s12 =	simm.s32 $0x100  }
0x5: {  	s13 =	simm.s32 $0x200;
	s14 =	simm.s32 $0x180;
	s15 =	simm.s32 $0x4200  }
0x6: {  	s16 =	simm.s32 $0x1;
	s17 =	simm.s32 $0x8200;
	s18 =	simm.s32 $0x2  }
0x7: {  	vm0 =	vmmov $0x1;
	s19 =	simm.s32 $0xC200;
	s6 =	sand.u32 $0x1, s4;
	s31 =	sshll.u32 s1, $0x1  }
0x8: {  	vm1 =	vcmask $0x320;
	vm2 =	vcmask $0x720;
	vm3 =	vcmask $0xB20;
	s20 =	simm.s32 $0x0;
	[smem:$0x7FF] =	sst s3;
	s8 =	sor.u32 s6, s31  }
0x9: {  	vm4 =	vcmask $0xF20;
	vm5 =	vcmask $0x1320;
	vm6 =	vcmask $0x1720;
	s4 =	sadd.s32 $0xF42800, s5;
	s7 =	ssub.s32 $0x2, s6;
	s9 =	smul.u32 $0xC80, s8  }
0xa: {  	vm7 =	vcmask $0x1B20;
	vm8 =	vcmask $0x2320;
	vm9 =	vmmov $0x1ff;
	s5 =	sadd.s32 $0x400, s5;
	s10 =	sshrl.u32 s7, $0x1;
	s6 =	smul.u32 $0xC8, s8  }
0xb: {  	vm10 =	vmmov $0x3ff;
	vm11 =	vmmov $0x7ff;
	vm12 =	vmmov $0xfff;
	_ =	strace $0x80000047;
	s8 =	smul.u32 $0x320000, s8;
	s10 =	ssub.s32 s7, s10  }
0xc: {  	vm13 =	vmmov $0x1fff;
	vm14 =	vmmov $0x3fff;
	vm15 =	vmmov $0x7fff;
	s7 =	sadd.s32 s2, s9;
	s9 =	smax.u32 s10, $0x1;
	s10 =	simm.s32 $0x3  }
.LBB2_1:
0xd: {  	[tilespmem:s3], [sflag:$0x3] =	stream.linear.gather [hbm4b:s7+s3], $0x80, $0x38;
	[tilespmem:$0x10200] =	vst v63  }
0xe: {  	_ =	swait.ge [sflag:s10], $0x80  }
0xf: {  	[sflag:s10] =	ssyncset.done $0x0  }
0x10: {  	[sflag:s10] =	ssyncadd.s32 $0xFFFFFF80  }
0x11: {  	v0 =	vld [tilespmem:$0x0]  }
0x12: {  	v1 =	vld [tilespmem:$0x10]  }
0x13: {  	v2 =	vld [tilespmem:$0x20]  }
0x14: {  	v3 =	vld [tilespmem:$0x30]  }
0x15: {  	v4 =	vld [tilespmem:$0x40]  }
0x16: {  	v5 =	vld [tilespmem:$0x50];
	v0 =	vshra.s32 v0, $0x1  }
0x17: {  	v56 =	vld [tilespmem:$0x60];
	v55 =	vshra.s32 v1, $0x1;
	[tilespmem:$0x100] =	vst v0  }
0x18: {  	v58 =	vld [tilespmem:$0x70];
	v57 =	vshra.s32 v2, $0x1;
	[tilespmem:$0x110] =	vst v55  }
0x19: {  	v59 =	vshra.s32 v3, $0x1;
	[tilespmem:$0x120] =	vst v57  }
0x1a: {  	v60 =	vshra.s32 v4, $0x1;
	[tilespmem:$0x130] =	vst v59  }
0x1b: {  	v61 =	vshra.s32 v5, $0x1;
	[tilespmem:$0x140] =	vst v60  }
0x1c: {  	v62 =	vshra.s32 v56, $0x1;
	[tilespmem:$0x150] =	vst v61  }
0x1d: {  	v63 =	vshra.s32 v58, $0x1;
	[tilespmem:$0x160] =	vst v62  }
0x1e: {  	s21 =	simm.s32 $0x0;
	[tilespmem:$0x170] =	vst v63  }
0x1f: {  	[tilespmem:s13], [sflag:$0x1] =	stream.indirect.gather [hbm4b:s4+s11], $0x80, s12, s11, $0xb8;
	[tilespmem:$0x10200] =	vst v63  }
.LBB2_2:
0x20: {  	s23 =	sshll.u32 s21, $0x1;
	s22 =	sshllo.u32 s21, $0x1  }
0x21: {  	s24 =	sadd.s32 s6, s23;
	s25 =	sshll.u32 s22, $0x4  }
0x22: {  	s24 =	sshll.u32 s24, $0x4;
	s25 =	sand.u32 $0x70, s25  }
0x23: {  	s24 =	sand.u32 $0xFFFFF80, s24;
	s25 =	sadd.s32 s2, s25  }
0x24: {  	s24 =	sadd.s32 s24, s25  }
0x25: {  	[tilespmem:s11], [sflag:$0x3] =	stream.linear.gather [hbm4b:s24+s3], $0x80, $0x38;
	[tilespmem:$0x10200] =	vst v63  }
0x26: {  	_ =	swait.ge [sflag:s10], $0x80  }
0x27: {  	[sflag:s10] =	ssyncset.done $0x0  }
0x28: {  	[sflag:s10] =	ssyncadd.s32 $0xFFFFFF80  }
0x29: {  	v0 =	vld [tilespmem:$0x80]  }
0x2a: {  	v1 =	vld [tilespmem:$0x90]  }
0x2b: {  	v2 =	vld [tilespmem:$0xA0]  }
0x2c: {  	v3 =	vld [tilespmem:$0xB0]  }
0x2d: {  	v4 =	vld [tilespmem:$0xC0]  }
0x2e: {  	v5 =	vld [tilespmem:$0xD0];
	v0 =	vshra.s32 v0, $0x1  }
0x2f: {  	v56 =	vld [tilespmem:$0xE0];
	v55 =	vshra.s32 v1, $0x1;
	[tilespmem:$0x180] =	vst v0  }
0x30: {  	v58 =	vld [tilespmem:$0xF0];
	v57 =	vshra.s32 v2, $0x1;
	[tilespmem:$0x190] =	vst v55  }
0x31: {  	v59 =	vshra.s32 v3, $0x1;
	[tilespmem:$0x1A0] =	vst v57  }
0x32: {  	v60 =	vshra.s32 v4, $0x1;
	[tilespmem:$0x1B0] =	vst v59  }
0x33: {  	v61 =	vshra.s32 v5, $0x1;
	[tilespmem:$0x1C0] =	vst v60  }
0x34: {  	v62 =	vshra.s32 v56, $0x1;
	[tilespmem:$0x1D0] =	vst v61  }
0x35: {  	v63 =	vshra.s32 v58, $0x1;
	[tilespmem:$0x1E0] =	vst v62  }
0x36: {  	[tilespmem:$0x1F0] =	vst v63  }
0x37: {  	[tilespmem:s15], [sflag:$0x1] =	stream.indirect.gather [hbm4b:s4+s11], $0x80, s14, s11, $0xb8;
	[tilespmem:$0x10200] =	vst v63  }
0x38: {  	_ =	swait.ge [sflag:s16], $0x4000  }
0x39: {  	p0 =	seq.s32 s21, $0x0;
	[sflag:s16] =	ssyncset.done $0x0  }
0x3a: {  	s24 =	simm.s32 @!p0 $0x2;
	[sflag:s16] =	ssyncadd.s32 $0xFFFFC000  }
0x3b: {  	_ =	swait.ge @!p0 [sflag:s24], $0x4000  }
0x3c: {  	[sflag:s24] =	ssyncset.done @!p0 $0x0  }
0x3d: {  	s25 =	simm.s32 $0x0;
	[sflag:s24] =	ssyncadd.s32 @!p0 $0xFFFFC000;
	s24 =	simm.s32 $0x0  }
.LBB2_3:
0x3e: {  	v0 =	vld [tilespmem:s24+$0x0];
	_ =	sdelay $0x4  }
0x3f: {  	v0 =	vshll.u32 v0, $0x6  }
0x40: {  	s26 =	sshra.s32 s25, $0x2;
	v0 =	vand.u32 $0x40, v0  }
0x41: {  	v0 =	vadd.s32 s26, v0  }
0x42: {  	(v2sf) =	vpush v0, $0x1;
	_ =	sdelay $0x3  }
0x43: {  	(v2sf) =	vpush v0, $0x0;
	_ =	sdelay $0x3  }
0x44: {  	(v2sf) =	vpush v0, $0x3;
	_ =	sdelay $0x1  }
0x45: {  	(v2sf) =	vpush v0, $0x2;
	_ =	sdelay $0x4  }
0x46: {  	s28 =	spop (v2sf)  }
0x47: {  	(v2sf) =	vpush v0, $0x5;
	v23 =	vld [tilespmem:s28+$0x280]  }
0x48: {  	v21 =	vld [tilespmem:s28+$0x290]  }
0x49: {  	v17 =	vld [tilespmem:s28+$0x2A0]  }
0x4a: {  	s29 =	spop (v2sf);
	v15 =	vld [tilespmem:s28+$0x2B0]  }
0x4b: {  	(v2sf) =	vpush v0, $0x4;
	v26 =	vld [tilespmem:s29+$0x200]  }
0x4c: {  	v28 =	vld [tilespmem:s29+$0x210]  }
0x4d: {  	v27 =	vld [tilespmem:s29+$0x220]  }
0x4e: {  	v24 =	vld [tilespmem:s29+$0x230];
	s31 =	spop (v2sf)  }
0x4f: {  	(v2sf) =	vpush v0, $0x7;
	v10 =	vld [tilespmem:s31+$0x380]  }
0x50: {  	s30 =	spop (v2sf);
	(v2sf) =	vpush v0, $0x6;
	v8 =	vld [tilespmem:s31+$0x390]  }
0x51: {  	v4 =	vld [tilespmem:s31+$0x3A0]  }
0x52: {  	v1 =	vld [tilespmem:s31+$0x3B0]  }
0x53: {  	v18 =	vld [tilespmem:s30+$0x300]  }
0x54: {  	v19 =	vld [tilespmem:s30+$0x310];
	v3 =	vmul.f32 v26, v26;
	v7 =	vmul.f32 v28, v28  }
0x55: {  	v16 =	vld [tilespmem:s30+$0x320];
	v9 =	vmul.f32 v23, v23;
	v11 =	vmul.f32 v21, v21  }
0x56: {  	v12 =	vld [tilespmem:s30+$0x330];
	v14 =	vmul.f32 v27, v27;
	v13 =	vadd.f32 v7, v3;
	s28 =	spop (v2sf)  }
0x57: {  	v20 =	vmul.f32 v17, v17;
	v11 =	vadd.f32 v11, v9;
	v7 =	vld [tilespmem:s28+$0x480]  }
0x58: {  	v49 =	vmul.f32 v24, v24;
	v13 =	vadd.f32 v14, v13;
	v9 =	vld [tilespmem:s28+$0x490]  }
0x59: {  	v20 =	vadd.f32 v20, v11;
	v11 =	vld [tilespmem:s28+$0x4A0]  }
0x5a: {  	v33 =	vadd.f32 v49, v13;
	s31 =	spop (v2sf);
	v13 =	vld [tilespmem:s28+$0x4B0]  }
0x5b: {  	v2 =	vld [tilespmem:s31+$0x400]  }
0x5c: {  	v5 =	vld [tilespmem:s31+$0x410]  }
0x5d: {  	v22 =	vmul.f32 v15, v15;
	v51 =	vmul.f32 v10, v10;
	v6 =	vld [tilespmem:s31+$0x420]  }
0x5e: {  	v29 =	vmul.f32 v8, v8;
	v35 =	vmul.f32 v4, v4;
	v3 =	vld [tilespmem:s31+$0x430];
	s30 =	spop (v2sf)  }
0x5f: {  	v50 =	vmul.f32 v18, v18;
	v25 =	vmul.f32 v19, v19;
	s31 =	spop (v2sf);
	v14 =	vld [tilespmem:s30+$0x580]  }
0x60: {  	v36 =	vmul.f32 v1, v1;
	v29 =	vadd.f32 v29, v51;
	v34 =	vadd.f32 v22, v20;
	v22 =	vld [tilespmem:s31+$0x500]  }
0x61: {  	v31 =	vmul.f32 v16, v16;
	v32 =	vmul.f32 v12, v12;
	v30 =	vadd.f32 v25, v50;
	v25 =	vld [tilespmem:s31+$0x510]  }
0x62: {  	v35 =	vadd.f32 v35, v29;
	v20 =	vld [tilespmem:s30+$0x590];
	v39 =	vmul.f32 v7, v7;
	v40 =	vmul.f32 v9, v9  }
0x63: {  	v31 =	vadd.f32 v31, v30;
	v30 =	vld [tilespmem:s31+$0x520];
	v55 =	vmul.f32 v11, v11;
	v61 =	vmul.f32 v13, v13  }
0x64: {  	v35 =	vadd.f32 v36, v35;
	v29 =	vld [tilespmem:s30+$0x5A0];
	v37 =	vmul.f32 v2, v2;
	v38 =	vmul.f32 v5, v5  }
0x65: {  	v41 =	vadd.f32 v32, v31;
	v32 =	vld [tilespmem:s31+$0x530];
	v53 =	vmul.f32 v6, v6;
	v59 =	vmul.f32 v3, v3  }
0x66: {  	v31 =	vld [tilespmem:s30+$0x5B0];
	v52 =	vadd.f32 v38, v37;
	v56 =	vmul.f32 v22, v22;
	v57 =	vmul.f32 v25, v25  }
0x67: {  	v54 =	vadd.f32 v40, v39;
	v58 =	vmul.f32 v14, v14;
	v42 =	vmul.f32 v20, v20  }
0x68: {  	(xrf2) =	vadd.scan.msk.f32 $0xffff, v33;
	v60 =	vmul.f32 v30, v30;
	v37 =	vadd.f32 v53, v52;
	v39 =	vadd.f32 v57, v56  }
0x69: {  	(xrf2) =	vadd.scan.msk.f32 $0xffff, v34;
	v62 =	vmul.f32 v29, v29;
	v36 =	vadd.f32 v55, v54;
	v38 =	vadd.f32 v42, v58  }
0x6a: {  	(xrf2) =	vadd.scan.msk.f32 $0xffff, v41;
	v43 =	vmul.f32 v32, v32;
	v33 =	vadd.f32 v59, v37;
	v63 =	vadd.f32 v60, v39  }
0x6b: {  	(xrf2) =	vadd.scan.msk.f32 $0xffff, v35;
	v45 =	vmul.f32 v31, v31;
	v34 =	vadd.f32 v61, v36;
	v44 =	vadd.f32 v62, v38  }
0x6c: {  	(xrf2) =	vadd.scan.msk.f32 $0xffff, v33;
	v46 =	vadd.f32 v43, v63  }
0x6d: {  	v47 =	vadd.f32 v45, v44;
	(xrf2) =	vadd.scan.msk.f32 $0xffff, v34  }
0x6e: {  	(xrf2) =	vadd.scan.msk.f32 $0xffff, v46  }
0x6f: {  	(xrf2) =	vadd.scan.msk.f32 $0xffff, v47;
	_ =	sdelay $0x2  }
0x70: {  	v48, _, _ =	vpop (xrf2)  }
0x71: {  	v49, _, _ =	vpop (xrf2);
	v33 =	vbroadcast v48, $0xF  }
0x72: {  	v50, _, _ =	vpop (xrf2);
	v34 =	vbroadcast v49, $0xF  }
0x73: {  	v35 =	vbroadcast v50, $0xF;
	v51, _, _ =	vpop (xrf2);
	v33 =	vnsel vm0, $0x0, v33  }
0x74: {  	v52 =	vbroadcast v51, $0xF;
	v33 =	vsel vm1, v33, v34;
	v53, _, _ =	vpop (xrf2)  }
0x75: {  	v33 =	vsel vm2, v33, v35;
	v54 =	vbroadcast v53, $0xF;
	v55, _, _ =	vpop (xrf2)  }
0x76: {  	v33 =	vsel vm3, v33, v52;
	v56 =	vbroadcast v55, $0xF;
	v57, _, _ =	vpop (xrf2)  }
0x77: {  	v33 =	vsel vm4, v33, v54;
	v58 =	vbroadcast v57, $0xF;
	v59, _, _ =	vpop (xrf2)  }
0x78: {  	v33 =	vsel vm5, v33, v56;
	v60 =	vbroadcast v59, $0xF  }
0x79: {  	v33 =	vsel vm6, v33, v58  }
0x7a: {  	v33 =	vsel vm7, v33, v60  }
0x7b: {  	v34 =	vshra.s32 v33, $0x1;
	v33 =	vmul.f32 $5.000000000e-01, v33  }
0x7c: {  	v34 =	vsub.s32 $0x5F3759DF, v34  }
0x7d: {  	v61 =	vmul.f32 v34, v33;
	_ =	sdelay $0x1  }
0x7e: {  	v35 =	vmul.f32 v34, v61;
	_ =	sdelay $0x1  }
0x7f: {  	v35 =	vsub.f32 $1.500000000e+00, v35;
	_ =	sdelay $0x1  }
0x80: {  	v34 =	vmul.f32 v34, v35;
	_ =	sdelay $0x1  }
0x81: {  	v33 =	vmul.f32 v34, v33;
	_ =	sdelay $0x1  }
0x82: {  	v33 =	vmul.f32 v33, v34;
	_ =	sdelay $0x1  }
0x83: {  	v33 =	vsub.f32 $1.500000000e+00, v33;
	_ =	sdelay $0x1  }
0x84: {  	v33 =	vmul.f32 v33, v34;
	_ =	sdelay $0x1  }
0x85: {  	v34 =	vbroadcast v33, $0x0;
	_ =	sdelay $0x1  }
0x86: {  	v26 =	vmul.f32 v34, v26  }
0x87: {  	v28 =	vmul.f32 v34, v28  }
0x88: {  	v63 =	vbroadcast v33, $0x1;
	v62 =	vmul.f32 v34, v27;
	[tilespmem:s26+$0x8200] =	vst v26  }
0x89: {  	v24 =	vmul.f32 v34, v24;
	[tilespmem:s26+$0x8210] =	vst v28  }
0x8a: {  	v23 =	vmul.f32 v63, v23;
	[tilespmem:s26+$0x8220] =	vst v62  }
0x8b: {  	v21 =	vmul.f32 v63, v21;
	[tilespmem:s26+$0x8230] =	vst v24  }
0x8c: {  	v35 =	vbroadcast v33, $0x4;
	v17 =	vmul.f32 v63, v17;
	[tilespmem:s26+$0x8280] =	vst v23  }
0x8d: {  	v15 =	vmul.f32 v63, v15;
	[tilespmem:s26+$0x8290] =	vst v21  }
0x8e: {  	v2 =	vmul.f32 v35, v2;
	[tilespmem:s26+$0x82A0] =	vst v17  }
0x8f: {  	v36 =	vmul.f32 v35, v5;
	[tilespmem:s26+$0x82B0] =	vst v15  }
0x90: {  	v38 =	vbroadcast v33, $0x5;
	v37 =	vmul.f32 v35, v6;
	[tilespmem:s26+$0x8400] =	vst v2  }
0x91: {  	v39 =	vmul.f32 v35, v3;
	[tilespmem:s26+$0x8410] =	vst v36  }
0x92: {  	v40 =	vmul.f32 v38, v7;
	[tilespmem:s26+$0x8420] =	vst v37  }
0x93: {  	v41 =	vmul.f32 v38, v9;
	[tilespmem:s26+$0x8430] =	vst v39  }
0x94: {  	v43 =	vbroadcast v33, $0x6;
	v42 =	vmul.f32 v38, v11;
	[tilespmem:s26+$0x8480] =	vst v40  }
0x95: {  	v44 =	vmul.f32 v38, v13;
	[tilespmem:s26+$0x8490] =	vst v41  }
0x96: {  	v45 =	vmul.f32 v43, v22;
	[tilespmem:s26+$0x84A0] =	vst v42  }
0x97: {  	(v2sf) =	vpush v0, $0x9;
	v46 =	vmul.f32 v43, v25;
	[tilespmem:s26+$0x84B0] =	vst v44  }
0x98: {  	(v2sf) =	vpush v0, $0x8;
	v48 =	vbroadcast v33, $0x7;
	v47 =	vmul.f32 v43, v30;
	[tilespmem:s26+$0x8500] =	vst v45  }
0x99: {  	v49 =	vmul.f32 v43, v32;
	[tilespmem:s26+$0x8510] =	vst v46  }
0x9a: {  	v50 =	vmul.f32 v48, v14;
	[tilespmem:s26+$0x8520] =	vst v47  }
0x9b: {  	v51 =	vmul.f32 v48, v20;
	[tilespmem:s26+$0x8530] =	vst v49  }
0x9c: {  	v34 =	vbroadcast v33, $0x3;
	v52 =	vmul.f32 v48, v29;
	[tilespmem:s26+$0x8580] =	vst v50  }
0x9d: {  	v53 =	vmul.f32 v48, v31;
	[tilespmem:s26+$0x8590] =	vst v51  }
0x9e: {  	v10 =	vmul.f32 v34, v10;
	[tilespmem:s26+$0x85A0] =	vst v52  }
0x9f: {  	v8 =	vmul.f32 v34, v8;
	[tilespmem:s26+$0x85B0] =	vst v53  }
0xa0: {  	(v2sf) =	vpush v0, $0xB;
	v26 =	vbroadcast v33, $0x2;
	v4 =	vmul.f32 v34, v4;
	[tilespmem:s26+$0x8380] =	vst v10  }
0xa1: {  	(v2sf) =	vpush v0, $0xA;
	v1 =	vmul.f32 v34, v1;
	[tilespmem:s26+$0x8390] =	vst v8  }
0xa2: {  	v27 =	vmul.f32 v26, v18;
	[tilespmem:s26+$0x83A0] =	vst v4  }
0xa3: {  	v28 =	vmul.f32 v26, v19;
	[tilespmem:s26+$0x83B0] =	vst v1  }
0xa4: {  	v16 =	vmul.f32 v26, v16;
	[tilespmem:s26+$0x8300] =	vst v27  }
0xa5: {  	v12 =	vmul.f32 v26, v12;
	[tilespmem:s26+$0x8310] =	vst v28  }
0xa6: {  	s28 =	spop (v2sf);
	[tilespmem:s26+$0x8320] =	vst v16  }
0xa7: {  	s30 =	spop (v2sf);
	[tilespmem:s26+$0x8330] =	vst v12  }
0xa8: {  	(v2sf) =	vpush v0, $0xD;
	v22 =	vld [tilespmem:s30+$0x600]  }
0xa9: {  	v24 =	vld [tilespmem:s30+$0x610]  }
0xaa: {  	v23 =	vld [tilespmem:s30+$0x620]  }
0xab: {  	(v2sf) =	vpush v0, $0xC;
	v20 =	vld [tilespmem:s30+$0x630]  }
0xac: {  	v19 =	vld [tilespmem:s28+$0x680]  }
0xad: {  	v17 =	vld [tilespmem:s28+$0x690]  }
0xae: {  	v13 =	vld [tilespmem:s28+$0x6A0]  }
0xaf: {  	s31 =	spop (v2sf);
	(v2sf) =	vpush v0, $0xF;
	v11 =	vld [tilespmem:s28+$0x6B0]  }
0xb0: {  	s30 =	spop (v2sf);
	(v2sf) =	vpush v0, $0xE;
	v7 =	vld [tilespmem:s31+$0x780]  }
0xb1: {  	v2 =	vld [tilespmem:s31+$0x790]  }
0xb2: {  	v3 =	vld [tilespmem:s31+$0x7A0]  }
0xb3: {  	v0 =	vld [tilespmem:s31+$0x7B0]  }
0xb4: {  	v14 =	vld [tilespmem:s30+$0x700]  }
0xb5: {  	v15 =	vld [tilespmem:s30+$0x710]  }
0xb6: {  	v12 =	vld [tilespmem:s30+$0x720]  }
0xb7: {  	v9 =	vld [tilespmem:s30+$0x730];
	s28 =	spop (v2sf)  }
0xb8: {  	v8 =	vld [tilespmem:s28+$0x880]  }
0xb9: {  	v10 =	vld [tilespmem:s28+$0x890];
	v54 =	vmul.f32 v22, v22;
	v55 =	vmul.f32 v24, v24  }
0xba: {  	s31 =	spop (v2sf);
	v16 =	vld [tilespmem:s28+$0x8A0];
	v57 =	vmul.f32 v23, v23;
	v58 =	vmul.f32 v19, v19  }
0xbb: {  	v4 =	vld [tilespmem:s31+$0x800];
	v59 =	vmul.f32 v17, v17;
	v61 =	vmul.f32 v20, v20  }
0xbc: {  	v1 =	vld [tilespmem:s31+$0x810];
	v62 =	vmul.f32 v13, v13;
	v42 =	vmul.f32 v7, v7  }
0xbd: {  	v5 =	vld [tilespmem:s31+$0x820];
	v43 =	vmul.f32 v2, v2;
	v44 =	vmul.f32 v11, v11;
	v18 =	vadd.f32 v59, v58  }
0xbe: {  	v6 =	vld [tilespmem:s31+$0x830];
	s30 =	spop (v2sf);
	v48 =	vmul.f32 v3, v3;
	v53 =	vmul.f32 v0, v0  }
0xbf: {  	v40 =	vmul.f32 v14, v14;
	v41 =	vmul.f32 v15, v15;
	v26 =	vadd.f32 v62, v18;
	v18 =	vld [tilespmem:s28+$0x8B0];
	s31 =	spop (v2sf)  }
0xc0: {  	v46 =	vmul.f32 v12, v12;
	v47 =	vmul.f32 v9, v9;
	v28 =	vadd.f32 v43, v42;
	v21 =	vld [tilespmem:s31+$0x900]  }
0xc1: {  	v56 =	vadd.f32 v55, v54;
	v55 =	vmul.f32 v8, v8;
	v45 =	vadd.f32 v41, v40;
	v25 =	vld [tilespmem:s31+$0x910]  }
0xc2: {  	v49 =	vmul.f32 v4, v4;
	v50 =	vmul.f32 v1, v1;
	v52 =	vadd.f32 v48, v28;
	v28 =	vld [tilespmem:s30+$0x990]  }
0xc3: {  	v54 =	vmul.f32 v5, v5;
	v60 =	vadd.f32 v57, v56;
	v31 =	vadd.f32 v46, v45;
	v27 =	vld [tilespmem:s31+$0x920]  }
0xc4: {  	v56 =	vmul.f32 v10, v10;
	v32 =	vadd.f32 v50, v49;
	v51 =	vadd.f32 v44, v26;
	v26 =	vld [tilespmem:s30+$0x980]  }
0xc5: {  	v59 =	vmul.f32 v6, v6;
	v63 =	vadd.f32 v61, v60;
	v34 =	vadd.f32 v53, v52;
	v38 =	vld [tilespmem:s31+$0x930]  }
0xc6: {  	v29 =	vld [tilespmem:s30+$0x9A0];
	v35 =	vadd.f32 v56, v55;
	v57 =	vmul.f32 v21, v21;
	v58 =	vmul.f32 v25, v25  }
0xc7: {  	v60 =	vmul.f32 v16, v16;
	v31 =	vadd.f32 v47, v31;
	v32 =	vadd.f32 v54, v32  }
0xc8: {  	v41 =	vld [tilespmem:s30+$0x9B0];
	(xrf2) =	vadd.scan.msk.f32 $0xffff, v63;
	v61 =	vmul.f32 v18, v18;
	v62 =	vmul.f32 v27, v27;
	v33 =	vadd.f32 v58, v57  }
0xc9: {  	v35 =	vadd.f32 v60, v35;
	(xrf2) =	vadd.scan.msk.f32 $0xffff, v51;
	v42 =	vmul.f32 v28, v28;
	v63 =	vmul.f32 v26, v26  }
0xca: {  	v43 =	vadd.f32 v59, v32;
	(xrf2) =	vadd.scan.msk.f32 $0xffff, v31;
	v45 =	vmul.f32 v38, v38;
	v44 =	vadd.f32 v62, v33  }
0xcb: {  	v47 =	vmul.f32 v29, v29;
	(xrf2) =	vadd.scan.msk.f32 $0xffff, v34;
	v30 =	vadd.f32 v61, v35;
	v46 =	vadd.f32 v42, v63  }
0xcc: {  	(xrf2) =	vadd.scan.msk.f32 $0xffff, v43;
	v48 =	vadd.f32 v45, v44  }
0xcd: {  	v50 =	vmul.f32 v41, v41;
	(xrf2) =	vadd.scan.msk.f32 $0xffff, v30;
	v49 =	vadd.f32 v47, v46  }
0xce: {  	(xrf2) =	vadd.scan.msk.f32 $0xffff, v48  }
0xcf: {  	v30 =	vadd.f32 v50, v49;
	_ =	sdelay $0x1  }
0xd0: {  	(xrf2) =	vadd.scan.msk.f32 $0xffff, v30  }
0xd1: {  	v51, _, _ =	vpop (xrf2)  }
0xd2: {  	v52, _, _ =	vpop (xrf2);
	v30 =	vbroadcast v51, $0xF  }
0xd3: {  	v53, _, _ =	vpop (xrf2);
	v31 =	vbroadcast v52, $0xF  }
0xd4: {  	v54, _, _ =	vpop (xrf2);
	v32 =	vbroadcast v53, $0xF;
	v30 =	vnsel vm8, $0x0, v30  }
0xd5: {  	v55, _, _ =	vpop (xrf2);
	v56 =	vbroadcast v54, $0xF;
	v30 =	vsel vm9, v30, v31  }
0xd6: {  	v57, _, _ =	vpop (xrf2);
	v58 =	vbroadcast v55, $0xF;
	v30 =	vsel vm10, v30, v32  }
0xd7: {  	v60 =	vbroadcast v57, $0xF;
	v30 =	vsel vm11, v30, v56;
	v59, _, _ =	vpop (xrf2)  }
0xd8: {  	v30 =	vsel vm12, v30, v58;
	v61 =	vbroadcast v59, $0xF  }
0xd9: {  	v30 =	vsel vm13, v30, v60  }
0xda: {  	v62, _, _ =	vpop (xrf2);
	v30 =	vsel vm14, v30, v61  }
0xdb: {  	v30 =	vsel vm15, v30, v62  }
0xdc: {  	v31 =	vshra.s32 v30, $0x1;
	v30 =	vmul.f32 $5.000000000e-01, v30  }
0xdd: {  	v31 =	vsub.s32 $0x5F3759DF, v31  }
0xde: {  	v63 =	vmul.f32 v31, v30;
	_ =	sdelay $0x1  }
0xdf: {  	v32 =	vmul.f32 v31, v63;
	_ =	sdelay $0x1  }
0xe0: {  	v32 =	vsub.f32 $1.500000000e+00, v32;
	_ =	sdelay $0x1  }
0xe1: {  	v31 =	vmul.f32 v31, v32;
	_ =	sdelay $0x1  }
0xe2: {  	v30 =	vmul.f32 v31, v30;
	_ =	sdelay $0x1  }
0xe3: {  	v30 =	vmul.f32 v30, v31;
	_ =	sdelay $0x1  }
0xe4: {  	v30 =	vsub.f32 $1.500000000e+00, v30;
	_ =	sdelay $0x1  }
0xe5: {  	v30 =	vmul.f32 v30, v31;
	_ =	sdelay $0x1  }
0xe6: {  	v31 =	vbroadcast v30, $0x8;
	_ =	sdelay $0x1  }
0xe7: {  	v22 =	vmul.f32 v31, v22  }
0xe8: {  	v24 =	vmul.f32 v31, v24  }
0xe9: {  	v37 =	vbroadcast v30, $0x9;
	v36 =	vmul.f32 v31, v23;
	[tilespmem:s26+$0x8600] =	vst v22  }
0xea: {  	v20 =	vmul.f32 v31, v20;
	[tilespmem:s26+$0x8610] =	vst v24  }
0xeb: {  	v19 =	vmul.f32 v37, v19;
	[tilespmem:s26+$0x8620] =	vst v36  }
0xec: {  	v17 =	vmul.f32 v37, v17;
	[tilespmem:s26+$0x8630] =	vst v20  }
0xed: {  	v39 =	vbroadcast v30, $0xA;
	v13 =	vmul.f32 v37, v13;
	[tilespmem:s26+$0x8680] =	vst v19  }
0xee: {  	v11 =	vmul.f32 v37, v11;
	[tilespmem:s26+$0x8690] =	vst v17  }
0xef: {  	v40 =	vmul.f32 v39, v14;
	[tilespmem:s26+$0x86A0] =	vst v13  }
0xf0: {  	v42 =	vmul.f32 v39, v15;
	[tilespmem:s26+$0x86B0] =	vst v11  }
0xf1: {  	v43 =	vbroadcast v30, $0xB;
	v12 =	vmul.f32 v39, v12;
	[tilespmem:s26+$0x8700] =	vst v40  }
0xf2: {  	v9 =	vmul.f32 v39, v9;
	[tilespmem:s26+$0x8710] =	vst v42  }
0xf3: {  	v7 =	vmul.f32 v43, v7;
	[tilespmem:s26+$0x8720] =	vst v12  }
0xf4: {  	v2 =	vmul.f32 v43, v2;
	[tilespmem:s26+$0x8730] =	vst v9  }
0xf5: {  	v44 =	vbroadcast v30, $0xC;
	v3 =	vmul.f32 v43, v3;
	[tilespmem:s26+$0x8780] =	vst v7  }
0xf6: {  	v0 =	vmul.f32 v43, v0;
	[tilespmem:s26+$0x8790] =	vst v2  }
0xf7: {  	v45 =	vmul.f32 v44, v4;
	[tilespmem:s26+$0x87A0] =	vst v3  }
0xf8: {  	v46 =	vmul.f32 v44, v1;
	[tilespmem:s26+$0x87B0] =	vst v0  }
0xf9: {  	v48 =	vbroadcast v30, $0xD;
	v47 =	vmul.f32 v44, v5;
	[tilespmem:s26+$0x8800] =	vst v45  }
0xfa: {  	v49 =	vmul.f32 v44, v6;
	[tilespmem:s26+$0x8810] =	vst v46  }
0xfb: {  	v50 =	vmul.f32 v48, v8;
	[tilespmem:s26+$0x8820] =	vst v47  }
0xfc: {  	v51 =	vmul.f32 v48, v10;
	[tilespmem:s26+$0x8830] =	vst v49  }
0xfd: {  	v53 =	vbroadcast v30, $0xE;
	v52 =	vmul.f32 v48, v16;
	[tilespmem:s26+$0x8880] =	vst v50  }
0xfe: {  	v54 =	vmul.f32 v48, v18;
	[tilespmem:s26+$0x8890] =	vst v51  }
0xff: {  	v55 =	vmul.f32 v53, v21;
	[tilespmem:s26+$0x88A0] =	vst v52  }
0x100: {  	v56 =	vmul.f32 v53, v25;
	[tilespmem:s26+$0x88B0] =	vst v54  }
0x101: {  	v58 =	vbroadcast v30, $0xF;
	v57 =	vmul.f32 v53, v27;
	[tilespmem:s26+$0x8900] =	vst v55  }
0x102: {  	v59 =	vmul.f32 v53, v38;
	[tilespmem:s26+$0x8910] =	vst v56  }
0x103: {  	p1 =	sne.s32 s25, $0xE000;
	v60 =	vmul.f32 v58, v26;
	[tilespmem:s26+$0x8920] =	vst v57  }
.Ltmp0:
0x104: {  	v61 =	vmul.f32 v58, v28;
	[tilespmem:s26+$0x8930] =	vst v59;
	(pc) =	sbr.rel @p1 .LBB2_3-.Ltmp0, $4  }
0x105: {  	v62 =	vmul.f32 v58, v29;
	[tilespmem:s26+$0x8980] =	vst v60  }
0x106: {  	v63 =	vmul.f32 v58, v41;
	[tilespmem:s26+$0x8990] =	vst v61  }
0x107: {  	[tilespmem:s26+$0x89A0] =	vst v62  }
0x108: {  	s24 =	sadd.s32 $0x10, s24;
	s25 =	sadd.s32 $0x2000, s25;
	[tilespmem:s26+$0x89B0] =	vst v63  }
0x109: {  	p1 =	sne.s32 s21, $0x63  }
.Ltmp1:
0x10a: {  	s24 =	sshll.u32 s21, $0xF;
	(pc) =	sbr.rel @p1 .LBB2_6-.Ltmp1, $4  }
0x10b: {  	s24 =	sadd.s32 s8, s24  }
0x10c: {  	s24 =	sshrl.u32 s24, $0x3  }
0x10d: {  	s24 =	sadd.s32 s5, s24  }
0x10e: {  	[hbm4b:s24+s3] =	stream.linear.scatter [tilespmem:s17], [sflag:$0x2], $0x4000, $0x38;
	[tilespmem:$0x10200] =	vst v63  }
.Ltmp2:
0x10f: {  	(pc) =	sbr.rel .LBB2_7-.Ltmp2, $4  }
0x110: {  	_ = 	snop  }
0x111: {  	_ =	swait.ge [sflag:s16], $0x4000  }
0x112: {  	[sflag:s16] =	ssyncset.done $0x0  }
0x113: {  	[sflag:s16] =	ssyncadd.s32 $0xFFFFC000  }
.LBB2_6:
0x114: {  	s23 =	sadd.s32 $0x2, s23  }
0x115: {  	s24 =	sadd.s32 s6, s23;
	s23 =	sshll.u32 s23, $0x4  }
0x116: {  	s24 =	sshll.u32 s24, $0x4;
	s23 =	sand.u32 $0x60, s23  }
0x117: {  	s24 =	sand.u32 $0xFFFFF80, s24;
	s23 =	sadd.s32 s2, s23  }
0x118: {  	s23 =	sadd.s32 s24, s23  }
0x119: {  	[tilespmem:s3], [sflag:$0x3] =	stream.linear.gather [hbm4b:s23+s3], $0x80, $0x38;
	[tilespmem:$0x10200] =	vst v63  }
0x11a: {  	_ =	swait.ge [sflag:s10], $0x80  }
0x11b: {  	[sflag:s10] =	ssyncset.done $0x0  }
0x11c: {  	[sflag:s10] =	ssyncadd.s32 $0xFFFFFF80  }
0x11d: {  	v0 =	vld [tilespmem:$0x0]  }
0x11e: {  	v1 =	vld [tilespmem:$0x10]  }
0x11f: {  	v2 =	vld [tilespmem:$0x20]  }
0x120: {  	v3 =	vld [tilespmem:$0x30]  }
0x121: {  	v4 =	vld [tilespmem:$0x40]  }
0x122: {  	v5 =	vld [tilespmem:$0x50];
	v0 =	vshra.s32 v0, $0x1  }
0x123: {  	v56 =	vld [tilespmem:$0x60];
	v55 =	vshra.s32 v1, $0x1;
	[tilespmem:$0x100] =	vst v0  }
0x124: {  	v58 =	vld [tilespmem:$0x70];
	v57 =	vshra.s32 v2, $0x1;
	[tilespmem:$0x110] =	vst v55  }
0x125: {  	v59 =	vshra.s32 v3, $0x1;
	[tilespmem:$0x120] =	vst v57  }
0x126: {  	v60 =	vshra.s32 v4, $0x1;
	[tilespmem:$0x130] =	vst v59  }
0x127: {  	v61 =	vshra.s32 v5, $0x1;
	[tilespmem:$0x140] =	vst v60  }
0x128: {  	v62 =	vshra.s32 v56, $0x1;
	[tilespmem:$0x150] =	vst v61  }
0x129: {  	v63 =	vshra.s32 v58, $0x1;
	[tilespmem:$0x160] =	vst v62  }
.Ltmp3:
0x12a: {  	[tilespmem:$0x170] =	vst v63;
	(pc) =	sbr.rel @p0 .LBB2_8-.Ltmp3, $4  }
0x12b: {  	[tilespmem:s13], [sflag:$0x1] =	stream.indirect.gather [hbm4b:s4+s11], $0x80, s12, s11, $0xb8;
	[tilespmem:$0x10200] =	vst v63  }
0x12c: {  	_ =	swait.ge [sflag:s16], $0x4000  }
0x12d: {  	[sflag:s16] =	ssyncset.done $0x0  }
0x12e: {  	[sflag:s16] =	ssyncadd.s32 $0xFFFFC000  }
.LBB2_7:
0x12f: {  	_ =	swait.ge [sflag:s18], $0x4000  }
0x130: {  	[sflag:s18] =	ssyncset.done $0x0  }
0x131: {  	[sflag:s18] =	ssyncadd.s32 $0xFFFFC000  }
.LBB2_8:
0x132: {  	s23 =	simm.s32 $0x0;
	s24 =	simm.s32 $0x80  }
.LBB2_9:
0x133: {  	v0 =	vld [tilespmem:s24+$0x0];
	_ =	sdelay $0x4  }
0x134: {  	v0 =	vshll.u32 v0, $0x6  }
0x135: {  	s25 =	sshra.s32 s23, $0x2;
	v0 =	vand.u32 $0x40, v0  }
0x136: {  	v0 =	vadd.s32 s25, v0  }
0x137: {  	(v2sf) =	vpush v0, $0x1;
	_ =	sdelay $0x3  }
0x138: {  	(v2sf) =	vpush v0, $0x0;
	_ =	sdelay $0x3  }
0x139: {  	(v2sf) =	vpush v0, $0x3;
	_ =	sdelay $0x1  }
0x13a: {  	(v2sf) =	vpush v0, $0x2;
	_ =	sdelay $0x4  }
0x13b: {  	s26 =	spop (v2sf)  }
0x13c: {  	(v2sf) =	vpush v0, $0x5;
	v23 =	vld [tilespmem:s26+$0x4280]  }
0x13d: {  	v21 =	vld [tilespmem:s26+$0x4290]  }
0x13e: {  	v17 =	vld [tilespmem:s26+$0x42A0]  }
0x13f: {  	s28 =	spop (v2sf);
	v15 =	vld [tilespmem:s26+$0x42B0]  }
0x140: {  	(v2sf) =	vpush v0, $0x4;
	v26 =	vld [tilespmem:s28+$0x4200]  }
0x141: {  	v28 =	vld [tilespmem:s28+$0x4210]  }
0x142: {  	v27 =	vld [tilespmem:s28+$0x4220]  }
0x143: {  	v24 =	vld [tilespmem:s28+$0x4230];
	s30 =	spop (v2sf)  }
0x144: {  	(v2sf) =	vpush v0, $0x7;
	v10 =	vld [tilespmem:s30+$0x4380]  }
0x145: {  	s31 =	spop (v2sf);
	(v2sf) =	vpush v0, $0x6;
	v8 =	vld [tilespmem:s30+$0x4390]  }
0x146: {  	v4 =	vld [tilespmem:s30+$0x43A0]  }
0x147: {  	v1 =	vld [tilespmem:s30+$0x43B0]  }
0x148: {  	v18 =	vld [tilespmem:s31+$0x4300]  }
0x149: {  	v19 =	vld [tilespmem:s31+$0x4310];
	v3 =	vmul.f32 v26, v26;
	v7 =	vmul.f32 v28, v28  }
0x14a: {  	v16 =	vld [tilespmem:s31+$0x4320];
	v9 =	vmul.f32 v23, v23;
	v11 =	vmul.f32 v21, v21  }
0x14b: {  	v12 =	vld [tilespmem:s31+$0x4330];
	v14 =	vmul.f32 v27, v27;
	v13 =	vadd.f32 v7, v3;
	s29 =	spop (v2sf)  }
0x14c: {  	v20 =	vmul.f32 v17, v17;
	v11 =	vadd.f32 v11, v9;
	v7 =	vld [tilespmem:s29+$0x4480]  }
0x14d: {  	v49 =	vmul.f32 v24, v24;
	v13 =	vadd.f32 v14, v13;
	v9 =	vld [tilespmem:s29+$0x4490]  }
0x14e: {  	v20 =	vadd.f32 v20, v11;
	v11 =	vld [tilespmem:s29+$0x44A0]  }
0x14f: {  	v33 =	vadd.f32 v49, v13;
	s30 =	spop (v2sf);
	v13 =	vld [tilespmem:s29+$0x44B0]  }
0x150: {  	v2 =	vld [tilespmem:s30+$0x4400]  }
0x151: {  	v5 =	vld [tilespmem:s30+$0x4410]  }
0x152: {  	v22 =	vmul.f32 v15, v15;
	v51 =	vmul.f32 v10, v10;
	v6 =	vld [tilespmem:s30+$0x4420]  }
0x153: {  	v29 =	vmul.f32 v8, v8;
	v35 =	vmul.f32 v4, v4;
	v3 =	vld [tilespmem:s30+$0x4430];
	s31 =	spop (v2sf)  }
0x154: {  	v50 =	vmul.f32 v18, v18;
	v25 =	vmul.f32 v19, v19;
	s29 =	spop (v2sf);
	v14 =	vld [tilespmem:s31+$0x4580]  }
0x155: {  	v36 =	vmul.f32 v1, v1;
	v29 =	vadd.f32 v29, v51;
	v34 =	vadd.f32 v22, v20;
	v22 =	vld [tilespmem:s29+$0x4500]  }
0x156: {  	v31 =	vmul.f32 v16, v16;
	v32 =	vmul.f32 v12, v12;
	v30 =	vadd.f32 v25, v50;
	v25 =	vld [tilespmem:s29+$0x4510]  }
0x157: {  	v35 =	vadd.f32 v35, v29;
	v20 =	vld [tilespmem:s31+$0x4590];
	v39 =	vmul.f32 v7, v7;
	v40 =	vmul.f32 v9, v9  }
0x158: {  	v31 =	vadd.f32 v31, v30;
	v30 =	vld [tilespmem:s29+$0x4520];
	v55 =	vmul.f32 v11, v11;
	v61 =	vmul.f32 v13, v13  }
0x159: {  	v35 =	vadd.f32 v36, v35;
	v29 =	vld [tilespmem:s31+$0x45A0];
	v37 =	vmul.f32 v2, v2;
	v38 =	vmul.f32 v5, v5  }
0x15a: {  	v41 =	vadd.f32 v32, v31;
	v32 =	vld [tilespmem:s29+$0x4530];
	v53 =	vmul.f32 v6, v6;
	v59 =	vmul.f32 v3, v3  }
0x15b: {  	v31 =	vld [tilespmem:s31+$0x45B0];
	v52 =	vadd.f32 v38, v37;
	v56 =	vmul.f32 v22, v22;
	v57 =	vmul.f32 v25, v25  }
0x15c: {  	v54 =	vadd.f32 v40, v39;
	v58 =	vmul.f32 v14, v14;
	v42 =	vmul.f32 v20, v20  }
0x15d: {  	(xrf2) =	vadd.scan.msk.f32 $0xffff, v33;
	v60 =	vmul.f32 v30, v30;
	v37 =	vadd.f32 v53, v52;
	v39 =	vadd.f32 v57, v56  }
0x15e: {  	(xrf2) =	vadd.scan.msk.f32 $0xffff, v34;
	v62 =	vmul.f32 v29, v29;
	v36 =	vadd.f32 v55, v54;
	v38 =	vadd.f32 v42, v58  }
0x15f: {  	(xrf2) =	vadd.scan.msk.f32 $0xffff, v41;
	v43 =	vmul.f32 v32, v32;
	v33 =	vadd.f32 v59, v37;
	v63 =	vadd.f32 v60, v39  }
0x160: {  	(xrf2) =	vadd.scan.msk.f32 $0xffff, v35;
	v45 =	vmul.f32 v31, v31;
	v34 =	vadd.f32 v61, v36;
	v44 =	vadd.f32 v62, v38  }
0x161: {  	(xrf2) =	vadd.scan.msk.f32 $0xffff, v33;
	v46 =	vadd.f32 v43, v63  }
0x162: {  	v47 =	vadd.f32 v45, v44;
	(xrf2) =	vadd.scan.msk.f32 $0xffff, v34  }
0x163: {  	(xrf2) =	vadd.scan.msk.f32 $0xffff, v46  }
0x164: {  	(xrf2) =	vadd.scan.msk.f32 $0xffff, v47;
	_ =	sdelay $0x2  }
0x165: {  	v48, _, _ =	vpop (xrf2)  }
0x166: {  	v49, _, _ =	vpop (xrf2);
	v33 =	vbroadcast v48, $0xF  }
0x167: {  	v50, _, _ =	vpop (xrf2);
	v34 =	vbroadcast v49, $0xF  }
0x168: {  	v35 =	vbroadcast v50, $0xF;
	v51, _, _ =	vpop (xrf2);
	v33 =	vnsel vm0, $0x0, v33  }
0x169: {  	v52 =	vbroadcast v51, $0xF;
	v33 =	vsel vm1, v33, v34;
	v53, _, _ =	vpop (xrf2)  }
0x16a: {  	v33 =	vsel vm2, v33, v35;
	v54 =	vbroadcast v53, $0xF;
	v55, _, _ =	vpop (xrf2)  }
0x16b: {  	v33 =	vsel vm3, v33, v52;
	v56 =	vbroadcast v55, $0xF;
	v57, _, _ =	vpop (xrf2)  }
0x16c: {  	v33 =	vsel vm4, v33, v54;
	v58 =	vbroadcast v57, $0xF;
	v59, _, _ =	vpop (xrf2)  }
0x16d: {  	v33 =	vsel vm5, v33, v56;
	v60 =	vbroadcast v59, $0xF  }
0x16e: {  	v33 =	vsel vm6, v33, v58  }
0x16f: {  	v33 =	vsel vm7, v33, v60  }
0x170: {  	v34 =	vshra.s32 v33, $0x1;
	v33 =	vmul.f32 $5.000000000e-01, v33  }
0x171: {  	v34 =	vsub.s32 $0x5F3759DF, v34  }
0x172: {  	v61 =	vmul.f32 v34, v33;
	_ =	sdelay $0x1  }
0x173: {  	v35 =	vmul.f32 v34, v61;
	_ =	sdelay $0x1  }
0x174: {  	v35 =	vsub.f32 $1.500000000e+00, v35;
	_ =	sdelay $0x1  }
0x175: {  	v34 =	vmul.f32 v34, v35;
	_ =	sdelay $0x1  }
0x176: {  	v33 =	vmul.f32 v34, v33;
	_ =	sdelay $0x1  }
0x177: {  	v33 =	vmul.f32 v33, v34;
	_ =	sdelay $0x1  }
0x178: {  	v33 =	vsub.f32 $1.500000000e+00, v33;
	_ =	sdelay $0x1  }
0x179: {  	v33 =	vmul.f32 v33, v34;
	_ =	sdelay $0x1  }
0x17a: {  	v34 =	vbroadcast v33, $0x0;
	_ =	sdelay $0x1  }
0x17b: {  	v26 =	vmul.f32 v34, v26  }
0x17c: {  	v28 =	vmul.f32 v34, v28  }
0x17d: {  	v63 =	vbroadcast v33, $0x1;
	v62 =	vmul.f32 v34, v27;
	[tilespmem:s25+$0xC200] =	vst v26  }
0x17e: {  	v24 =	vmul.f32 v34, v24;
	[tilespmem:s25+$0xC210] =	vst v28  }
0x17f: {  	v23 =	vmul.f32 v63, v23;
	[tilespmem:s25+$0xC220] =	vst v62  }
0x180: {  	v21 =	vmul.f32 v63, v21;
	[tilespmem:s25+$0xC230] =	vst v24  }
0x181: {  	v35 =	vbroadcast v33, $0x4;
	v17 =	vmul.f32 v63, v17;
	[tilespmem:s25+$0xC280] =	vst v23  }
0x182: {  	v15 =	vmul.f32 v63, v15;
	[tilespmem:s25+$0xC290] =	vst v21  }
0x183: {  	v2 =	vmul.f32 v35, v2;
	[tilespmem:s25+$0xC2A0] =	vst v17  }
0x184: {  	v36 =	vmul.f32 v35, v5;
	[tilespmem:s25+$0xC2B0] =	vst v15  }
0x185: {  	v38 =	vbroadcast v33, $0x5;
	v37 =	vmul.f32 v35, v6;
	[tilespmem:s25+$0xC400] =	vst v2  }
0x186: {  	v39 =	vmul.f32 v35, v3;
	[tilespmem:s25+$0xC410] =	vst v36  }
0x187: {  	v40 =	vmul.f32 v38, v7;
	[tilespmem:s25+$0xC420] =	vst v37  }
0x188: {  	v41 =	vmul.f32 v38, v9;
	[tilespmem:s25+$0xC430] =	vst v39  }
0x189: {  	v43 =	vbroadcast v33, $0x6;
	v42 =	vmul.f32 v38, v11;
	[tilespmem:s25+$0xC480] =	vst v40  }
0x18a: {  	v44 =	vmul.f32 v38, v13;
	[tilespmem:s25+$0xC490] =	vst v41  }
0x18b: {  	v45 =	vmul.f32 v43, v22;
	[tilespmem:s25+$0xC4A0] =	vst v42  }
0x18c: {  	(v2sf) =	vpush v0, $0x9;
	v46 =	vmul.f32 v43, v25;
	[tilespmem:s25+$0xC4B0] =	vst v44  }
0x18d: {  	(v2sf) =	vpush v0, $0x8;
	v48 =	vbroadcast v33, $0x7;
	v47 =	vmul.f32 v43, v30;
	[tilespmem:s25+$0xC500] =	vst v45  }
0x18e: {  	v49 =	vmul.f32 v43, v32;
	[tilespmem:s25+$0xC510] =	vst v46  }
0x18f: {  	v50 =	vmul.f32 v48, v14;
	[tilespmem:s25+$0xC520] =	vst v47  }
0x190: {  	v51 =	vmul.f32 v48, v20;
	[tilespmem:s25+$0xC530] =	vst v49  }
0x191: {  	v34 =	vbroadcast v33, $0x3;
	v52 =	vmul.f32 v48, v29;
	[tilespmem:s25+$0xC580] =	vst v50  }
0x192: {  	v53 =	vmul.f32 v48, v31;
	[tilespmem:s25+$0xC590] =	vst v51  }
0x193: {  	v10 =	vmul.f32 v34, v10;
	[tilespmem:s25+$0xC5A0] =	vst v52  }
0x194: {  	v8 =	vmul.f32 v34, v8;
	[tilespmem:s25+$0xC5B0] =	vst v53  }
0x195: {  	(v2sf) =	vpush v0, $0xB;
	v26 =	vbroadcast v33, $0x2;
	v4 =	vmul.f32 v34, v4;
	[tilespmem:s25+$0xC380] =	vst v10  }
0x196: {  	(v2sf) =	vpush v0, $0xA;
	v1 =	vmul.f32 v34, v1;
	[tilespmem:s25+$0xC390] =	vst v8  }
0x197: {  	v27 =	vmul.f32 v26, v18;
	[tilespmem:s25+$0xC3A0] =	vst v4  }
0x198: {  	v28 =	vmul.f32 v26, v19;
	[tilespmem:s25+$0xC3B0] =	vst v1  }
0x199: {  	v16 =	vmul.f32 v26, v16;
	[tilespmem:s25+$0xC300] =	vst v27  }
0x19a: {  	v12 =	vmul.f32 v26, v12;
	[tilespmem:s25+$0xC310] =	vst v28  }
0x19b: {  	s30 =	spop (v2sf);
	[tilespmem:s25+$0xC320] =	vst v16  }
0x19c: {  	s31 =	spop (v2sf);
	[tilespmem:s25+$0xC330] =	vst v12  }
0x19d: {  	(v2sf) =	vpush v0, $0xD;
	v22 =	vld [tilespmem:s31+$0x4600]  }
0x19e: {  	v24 =	vld [tilespmem:s31+$0x4610]  }
0x19f: {  	v23 =	vld [tilespmem:s31+$0x4620]  }
0x1a0: {  	(v2sf) =	vpush v0, $0xC;
	v20 =	vld [tilespmem:s31+$0x4630]  }
0x1a1: {  	v19 =	vld [tilespmem:s30+$0x4680]  }
0x1a2: {  	v17 =	vld [tilespmem:s30+$0x4690]  }
0x1a3: {  	v13 =	vld [tilespmem:s30+$0x46A0]  }
0x1a4: {  	s29 =	spop (v2sf);
	(v2sf) =	vpush v0, $0xF;
	v11 =	vld [tilespmem:s30+$0x46B0]  }
0x1a5: {  	s30 =	spop (v2sf);
	(v2sf) =	vpush v0, $0xE;
	v7 =	vld [tilespmem:s29+$0x4780]  }
0x1a6: {  	v2 =	vld [tilespmem:s29+$0x4790]  }
0x1a7: {  	v3 =	vld [tilespmem:s29+$0x47A0]  }
0x1a8: {  	v0 =	vld [tilespmem:s29+$0x47B0]  }
0x1a9: {  	v14 =	vld [tilespmem:s30+$0x4700]  }
0x1aa: {  	v15 =	vld [tilespmem:s30+$0x4710]  }
0x1ab: {  	v12 =	vld [tilespmem:s30+$0x4720]  }
0x1ac: {  	v9 =	vld [tilespmem:s30+$0x4730];
	s31 =	spop (v2sf)  }
0x1ad: {  	v8 =	vld [tilespmem:s31+$0x4880]  }
0x1ae: {  	v10 =	vld [tilespmem:s31+$0x4890];
	v54 =	vmul.f32 v22, v22;
	v55 =	vmul.f32 v24, v24  }
0x1af: {  	s29 =	spop (v2sf);
	v16 =	vld [tilespmem:s31+$0x48A0];
	v57 =	vmul.f32 v23, v23;
	v58 =	vmul.f32 v19, v19  }
0x1b0: {  	v4 =	vld [tilespmem:s29+$0x4800];
	v59 =	vmul.f32 v17, v17;
	v61 =	vmul.f32 v20, v20  }
0x1b1: {  	v1 =	vld [tilespmem:s29+$0x4810];
	v62 =	vmul.f32 v13, v13;
	v42 =	vmul.f32 v7, v7  }
0x1b2: {  	v5 =	vld [tilespmem:s29+$0x4820];
	v43 =	vmul.f32 v2, v2;
	v44 =	vmul.f32 v11, v11;
	v18 =	vadd.f32 v59, v58  }
0x1b3: {  	v6 =	vld [tilespmem:s29+$0x4830];
	s30 =	spop (v2sf);
	v48 =	vmul.f32 v3, v3;
	v53 =	vmul.f32 v0, v0  }
0x1b4: {  	v40 =	vmul.f32 v14, v14;
	v41 =	vmul.f32 v15, v15;
	v26 =	vadd.f32 v62, v18;
	v18 =	vld [tilespmem:s31+$0x48B0];
	s31 =	spop (v2sf)  }
0x1b5: {  	v46 =	vmul.f32 v12, v12;
	v47 =	vmul.f32 v9, v9;
	v28 =	vadd.f32 v43, v42;
	v21 =	vld [tilespmem:s31+$0x4900]  }
0x1b6: {  	v56 =	vadd.f32 v55, v54;
	v55 =	vmul.f32 v8, v8;
	v45 =	vadd.f32 v41, v40;
	v25 =	vld [tilespmem:s31+$0x4910]  }
0x1b7: {  	v49 =	vmul.f32 v4, v4;
	v50 =	vmul.f32 v1, v1;
	v52 =	vadd.f32 v48, v28;
	v28 =	vld [tilespmem:s30+$0x4990]  }
0x1b8: {  	v54 =	vmul.f32 v5, v5;
	v60 =	vadd.f32 v57, v56;
	v31 =	vadd.f32 v46, v45;
	v27 =	vld [tilespmem:s31+$0x4920]  }
0x1b9: {  	v56 =	vmul.f32 v10, v10;
	v32 =	vadd.f32 v50, v49;
	v51 =	vadd.f32 v44, v26;
	v26 =	vld [tilespmem:s30+$0x4980]  }
0x1ba: {  	v59 =	vmul.f32 v6, v6;
	v63 =	vadd.f32 v61, v60;
	v34 =	vadd.f32 v53, v52;
	v38 =	vld [tilespmem:s31+$0x4930]  }
0x1bb: {  	v29 =	vld [tilespmem:s30+$0x49A0];
	v35 =	vadd.f32 v56, v55;
	v57 =	vmul.f32 v21, v21;
	v58 =	vmul.f32 v25, v25  }
0x1bc: {  	v60 =	vmul.f32 v16, v16;
	v31 =	vadd.f32 v47, v31;
	v32 =	vadd.f32 v54, v32  }
0x1bd: {  	v41 =	vld [tilespmem:s30+$0x49B0];
	(xrf2) =	vadd.scan.msk.f32 $0xffff, v63;
	v61 =	vmul.f32 v18, v18;
	v62 =	vmul.f32 v27, v27;
	v33 =	vadd.f32 v58, v57  }
0x1be: {  	v35 =	vadd.f32 v60, v35;
	(xrf2) =	vadd.scan.msk.f32 $0xffff, v51;
	v42 =	vmul.f32 v28, v28;
	v63 =	vmul.f32 v26, v26  }
0x1bf: {  	v43 =	vadd.f32 v59, v32;
	(xrf2) =	vadd.scan.msk.f32 $0xffff, v31;
	v45 =	vmul.f32 v38, v38;
	v44 =	vadd.f32 v62, v33  }
0x1c0: {  	v47 =	vmul.f32 v29, v29;
	(xrf2) =	vadd.scan.msk.f32 $0xffff, v34;
	v30 =	vadd.f32 v61, v35;
	v46 =	vadd.f32 v42, v63  }
0x1c1: {  	(xrf2) =	vadd.scan.msk.f32 $0xffff, v43;
	v48 =	vadd.f32 v45, v44  }
0x1c2: {  	v50 =	vmul.f32 v41, v41;
	(xrf2) =	vadd.scan.msk.f32 $0xffff, v30;
	v49 =	vadd.f32 v47, v46  }
0x1c3: {  	(xrf2) =	vadd.scan.msk.f32 $0xffff, v48  }
0x1c4: {  	v30 =	vadd.f32 v50, v49;
	_ =	sdelay $0x1  }
0x1c5: {  	(xrf2) =	vadd.scan.msk.f32 $0xffff, v30  }
0x1c6: {  	v51, _, _ =	vpop (xrf2)  }
0x1c7: {  	v52, _, _ =	vpop (xrf2);
	v30 =	vbroadcast v51, $0xF  }
0x1c8: {  	v53, _, _ =	vpop (xrf2);
	v31 =	vbroadcast v52, $0xF  }
0x1c9: {  	v54, _, _ =	vpop (xrf2);
	v32 =	vbroadcast v53, $0xF;
	v30 =	vnsel vm8, $0x0, v30  }
0x1ca: {  	v55, _, _ =	vpop (xrf2);
	v56 =	vbroadcast v54, $0xF;
	v30 =	vsel vm9, v30, v31  }
0x1cb: {  	v57, _, _ =	vpop (xrf2);
	v58 =	vbroadcast v55, $0xF;
	v30 =	vsel vm10, v30, v32  }
0x1cc: {  	v60 =	vbroadcast v57, $0xF;
	v30 =	vsel vm11, v30, v56;
	v59, _, _ =	vpop (xrf2)  }
0x1cd: {  	v30 =	vsel vm12, v30, v58;
	v61 =	vbroadcast v59, $0xF  }
0x1ce: {  	v30 =	vsel vm13, v30, v60  }
0x1cf: {  	v62, _, _ =	vpop (xrf2);
	v30 =	vsel vm14, v30, v61  }
0x1d0: {  	v30 =	vsel vm15, v30, v62  }
0x1d1: {  	v31 =	vshra.s32 v30, $0x1;
	v30 =	vmul.f32 $5.000000000e-01, v30  }
0x1d2: {  	v31 =	vsub.s32 $0x5F3759DF, v31  }
0x1d3: {  	v63 =	vmul.f32 v31, v30;
	_ =	sdelay $0x1  }
0x1d4: {  	v32 =	vmul.f32 v31, v63;
	_ =	sdelay $0x1  }
0x1d5: {  	v32 =	vsub.f32 $1.500000000e+00, v32;
	_ =	sdelay $0x1  }
0x1d6: {  	v31 =	vmul.f32 v31, v32;
	_ =	sdelay $0x1  }
0x1d7: {  	v30 =	vmul.f32 v31, v30;
	_ =	sdelay $0x1  }
0x1d8: {  	v30 =	vmul.f32 v30, v31;
	_ =	sdelay $0x1  }
0x1d9: {  	v30 =	vsub.f32 $1.500000000e+00, v30;
	_ =	sdelay $0x1  }
0x1da: {  	v30 =	vmul.f32 v30, v31;
	_ =	sdelay $0x1  }
0x1db: {  	v31 =	vbroadcast v30, $0x8;
	_ =	sdelay $0x1  }
0x1dc: {  	v22 =	vmul.f32 v31, v22  }
0x1dd: {  	v24 =	vmul.f32 v31, v24  }
0x1de: {  	v37 =	vbroadcast v30, $0x9;
	v36 =	vmul.f32 v31, v23;
	[tilespmem:s25+$0xC600] =	vst v22  }
0x1df: {  	v20 =	vmul.f32 v31, v20;
	[tilespmem:s25+$0xC610] =	vst v24  }
0x1e0: {  	v19 =	vmul.f32 v37, v19;
	[tilespmem:s25+$0xC620] =	vst v36  }
0x1e1: {  	v17 =	vmul.f32 v37, v17;
	[tilespmem:s25+$0xC630] =	vst v20  }
0x1e2: {  	v39 =	vbroadcast v30, $0xA;
	v13 =	vmul.f32 v37, v13;
	[tilespmem:s25+$0xC680] =	vst v19  }
0x1e3: {  	v11 =	vmul.f32 v37, v11;
	[tilespmem:s25+$0xC690] =	vst v17  }
0x1e4: {  	v40 =	vmul.f32 v39, v14;
	[tilespmem:s25+$0xC6A0] =	vst v13  }
0x1e5: {  	v42 =	vmul.f32 v39, v15;
	[tilespmem:s25+$0xC6B0] =	vst v11  }
0x1e6: {  	v43 =	vbroadcast v30, $0xB;
	v12 =	vmul.f32 v39, v12;
	[tilespmem:s25+$0xC700] =	vst v40  }
0x1e7: {  	v9 =	vmul.f32 v39, v9;
	[tilespmem:s25+$0xC710] =	vst v42  }
0x1e8: {  	v7 =	vmul.f32 v43, v7;
	[tilespmem:s25+$0xC720] =	vst v12  }
0x1e9: {  	v2 =	vmul.f32 v43, v2;
	[tilespmem:s25+$0xC730] =	vst v9  }
0x1ea: {  	v44 =	vbroadcast v30, $0xC;
	v3 =	vmul.f32 v43, v3;
	[tilespmem:s25+$0xC780] =	vst v7  }
0x1eb: {  	v0 =	vmul.f32 v43, v0;
	[tilespmem:s25+$0xC790] =	vst v2  }
0x1ec: {  	v45 =	vmul.f32 v44, v4;
	[tilespmem:s25+$0xC7A0] =	vst v3  }
0x1ed: {  	v46 =	vmul.f32 v44, v1;
	[tilespmem:s25+$0xC7B0] =	vst v0  }
0x1ee: {  	v48 =	vbroadcast v30, $0xD;
	v47 =	vmul.f32 v44, v5;
	[tilespmem:s25+$0xC800] =	vst v45  }
0x1ef: {  	v49 =	vmul.f32 v44, v6;
	[tilespmem:s25+$0xC810] =	vst v46  }
0x1f0: {  	v50 =	vmul.f32 v48, v8;
	[tilespmem:s25+$0xC820] =	vst v47  }
0x1f1: {  	v51 =	vmul.f32 v48, v10;
	[tilespmem:s25+$0xC830] =	vst v49  }
0x1f2: {  	v53 =	vbroadcast v30, $0xE;
	v52 =	vmul.f32 v48, v16;
	[tilespmem:s25+$0xC880] =	vst v50  }
0x1f3: {  	v54 =	vmul.f32 v48, v18;
	[tilespmem:s25+$0xC890] =	vst v51  }
0x1f4: {  	v55 =	vmul.f32 v53, v21;
	[tilespmem:s25+$0xC8A0] =	vst v52  }
0x1f5: {  	v56 =	vmul.f32 v53, v25;
	[tilespmem:s25+$0xC8B0] =	vst v54  }
0x1f6: {  	v58 =	vbroadcast v30, $0xF;
	v57 =	vmul.f32 v53, v27;
	[tilespmem:s25+$0xC900] =	vst v55  }
0x1f7: {  	v59 =	vmul.f32 v53, v38;
	[tilespmem:s25+$0xC910] =	vst v56  }
0x1f8: {  	p0 =	sne.s32 s23, $0xE000;
	v60 =	vmul.f32 v58, v26;
	[tilespmem:s25+$0xC920] =	vst v57  }
.Ltmp4:
0x1f9: {  	v61 =	vmul.f32 v58, v28;
	[tilespmem:s25+$0xC930] =	vst v59;
	(pc) =	sbr.rel @p0 .LBB2_9-.Ltmp4, $4  }
0x1fa: {  	v62 =	vmul.f32 v58, v29;
	[tilespmem:s25+$0xC980] =	vst v60  }
0x1fb: {  	v63 =	vmul.f32 v58, v41;
	[tilespmem:s25+$0xC990] =	vst v61  }
0x1fc: {  	[tilespmem:s25+$0xC9A0] =	vst v62  }
0x1fd: {  	s24 =	sadd.s32 $0x10, s24;
	s23 =	sadd.s32 $0x2000, s23;
	[tilespmem:s25+$0xC9B0] =	vst v63  }
0x1fe: {  	s21 =	sadd.s32 $0x1, s21  }
0x1ff: {  	p0 =	sne.s32 s21, $0x64  }
.Ltmp5:
0x200: {  	s22 =	sshll.u32 s22, $0xE;
	(pc) =	sbr.rel @p0 .LBB2_2-.Ltmp5, $4  }
0x201: {  	s22 =	sadd.s32 s8, s22  }
0x202: {  	s22 =	sshrl.u32 s22, $0x3  }
0x203: {  	s22 =	sadd.s32 s5, s22  }
0x204: {  	[hbm4b:s22+s3] =	stream.linear.scatter [tilespmem:s19], [sflag:$0x2], $0x4000, $0x38;
	[tilespmem:$0x10200] =	vst v63  }
0x205: {  	s20 =	sadd.s32 $0x1, s20  }
0x206: {  	_ =	swait.ge [sflag:s18], $0x4000;
	p0 =	sne.s32 s20, s9  }
.Ltmp6:
0x207: {  	[sflag:s18] =	ssyncset.done $0x0;
	(pc) =	sbr.rel @p0 .LBB2_1-.Ltmp6, $4  }
0x208: {  	[sflag:s18] =	ssyncadd.s32 $0xFFFFC000  }
0x209: {  	_ =	swait.ge [sflag:s18], $0x4000  }
0x20a: {  	[sflag:s18] =	ssyncset.done $0x0  }
0x20b: {  	[sflag:s18] =	ssyncadd.s32 $0xFFFFC000  }
0x20c: {  	_ =	sfence.sel $0x180000  }
0x20d: {  	[bflag:$0x0] =	sbarrier.arrive $0xFFFF  }
0x20e: {  	p0 =	sne.s32 s1, $0x0;
	_ =	strace $0x90000047  }
0x20f: {  	s0 =	sadd.s32 @!p0 $0x100000, s0;
	[bflag:$0x2] =	sbarrier.arrive $0xFFFF  }
0x210: {  	[sflag:s0] =	ssyncadd.tile.s32 @!p0 $0x1;
	_ =	shalt  }
.Lfunc_end2:
_tile_overlayer_lowered:
.L_overlay_start_2:
0x211: {  	(tag) =	ssettag $0x2  }
0x212: {  	s0 =	rddreg [dreg:$0x0];
	s2 =	stileid.u32  }
0x213: {  	s1 =	rddreg [dreg:$0x1];
	p0 =	sne.s32 s2, $0x0  }
0x214: {  	s3 =	rddreg [dreg:$0x2];
	[bflag:$0x3] =	sbarrier.arrive $0xFFFF;
	s2 =	simm.s32 @!p0 $0x1C03  }
0x215: {  	[timem:s3], [sflag:s2] =	dma.local @!p0 [hbm:s0], s1  }
0x216: {  	s0 =	simm.s32 @!p0 $0x3  }
0x217: {  	_ =	swait.ge @!p0 [sflag:s0], s1  }
0x218: {  	s1 =	ssub.s32 @!p0 $0x0, s1;
	[sflag:s0] =	ssyncset.done @!p0 $0x0  }
0x219: {  	[sflag:s0] =	ssyncadd.s32 @!p0 s1  }
0x21a: {  	[bflag:$0x3] =	sbarrier.arrive $0xFFFF  }
0x21b: {  	_ =	shalt  }

</sc_bundles>
